<compile_context>
chip_gen: v7x
topology: tpu7x:2x2x1
jax: 0.10.2.dev20260603
libtpu: 0.0.44.dev20260713+nightly
codegen_flags: <defaults>
</compile_context>

<pallas_src>
import functools

import jax
import jax.numpy as jnp
from jax import lax
from jax.experimental import pallas as pl
from jax.experimental.pallas import tpu as pltpu
from jax.experimental.pallas import tpu_sc as plsc

N = 10000
NT = 10240
E = 160000
EP = 163840
D = 16
B = 64
NF = 128

NC = 2
NS = 16
NW = NC * NS
CH = 128
NCH = EP // (NW * CH)
TPT = EP // NW
RPT = NT // NS

BN = 10240
BE = 8000

_f32 = jnp.float32


@functools.lru_cache(None)
def _mesh():
    return plsc.VectorSubcoreMesh(
        core_axis_name="c", subcore_axis_name="s",
        num_cores=NC, num_subcores=NS)


def _prep_body(x_ref, w_ref, b_ref, nf_ref):
    nf_ref[...] = jax.nn.relu(
        jnp.dot(x_ref[...], w_ref[...], preferred_element_type=_f32)
        + b_ref[...])


def _prep(xp, WembT, b_emb2):
    return pl.pallas_call(
        _prep_body,
        grid=(NT // BN,),
        in_specs=[
            pl.BlockSpec((BN, NF), lambda i: (i, 0)),
            pl.BlockSpec((NF, D), lambda i: (0, 0)),
            pl.BlockSpec((1, D), lambda i: (0, 0)),
        ],
        out_specs=pl.BlockSpec((BN, D), lambda i: (i, 0)),
        out_shape=jax.ShapeDtypeStruct((NT, D), _f32),
    )(xp, WembT, b_emb2)


def _msg_body(ea_ref, xj_ref, w1_ref, b1_ref, w2_ref, b2_ref, r_ref, s_ref,
              msg_ref):
    eh = jax.nn.relu(
        jnp.dot(ea_ref[...], w1_ref[...], preferred_element_type=_f32)
        + b1_ref[...])
    ew = jnp.dot(eh.astype(jnp.bfloat16), w2_ref[...],
                 preferred_element_type=_f32) + b2_ref[...]
    xjr = jnp.dot(xj_ref[...], r_ref[...], preferred_element_type=_f32)
    msg_ref[...] = jnp.dot(xjr * ew, s_ref[...], preferred_element_type=_f32)


def _msg(eap, xj, We1T, be12, We2T, be22, rmat, smat):
    return pl.pallas_call(
        _msg_body,
        grid=(E // BE,),
        in_specs=[
            pl.BlockSpec((BE, D), lambda i: (i, 0)),
            pl.BlockSpec((BE, D), lambda i: (i, 0)),
            pl.BlockSpec((D, NF), lambda i: (0, 0)),
            pl.BlockSpec((1, NF), lambda i: (0, 0)),
            pl.BlockSpec((NF, D * D), lambda i: (0, 0)),
            pl.BlockSpec((1, D * D), lambda i: (0, 0)),
            pl.BlockSpec((D, D * D), lambda i: (0, 0)),
            pl.BlockSpec((D * D, D), lambda i: (0, 0)),
        ],
        out_specs=pl.BlockSpec((BE, D), lambda i: (i, 0)),
        out_shape=jax.ShapeDtypeStruct((E, D), _f32),
    )(eap, xj, We1T, be12, We2T, be22, rmat, smat)


def _gru_body(aggt_ref, degt_ref, st_ref, wr_ref, bc_ref, wih_ref, bih_ref,
              whh_ref, bhh_ref, out_ref):
    aggr = aggt_ref[0] + aggt_ref[1]
    deg = degt_ref[0][:, 0:1] + degt_ref[1][:, 0:1]
    invd = 1.0 / jnp.maximum(deg, 1.0)
    st = st_ref[...]
    conv = jax.nn.relu(
        aggr * invd
        + jnp.dot(st, wr_ref[...], preferred_element_type=_f32)
        + bc_ref[...])
    gi = jnp.dot(conv, wih_ref[...], preferred_element_type=_f32) + bih_ref[...]
    gh = jnp.dot(st, whh_ref[...], preferred_element_type=_f32) + bhh_ref[...]
    r = jax.nn.sigmoid(gi[:, 0:D] + gh[:, 0:D])
    z = jax.nn.sigmoid(gi[:, D:2 * D] + gh[:, D:2 * D])
    n = jnp.tanh(gi[:, 2 * D:3 * D] + r * gh[:, 2 * D:3 * D])
    out_ref[...] = (1.0 - z) * n + z * st


def _gru(aggt, degt, st, WrootT, bc2, WihT, bih2, WhhT, bhh2):
    return pl.pallas_call(
        _gru_body,
        grid=(NT // BN,),
        in_specs=[
            pl.BlockSpec((NC, BN, D), lambda i: (0, i, 0)),
            pl.BlockSpec((NC, BN, D), lambda i: (0, i, 0)),
            pl.BlockSpec((BN, D), lambda i: (i, 0)),
            pl.BlockSpec((D, D), lambda i: (0, 0)),
            pl.BlockSpec((1, D), lambda i: (0, 0)),
            pl.BlockSpec((D, 3 * D), lambda i: (0, 0)),
            pl.BlockSpec((1, 3 * D), lambda i: (0, 0)),
            pl.BlockSpec((D, 3 * D), lambda i: (0, 0)),
            pl.BlockSpec((1, 3 * D), lambda i: (0, 0)),
        ],
        out_specs=pl.BlockSpec((BN, D), lambda i: (i, 0)),
        out_shape=jax.ShapeDtypeStruct((NT, D), _f32),
    )(aggt, degt, st, WrootT, bc2, WihT, bih2, WhhT, bhh2)


def _s2s_body(nv_ref, oh_ref, wih_ref, bih_ref, whh_ref, bhh_ref, out_ref):
    nv = nv_ref[...]
    oh = oh_ref[...]
    q_star = jnp.zeros((B, 2 * D), _f32)
    hL = jnp.zeros((B, D), _f32)
    cL = jnp.zeros((B, D), _f32)
    for _ in range(3):
        gates = (jnp.dot(q_star, wih_ref[...], preferred_element_type=_f32)
                 + bih_ref[...]
                 + jnp.dot(hL, whh_ref[...], preferred_element_type=_f32)
                 + bhh_ref[...])
        i_ = jax.nn.sigmoid(gates[:, 0:D])
        f_ = jax.nn.sigmoid(gates[:, D:2 * D])
        g_ = jnp.tanh(gates[:, 2 * D:3 * D])
        o_ = jax.nn.sigmoid(gates[:, 3 * D:4 * D])
        cL = f_ * cL + i_ * g_
        hL = o_ * jnp.tanh(cL)
        qb = jnp.dot(oh, hL, preferred_element_type=_f32)
        e = jnp.sum(nv * qb, axis=1, keepdims=True)
        m = jnp.where(oh > 0.0, e, -jnp.inf)
        emax = jnp.max(m, axis=0, keepdims=True)
        emax = jnp.where(jnp.isfinite(emax), emax, 0.0)
        enode = jnp.dot(oh, emax.reshape(B, 1),
                        preferred_element_type=_f32)
        a = jnp.exp(e - enode)
        asum = lax.dot_general(oh, a, (((0,), (0,)), ((), ())),
                               preferred_element_type=_f32)
        anode = jnp.dot(oh, asum, preferred_element_type=_f32)
        a = a / (anode + 1e-16)
        r_ = lax.dot_general(oh, a * nv, (((0,), (0,)), ((), ())),
                             preferred_element_type=_f32)
        q_star = jnp.concatenate([hL, r_], axis=1)
    out_ref[...] = q_star


def _s2s(nv, oh, WihlT, bihl2, WhhlT, bhhl2):
    return pl.pallas_call(
        _s2s_body,
        out_shape=jax.ShapeDtypeStruct((B, 2 * D), _f32),
    )(nv, oh, WihlT, bihl2, WhhlT, bhhl2)


NCHL = (E - (NW - 1) * TPT) // CH


def _sc_gather_body(nv_hbm, ei_hbm, xj_hbm, idx_v, buf, sem):
    c = lax.axis_index("c")
    s = lax.axis_index("s")
    wid = c * NS + s
    base = wid * TPT
    nch = jnp.where(wid == NW - 1, NCHL, NCH)

    def stage(j, carry):
        pltpu.async_copy(ei_hbm.at[0].at[pl.ds(base + j * CH, CH)],
                         idx_v.at[j], sem)
        return carry

    lax.fori_loop(0, nch, stage, 0)

    def stage_drain(j, carry):
        pltpu.make_async_copy(ei_hbm.at[0].at[pl.ds(base + j * CH, CH)],
                              idx_v.at[j], sem).wait()
        return carry

    lax.fori_loop(0, nch, stage_drain, 0)

    def fire(j, carry):
        pltpu.async_copy(nv_hbm.at[idx_v.at[j]], buf.at[pl.ds(j * CH, CH)],
                         sem)
        return carry

    lax.fori_loop(0, nch, fire, 0)

    def drain(j, carry):
        pltpu.make_async_copy(nv_hbm.at[idx_v.at[j]],
                              buf.at[pl.ds(j * CH, CH)], sem).wait()
        pltpu.async_copy(buf.at[pl.ds(j * CH, CH)],
                         xj_hbm.at[pl.ds(base + j * CH, CH)], sem)
        return carry

    lax.fori_loop(0, nch, drain, 0)

    def out_drain(j, carry):
        pltpu.make_async_copy(buf.at[pl.ds(j * CH, CH)],
                              xj_hbm.at[pl.ds(base + j * CH, CH)], sem).wait()
        return carry

    lax.fori_loop(0, nch, out_drain, 0)


@functools.lru_cache(None)
def _sc_gather_call():
    return functools.partial(
        pl.kernel,
        out_type=jax.ShapeDtypeStruct((E, D), _f32),
        mesh=_mesh(),
        compiler_params=pltpu.CompilerParams(use_tc_tiling_on_sc=False),
        scratch_types=[
            pltpu.VMEM((NCH, CH), jnp.int32),
            pltpu.VMEM((TPT, D), _f32),
            pltpu.SemaphoreType.DMA,
        ],
    )(_sc_gather_body)


def _sc_gather(nv, ei):
    return _sc_gather_call()(nv, ei)


def _make_sc_scatter_body(with_deg):
    def body(*args):
        if with_deg:
            (msg_hbm, ei_hbm, zer_hbm, ones_hbm, out_hbm, deg_hbm,
             idx_v, mbuf, obuf, shared, shared_deg, sem) = args
        else:
            (msg_hbm, ei_hbm, zer_hbm, out_hbm,
             idx_v, mbuf, shared, sem) = args
        c = lax.axis_index("c")
        s = lax.axis_index("s")
        wid = c * NS + s
        base = wid * TPT
        nch = jnp.where(wid == NW - 1, NCHL, NCH)
        pltpu.sync_copy(zer_hbm.at[pl.ds(s * RPT, RPT)],
                        shared.at[pl.ds(s * RPT, RPT)])
        if with_deg:
            pltpu.sync_copy(zer_hbm.at[pl.ds(s * RPT, RPT)],
                            shared_deg.at[pl.ds(s * RPT, RPT)])
            pltpu.sync_copy(ones_hbm, obuf)

        def stage(j, carry):
            pltpu.async_copy(ei_hbm.at[1].at[pl.ds(base + j * CH, CH)],
                             idx_v.at[j], sem)
            pltpu.async_copy(msg_hbm.at[pl.ds(base + j * CH, CH)],
                             mbuf.at[pl.ds(j * CH, CH)], sem)
            return carry

        lax.fori_loop(0, nch, stage, 0)

        def stage_drain(j, carry):
            pltpu.make_async_copy(ei_hbm.at[1].at[pl.ds(base + j * CH, CH)],
                                  idx_v.at[j], sem).wait()
            pltpu.make_async_copy(msg_hbm.at[pl.ds(base + j * CH, CH)],
                                  mbuf.at[pl.ds(j * CH, CH)], sem).wait()
            return carry

        lax.fori_loop(0, nch, stage_drain, 0)
        plsc.subcore_barrier()

        def fire(j, carry):
            pltpu.async_copy(mbuf.at[pl.ds(j * CH, CH)],
                             shared.at[idx_v.at[j]], sem, add=True)
            if with_deg:
                pltpu.async_copy(obuf, shared_deg.at[idx_v.at[j]], sem,
                                 add=True)
            return carry

        lax.fori_loop(0, nch, fire, 0)

        def drain(j, carry):
            pltpu.make_async_copy(mbuf.at[pl.ds(j * CH, CH)],
                                  shared.at[idx_v.at[j]], sem).wait()
            if with_deg:
                pltpu.make_async_copy(obuf, shared_deg.at[idx_v.at[j]],
                                      sem).wait()
            return carry

        lax.fori_loop(0, nch, drain, 0)
        plsc.subcore_barrier()
        pltpu.sync_copy(shared.at[pl.ds(s * RPT, RPT)],
                        out_hbm.at[c].at[pl.ds(s * RPT, RPT)])
        if with_deg:
            pltpu.sync_copy(shared_deg.at[pl.ds(s * RPT, RPT)],
                            deg_hbm.at[c].at[pl.ds(s * RPT, RPT)])

    return body


@functools.lru_cache(None)
def _sc_scatter_call(with_deg):
    out_type = jax.ShapeDtypeStruct((NC, NT, D), _f32)
    scratch = [
        pltpu.VMEM((NCH, CH), jnp.int32),
        pltpu.VMEM((TPT, D), _f32),
    ]
    if with_deg:
        out_type = (out_type, jax.ShapeDtypeStruct((NC, NT, D), _f32))
        scratch.append(pltpu.VMEM((CH, D), _f32))
    scratch.append(pltpu.VMEM_SHARED((NT, D), _f32))
    if with_deg:
        scratch.append(pltpu.VMEM_SHARED((NT, D), _f32))
    scratch.append(pltpu.SemaphoreType.DMA)
    return functools.partial(
        pl.kernel,
        out_type=out_type,
        mesh=_mesh(),
        compiler_params=pltpu.CompilerParams(use_tc_tiling_on_sc=False),
        scratch_types=scratch,
    )(_make_sc_scatter_body(with_deg))


def _sc_scatter(msg, ei, zer):
    return _sc_scatter_call(False)(msg, ei, zer)


def _sc_scatter_deg(msg, ei, zer, ones):
    return _sc_scatter_call(True)(msg, ei, zer, ones)


def kernel(x, edge_index, edge_attr, batch, W_emb, b_emb, We1, be1, We2, be2,
           W_root, b_conv, Wih, bih, Whh, bhh, Wih_l, bih_l, Whh_l, bhh_l):
    xp = jnp.pad(x, ((0, NT - N), (0, 0)))
    batchp = jnp.pad(batch, (0, NT - N), constant_values=B)
    oh = (batchp[:, None] == jnp.arange(B, dtype=batchp.dtype)).astype(_f32)
    zer = jnp.zeros((NT, D), _f32)
    ones = jnp.ones((CH, D), _f32)

    jj = jnp.arange(D * D)
    perm = (jj % D) * D + jj // D
    smat = (jj[:, None] // D == jnp.arange(D)[None, :]).astype(_f32)
    rmat = (jnp.arange(D)[:, None] == jj[None, :] % D).astype(_f32)

    nf = _prep(xp, W_emb.T, b_emb.reshape(1, D))
    We2pT = We2.T[:, perm].astype(jnp.bfloat16)
    be2p = be2.reshape(1, D * D)[:, perm]
    be12 = be1.reshape(1, NF)
    We1T = We1.T

    st = nf
    degt = None
    for d in range(3):
        xj = _sc_gather(st, edge_index)
        msg = _msg(edge_attr, xj, We1T, be12, We2pT, be2p, rmat, smat)
        if d == 0:
            aggt, degt = _sc_scatter_deg(msg, edge_index, zer, ones)
        else:
            aggt = _sc_scatter(msg, edge_index, zer)
        st = _gru(aggt, degt, st, W_root.T, b_conv.reshape(1, D),
                  Wih.T, bih.reshape(1, 3 * D), Whh.T, bhh.reshape(1, 3 * D))

    return _s2s(st, oh, Wih_l.T, bih_l.reshape(1, 4 * D),
                Whh_l.T, bhh_l.reshape(1, 4 * D))

# --- scband reference (transcript-rebuilt; emitter-appended) ---
"""Pipeline reference for scband-gnn-14465449853400 (READ-ONLY COPY).

The authoritative reference and input builder live on the scoring server;
editing this copy changes nothing except your own understanding.
"""

import jax, jax.numpy as jnp
import numpy as np

N = 10000
E = 160000
NF = 128
EF = 16
D = 16
B = 64
DEPTH = 3
STEPS = 3

def _lin(k, out_d, in_d):
    s = 1.0 / np.sqrt(in_d)
    return jax.random.uniform(k, (out_d, in_d), minval=-s, maxval=s, dtype=jnp.float32)

def _vec(k, d, in_d):
    s = 1.0 / np.sqrt(in_d)
    return jax.random.uniform(k, (d,), minval=-s, maxval=s, dtype=jnp.float32)

def setup_inputs(seed: int = 0):
    key = jax.random.key(seed)
    ks = jax.random.split(key, 24)
    inp = {}
    inp['x'] = jax.random.normal(ks[0], (N, NF), dtype=jnp.float32)
    inp['edge_index'] = jax.random.randint(ks[1], (2, E), 0, N, dtype=jnp.int32)
    inp['edge_attr'] = jax.random.normal(ks[2], (E, EF), dtype=jnp.float32)
    inp['batch'] = jnp.sort(jax.random.randint(ks[3], (N,), 0, B, dtype=jnp.int32))
    inp['W_emb'] = _lin(ks[4], D, NF); inp['b_emb'] = _vec(ks[5], D, NF)
    inp['We1'] = _lin(ks[6], 128, EF); inp['be1'] = _vec(ks[7], 128, EF)
    inp['We2'] = _lin(ks[8], D * D, 128); inp['be2'] = _vec(ks[9], D * D, 128)
    inp['W_root'] = _lin(ks[10], D, D); inp['b_conv'] = _vec(ks[11], D, D)
    inp['Wih'] = _lin(ks[12], 3 * D, D); inp['bih'] = _vec(ks[13], 3 * D, D)
    inp['Whh'] = _lin(ks[14], 3 * D, D); inp['bhh'] = _vec(ks[15], 3 * D, D)
    inp['Wih_l'] = _lin(ks[16], 4 * D, 2 * D); inp['bih_l'] = _vec(ks[17], 4 * D, 2 * D)
    inp['Whh_l'] = _lin(ks[18], 4 * D, D); inp['bhh_l'] = _vec(ks[19], 4 * D, D)
    return inp

def _forward(x, edge_attr, W_emb, b_emb, We1, be1, We2, be2, W_root, b_conv, Wih, Whh, bih, bhh, Wih_l, bih_l, Whh_l, bhh_l, edge_index, batch):
    src = edge_index[0]
    dst = edge_index[1]
    nf = jax.nn.relu(x @ W_emb.T + b_emb)
    h = nf
    nv = nf
    eh = jax.nn.relu(edge_attr @ We1.T + be1)
    eW = (eh @ We2.T + be2).reshape(E, D, D)
    deg = jax.ops.segment_sum(jnp.ones((E,), dtype=jnp.float32), dst, num_segments=N)
    deg = jnp.maximum(deg, 1.0)
    for _ in range(DEPTH):
        xj = nv[src]
        msg = jnp.einsum('ei,eio->eo', xj, eW)
        aggr = jax.ops.segment_sum(msg, dst, num_segments=N) / deg[:, None]
        conv_out = jax.nn.relu(aggr + nv @ W_root.T + b_conv)
        gi = conv_out @ Wih.T + bih
        gh = h @ Whh.T + bhh
        ir, iz, inn = jnp.split(gi, 3, axis=-1)
        hr, hz, hn = jnp.split(gh, 3, axis=-1)
        r = jax.nn.sigmoid(ir + hr)
        z = jax.nn.sigmoid(iz + hz)
        n = jnp.tanh(inn + r * hn)
        h = (1.0 - z) * n + z * h
        nv = h
    q_star = jnp.zeros((B, 2 * D), dtype=jnp.float32)
    hL = jnp.zeros((B, D), dtype=jnp.float32)
    cL = jnp.zeros((B, D), dtype=jnp.float32)
    for _ in range(STEPS):
        gates = q_star @ Wih_l.T + bih_l + hL @ Whh_l.T + bhh_l
        gi_, gf_, gg_, go_ = jnp.split(gates, 4, axis=-1)
        i_ = jax.nn.sigmoid(gi_)
        f_ = jax.nn.sigmoid(gf_)
        g_ = jnp.tanh(gg_)
        o_ = jax.nn.sigmoid(go_)
        cL = f_ * cL + i_ * g_
        hL = o_ * jnp.tanh(cL)
        q = hL
        e = jnp.sum(nv * q[batch], axis=-1)
        emax = jax.ops.segment_max(e, batch, num_segments=B)
        emax = jnp.where(jnp.isfinite(emax), emax, 0.0)
        a = jnp.exp(e - emax[batch])
        asum = jax.ops.segment_sum(a, batch, num_segments=B)
        a = a / (asum[batch] + 1e-16)
        r_ = jax.ops.segment_sum(a[:, None] * nv, batch, num_segments=B)
        q_star = jnp.concatenate([q, r_], axis=-1)
    return q_star

def reference(x, edge_index, edge_attr, batch, W_emb, b_emb, We1, be1, We2, be2, W_root, b_conv, Wih, bih, Whh, bhh, Wih_l, bih_l, Whh_l, bhh_l):
    return _forward(x, edge_attr, W_emb, b_emb, We1, be1, We2, be2, W_root, b_conv, Wih, Whh, bih, bhh, Wih_l, bih_l, Whh_l, bhh_l, edge_index, batch)

if __name__ == "__main__":
    import jax
    _d = setup_inputs()
    print(jax.jit(kernel)(*tuple(_d.values())))

</pallas_src>

<mosaic_0001>
#map = affine_map<(d0, d1) -> (0, 0)>
#map1 = affine_map<(d0, d1) -> (0, 0, 0)>
module attributes {stable_mosaic.version = 14 : i64} {
  func.func @body(%arg0: i32, %arg1: i32, %arg2: memref<160000x16xf32, #tpu.memory_space<hbm>>, %arg3: memref<2x160000xi32, #tpu.memory_space<hbm>>, %arg4: memref<10240x16xf32, #tpu.memory_space<hbm>>, %arg5: memref<128x16xf32, #tpu.memory_space<hbm>>, %arg6: memref<2x10240x16xf32, #tpu.memory_space<hbm>>, %arg7: memref<2x10240x16xf32, #tpu.memory_space<hbm>>, %arg8: memref<40x128xi32, #tpu.memory_space<vmem>>, %arg9: memref<5120x16xf32, #tpu.memory_space<vmem>>, %arg10: memref<128x16xf32, #tpu.memory_space<vmem>>, %arg11: memref<10240x16xf32, #tpu.memory_space<vmem_shared>>, %arg12: memref<10240x16xf32, #tpu.memory_space<vmem_shared>>, %arg13: memref<!tpu.dma_semaphore, #tpu.memory_space<semaphore_mem>>) attributes {dimension_semantics = [#tpu.dimension_semantics<core_parallel>, #tpu.dimension_semantics<subcore_parallel>], iteration_bounds = array<i64: 2, 16>, scalar_prefetch = 0 : i64, scratch_operands = 6 : i64, tpu.core_type = #tpu.core_type<sc_vector_subcore>, window_params = [{transform_indices = #map}, {transform_indices = #map}, {transform_indices = #map}, {transform_indices = #map}, {transform_indices = #map1}, {transform_indices = #map1}]} {
    %mul3A = arith.constant 16 : i32
    %mul3A_0 = arith.muli %arg0, %mul3A : i32
    %add3A = arith.addi %mul3A_0, %arg1 : i32
    %mul3A_1 = arith.constant 5120 : i32
    %mul3A_2 = arith.muli %add3A, %mul3A_1 : i32
    %eq3A = arith.constant 31 : i32
    %eq3A_3 = arith.cmpi eq, %add3A, %eq3A : i32
    %jit3A = arith.constant 10 : i32
    %jit3A_4 = arith.constant 40 : i32
    %select_n3A = arith.select %eq3A_3, %jit3A, %jit3A_4 : i32
    %mul3A_5 = arith.constant 640 : i32
    %mul3A_6 = arith.muli %arg1, %mul3A_5 : i32
    %mul3A_7 = arith.constant 640 : i32
    %mul3A_8 = arith.muli %arg1, %mul3A_7 : i32
    "tpu.region"() ({
      %run_scoped3A = tpu.sem_alloc : memref<!tpu.dma_semaphore, #tpu.memory_space<semaphore_mem>>
      %dma_start3A = arith.constant 0 : i32
      %dma_start3A_61 = tpu.memref_slice %arg11[%mul3A_8, %dma_start3A] : memref<10240x16xf32, #tpu.memory_space<vmem_shared>> -> memref<640x16xf32, #tpu.memory_space<vmem_shared>>
      %dma_start3A_62 = arith.constant 0 : i32
      %dma_start3A_63 = tpu.memref_slice %arg4[%mul3A_6, %dma_start3A_62] : memref<10240x16xf32, #tpu.memory_space<hbm>> -> memref<640x16xf32, #tpu.memory_space<hbm>>
      tpu.enqueue_dma source(%dma_start3A_63 : memref<640x16xf32, #tpu.memory_space<hbm>>) target(%dma_start3A_61 : memref<640x16xf32, #tpu.memory_space<vmem_shared>>) target_semaphore(%run_scoped3A : memref<!tpu.dma_semaphore, #tpu.memory_space<semaphore_mem>>)
      %dma_wait3A = arith.constant 0 : i32
      %dma_wait3A_64 = tpu.memref_slice %arg11[%mul3A_8, %dma_wait3A] : memref<10240x16xf32, #tpu.memory_space<vmem_shared>> -> memref<640x16xf32, #tpu.memory_space<vmem_shared>>
      %dma_wait3A_65 = arith.constant 0 : i32
      %dma_wait3A_66 = tpu.memref_slice %arg4[%mul3A_6, %dma_wait3A_65] : memref<10240x16xf32, #tpu.memory_space<hbm>> -> memref<640x16xf32, #tpu.memory_space<hbm>>
      tpu.wait_dma2 semaphore(%run_scoped3A : memref<!tpu.dma_semaphore, #tpu.memory_space<semaphore_mem>>) src(%dma_wait3A_66 : memref<640x16xf32, #tpu.memory_space<hbm>>) dst(%dma_wait3A_64 : memref<640x16xf32, #tpu.memory_space<vmem_shared>>)
      tpu.yield
    }) : () -> ()
    %mul3A_9 = arith.constant 640 : i32
    %mul3A_10 = arith.muli %arg1, %mul3A_9 : i32
    %mul3A_11 = arith.constant 640 : i32
    %mul3A_12 = arith.muli %arg1, %mul3A_11 : i32
    "tpu.region"() ({
      %run_scoped3A = tpu.sem_alloc : memref<!tpu.dma_semaphore, #tpu.memory_space<semaphore_mem>>
      %dma_start3A = arith.constant 0 : i32
      %dma_start3A_61 = tpu.memref_slice %arg12[%mul3A_12, %dma_start3A] : memref<10240x16xf32, #tpu.memory_space<vmem_shared>> -> memref<640x16xf32, #tpu.memory_space<vmem_shared>>
      %dma_start3A_62 = arith.constant 0 : i32
      %dma_start3A_63 = tpu.memref_slice %arg4[%mul3A_10, %dma_start3A_62] : memref<10240x16xf32, #tpu.memory_space<hbm>> -> memref<640x16xf32, #tpu.memory_space<hbm>>
      tpu.enqueue_dma source(%dma_start3A_63 : memref<640x16xf32, #tpu.memory_space<hbm>>) target(%dma_start3A_61 : memref<640x16xf32, #tpu.memory_space<vmem_shared>>) target_semaphore(%run_scoped3A : memref<!tpu.dma_semaphore, #tpu.memory_space<semaphore_mem>>)
      %dma_wait3A = arith.constant 0 : i32
      %dma_wait3A_64 = tpu.memref_slice %arg12[%mul3A_12, %dma_wait3A] : memref<10240x16xf32, #tpu.memory_space<vmem_shared>> -> memref<640x16xf32, #tpu.memory_space<vmem_shared>>
      %dma_wait3A_65 = arith.constant 0 : i32
      %dma_wait3A_66 = tpu.memref_slice %arg4[%mul3A_10, %dma_wait3A_65] : memref<10240x16xf32, #tpu.memory_space<hbm>> -> memref<640x16xf32, #tpu.memory_space<hbm>>
      tpu.wait_dma2 semaphore(%run_scoped3A : memref<!tpu.dma_semaphore, #tpu.memory_space<semaphore_mem>>) src(%dma_wait3A_66 : memref<640x16xf32, #tpu.memory_space<hbm>>) dst(%dma_wait3A_64 : memref<640x16xf32, #tpu.memory_space<vmem_shared>>)
      tpu.yield
    }) : () -> ()
    "tpu.region"() ({
      %run_scoped3A = tpu.sem_alloc : memref<!tpu.dma_semaphore, #tpu.memory_space<semaphore_mem>>
      tpu.enqueue_dma source(%arg5 : memref<128x16xf32, #tpu.memory_space<hbm>>) target(%arg10 : memref<128x16xf32, #tpu.memory_space<vmem>>) target_semaphore(%run_scoped3A : memref<!tpu.dma_semaphore, #tpu.memory_space<semaphore_mem>>)
      tpu.wait_dma2 semaphore(%run_scoped3A : memref<!tpu.dma_semaphore, #tpu.memory_space<semaphore_mem>>) src(%arg5 : memref<128x16xf32, #tpu.memory_space<hbm>>) dst(%arg10 : memref<128x16xf32, #tpu.memory_space<vmem>>)
      tpu.yield
    }) : () -> ()
    %while3A = arith.constant 0 : i32
    %while3A_13 = arith.constant 0 : i32
    %while3A_14 = arith.subi %select_n3A, %while3A_13 : i32
    %while3A_15 = arith.addi %while3A_13, %while3A_14 : i32
    %while3A_16 = arith.constant 1 : i32
    %while3A_17 = arith.divsi %while3A_14, %while3A_16 : i32
    %while3A_18 = arith.muli %while3A_17, %while3A_16 : i32
    %while3A_19 = arith.addi %while3A_13, %while3A_18 : i32
    %while3A_20 = arith.constant 1 : i32
    scf.for %while3A_61 = %while3A_13 to %while3A_19 step %while3A_20  : i32 {
      %mul3A_62 = arith.constant 128 : i32
      %mul3A_63 = arith.muli %while3A_61, %mul3A_62 : i32
      %add3A_64 = arith.addi %mul3A_2, %mul3A_63 : i32
      %dma_start3A = arith.constant 1 : i32
      %dma_start3A_65 = arith.constant 0 : i32
      %dma_start3A_66 = tpu.memref_slice %arg8[%while3A_61, %dma_start3A_65] : memref<40x128xi32, #tpu.memory_space<vmem>> -> memref<1x128xi32, #tpu.memory_space<vmem>>
      %dma_start3A_67 = tpu.memref_squeeze %dma_start3A_66 : memref<1x128xi32, #tpu.memory_space<vmem>> -> memref<128xi32, #tpu.memory_space<vmem>>
      %dma_start3A_68 = arith.constant 0 : i32
      %dma_start3A_69 = tpu.memref_slice %arg3[%dma_start3A, %dma_start3A_68] : memref<2x160000xi32, #tpu.memory_space<hbm>> -> memref<1x160000xi32, #tpu.memory_space<hbm>>
      %dma_start3A_70 = tpu.memref_squeeze %dma_start3A_69 : memref<1x160000xi32, #tpu.memory_space<hbm>> -> memref<160000xi32, #tpu.memory_space<hbm>>
      %dma_start3A_71 = tpu.memref_slice %dma_start3A_70[%add3A_64] : memref<160000xi32, #tpu.memory_space<hbm>> -> memref<128xi32, #tpu.memory_space<hbm>>
      %dma_start3A_72 = arith.constant 0 : i32
      %dma_start3A_73 = tpu.memref_slice %arg8[%while3A_61, %dma_start3A_72] : memref<40x128xi32, #tpu.memory_space<vmem>> -> memref<1x128xi32, #tpu.memory_space<vmem>>
      %dma_start3A_74 = tpu.memref_squeeze %dma_start3A_73 : memref<1x128xi32, #tpu.memory_space<vmem>> -> memref<128xi32, #tpu.memory_space<vmem>>
      %dma_start3A_75 = arith.constant 0 : i32
      %dma_start3A_76 = tpu.memref_slice %arg3[%dma_start3A, %dma_start3A_75] : memref<2x160000xi32, #tpu.memory_space<hbm>> -> memref<1x160000xi32, #tpu.memory_space<hbm>>
      %dma_start3A_77 = tpu.memref_squeeze %dma_start3A_76 : memref<1x160000xi32, #tpu.memory_space<hbm>> -> memref<160000xi32, #tpu.memory_space<hbm>>
      %dma_start3A_78 = tpu.memref_slice %dma_start3A_77[%add3A_64] : memref<160000xi32, #tpu.memory_space<hbm>> -> memref<128xi32, #tpu.memory_space<hbm>>
      tpu.enqueue_dma source(%dma_start3A_78 : memref<128xi32, #tpu.memory_space<hbm>>) target(%dma_start3A_74 : memref<128xi32, #tpu.memory_space<vmem>>) target_semaphore(%arg13 : memref<!tpu.dma_semaphore, #tpu.memory_space<semaphore_mem>>)
      %mul3A_79 = arith.constant 128 : i32
      %mul3A_80 = arith.muli %while3A_61, %mul3A_79 : i32
      %add3A_81 = arith.addi %mul3A_2, %mul3A_80 : i32
      %mul3A_82 = arith.constant 128 : i32
      %mul3A_83 = arith.muli %while3A_61, %mul3A_82 : i32
      %dma_start3A_84 = arith.constant 0 : i32
      %dma_start3A_85 = tpu.memref_slice %arg9[%mul3A_83, %dma_start3A_84] : memref<5120x16xf32, #tpu.memory_space<vmem>> -> memref<128x16xf32, #tpu.memory_space<vmem>>
      %dma_start3A_86 = arith.constant 0 : i32
      %dma_start3A_87 = tpu.memref_slice %arg2[%add3A_81, %dma_start3A_86] : memref<160000x16xf32, #tpu.memory_space<hbm>> -> memref<128x16xf32, #tpu.memory_space<hbm>>
      %dma_start3A_88 = arith.constant 0 : i32
      %dma_start3A_89 = tpu.memref_slice %arg9[%mul3A_83, %dma_start3A_88] : memref<5120x16xf32, #tpu.memory_space<vmem>> -> memref<128x16xf32, #tpu.memory_space<vmem>>
      %dma_start3A_90 = arith.constant 0 : i32
      %dma_start3A_91 = tpu.memref_slice %arg2[%add3A_81, %dma_start3A_90] : memref<160000x16xf32, #tpu.memory_space<hbm>> -> memref<128x16xf32, #tpu.memory_space<hbm>>
      tpu.enqueue_dma source(%dma_start3A_91 : memref<128x16xf32, #tpu.memory_space<hbm>>) target(%dma_start3A_89 : memref<128x16xf32, #tpu.memory_space<vmem>>) target_semaphore(%arg13 : memref<!tpu.dma_semaphore, #tpu.memory_space<semaphore_mem>>)
    }
    %while3A_21 = arith.constant 1 : i32
    scf.for %while3A_61 = %while3A_19 to %while3A_15 step %while3A_21  : i32 {
      %mul3A_62 = arith.constant 128 : i32
      %mul3A_63 = arith.muli %while3A_61, %mul3A_62 : i32
      %add3A_64 = arith.addi %mul3A_2, %mul3A_63 : i32
      %dma_start3A = arith.constant 1 : i32
      %dma_start3A_65 = arith.constant 0 : i32
      %dma_start3A_66 = tpu.memref_slice %arg8[%while3A_61, %dma_start3A_65] : memref<40x128xi32, #tpu.memory_space<vmem>> -> memref<1x128xi32, #tpu.memory_space<vmem>>
      %dma_start3A_67 = tpu.memref_squeeze %dma_start3A_66 : memref<1x128xi32, #tpu.memory_space<vmem>> -> memref<128xi32, #tpu.memory_space<vmem>>
      %dma_start3A_68 = arith.constant 0 : i32
      %dma_start3A_69 = tpu.memref_slice %arg3[%dma_start3A, %dma_start3A_68] : memref<2x160000xi32, #tpu.memory_space<hbm>> -> memref<1x160000xi32, #tpu.memory_space<hbm>>
      %dma_start3A_70 = tpu.memref_squeeze %dma_start3A_69 : memref<1x160000xi32, #tpu.memory_space<hbm>> -> memref<160000xi32, #tpu.memory_space<hbm>>
      %dma_start3A_71 = tpu.memref_slice %dma_start3A_70[%add3A_64] : memref<160000xi32, #tpu.memory_space<hbm>> -> memref<128xi32, #tpu.memory_space<hbm>>
      %dma_start3A_72 = arith.constant 0 : i32
      %dma_start3A_73 = tpu.memref_slice %arg8[%while3A_61, %dma_start3A_72] : memref<40x128xi32, #tpu.memory_space<vmem>> -> memref<1x128xi32, #tpu.memory_space<vmem>>
      %dma_start3A_74 = tpu.memref_squeeze %dma_start3A_73 : memref<1x128xi32, #tpu.memory_space<vmem>> -> memref<128xi32, #tpu.memory_space<vmem>>
      %dma_start3A_75 = arith.constant 0 : i32
      %dma_start3A_76 = tpu.memref_slice %arg3[%dma_start3A, %dma_start3A_75] : memref<2x160000xi32, #tpu.memory_space<hbm>> -> memref<1x160000xi32, #tpu.memory_space<hbm>>
      %dma_start3A_77 = tpu.memref_squeeze %dma_start3A_76 : memref<1x160000xi32, #tpu.memory_space<hbm>> -> memref<160000xi32, #tpu.memory_space<hbm>>
      %dma_start3A_78 = tpu.memref_slice %dma_start3A_77[%add3A_64] : memref<160000xi32, #tpu.memory_space<hbm>> -> memref<128xi32, #tpu.memory_space<hbm>>
      tpu.enqueue_dma source(%dma_start3A_78 : memref<128xi32, #tpu.memory_space<hbm>>) target(%dma_start3A_74 : memref<128xi32, #tpu.memory_space<vmem>>) target_semaphore(%arg13 : memref<!tpu.dma_semaphore, #tpu.memory_space<semaphore_mem>>)
      %mul3A_79 = arith.constant 128 : i32
      %mul3A_80 = arith.muli %while3A_61, %mul3A_79 : i32
      %add3A_81 = arith.addi %mul3A_2, %mul3A_80 : i32
      %mul3A_82 = arith.constant 128 : i32
      %mul3A_83 = arith.muli %while3A_61, %mul3A_82 : i32
      %dma_start3A_84 = arith.constant 0 : i32
      %dma_start3A_85 = tpu.memref_slice %arg9[%mul3A_83, %dma_start3A_84] : memref<5120x16xf32, #tpu.memory_space<vmem>> -> memref<128x16xf32, #tpu.memory_space<vmem>>
      %dma_start3A_86 = arith.constant 0 : i32
      %dma_start3A_87 = tpu.memref_slice %arg2[%add3A_81, %dma_start3A_86] : memref<160000x16xf32, #tpu.memory_space<hbm>> -> memref<128x16xf32, #tpu.memory_space<hbm>>
      %dma_start3A_88 = arith.constant 0 : i32
      %dma_start3A_89 = tpu.memref_slice %arg9[%mul3A_83, %dma_start3A_88] : memref<5120x16xf32, #tpu.memory_space<vmem>> -> memref<128x16xf32, #tpu.memory_space<vmem>>
      %dma_start3A_90 = arith.constant 0 : i32
      %dma_start3A_91 = tpu.memref_slice %arg2[%add3A_81, %dma_start3A_90] : memref<160000x16xf32, #tpu.memory_space<hbm>> -> memref<128x16xf32, #tpu.memory_space<hbm>>
      tpu.enqueue_dma source(%dma_start3A_91 : memref<128x16xf32, #tpu.memory_space<hbm>>) target(%dma_start3A_89 : memref<128x16xf32, #tpu.memory_space<vmem>>) target_semaphore(%arg13 : memref<!tpu.dma_semaphore, #tpu.memory_space<semaphore_mem>>)
    }
    %while3A_22 = arith.constant 0 : i32
    %while3A_23 = arith.constant 0 : i32
    %while3A_24 = arith.subi %select_n3A, %while3A_23 : i32
    %while3A_25 = arith.addi %while3A_23, %while3A_24 : i32
    %while3A_26 = arith.constant 1 : i32
    %while3A_27 = arith.divsi %while3A_24, %while3A_26 : i32
    %while3A_28 = arith.muli %while3A_27, %while3A_26 : i32
    %while3A_29 = arith.addi %while3A_23, %while3A_28 : i32
    %while3A_30 = arith.constant 1 : i32
    scf.for %while3A_61 = %while3A_23 to %while3A_29 step %while3A_30  : i32 {
      %mul3A_62 = arith.constant 128 : i32
      %mul3A_63 = arith.muli %while3A_61, %mul3A_62 : i32
      %add3A_64 = arith.addi %mul3A_2, %mul3A_63 : i32
      %dma_wait3A = arith.constant 1 : i32
      %dma_wait3A_65 = arith.constant 0 : i32
      %dma_wait3A_66 = tpu.memref_slice %arg8[%while3A_61, %dma_wait3A_65] : memref<40x128xi32, #tpu.memory_space<vmem>> -> memref<1x128xi32, #tpu.memory_space<vmem>>
      %dma_wait3A_67 = tpu.memref_squeeze %dma_wait3A_66 : memref<1x128xi32, #tpu.memory_space<vmem>> -> memref<128xi32, #tpu.memory_space<vmem>>
      %dma_wait3A_68 = arith.constant 0 : i32
      %dma_wait3A_69 = tpu.memref_slice %arg3[%dma_wait3A, %dma_wait3A_68] : memref<2x160000xi32, #tpu.memory_space<hbm>> -> memref<1x160000xi32, #tpu.memory_space<hbm>>
      %dma_wait3A_70 = tpu.memref_squeeze %dma_wait3A_69 : memref<1x160000xi32, #tpu.memory_space<hbm>> -> memref<160000xi32, #tpu.memory_space<hbm>>
      %dma_wait3A_71 = tpu.memref_slice %dma_wait3A_70[%add3A_64] : memref<160000xi32, #tpu.memory_space<hbm>> -> memref<128xi32, #tpu.memory_space<hbm>>
      %dma_wait3A_72 = arith.constant 0 : i32
      %dma_wait3A_73 = tpu.memref_slice %arg8[%while3A_61, %dma_wait3A_72] : memref<40x128xi32, #tpu.memory_space<vmem>> -> memref<1x128xi32, #tpu.memory_space<vmem>>
      %dma_wait3A_74 = tpu.memref_squeeze %dma_wait3A_73 : memref<1x128xi32, #tpu.memory_space<vmem>> -> memref<128xi32, #tpu.memory_space<vmem>>
      %dma_wait3A_75 = arith.constant 0 : i32
      %dma_wait3A_76 = tpu.memref_slice %arg3[%dma_wait3A, %dma_wait3A_75] : memref<2x160000xi32, #tpu.memory_space<hbm>> -> memref<1x160000xi32, #tpu.memory_space<hbm>>
      %dma_wait3A_77 = tpu.memref_squeeze %dma_wait3A_76 : memref<1x160000xi32, #tpu.memory_space<hbm>> -> memref<160000xi32, #tpu.memory_space<hbm>>
      %dma_wait3A_78 = tpu.memref_slice %dma_wait3A_77[%add3A_64] : memref<160000xi32, #tpu.memory_space<hbm>> -> memref<128xi32, #tpu.memory_space<hbm>>
      tpu.wait_dma2 semaphore(%arg13 : memref<!tpu.dma_semaphore, #tpu.memory_space<semaphore_mem>>) src(%dma_wait3A_78 : memref<128xi32, #tpu.memory_space<hbm>>) dst(%dma_wait3A_74 : memref<128xi32, #tpu.memory_space<vmem>>)
      %mul3A_79 = arith.constant 128 : i32
      %mul3A_80 = arith.muli %while3A_61, %mul3A_79 : i32
      %add3A_81 = arith.addi %mul3A_2, %mul3A_80 : i32
      %mul3A_82 = arith.constant 128 : i32
      %mul3A_83 = arith.muli %while3A_61, %mul3A_82 : i32
      %dma_wait3A_84 = arith.constant 0 : i32
      %dma_wait3A_85 = tpu.memref_slice %arg9[%mul3A_83, %dma_wait3A_84] : memref<5120x16xf32, #tpu.memory_space<vmem>> -> memref<128x16xf32, #tpu.memory_space<vmem>>
      %dma_wait3A_86 = arith.constant 0 : i32
      %dma_wait3A_87 = tpu.memref_slice %arg2[%add3A_81, %dma_wait3A_86] : memref<160000x16xf32, #tpu.memory_space<hbm>> -> memref<128x16xf32, #tpu.memory_space<hbm>>
      %dma_wait3A_88 = arith.constant 0 : i32
      %dma_wait3A_89 = tpu.memref_slice %arg9[%mul3A_83, %dma_wait3A_88] : memref<5120x16xf32, #tpu.memory_space<vmem>> -> memref<128x16xf32, #tpu.memory_space<vmem>>
      %dma_wait3A_90 = arith.constant 0 : i32
      %dma_wait3A_91 = tpu.memref_slice %arg2[%add3A_81, %dma_wait3A_90] : memref<160000x16xf32, #tpu.memory_space<hbm>> -> memref<128x16xf32, #tpu.memory_space<hbm>>
      tpu.wait_dma2 semaphore(%arg13 : memref<!tpu.dma_semaphore, #tpu.memory_space<semaphore_mem>>) src(%dma_wait3A_91 : memref<128x16xf32, #tpu.memory_space<hbm>>) dst(%dma_wait3A_89 : memref<128x16xf32, #tpu.memory_space<vmem>>)
    }
    %while3A_31 = arith.constant 1 : i32
    scf.for %while3A_61 = %while3A_29 to %while3A_25 step %while3A_31  : i32 {
      %mul3A_62 = arith.constant 128 : i32
      %mul3A_63 = arith.muli %while3A_61, %mul3A_62 : i32
      %add3A_64 = arith.addi %mul3A_2, %mul3A_63 : i32
      %dma_wait3A = arith.constant 1 : i32
      %dma_wait3A_65 = arith.constant 0 : i32
      %dma_wait3A_66 = tpu.memref_slice %arg8[%while3A_61, %dma_wait3A_65] : memref<40x128xi32, #tpu.memory_space<vmem>> -> memref<1x128xi32, #tpu.memory_space<vmem>>
      %dma_wait3A_67 = tpu.memref_squeeze %dma_wait3A_66 : memref<1x128xi32, #tpu.memory_space<vmem>> -> memref<128xi32, #tpu.memory_space<vmem>>
      %dma_wait3A_68 = arith.constant 0 : i32
      %dma_wait3A_69 = tpu.memref_slice %arg3[%dma_wait3A, %dma_wait3A_68] : memref<2x160000xi32, #tpu.memory_space<hbm>> -> memref<1x160000xi32, #tpu.memory_space<hbm>>
      %dma_wait3A_70 = tpu.memref_squeeze %dma_wait3A_69 : memref<1x160000xi32, #tpu.memory_space<hbm>> -> memref<160000xi32, #tpu.memory_space<hbm>>
      %dma_wait3A_71 = tpu.memref_slice %dma_wait3A_70[%add3A_64] : memref<160000xi32, #tpu.memory_space<hbm>> -> memref<128xi32, #tpu.memory_space<hbm>>
      %dma_wait3A_72 = arith.constant 0 : i32
      %dma_wait3A_73 = tpu.memref_slice %arg8[%while3A_61, %dma_wait3A_72] : memref<40x128xi32, #tpu.memory_space<vmem>> -> memref<1x128xi32, #tpu.memory_space<vmem>>
      %dma_wait3A_74 = tpu.memref_squeeze %dma_wait3A_73 : memref<1x128xi32, #tpu.memory_space<vmem>> -> memref<128xi32, #tpu.memory_space<vmem>>
      %dma_wait3A_75 = arith.constant 0 : i32
      %dma_wait3A_76 = tpu.memref_slice %arg3[%dma_wait3A, %dma_wait3A_75] : memref<2x160000xi32, #tpu.memory_space<hbm>> -> memref<1x160000xi32, #tpu.memory_space<hbm>>
      %dma_wait3A_77 = tpu.memref_squeeze %dma_wait3A_76 : memref<1x160000xi32, #tpu.memory_space<hbm>> -> memref<160000xi32, #tpu.memory_space<hbm>>
      %dma_wait3A_78 = tpu.memref_slice %dma_wait3A_77[%add3A_64] : memref<160000xi32, #tpu.memory_space<hbm>> -> memref<128xi32, #tpu.memory_space<hbm>>
      tpu.wait_dma2 semaphore(%arg13 : memref<!tpu.dma_semaphore, #tpu.memory_space<semaphore_mem>>) src(%dma_wait3A_78 : memref<128xi32, #tpu.memory_space<hbm>>) dst(%dma_wait3A_74 : memref<128xi32, #tpu.memory_space<vmem>>)
      %mul3A_79 = arith.constant 128 : i32
      %mul3A_80 = arith.muli %while3A_61, %mul3A_79 : i32
      %add3A_81 = arith.addi %mul3A_2, %mul3A_80 : i32
      %mul3A_82 = arith.constant 128 : i32
      %mul3A_83 = arith.muli %while3A_61, %mul3A_82 : i32
      %dma_wait3A_84 = arith.constant 0 : i32
      %dma_wait3A_85 = tpu.memref_slice %arg9[%mul3A_83, %dma_wait3A_84] : memref<5120x16xf32, #tpu.memory_space<vmem>> -> memref<128x16xf32, #tpu.memory_space<vmem>>
      %dma_wait3A_86 = arith.constant 0 : i32
      %dma_wait3A_87 = tpu.memref_slice %arg2[%add3A_81, %dma_wait3A_86] : memref<160000x16xf32, #tpu.memory_space<hbm>> -> memref<128x16xf32, #tpu.memory_space<hbm>>
      %dma_wait3A_88 = arith.constant 0 : i32
      %dma_wait3A_89 = tpu.memref_slice %arg9[%mul3A_83, %dma_wait3A_88] : memref<5120x16xf32, #tpu.memory_space<vmem>> -> memref<128x16xf32, #tpu.memory_space<vmem>>
      %dma_wait3A_90 = arith.constant 0 : i32
      %dma_wait3A_91 = tpu.memref_slice %arg2[%add3A_81, %dma_wait3A_90] : memref<160000x16xf32, #tpu.memory_space<hbm>> -> memref<128x16xf32, #tpu.memory_space<hbm>>
      tpu.wait_dma2 semaphore(%arg13 : memref<!tpu.dma_semaphore, #tpu.memory_space<semaphore_mem>>) src(%dma_wait3A_91 : memref<128x16xf32, #tpu.memory_space<hbm>>) dst(%dma_wait3A_89 : memref<128x16xf32, #tpu.memory_space<vmem>>)
    }
    %barrier3A = arith.constant 0 : index
    tpu.barrier barrier_id(%barrier3A)
    %while3A_32 = arith.constant 0 : i32
    %while3A_33 = arith.constant 0 : i32
    %while3A_34 = arith.subi %select_n3A, %while3A_33 : i32
    %while3A_35 = arith.addi %while3A_33, %while3A_34 : i32
    %while3A_36 = arith.constant 1 : i32
    %while3A_37 = arith.divsi %while3A_34, %while3A_36 : i32
    %while3A_38 = arith.muli %while3A_37, %while3A_36 : i32
    %while3A_39 = arith.addi %while3A_33, %while3A_38 : i32
    %while3A_40 = arith.constant 1 : i32
    scf.for %while3A_61 = %while3A_33 to %while3A_39 step %while3A_40  : i32 {
      %mul3A_62 = arith.constant 128 : i32
      %mul3A_63 = arith.muli %while3A_61, %mul3A_62 : i32
      %dma_start3A = arith.constant 0 : i32
      %dma_start3A_64 = tpu.memref_slice %arg9[%mul3A_63, %dma_start3A] : memref<5120x16xf32, #tpu.memory_space<vmem>> -> memref<128x16xf32, #tpu.memory_space<vmem>>
      %dma_start3A_65 = arith.constant 0 : i32
      %dma_start3A_66 = tpu.memref_slice %arg8[%while3A_61, %dma_start3A_65] : memref<40x128xi32, #tpu.memory_space<vmem>> -> memref<1x128xi32, #tpu.memory_space<vmem>>
      %dma_start3A_67 = tpu.memref_squeeze %dma_start3A_66 : memref<1x128xi32, #tpu.memory_space<vmem>> -> memref<128xi32, #tpu.memory_space<vmem>>
      %dma_start3A_68 = arith.constant 0 : i32
      %dma_start3A_69 = arith.constant 0 : i32
      %dma_start3A_70 = tpu.memref_slice %arg11[%dma_start3A_68, %dma_start3A_69] : memref<10240x16xf32, #tpu.memory_space<vmem_shared>> -> memref<10240x16xf32, #tpu.memory_space<vmem_shared>>
      tpu.enqueue_indirect_dma source(%dma_start3A_64 : memref<128x16xf32, #tpu.memory_space<vmem>>) target(%dma_start3A_70 : memref<10240x16xf32, #tpu.memory_space<vmem_shared>>) offsets(%dma_start3A_67 : memref<128xi32, #tpu.memory_space<vmem>>) semaphore(%arg13 : memref<!tpu.dma_semaphore, #tpu.memory_space<semaphore_mem>>) {add = true}
      %dma_start3A_71 = arith.constant 0 : i32
      %dma_start3A_72 = tpu.memref_slice %arg8[%while3A_61, %dma_start3A_71] : memref<40x128xi32, #tpu.memory_space<vmem>> -> memref<1x128xi32, #tpu.memory_space<vmem>>
      %dma_start3A_73 = tpu.memref_squeeze %dma_start3A_72 : memref<1x128xi32, #tpu.memory_space<vmem>> -> memref<128xi32, #tpu.memory_space<vmem>>
      %dma_start3A_74 = arith.constant 0 : i32
      %dma_start3A_75 = arith.constant 0 : i32
      %dma_start3A_76 = tpu.memref_slice %arg12[%dma_start3A_74, %dma_start3A_75] : memref<10240x16xf32, #tpu.memory_space<vmem_shared>> -> memref<10240x16xf32, #tpu.memory_space<vmem_shared>>
      tpu.enqueue_indirect_dma source(%arg10 : memref<128x16xf32, #tpu.memory_space<vmem>>) target(%dma_start3A_76 : memref<10240x16xf32, #tpu.memory_space<vmem_shared>>) offsets(%dma_start3A_73 : memref<128xi32, #tpu.memory_space<vmem>>) semaphore(%arg13 : memref<!tpu.dma_semaphore, #tpu.memory_space<semaphore_mem>>) {add = true}
    }
    %while3A_41 = arith.constant 1 : i32
    scf.for %while3A_61 = %while3A_39 to %while3A_35 step %while3A_41  : i32 {
      %mul3A_62 = arith.constant 128 : i32
      %mul3A_63 = arith.muli %while3A_61, %mul3A_62 : i32
      %dma_start3A = arith.constant 0 : i32
      %dma_start3A_64 = tpu.memref_slice %arg9[%mul3A_63, %dma_start3A] : memref<5120x16xf32, #tpu.memory_space<vmem>> -> memref<128x16xf32, #tpu.memory_space<vmem>>
      %dma_start3A_65 = arith.constant 0 : i32
      %dma_start3A_66 = tpu.memref_slice %arg8[%while3A_61, %dma_start3A_65] : memref<40x128xi32, #tpu.memory_space<vmem>> -> memref<1x128xi32, #tpu.memory_space<vmem>>
      %dma_start3A_67 = tpu.memref_squeeze %dma_start3A_66 : memref<1x128xi32, #tpu.memory_space<vmem>> -> memref<128xi32, #tpu.memory_space<vmem>>
      %dma_start3A_68 = arith.constant 0 : i32
      %dma_start3A_69 = arith.constant 0 : i32
      %dma_start3A_70 = tpu.memref_slice %arg11[%dma_start3A_68, %dma_start3A_69] : memref<10240x16xf32, #tpu.memory_space<vmem_shared>> -> memref<10240x16xf32, #tpu.memory_space<vmem_shared>>
      tpu.enqueue_indirect_dma source(%dma_start3A_64 : memref<128x16xf32, #tpu.memory_space<vmem>>) target(%dma_start3A_70 : memref<10240x16xf32, #tpu.memory_space<vmem_shared>>) offsets(%dma_start3A_67 : memref<128xi32, #tpu.memory_space<vmem>>) semaphore(%arg13 : memref<!tpu.dma_semaphore, #tpu.memory_space<semaphore_mem>>) {add = true}
      %dma_start3A_71 = arith.constant 0 : i32
      %dma_start3A_72 = tpu.memref_slice %arg8[%while3A_61, %dma_start3A_71] : memref<40x128xi32, #tpu.memory_space<vmem>> -> memref<1x128xi32, #tpu.memory_space<vmem>>
      %dma_start3A_73 = tpu.memref_squeeze %dma_start3A_72 : memref<1x128xi32, #tpu.memory_space<vmem>> -> memref<128xi32, #tpu.memory_space<vmem>>
      %dma_start3A_74 = arith.constant 0 : i32
      %dma_start3A_75 = arith.constant 0 : i32
      %dma_start3A_76 = tpu.memref_slice %arg12[%dma_start3A_74, %dma_start3A_75] : memref<10240x16xf32, #tpu.memory_space<vmem_shared>> -> memref<10240x16xf32, #tpu.memory_space<vmem_shared>>
      tpu.enqueue_indirect_dma source(%arg10 : memref<128x16xf32, #tpu.memory_space<vmem>>) target(%dma_start3A_76 : memref<10240x16xf32, #tpu.memory_space<vmem_shared>>) offsets(%dma_start3A_73 : memref<128xi32, #tpu.memory_space<vmem>>) semaphore(%arg13 : memref<!tpu.dma_semaphore, #tpu.memory_space<semaphore_mem>>) {add = true}
    }
    %while3A_42 = arith.constant 0 : i32
    %while3A_43 = arith.constant 0 : i32
    %while3A_44 = arith.subi %select_n3A, %while3A_43 : i32
    %while3A_45 = arith.addi %while3A_43, %while3A_44 : i32
    %while3A_46 = arith.constant 1 : i32
    %while3A_47 = arith.divsi %while3A_44, %while3A_46 : i32
    %while3A_48 = arith.muli %while3A_47, %while3A_46 : i32
    %while3A_49 = arith.addi %while3A_43, %while3A_48 : i32
    %while3A_50 = arith.constant 1 : i32
    scf.for %while3A_61 = %while3A_43 to %while3A_49 step %while3A_50  : i32 {
      %mul3A_62 = arith.constant 128 : i32
      %mul3A_63 = arith.muli %while3A_61, %mul3A_62 : i32
      %dma_wait3A = arith.constant 0 : i32
      %dma_wait3A_64 = tpu.memref_slice %arg9[%mul3A_63, %dma_wait3A] : memref<5120x16xf32, #tpu.memory_space<vmem>> -> memref<128x16xf32, #tpu.memory_space<vmem>>
      %dma_wait3A_65 = arith.constant 0 : i32
      %dma_wait3A_66 = tpu.memref_slice %arg8[%while3A_61, %dma_wait3A_65] : memref<40x128xi32, #tpu.memory_space<vmem>> -> memref<1x128xi32, #tpu.memory_space<vmem>>
      %dma_wait3A_67 = tpu.memref_squeeze %dma_wait3A_66 : memref<1x128xi32, #tpu.memory_space<vmem>> -> memref<128xi32, #tpu.memory_space<vmem>>
      %dma_wait3A_68 = arith.constant 0 : i32
      %dma_wait3A_69 = arith.constant 0 : i32
      %dma_wait3A_70 = tpu.memref_slice %arg11[%dma_wait3A_68, %dma_wait3A_69] : memref<10240x16xf32, #tpu.memory_space<vmem_shared>> -> memref<10240x16xf32, #tpu.memory_space<vmem_shared>>
      tpu.wait_indirect_dma semaphore(%arg13 : memref<!tpu.dma_semaphore, #tpu.memory_space<semaphore_mem>>) src(%dma_wait3A_64 : memref<128x16xf32, #tpu.memory_space<vmem>>) dst(%dma_wait3A_70 : memref<10240x16xf32, #tpu.memory_space<vmem_shared>>)
      %dma_wait3A_71 = arith.constant 0 : i32
      %dma_wait3A_72 = tpu.memref_slice %arg8[%while3A_61, %dma_wait3A_71] : memref<40x128xi32, #tpu.memory_space<vmem>> -> memref<1x128xi32, #tpu.memory_space<vmem>>
      %dma_wait3A_73 = tpu.memref_squeeze %dma_wait3A_72 : memref<1x128xi32, #tpu.memory_space<vmem>> -> memref<128xi32, #tpu.memory_space<vmem>>
      %dma_wait3A_74 = arith.constant 0 : i32
      %dma_wait3A_75 = arith.constant 0 : i32
      %dma_wait3A_76 = tpu.memref_slice %arg12[%dma_wait3A_74, %dma_wait3A_75] : memref<10240x16xf32, #tpu.memory_space<vmem_shared>> -> memref<10240x16xf32, #tpu.memory_space<vmem_shared>>
      tpu.wait_indirect_dma semaphore(%arg13 : memref<!tpu.dma_semaphore, #tpu.memory_space<semaphore_mem>>) src(%arg10 : memref<128x16xf32, #tpu.memory_space<vmem>>) dst(%dma_wait3A_76 : memref<10240x16xf32, #tpu.memory_space<vmem_shared>>)
    }
    %while3A_51 = arith.constant 1 : i32
    scf.for %while3A_61 = %while3A_49 to %while3A_45 step %while3A_51  : i32 {
      %mul3A_62 = arith.constant 128 : i32
      %mul3A_63 = arith.muli %while3A_61, %mul3A_62 : i32
      %dma_wait3A = arith.constant 0 : i32
      %dma_wait3A_64 = tpu.memref_slice %arg9[%mul3A_63, %dma_wait3A] : memref<5120x16xf32, #tpu.memory_space<vmem>> -> memref<128x16xf32, #tpu.memory_space<vmem>>
      %dma_wait3A_65 = arith.constant 0 : i32
      %dma_wait3A_66 = tpu.memref_slice %arg8[%while3A_61, %dma_wait3A_65] : memref<40x128xi32, #tpu.memory_space<vmem>> -> memref<1x128xi32, #tpu.memory_space<vmem>>
      %dma_wait3A_67 = tpu.memref_squeeze %dma_wait3A_66 : memref<1x128xi32, #tpu.memory_space<vmem>> -> memref<128xi32, #tpu.memory_space<vmem>>
      %dma_wait3A_68 = arith.constant 0 : i32
      %dma_wait3A_69 = arith.constant 0 : i32
      %dma_wait3A_70 = tpu.memref_slice %arg11[%dma_wait3A_68, %dma_wait3A_69] : memref<10240x16xf32, #tpu.memory_space<vmem_shared>> -> memref<10240x16xf32, #tpu.memory_space<vmem_shared>>
      tpu.wait_indirect_dma semaphore(%arg13 : memref<!tpu.dma_semaphore, #tpu.memory_space<semaphore_mem>>) src(%dma_wait3A_64 : memref<128x16xf32, #tpu.memory_space<vmem>>) dst(%dma_wait3A_70 : memref<10240x16xf32, #tpu.memory_space<vmem_shared>>)
      %dma_wait3A_71 = arith.constant 0 : i32
      %dma_wait3A_72 = tpu.memref_slice %arg8[%while3A_61, %dma_wait3A_71] : memref<40x128xi32, #tpu.memory_space<vmem>> -> memref<1x128xi32, #tpu.memory_space<vmem>>
      %dma_wait3A_73 = tpu.memref_squeeze %dma_wait3A_72 : memref<1x128xi32, #tpu.memory_space<vmem>> -> memref<128xi32, #tpu.memory_space<vmem>>
      %dma_wait3A_74 = arith.constant 0 : i32
      %dma_wait3A_75 = arith.constant 0 : i32
      %dma_wait3A_76 = tpu.memref_slice %arg12[%dma_wait3A_74, %dma_wait3A_75] : memref<10240x16xf32, #tpu.memory_space<vmem_shared>> -> memref<10240x16xf32, #tpu.memory_space<vmem_shared>>
      tpu.wait_indirect_dma semaphore(%arg13 : memref<!tpu.dma_semaphore, #tpu.memory_space<semaphore_mem>>) src(%arg10 : memref<128x16xf32, #tpu.memory_space<vmem>>) dst(%dma_wait3A_76 : memref<10240x16xf32, #tpu.memory_space<vmem_shared>>)
    }
    %barrier3A_52 = arith.constant 0 : index
    tpu.barrier barrier_id(%barrier3A_52)
    %mul3A_53 = arith.constant 640 : i32
    %mul3A_54 = arith.muli %arg1, %mul3A_53 : i32
    %mul3A_55 = arith.constant 640 : i32
    %mul3A_56 = arith.muli %arg1, %mul3A_55 : i32
    "tpu.region"() ({
      %run_scoped3A = tpu.sem_alloc : memref<!tpu.dma_semaphore, #tpu.memory_space<semaphore_mem>>
      %dma_start3A = arith.constant 0 : i32
      %dma_start3A_61 = arith.constant 0 : i32
      %dma_start3A_62 = tpu.memref_slice %arg6[%arg0, %dma_start3A, %dma_start3A_61] : memref<2x10240x16xf32, #tpu.memory_space<hbm>> -> memref<1x10240x16xf32, #tpu.memory_space<hbm>>
      %dma_start3A_63 = tpu.memref_squeeze %dma_start3A_62 : memref<1x10240x16xf32, #tpu.memory_space<hbm>> -> memref<10240x16xf32, #tpu.memory_space<hbm>>
      %dma_start3A_64 = arith.constant 0 : i32
      %dma_start3A_65 = tpu.memref_slice %dma_start3A_63[%mul3A_56, %dma_start3A_64] : memref<10240x16xf32, #tpu.memory_space<hbm>> -> memref<640x16xf32, #tpu.memory_space<hbm>>
      %dma_start3A_66 = arith.constant 0 : i32
      %dma_start3A_67 = tpu.memref_slice %arg11[%mul3A_54, %dma_start3A_66] : memref<10240x16xf32, #tpu.memory_space<vmem_shared>> -> memref<640x16xf32, #tpu.memory_space<vmem_shared>>
      tpu.enqueue_dma source(%dma_start3A_67 : memref<640x16xf32, #tpu.memory_space<vmem_shared>>) target(%dma_start3A_65 : memref<640x16xf32, #tpu.memory_space<hbm>>) target_semaphore(%run_scoped3A : memref<!tpu.dma_semaphore, #tpu.memory_space<semaphore_mem>>)
      %dma_wait3A = arith.constant 0 : i32
      %dma_wait3A_68 = arith.constant 0 : i32
      %dma_wait3A_69 = tpu.memref_slice %arg6[%arg0, %dma_wait3A, %dma_wait3A_68] : memref<2x10240x16xf32, #tpu.memory_space<hbm>> -> memref<1x10240x16xf32, #tpu.memory_space<hbm>>
      %dma_wait3A_70 = tpu.memref_squeeze %dma_wait3A_69 : memref<1x10240x16xf32, #tpu.memory_space<hbm>> -> memref<10240x16xf32, #tpu.memory_space<hbm>>
      %dma_wait3A_71 = arith.constant 0 : i32
      %dma_wait3A_72 = tpu.memref_slice %dma_wait3A_70[%mul3A_56, %dma_wait3A_71] : memref<10240x16xf32, #tpu.memory_space<hbm>> -> memref<640x16xf32, #tpu.memory_space<hbm>>
      %dma_wait3A_73 = arith.constant 0 : i32
      %dma_wait3A_74 = tpu.memref_slice %arg11[%mul3A_54, %dma_wait3A_73] : memref<10240x16xf32, #tpu.memory_space<vmem_shared>> -> memref<640x16xf32, #tpu.memory_space<vmem_shared>>
      tpu.wait_dma2 semaphore(%run_scoped3A : memref<!tpu.dma_semaphore, #tpu.memory_space<semaphore_mem>>) src(%dma_wait3A_74 : memref<640x16xf32, #tpu.memory_space<vmem_shared>>) dst(%dma_wait3A_72 : memref<640x16xf32, #tpu.memory_space<hbm>>)
      tpu.yield
    }) : () -> ()
    %mul3A_57 = arith.constant 640 : i32
    %mul3A_58 = arith.muli %arg1, %mul3A_57 : i32
    %mul3A_59 = arith.constant 640 : i32
    %mul3A_60 = arith.muli %arg1, %mul3A_59 : i32
    "tpu.region"() ({
      %run_scoped3A = tpu.sem_alloc : memref<!tpu.dma_semaphore, #tpu.memory_space<semaphore_mem>>
      %dma_start3A = arith.constant 0 : i32
      %dma_start3A_61 = arith.constant 0 : i32
      %dma_start3A_62 = tpu.memref_slice %arg7[%arg0, %dma_start3A, %dma_start3A_61] : memref<2x10240x16xf32, #tpu.memory_space<hbm>> -> memref<1x10240x16xf32, #tpu.memory_space<hbm>>
      %dma_start3A_63 = tpu.memref_squeeze %dma_start3A_62 : memref<1x10240x16xf32, #tpu.memory_space<hbm>> -> memref<10240x16xf32, #tpu.memory_space<hbm>>
      %dma_start3A_64 = arith.constant 0 : i32
      %dma_start3A_65 = tpu.memref_slice %dma_start3A_63[%mul3A_60, %dma_start3A_64] : memref<10240x16xf32, #tpu.memory_space<hbm>> -> memref<640x16xf32, #tpu.memory_space<hbm>>
      %dma_start3A_66 = arith.constant 0 : i32
      %dma_start3A_67 = tpu.memref_slice %arg12[%mul3A_58, %dma_start3A_66] : memref<10240x16xf32, #tpu.memory_space<vmem_shared>> -> memref<640x16xf32, #tpu.memory_space<vmem_shared>>
      tpu.enqueue_dma source(%dma_start3A_67 : memref<640x16xf32, #tpu.memory_space<vmem_shared>>) target(%dma_start3A_65 : memref<640x16xf32, #tpu.memory_space<hbm>>) target_semaphore(%run_scoped3A : memref<!tpu.dma_semaphore, #tpu.memory_space<semaphore_mem>>)
      %dma_wait3A = arith.constant 0 : i32
      %dma_wait3A_68 = arith.constant 0 : i32
      %dma_wait3A_69 = tpu.memref_slice %arg7[%arg0, %dma_wait3A, %dma_wait3A_68] : memref<2x10240x16xf32, #tpu.memory_space<hbm>> -> memref<1x10240x16xf32, #tpu.memory_space<hbm>>
      %dma_wait3A_70 = tpu.memref_squeeze %dma_wait3A_69 : memref<1x10240x16xf32, #tpu.memory_space<hbm>> -> memref<10240x16xf32, #tpu.memory_space<hbm>>
      %dma_wait3A_71 = arith.constant 0 : i32
      %dma_wait3A_72 = tpu.memref_slice %dma_wait3A_70[%mul3A_60, %dma_wait3A_71] : memref<10240x16xf32, #tpu.memory_space<hbm>> -> memref<640x16xf32, #tpu.memory_space<hbm>>
      %dma_wait3A_73 = arith.constant 0 : i32
      %dma_wait3A_74 = tpu.memref_slice %arg12[%mul3A_58, %dma_wait3A_73] : memref<10240x16xf32, #tpu.memory_space<vmem_shared>> -> memref<640x16xf32, #tpu.memory_space<vmem_shared>>
      tpu.wait_dma2 semaphore(%run_scoped3A : memref<!tpu.dma_semaphore, #tpu.memory_space<semaphore_mem>>) src(%dma_wait3A_74 : memref<640x16xf32, #tpu.memory_space<vmem_shared>>) dst(%dma_wait3A_72 : memref<640x16xf32, #tpu.memory_space<hbm>>)
      tpu.yield
    }) : () -> ()
    return
  }
}

#map = affine_map<(d0, d1) -> (0, 0)>
module attributes {stable_mosaic.version = 14 : i64} {
  func.func @_sc_gather_body(%arg0: i32, %arg1: i32, %arg2: memref<10240x16xf32, #tpu.memory_space<hbm>>, %arg3: memref<2x160000xi32, #tpu.memory_space<hbm>>, %arg4: memref<160000x16xf32, #tpu.memory_space<hbm>>, %arg5: memref<40x128xi32, #tpu.memory_space<vmem>>, %arg6: memref<5120x16xf32, #tpu.memory_space<vmem>>, %arg7: memref<!tpu.dma_semaphore, #tpu.memory_space<semaphore_mem>>) attributes {dimension_semantics = [#tpu.dimension_semantics<core_parallel>, #tpu.dimension_semantics<subcore_parallel>], iteration_bounds = array<i64: 2, 16>, scalar_prefetch = 0 : i64, scratch_operands = 3 : i64, tpu.core_type = #tpu.core_type<sc_vector_subcore>, window_params = [{transform_indices = #map}, {transform_indices = #map}, {transform_indices = #map}]} {
    %mul3A = arith.constant 16 : i32
    %mul3A_0 = arith.muli %arg0, %mul3A : i32
    %add3A = arith.addi %mul3A_0, %arg1 : i32
    %mul3A_1 = arith.constant 5120 : i32
    %mul3A_2 = arith.muli %add3A, %mul3A_1 : i32
    %eq3A = arith.constant 31 : i32
    %eq3A_3 = arith.cmpi eq, %add3A, %eq3A : i32
    %jit3A = arith.constant 10 : i32
    %jit3A_4 = arith.constant 40 : i32
    %select_n3A = arith.select %eq3A_3, %jit3A, %jit3A_4 : i32
    %while3A = arith.constant 0 : i32
    %while3A_5 = arith.constant 0 : i32
    %while3A_6 = arith.subi %select_n3A, %while3A_5 : i32
    %while3A_7 = arith.addi %while3A_5, %while3A_6 : i32
    %while3A_8 = arith.constant 1 : i32
    %while3A_9 = arith.divsi %while3A_6, %while3A_8 : i32
    %while3A_10 = arith.muli %while3A_9, %while3A_8 : i32
    %while3A_11 = arith.addi %while3A_5, %while3A_10 : i32
    %while3A_12 = arith.constant 1 : i32
    scf.for %while3A_54 = %while3A_5 to %while3A_11 step %while3A_12  : i32 {
      %mul3A_55 = arith.constant 128 : i32
      %mul3A_56 = arith.muli %while3A_54, %mul3A_55 : i32
      %add3A_57 = arith.addi %mul3A_2, %mul3A_56 : i32
      %dma_start3A = arith.constant 0 : i32
      %dma_start3A_58 = arith.constant 0 : i32
      %dma_start3A_59 = tpu.memref_slice %arg5[%while3A_54, %dma_start3A_58] : memref<40x128xi32, #tpu.memory_space<vmem>> -> memref<1x128xi32, #tpu.memory_space<vmem>>
      %dma_start3A_60 = tpu.memref_squeeze %dma_start3A_59 : memref<1x128xi32, #tpu.memory_space<vmem>> -> memref<128xi32, #tpu.memory_space<vmem>>
      %dma_start3A_61 = arith.constant 0 : i32
      %dma_start3A_62 = tpu.memref_slice %arg3[%dma_start3A, %dma_start3A_61] : memref<2x160000xi32, #tpu.memory_space<hbm>> -> memref<1x160000xi32, #tpu.memory_space<hbm>>
      %dma_start3A_63 = tpu.memref_squeeze %dma_start3A_62 : memref<1x160000xi32, #tpu.memory_space<hbm>> -> memref<160000xi32, #tpu.memory_space<hbm>>
      %dma_start3A_64 = tpu.memref_slice %dma_start3A_63[%add3A_57] : memref<160000xi32, #tpu.memory_space<hbm>> -> memref<128xi32, #tpu.memory_space<hbm>>
      %dma_start3A_65 = arith.constant 0 : i32
      %dma_start3A_66 = tpu.memref_slice %arg5[%while3A_54, %dma_start3A_65] : memref<40x128xi32, #tpu.memory_space<vmem>> -> memref<1x128xi32, #tpu.memory_space<vmem>>
      %dma_start3A_67 = tpu.memref_squeeze %dma_start3A_66 : memref<1x128xi32, #tpu.memory_space<vmem>> -> memref<128xi32, #tpu.memory_space<vmem>>
      %dma_start3A_68 = arith.constant 0 : i32
      %dma_start3A_69 = tpu.memref_slice %arg3[%dma_start3A, %dma_start3A_68] : memref<2x160000xi32, #tpu.memory_space<hbm>> -> memref<1x160000xi32, #tpu.memory_space<hbm>>
      %dma_start3A_70 = tpu.memref_squeeze %dma_start3A_69 : memref<1x160000xi32, #tpu.memory_space<hbm>> -> memref<160000xi32, #tpu.memory_space<hbm>>
      %dma_start3A_71 = tpu.memref_slice %dma_start3A_70[%add3A_57] : memref<160000xi32, #tpu.memory_space<hbm>> -> memref<128xi32, #tpu.memory_space<hbm>>
      tpu.enqueue_dma source(%dma_start3A_71 : memref<128xi32, #tpu.memory_space<hbm>>) target(%dma_start3A_67 : memref<128xi32, #tpu.memory_space<vmem>>) target_semaphore(%arg7 : memref<!tpu.dma_semaphore, #tpu.memory_space<semaphore_mem>>)
    }
    %while3A_13 = arith.constant 1 : i32
    scf.for %while3A_54 = %while3A_11 to %while3A_7 step %while3A_13  : i32 {
      %mul3A_55 = arith.constant 128 : i32
      %mul3A_56 = arith.muli %while3A_54, %mul3A_55 : i32
      %add3A_57 = arith.addi %mul3A_2, %mul3A_56 : i32
      %dma_start3A = arith.constant 0 : i32
      %dma_start3A_58 = arith.constant 0 : i32
      %dma_start3A_59 = tpu.memref_slice %arg5[%while3A_54, %dma_start3A_58] : memref<40x128xi32, #tpu.memory_space<vmem>> -> memref<1x128xi32, #tpu.memory_space<vmem>>
      %dma_start3A_60 = tpu.memref_squeeze %dma_start3A_59 : memref<1x128xi32, #tpu.memory_space<vmem>> -> memref<128xi32, #tpu.memory_space<vmem>>
      %dma_start3A_61 = arith.constant 0 : i32
      %dma_start3A_62 = tpu.memref_slice %arg3[%dma_start3A, %dma_start3A_61] : memref<2x160000xi32, #tpu.memory_space<hbm>> -> memref<1x160000xi32, #tpu.memory_space<hbm>>
      %dma_start3A_63 = tpu.memref_squeeze %dma_start3A_62 : memref<1x160000xi32, #tpu.memory_space<hbm>> -> memref<160000xi32, #tpu.memory_space<hbm>>
      %dma_start3A_64 = tpu.memref_slice %dma_start3A_63[%add3A_57] : memref<160000xi32, #tpu.memory_space<hbm>> -> memref<128xi32, #tpu.memory_space<hbm>>
      %dma_start3A_65 = arith.constant 0 : i32
      %dma_start3A_66 = tpu.memref_slice %arg5[%while3A_54, %dma_start3A_65] : memref<40x128xi32, #tpu.memory_space<vmem>> -> memref<1x128xi32, #tpu.memory_space<vmem>>
      %dma_start3A_67 = tpu.memref_squeeze %dma_start3A_66 : memref<1x128xi32, #tpu.memory_space<vmem>> -> memref<128xi32, #tpu.memory_space<vmem>>
      %dma_start3A_68 = arith.constant 0 : i32
      %dma_start3A_69 = tpu.memref_slice %arg3[%dma_start3A, %dma_start3A_68] : memref<2x160000xi32, #tpu.memory_space<hbm>> -> memref<1x160000xi32, #tpu.memory_space<hbm>>
      %dma_start3A_70 = tpu.memref_squeeze %dma_start3A_69 : memref<1x160000xi32, #tpu.memory_space<hbm>> -> memref<160000xi32, #tpu.memory_space<hbm>>
      %dma_start3A_71 = tpu.memref_slice %dma_start3A_70[%add3A_57] : memref<160000xi32, #tpu.memory_space<hbm>> -> memref<128xi32, #tpu.memory_space<hbm>>
      tpu.enqueue_dma source(%dma_start3A_71 : memref<128xi32, #tpu.memory_space<hbm>>) target(%dma_start3A_67 : memref<128xi32, #tpu.memory_space<vmem>>) target_semaphore(%arg7 : memref<!tpu.dma_semaphore, #tpu.memory_space<semaphore_mem>>)
    }
    %while3A_14 = arith.constant 0 : i32
    %while3A_15 = arith.constant 0 : i32
    %while3A_16 = arith.subi %select_n3A, %while3A_15 : i32
    %while3A_17 = arith.addi %while3A_15, %while3A_16 : i32
    %while3A_18 = arith.constant 1 : i32
    %while3A_19 = arith.divsi %while3A_16, %while3A_18 : i32
    %while3A_20 = arith.muli %while3A_19, %while3A_18 : i32
    %while3A_21 = arith.addi %while3A_15, %while3A_20 : i32
    %while3A_22 = arith.constant 1 : i32
    scf.for %while3A_54 = %while3A_15 to %while3A_21 step %while3A_22  : i32 {
      %mul3A_55 = arith.constant 128 : i32
      %mul3A_56 = arith.muli %while3A_54, %mul3A_55 : i32
      %add3A_57 = arith.addi %mul3A_2, %mul3A_56 : i32
      %dma_wait3A = arith.constant 0 : i32
      %dma_wait3A_58 = arith.constant 0 : i32
      %dma_wait3A_59 = tpu.memref_slice %arg5[%while3A_54, %dma_wait3A_58] : memref<40x128xi32, #tpu.memory_space<vmem>> -> memref<1x128xi32, #tpu.memory_space<vmem>>
      %dma_wait3A_60 = tpu.memref_squeeze %dma_wait3A_59 : memref<1x128xi32, #tpu.memory_space<vmem>> -> memref<128xi32, #tpu.memory_space<vmem>>
      %dma_wait3A_61 = arith.constant 0 : i32
      %dma_wait3A_62 = tpu.memref_slice %arg3[%dma_wait3A, %dma_wait3A_61] : memref<2x160000xi32, #tpu.memory_space<hbm>> -> memref<1x160000xi32, #tpu.memory_space<hbm>>
      %dma_wait3A_63 = tpu.memref_squeeze %dma_wait3A_62 : memref<1x160000xi32, #tpu.memory_space<hbm>> -> memref<160000xi32, #tpu.memory_space<hbm>>
      %dma_wait3A_64 = tpu.memref_slice %dma_wait3A_63[%add3A_57] : memref<160000xi32, #tpu.memory_space<hbm>> -> memref<128xi32, #tpu.memory_space<hbm>>
      %dma_wait3A_65 = arith.constant 0 : i32
      %dma_wait3A_66 = tpu.memref_slice %arg5[%while3A_54, %dma_wait3A_65] : memref<40x128xi32, #tpu.memory_space<vmem>> -> memref<1x128xi32, #tpu.memory_space<vmem>>
      %dma_wait3A_67 = tpu.memref_squeeze %dma_wait3A_66 : memref<1x128xi32, #tpu.memory_space<vmem>> -> memref<128xi32, #tpu.memory_space<vmem>>
      %dma_wait3A_68 = arith.constant 0 : i32
      %dma_wait3A_69 = tpu.memref_slice %arg3[%dma_wait3A, %dma_wait3A_68] : memref<2x160000xi32, #tpu.memory_space<hbm>> -> memref<1x160000xi32, #tpu.memory_space<hbm>>
      %dma_wait3A_70 = tpu.memref_squeeze %dma_wait3A_69 : memref<1x160000xi32, #tpu.memory_space<hbm>> -> memref<160000xi32, #tpu.memory_space<hbm>>
      %dma_wait3A_71 = tpu.memref_slice %dma_wait3A_70[%add3A_57] : memref<160000xi32, #tpu.memory_space<hbm>> -> memref<128xi32, #tpu.memory_space<hbm>>
      tpu.wait_dma2 semaphore(%arg7 : memref<!tpu.dma_semaphore, #tpu.memory_space<semaphore_mem>>) src(%dma_wait3A_71 : memref<128xi32, #tpu.memory_space<hbm>>) dst(%dma_wait3A_67 : memref<128xi32, #tpu.memory_space<vmem>>)
    }
    %while3A_23 = arith.constant 1 : i32
    scf.for %while3A_54 = %while3A_21 to %while3A_17 step %while3A_23  : i32 {
      %mul3A_55 = arith.constant 128 : i32
      %mul3A_56 = arith.muli %while3A_54, %mul3A_55 : i32
      %add3A_57 = arith.addi %mul3A_2, %mul3A_56 : i32
      %dma_wait3A = arith.constant 0 : i32
      %dma_wait3A_58 = arith.constant 0 : i32
      %dma_wait3A_59 = tpu.memref_slice %arg5[%while3A_54, %dma_wait3A_58] : memref<40x128xi32, #tpu.memory_space<vmem>> -> memref<1x128xi32, #tpu.memory_space<vmem>>
      %dma_wait3A_60 = tpu.memref_squeeze %dma_wait3A_59 : memref<1x128xi32, #tpu.memory_space<vmem>> -> memref<128xi32, #tpu.memory_space<vmem>>
      %dma_wait3A_61 = arith.constant 0 : i32
      %dma_wait3A_62 = tpu.memref_slice %arg3[%dma_wait3A, %dma_wait3A_61] : memref<2x160000xi32, #tpu.memory_space<hbm>> -> memref<1x160000xi32, #tpu.memory_space<hbm>>
      %dma_wait3A_63 = tpu.memref_squeeze %dma_wait3A_62 : memref<1x160000xi32, #tpu.memory_space<hbm>> -> memref<160000xi32, #tpu.memory_space<hbm>>
      %dma_wait3A_64 = tpu.memref_slice %dma_wait3A_63[%add3A_57] : memref<160000xi32, #tpu.memory_space<hbm>> -> memref<128xi32, #tpu.memory_space<hbm>>
      %dma_wait3A_65 = arith.constant 0 : i32
      %dma_wait3A_66 = tpu.memref_slice %arg5[%while3A_54, %dma_wait3A_65] : memref<40x128xi32, #tpu.memory_space<vmem>> -> memref<1x128xi32, #tpu.memory_space<vmem>>
      %dma_wait3A_67 = tpu.memref_squeeze %dma_wait3A_66 : memref<1x128xi32, #tpu.memory_space<vmem>> -> memref<128xi32, #tpu.memory_space<vmem>>
      %dma_wait3A_68 = arith.constant 0 : i32
      %dma_wait3A_69 = tpu.memref_slice %arg3[%dma_wait3A, %dma_wait3A_68] : memref<2x160000xi32, #tpu.memory_space<hbm>> -> memref<1x160000xi32, #tpu.memory_space<hbm>>
      %dma_wait3A_70 = tpu.memref_squeeze %dma_wait3A_69 : memref<1x160000xi32, #tpu.memory_space<hbm>> -> memref<160000xi32, #tpu.memory_space<hbm>>
      %dma_wait3A_71 = tpu.memref_slice %dma_wait3A_70[%add3A_57] : memref<160000xi32, #tpu.memory_space<hbm>> -> memref<128xi32, #tpu.memory_space<hbm>>
      tpu.wait_dma2 semaphore(%arg7 : memref<!tpu.dma_semaphore, #tpu.memory_space<semaphore_mem>>) src(%dma_wait3A_71 : memref<128xi32, #tpu.memory_space<hbm>>) dst(%dma_wait3A_67 : memref<128xi32, #tpu.memory_space<vmem>>)
    }
    %while3A_24 = arith.constant 0 : i32
    %while3A_25 = arith.constant 0 : i32
    %while3A_26 = arith.subi %select_n3A, %while3A_25 : i32
    %while3A_27 = arith.addi %while3A_25, %while3A_26 : i32
    %while3A_28 = arith.constant 1 : i32
    %while3A_29 = arith.divsi %while3A_26, %while3A_28 : i32
    %while3A_30 = arith.muli %while3A_29, %while3A_28 : i32
    %while3A_31 = arith.addi %while3A_25, %while3A_30 : i32
    %while3A_32 = arith.constant 1 : i32
    scf.for %while3A_54 = %while3A_25 to %while3A_31 step %while3A_32  : i32 {
      %mul3A_55 = arith.constant 128 : i32
      %mul3A_56 = arith.muli %while3A_54, %mul3A_55 : i32
      %dma_start3A = arith.constant 0 : i32
      %dma_start3A_57 = tpu.memref_slice %arg6[%mul3A_56, %dma_start3A] : memref<5120x16xf32, #tpu.memory_space<vmem>> -> memref<128x16xf32, #tpu.memory_space<vmem>>
      %dma_start3A_58 = arith.constant 0 : i32
      %dma_start3A_59 = tpu.memref_slice %arg5[%while3A_54, %dma_start3A_58] : memref<40x128xi32, #tpu.memory_space<vmem>> -> memref<1x128xi32, #tpu.memory_space<vmem>>
      %dma_start3A_60 = tpu.memref_squeeze %dma_start3A_59 : memref<1x128xi32, #tpu.memory_space<vmem>> -> memref<128xi32, #tpu.memory_space<vmem>>
      %dma_start3A_61 = arith.constant 0 : i32
      %dma_start3A_62 = arith.constant 0 : i32
      %dma_start3A_63 = tpu.memref_slice %arg2[%dma_start3A_61, %dma_start3A_62] : memref<10240x16xf32, #tpu.memory_space<hbm>> -> memref<10240x16xf32, #tpu.memory_space<hbm>>
      tpu.enqueue_indirect_dma source(%dma_start3A_63 : memref<10240x16xf32, #tpu.memory_space<hbm>>) target(%dma_start3A_57 : memref<128x16xf32, #tpu.memory_space<vmem>>) offsets(%dma_start3A_60 : memref<128xi32, #tpu.memory_space<vmem>>) semaphore(%arg7 : memref<!tpu.dma_semaphore, #tpu.memory_space<semaphore_mem>>)
    }
    %while3A_33 = arith.constant 1 : i32
    scf.for %while3A_54 = %while3A_31 to %while3A_27 step %while3A_33  : i32 {
      %mul3A_55 = arith.constant 128 : i32
      %mul3A_56 = arith.muli %while3A_54, %mul3A_55 : i32
      %dma_start3A = arith.constant 0 : i32
      %dma_start3A_57 = tpu.memref_slice %arg6[%mul3A_56, %dma_start3A] : memref<5120x16xf32, #tpu.memory_space<vmem>> -> memref<128x16xf32, #tpu.memory_space<vmem>>
      %dma_start3A_58 = arith.constant 0 : i32
      %dma_start3A_59 = tpu.memref_slice %arg5[%while3A_54, %dma_start3A_58] : memref<40x128xi32, #tpu.memory_space<vmem>> -> memref<1x128xi32, #tpu.memory_space<vmem>>
      %dma_start3A_60 = tpu.memref_squeeze %dma_start3A_59 : memref<1x128xi32, #tpu.memory_space<vmem>> -> memref<128xi32, #tpu.memory_space<vmem>>
      %dma_start3A_61 = arith.constant 0 : i32
      %dma_start3A_62 = arith.constant 0 : i32
      %dma_start3A_63 = tpu.memref_slice %arg2[%dma_start3A_61, %dma_start3A_62] : memref<10240x16xf32, #tpu.memory_space<hbm>> -> memref<10240x16xf32, #tpu.memory_space<hbm>>
      tpu.enqueue_indirect_dma source(%dma_start3A_63 : memref<10240x16xf32, #tpu.memory_space<hbm>>) target(%dma_start3A_57 : memref<128x16xf32, #tpu.memory_space<vmem>>) offsets(%dma_start3A_60 : memref<128xi32, #tpu.memory_space<vmem>>) semaphore(%arg7 : memref<!tpu.dma_semaphore, #tpu.memory_space<semaphore_mem>>)
    }
    %while3A_34 = arith.constant 0 : i32
    %while3A_35 = arith.constant 0 : i32
    %while3A_36 = arith.subi %select_n3A, %while3A_35 : i32
    %while3A_37 = arith.addi %while3A_35, %while3A_36 : i32
    %while3A_38 = arith.constant 1 : i32
    %while3A_39 = arith.divsi %while3A_36, %while3A_38 : i32
    %while3A_40 = arith.muli %while3A_39, %while3A_38 : i32
    %while3A_41 = arith.addi %while3A_35, %while3A_40 : i32
    %while3A_42 = arith.constant 1 : i32
    scf.for %while3A_54 = %while3A_35 to %while3A_41 step %while3A_42  : i32 {
      %mul3A_55 = arith.constant 128 : i32
      %mul3A_56 = arith.muli %while3A_54, %mul3A_55 : i32
      %dma_wait3A = arith.constant 0 : i32
      %dma_wait3A_57 = tpu.memref_slice %arg6[%mul3A_56, %dma_wait3A] : memref<5120x16xf32, #tpu.memory_space<vmem>> -> memref<128x16xf32, #tpu.memory_space<vmem>>
      %dma_wait3A_58 = arith.constant 0 : i32
      %dma_wait3A_59 = tpu.memref_slice %arg5[%while3A_54, %dma_wait3A_58] : memref<40x128xi32, #tpu.memory_space<vmem>> -> memref<1x128xi32, #tpu.memory_space<vmem>>
      %dma_wait3A_60 = tpu.memref_squeeze %dma_wait3A_59 : memref<1x128xi32, #tpu.memory_space<vmem>> -> memref<128xi32, #tpu.memory_space<vmem>>
      %dma_wait3A_61 = arith.constant 0 : i32
      %dma_wait3A_62 = arith.constant 0 : i32
      %dma_wait3A_63 = tpu.memref_slice %arg2[%dma_wait3A_61, %dma_wait3A_62] : memref<10240x16xf32, #tpu.memory_space<hbm>> -> memref<10240x16xf32, #tpu.memory_space<hbm>>
      tpu.wait_indirect_dma semaphore(%arg7 : memref<!tpu.dma_semaphore, #tpu.memory_space<semaphore_mem>>) src(%dma_wait3A_63 : memref<10240x16xf32, #tpu.memory_space<hbm>>) dst(%dma_wait3A_57 : memref<128x16xf32, #tpu.memory_space<vmem>>)
      %mul3A_64 = arith.constant 128 : i32
      %mul3A_65 = arith.muli %while3A_54, %mul3A_64 : i32
      %mul3A_66 = arith.constant 128 : i32
      %mul3A_67 = arith.muli %while3A_54, %mul3A_66 : i32
      %add3A_68 = arith.addi %mul3A_2, %mul3A_67 : i32
      %dma_start3A = arith.constant 0 : i32
      %dma_start3A_69 = tpu.memref_slice %arg6[%mul3A_65, %dma_start3A] : memref<5120x16xf32, #tpu.memory_space<vmem>> -> memref<128x16xf32, #tpu.memory_space<vmem>>
      %dma_start3A_70 = arith.constant 0 : i32
      %dma_start3A_71 = tpu.memref_slice %arg4[%add3A_68, %dma_start3A_70] : memref<160000x16xf32, #tpu.memory_space<hbm>> -> memref<128x16xf32, #tpu.memory_space<hbm>>
      %dma_start3A_72 = arith.constant 0 : i32
      %dma_start3A_73 = tpu.memref_slice %arg4[%add3A_68, %dma_start3A_72] : memref<160000x16xf32, #tpu.memory_space<hbm>> -> memref<128x16xf32, #tpu.memory_space<hbm>>
      %dma_start3A_74 = arith.constant 0 : i32
      %dma_start3A_75 = tpu.memref_slice %arg6[%mul3A_65, %dma_start3A_74] : memref<5120x16xf32, #tpu.memory_space<vmem>> -> memref<128x16xf32, #tpu.memory_space<vmem>>
      tpu.enqueue_dma source(%dma_start3A_75 : memref<128x16xf32, #tpu.memory_space<vmem>>) target(%dma_start3A_73 : memref<128x16xf32, #tpu.memory_space<hbm>>) target_semaphore(%arg7 : memref<!tpu.dma_semaphore, #tpu.memory_space<semaphore_mem>>)
    }
    %while3A_43 = arith.constant 1 : i32
    scf.for %while3A_54 = %while3A_41 to %while3A_37 step %while3A_43  : i32 {
      %mul3A_55 = arith.constant 128 : i32
      %mul3A_56 = arith.muli %while3A_54, %mul3A_55 : i32
      %dma_wait3A = arith.constant 0 : i32
      %dma_wait3A_57 = tpu.memref_slice %arg6[%mul3A_56, %dma_wait3A] : memref<5120x16xf32, #tpu.memory_space<vmem>> -> memref<128x16xf32, #tpu.memory_space<vmem>>
      %dma_wait3A_58 = arith.constant 0 : i32
      %dma_wait3A_59 = tpu.memref_slice %arg5[%while3A_54, %dma_wait3A_58] : memref<40x128xi32, #tpu.memory_space<vmem>> -> memref<1x128xi32, #tpu.memory_space<vmem>>
      %dma_wait3A_60 = tpu.memref_squeeze %dma_wait3A_59 : memref<1x128xi32, #tpu.memory_space<vmem>> -> memref<128xi32, #tpu.memory_space<vmem>>
      %dma_wait3A_61 = arith.constant 0 : i32
      %dma_wait3A_62 = arith.constant 0 : i32
      %dma_wait3A_63 = tpu.memref_slice %arg2[%dma_wait3A_61, %dma_wait3A_62] : memref<10240x16xf32, #tpu.memory_space<hbm>> -> memref<10240x16xf32, #tpu.memory_space<hbm>>
      tpu.wait_indirect_dma semaphore(%arg7 : memref<!tpu.dma_semaphore, #tpu.memory_space<semaphore_mem>>) src(%dma_wait3A_63 : memref<10240x16xf32, #tpu.memory_space<hbm>>) dst(%dma_wait3A_57 : memref<128x16xf32, #tpu.memory_space<vmem>>)
      %mul3A_64 = arith.constant 128 : i32
      %mul3A_65 = arith.muli %while3A_54, %mul3A_64 : i32
      %mul3A_66 = arith.constant 128 : i32
      %mul3A_67 = arith.muli %while3A_54, %mul3A_66 : i32
      %add3A_68 = arith.addi %mul3A_2, %mul3A_67 : i32
      %dma_start3A = arith.constant 0 : i32
      %dma_start3A_69 = tpu.memref_slice %arg6[%mul3A_65, %dma_start3A] : memref<5120x16xf32, #tpu.memory_space<vmem>> -> memref<128x16xf32, #tpu.memory_space<vmem>>
      %dma_start3A_70 = arith.constant 0 : i32
      %dma_start3A_71 = tpu.memref_slice %arg4[%add3A_68, %dma_start3A_70] : memref<160000x16xf32, #tpu.memory_space<hbm>> -> memref<128x16xf32, #tpu.memory_space<hbm>>
      %dma_start3A_72 = arith.constant 0 : i32
      %dma_start3A_73 = tpu.memref_slice %arg4[%add3A_68, %dma_start3A_72] : memref<160000x16xf32, #tpu.memory_space<hbm>> -> memref<128x16xf32, #tpu.memory_space<hbm>>
      %dma_start3A_74 = arith.constant 0 : i32
      %dma_start3A_75 = tpu.memref_slice %arg6[%mul3A_65, %dma_start3A_74] : memref<5120x16xf32, #tpu.memory_space<vmem>> -> memref<128x16xf32, #tpu.memory_space<vmem>>
      tpu.enqueue_dma source(%dma_start3A_75 : memref<128x16xf32, #tpu.memory_space<vmem>>) target(%dma_start3A_73 : memref<128x16xf32, #tpu.memory_space<hbm>>) target_semaphore(%arg7 : memref<!tpu.dma_semaphore, #tpu.memory_space<semaphore_mem>>)
    }
    %while3A_44 = arith.constant 0 : i32
    %while3A_45 = arith.constant 0 : i32
    %while3A_46 = arith.subi %select_n3A, %while3A_45 : i32
    %while3A_47 = arith.addi %while3A_45, %while3A_46 : i32
    %while3A_48 = arith.constant 1 : i32
    %while3A_49 = arith.divsi %while3A_46, %while3A_48 : i32
    %while3A_50 = arith.muli %while3A_49, %while3A_48 : i32
    %while3A_51 = arith.addi %while3A_45, %while3A_50 : i32
    %while3A_52 = arith.constant 1 : i32
    scf.for %while3A_54 = %while3A_45 to %while3A_51 step %while3A_52  : i32 {
      %mul3A_55 = arith.constant 128 : i32
      %mul3A_56 = arith.muli %while3A_54, %mul3A_55 : i32
      %mul3A_57 = arith.constant 128 : i32
      %mul3A_58 = arith.muli %while3A_54, %mul3A_57 : i32
      %add3A_59 = arith.addi %mul3A_2, %mul3A_58 : i32
      %dma_wait3A = arith.constant 0 : i32
      %dma_wait3A_60 = tpu.memref_slice %arg6[%mul3A_56, %dma_wait3A] : memref<5120x16xf32, #tpu.memory_space<vmem>> -> memref<128x16xf32, #tpu.memory_space<vmem>>
      %dma_wait3A_61 = arith.constant 0 : i32
      %dma_wait3A_62 = tpu.memref_slice %arg4[%add3A_59, %dma_wait3A_61] : memref<160000x16xf32, #tpu.memory_space<hbm>> -> memref<128x16xf32, #tpu.memory_space<hbm>>
      %dma_wait3A_63 = arith.constant 0 : i32
      %dma_wait3A_64 = tpu.memref_slice %arg4[%add3A_59, %dma_wait3A_63] : memref<160000x16xf32, #tpu.memory_space<hbm>> -> memref<128x16xf32, #tpu.memory_space<hbm>>
      %dma_wait3A_65 = arith.constant 0 : i32
      %dma_wait3A_66 = tpu.memref_slice %arg6[%mul3A_56, %dma_wait3A_65] : memref<5120x16xf32, #tpu.memory_space<vmem>> -> memref<128x16xf32, #tpu.memory_space<vmem>>
      tpu.wait_dma2 semaphore(%arg7 : memref<!tpu.dma_semaphore, #tpu.memory_space<semaphore_mem>>) src(%dma_wait3A_66 : memref<128x16xf32, #tpu.memory_space<vmem>>) dst(%dma_wait3A_64 : memref<128x16xf32, #tpu.memory_space<hbm>>)
    }
    %while3A_53 = arith.constant 1 : i32
    scf.for %while3A_54 = %while3A_51 to %while3A_47 step %while3A_53  : i32 {
      %mul3A_55 = arith.constant 128 : i32
      %mul3A_56 = arith.muli %while3A_54, %mul3A_55 : i32
      %mul3A_57 = arith.constant 128 : i32
      %mul3A_58 = arith.muli %while3A_54, %mul3A_57 : i32
      %add3A_59 = arith.addi %mul3A_2, %mul3A_58 : i32
      %dma_wait3A = arith.constant 0 : i32
      %dma_wait3A_60 = tpu.memref_slice %arg6[%mul3A_56, %dma_wait3A] : memref<5120x16xf32, #tpu.memory_space<vmem>> -> memref<128x16xf32, #tpu.memory_space<vmem>>
      %dma_wait3A_61 = arith.constant 0 : i32
      %dma_wait3A_62 = tpu.memref_slice %arg4[%add3A_59, %dma_wait3A_61] : memref<160000x16xf32, #tpu.memory_space<hbm>> -> memref<128x16xf32, #tpu.memory_space<hbm>>
      %dma_wait3A_63 = arith.constant 0 : i32
      %dma_wait3A_64 = tpu.memref_slice %arg4[%add3A_59, %dma_wait3A_63] : memref<160000x16xf32, #tpu.memory_space<hbm>> -> memref<128x16xf32, #tpu.memory_space<hbm>>
      %dma_wait3A_65 = arith.constant 0 : i32
      %dma_wait3A_66 = tpu.memref_slice %arg6[%mul3A_56, %dma_wait3A_65] : memref<5120x16xf32, #tpu.memory_space<vmem>> -> memref<128x16xf32, #tpu.memory_space<vmem>>
      tpu.wait_dma2 semaphore(%arg7 : memref<!tpu.dma_semaphore, #tpu.memory_space<semaphore_mem>>) src(%dma_wait3A_66 : memref<128x16xf32, #tpu.memory_space<vmem>>) dst(%dma_wait3A_64 : memref<128x16xf32, #tpu.memory_space<hbm>>)
    }
    return
  }
}

#map = affine_map<(d0, d1) -> (0, 0)>
module attributes {stable_mosaic.version = 14 : i64} {
  func.func @_sc_gather_body(%arg0: i32, %arg1: i32, %arg2: memref<10240x16xf32, #tpu.memory_space<hbm>>, %arg3: memref<2x160000xi32, #tpu.memory_space<hbm>>, %arg4: memref<160000x16xf32, #tpu.memory_space<hbm>>, %arg5: memref<40x128xi32, #tpu.memory_space<vmem>>, %arg6: memref<5120x16xf32, #tpu.memory_space<vmem>>, %arg7: memref<!tpu.dma_semaphore, #tpu.memory_space<semaphore_mem>>) attributes {dimension_semantics = [#tpu.dimension_semantics<core_parallel>, #tpu.dimension_semantics<subcore_parallel>], iteration_bounds = array<i64: 2, 16>, scalar_prefetch = 0 : i64, scratch_operands = 3 : i64, tpu.core_type = #tpu.core_type<sc_vector_subcore>, window_params = [{transform_indices = #map}, {transform_indices = #map}, {transform_indices = #map}]} {
    %mul3A = arith.constant 16 : i32
    %mul3A_0 = arith.muli %arg0, %mul3A : i32
    %add3A = arith.addi %mul3A_0, %arg1 : i32
    %mul3A_1 = arith.constant 5120 : i32
    %mul3A_2 = arith.muli %add3A, %mul3A_1 : i32
    %eq3A = arith.constant 31 : i32
    %eq3A_3 = arith.cmpi eq, %add3A, %eq3A : i32
    %jit3A = arith.constant 10 : i32
    %jit3A_4 = arith.constant 40 : i32
    %select_n3A = arith.select %eq3A_3, %jit3A, %jit3A_4 : i32
    %while3A = arith.constant 0 : i32
    %while3A_5 = arith.constant 0 : i32
    %while3A_6 = arith.subi %select_n3A, %while3A_5 : i32
    %while3A_7 = arith.addi %while3A_5, %while3A_6 : i32
    %while3A_8 = arith.constant 1 : i32
    %while3A_9 = arith.divsi %while3A_6, %while3A_8 : i32
    %while3A_10 = arith.muli %while3A_9, %while3A_8 : i32
    %while3A_11 = arith.addi %while3A_5, %while3A_10 : i32
    %while3A_12 = arith.constant 1 : i32
    scf.for %while3A_54 = %while3A_5 to %while3A_11 step %while3A_12  : i32 {
      %mul3A_55 = arith.constant 128 : i32
      %mul3A_56 = arith.muli %while3A_54, %mul3A_55 : i32
      %add3A_57 = arith.addi %mul3A_2, %mul3A_56 : i32
      %dma_start3A = arith.constant 0 : i32
      %dma_start3A_58 = arith.constant 0 : i32
      %dma_start3A_59 = tpu.memref_slice %arg5[%while3A_54, %dma_start3A_58] : memref<40x128xi32, #tpu.memory_space<vmem>> -> memref<1x128xi32, #tpu.memory_space<vmem>>
      %dma_start3A_60 = tpu.memref_squeeze %dma_start3A_59 : memref<1x128xi32, #tpu.memory_space<vmem>> -> memref<128xi32, #tpu.memory_space<vmem>>
      %dma_start3A_61 = arith.constant 0 : i32
      %dma_start3A_62 = tpu.memref_slice %arg3[%dma_start3A, %dma_start3A_61] : memref<2x160000xi32, #tpu.memory_space<hbm>> -> memref<1x160000xi32, #tpu.memory_space<hbm>>
      %dma_start3A_63 = tpu.memref_squeeze %dma_start3A_62 : memref<1x160000xi32, #tpu.memory_space<hbm>> -> memref<160000xi32, #tpu.memory_space<hbm>>
      %dma_start3A_64 = tpu.memref_slice %dma_start3A_63[%add3A_57] : memref<160000xi32, #tpu.memory_space<hbm>> -> memref<128xi32, #tpu.memory_space<hbm>>
      %dma_start3A_65 = arith.constant 0 : i32
      %dma_start3A_66 = tpu.memref_slice %arg5[%while3A_54, %dma_start3A_65] : memref<40x128xi32, #tpu.memory_space<vmem>> -> memref<1x128xi32, #tpu.memory_space<vmem>>
      %dma_start3A_67 = tpu.memref_squeeze %dma_start3A_66 : memref<1x128xi32, #tpu.memory_space<vmem>> -> memref<128xi32, #tpu.memory_space<vmem>>
      %dma_start3A_68 = arith.constant 0 : i32
      %dma_start3A_69 = tpu.memref_slice %arg3[%dma_start3A, %dma_start3A_68] : memref<2x160000xi32, #tpu.memory_space<hbm>> -> memref<1x160000xi32, #tpu.memory_space<hbm>>
      %dma_start3A_70 = tpu.memref_squeeze %dma_start3A_69 : memref<1x160000xi32, #tpu.memory_space<hbm>> -> memref<160000xi32, #tpu.memory_space<hbm>>
      %dma_start3A_71 = tpu.memref_slice %dma_start3A_70[%add3A_57] : memref<160000xi32, #tpu.memory_space<hbm>> -> memref<128xi32, #tpu.memory_space<hbm>>
      tpu.enqueue_dma source(%dma_start3A_71 : memref<128xi32, #tpu.memory_space<hbm>>) target(%dma_start3A_67 : memref<128xi32, #tpu.memory_space<vmem>>) target_semaphore(%arg7 : memref<!tpu.dma_semaphore, #tpu.memory_space<semaphore_mem>>)
    }
    %while3A_13 = arith.constant 1 : i32
    scf.for %while3A_54 = %while3A_11 to %while3A_7 step %while3A_13  : i32 {
      %mul3A_55 = arith.constant 128 : i32
      %mul3A_56 = arith.muli %while3A_54, %mul3A_55 : i32
      %add3A_57 = arith.addi %mul3A_2, %mul3A_56 : i32
      %dma_start3A = arith.constant 0 : i32
      %dma_start3A_58 = arith.constant 0 : i32
      %dma_start3A_59 = tpu.memref_slice %arg5[%while3A_54, %dma_start3A_58] : memref<40x128xi32, #tpu.memory_space<vmem>> -> memref<1x128xi32, #tpu.memory_space<vmem>>
      %dma_start3A_60 = tpu.memref_squeeze %dma_start3A_59 : memref<1x128xi32, #tpu.memory_space<vmem>> -> memref<128xi32, #tpu.memory_space<vmem>>
      %dma_start3A_61 = arith.constant 0 : i32
      %dma_start3A_62 = tpu.memref_slice %arg3[%dma_start3A, %dma_start3A_61] : memref<2x160000xi32, #tpu.memory_space<hbm>> -> memref<1x160000xi32, #tpu.memory_space<hbm>>
      %dma_start3A_63 = tpu.memref_squeeze %dma_start3A_62 : memref<1x160000xi32, #tpu.memory_space<hbm>> -> memref<160000xi32, #tpu.memory_space<hbm>>
      %dma_start3A_64 = tpu.memref_slice %dma_start3A_63[%add3A_57] : memref<160000xi32, #tpu.memory_space<hbm>> -> memref<128xi32, #tpu.memory_space<hbm>>
      %dma_start3A_65 = arith.constant 0 : i32
      %dma_start3A_66 = tpu.memref_slice %arg5[%while3A_54, %dma_start3A_65] : memref<40x128xi32, #tpu.memory_space<vmem>> -> memref<1x128xi32, #tpu.memory_space<vmem>>
      %dma_start3A_67 = tpu.memref_squeeze %dma_start3A_66 : memref<1x128xi32, #tpu.memory_space<vmem>> -> memref<128xi32, #tpu.memory_space<vmem>>
      %dma_start3A_68 = arith.constant 0 : i32
      %dma_start3A_69 = tpu.memref_slice %arg3[%dma_start3A, %dma_start3A_68] : memref<2x160000xi32, #tpu.memory_space<hbm>> -> memref<1x160000xi32, #tpu.memory_space<hbm>>
      %dma_start3A_70 = tpu.memref_squeeze %dma_start3A_69 : memref<1x160000xi32, #tpu.memory_space<hbm>> -> memref<160000xi32, #tpu.memory_space<hbm>>
      %dma_start3A_71 = tpu.memref_slice %dma_start3A_70[%add3A_57] : memref<160000xi32, #tpu.memory_space<hbm>> -> memref<128xi32, #tpu.memory_space<hbm>>
      tpu.enqueue_dma source(%dma_start3A_71 : memref<128xi32, #tpu.memory_space<hbm>>) target(%dma_start3A_67 : memref<128xi32, #tpu.memory_space<vmem>>) target_semaphore(%arg7 : memref<!tpu.dma_semaphore, #tpu.memory_space<semaphore_mem>>)
    }
    %while3A_14 = arith.constant 0 : i32
    %while3A_15 = arith.constant 0 : i32
    %while3A_16 = arith.subi %select_n3A, %while3A_15 : i32
    %while3A_17 = arith.addi %while3A_15, %while3A_16 : i32
    %while3A_18 = arith.constant 1 : i32
    %while3A_19 = arith.divsi %while3A_16, %while3A_18 : i32
    %while3A_20 = arith.muli %while3A_19, %while3A_18 : i32
    %while3A_21 = arith.addi %while3A_15, %while3A_20 : i32
    %while3A_22 = arith.constant 1 : i32
    scf.for %while3A_54 = %while3A_15 to %while3A_21 step %while3A_22  : i32 {
      %mul3A_55 = arith.constant 128 : i32
      %mul3A_56 = arith.muli %while3A_54, %mul3A_55 : i32
      %add3A_57 = arith.addi %mul3A_2, %mul3A_56 : i32
      %dma_wait3A = arith.constant 0 : i32
      %dma_wait3A_58 = arith.constant 0 : i32
      %dma_wait3A_59 = tpu.memref_slice %arg5[%while3A_54, %dma_wait3A_58] : memref<40x128xi32, #tpu.memory_space<vmem>> -> memref<1x128xi32, #tpu.memory_space<vmem>>
      %dma_wait3A_60 = tpu.memref_squeeze %dma_wait3A_59 : memref<1x128xi32, #tpu.memory_space<vmem>> -> memref<128xi32, #tpu.memory_space<vmem>>
      %dma_wait3A_61 = arith.constant 0 : i32
      %dma_wait3A_62 = tpu.memref_slice %arg3[%dma_wait3A, %dma_wait3A_61] : memref<2x160000xi32, #tpu.memory_space<hbm>> -> memref<1x160000xi32, #tpu.memory_space<hbm>>
      %dma_wait3A_63 = tpu.memref_squeeze %dma_wait3A_62 : memref<1x160000xi32, #tpu.memory_space<hbm>> -> memref<160000xi32, #tpu.memory_space<hbm>>
      %dma_wait3A_64 = tpu.memref_slice %dma_wait3A_63[%add3A_57] : memref<160000xi32, #tpu.memory_space<hbm>> -> memref<128xi32, #tpu.memory_space<hbm>>
      %dma_wait3A_65 = arith.constant 0 : i32
      %dma_wait3A_66 = tpu.memref_slice %arg5[%while3A_54, %dma_wait3A_65] : memref<40x128xi32, #tpu.memory_space<vmem>> -> memref<1x128xi32, #tpu.memory_space<vmem>>
      %dma_wait3A_67 = tpu.memref_squeeze %dma_wait3A_66 : memref<1x128xi32, #tpu.memory_space<vmem>> -> memref<128xi32, #tpu.memory_space<vmem>>
      %dma_wait3A_68 = arith.constant 0 : i32
      %dma_wait3A_69 = tpu.memref_slice %arg3[%dma_wait3A, %dma_wait3A_68] : memref<2x160000xi32, #tpu.memory_space<hbm>> -> memref<1x160000xi32, #tpu.memory_space<hbm>>
      %dma_wait3A_70 = tpu.memref_squeeze %dma_wait3A_69 : memref<1x160000xi32, #tpu.memory_space<hbm>> -> memref<160000xi32, #tpu.memory_space<hbm>>
      %dma_wait3A_71 = tpu.memref_slice %dma_wait3A_70[%add3A_57] : memref<160000xi32, #tpu.memory_space<hbm>> -> memref<128xi32, #tpu.memory_space<hbm>>
      tpu.wait_dma2 semaphore(%arg7 : memref<!tpu.dma_semaphore, #tpu.memory_space<semaphore_mem>>) src(%dma_wait3A_71 : memref<128xi32, #tpu.memory_space<hbm>>) dst(%dma_wait3A_67 : memref<128xi32, #tpu.memory_space<vmem>>)
    }
    %while3A_23 = arith.constant 1 : i32
    scf.for %while3A_54 = %while3A_21 to %while3A_17 step %while3A_23  : i32 {
      %mul3A_55 = arith.constant 128 : i32
      %mul3A_56 = arith.muli %while3A_54, %mul3A_55 : i32
      %add3A_57 = arith.addi %mul3A_2, %mul3A_56 : i32
      %dma_wait3A = arith.constant 0 : i32
      %dma_wait3A_58 = arith.constant 0 : i32
      %dma_wait3A_59 = tpu.memref_slice %arg5[%while3A_54, %dma_wait3A_58] : memref<40x128xi32, #tpu.memory_space<vmem>> -> memref<1x128xi32, #tpu.memory_space<vmem>>
      %dma_wait3A_60 = tpu.memref_squeeze %dma_wait3A_59 : memref<1x128xi32, #tpu.memory_space<vmem>> -> memref<128xi32, #tpu.memory_space<vmem>>
      %dma_wait3A_61 = arith.constant 0 : i32
      %dma_wait3A_62 = tpu.memref_slice %arg3[%dma_wait3A, %dma_wait3A_61] : memref<2x160000xi32, #tpu.memory_space<hbm>> -> memref<1x160000xi32, #tpu.memory_space<hbm>>
      %dma_wait3A_63 = tpu.memref_squeeze %dma_wait3A_62 : memref<1x160000xi32, #tpu.memory_space<hbm>> -> memref<160000xi32, #tpu.memory_space<hbm>>
      %dma_wait3A_64 = tpu.memref_slice %dma_wait3A_63[%add3A_57] : memref<160000xi32, #tpu.memory_space<hbm>> -> memref<128xi32, #tpu.memory_space<hbm>>
      %dma_wait3A_65 = arith.constant 0 : i32
      %dma_wait3A_66 = tpu.memref_slice %arg5[%while3A_54, %dma_wait3A_65] : memref<40x128xi32, #tpu.memory_space<vmem>> -> memref<1x128xi32, #tpu.memory_space<vmem>>
      %dma_wait3A_67 = tpu.memref_squeeze %dma_wait3A_66 : memref<1x128xi32, #tpu.memory_space<vmem>> -> memref<128xi32, #tpu.memory_space<vmem>>
      %dma_wait3A_68 = arith.constant 0 : i32
      %dma_wait3A_69 = tpu.memref_slice %arg3[%dma_wait3A, %dma_wait3A_68] : memref<2x160000xi32, #tpu.memory_space<hbm>> -> memref<1x160000xi32, #tpu.memory_space<hbm>>
      %dma_wait3A_70 = tpu.memref_squeeze %dma_wait3A_69 : memref<1x160000xi32, #tpu.memory_space<hbm>> -> memref<160000xi32, #tpu.memory_space<hbm>>
      %dma_wait3A_71 = tpu.memref_slice %dma_wait3A_70[%add3A_57] : memref<160000xi32, #tpu.memory_space<hbm>> -> memref<128xi32, #tpu.memory_space<hbm>>
      tpu.wait_dma2 semaphore(%arg7 : memref<!tpu.dma_semaphore, #tpu.memory_space<semaphore_mem>>) src(%dma_wait3A_71 : memref<128xi32, #tpu.memory_space<hbm>>) dst(%dma_wait3A_67 : memref<128xi32, #tpu.memory_space<vmem>>)
    }
    %while3A_24 = arith.constant 0 : i32
    %while3A_25 = arith.constant 0 : i32
    %while3A_26 = arith.subi %select_n3A, %while3A_25 : i32
    %while3A_27 = arith.addi %while3A_25, %while3A_26 : i32
    %while3A_28 = arith.constant 1 : i32
    %while3A_29 = arith.divsi %while3A_26, %while3A_28 : i32
    %while3A_30 = arith.muli %while3A_29, %while3A_28 : i32
    %while3A_31 = arith.addi %while3A_25, %while3A_30 : i32
    %while3A_32 = arith.constant 1 : i32
    scf.for %while3A_54 = %while3A_25 to %while3A_31 step %while3A_32  : i32 {
      %mul3A_55 = arith.constant 128 : i32
      %mul3A_56 = arith.muli %while3A_54, %mul3A_55 : i32
      %dma_start3A = arith.constant 0 : i32
      %dma_start3A_57 = tpu.memref_slice %arg6[%mul3A_56, %dma_start3A] : memref<5120x16xf32, #tpu.memory_space<vmem>> -> memref<128x16xf32, #tpu.memory_space<vmem>>
      %dma_start3A_58 = arith.constant 0 : i32
      %dma_start3A_59 = tpu.memref_slice %arg5[%while3A_54, %dma_start3A_58] : memref<40x128xi32, #tpu.memory_space<vmem>> -> memref<1x128xi32, #tpu.memory_space<vmem>>
      %dma_start3A_60 = tpu.memref_squeeze %dma_start3A_59 : memref<1x128xi32, #tpu.memory_space<vmem>> -> memref<128xi32, #tpu.memory_space<vmem>>
      %dma_start3A_61 = arith.constant 0 : i32
      %dma_start3A_62 = arith.constant 0 : i32
      %dma_start3A_63 = tpu.memref_slice %arg2[%dma_start3A_61, %dma_start3A_62] : memref<10240x16xf32, #tpu.memory_space<hbm>> -> memref<10240x16xf32, #tpu.memory_space<hbm>>
      tpu.enqueue_indirect_dma source(%dma_start3A_63 : memref<10240x16xf32, #tpu.memory_space<hbm>>) target(%dma_start3A_57 : memref<128x16xf32, #tpu.memory_space<vmem>>) offsets(%dma_start3A_60 : memref<128xi32, #tpu.memory_space<vmem>>) semaphore(%arg7 : memref<!tpu.dma_semaphore, #tpu.memory_space<semaphore_mem>>)
    }
    %while3A_33 = arith.constant 1 : i32
    scf.for %while3A_54 = %while3A_31 to %while3A_27 step %while3A_33  : i32 {
      %mul3A_55 = arith.constant 128 : i32
      %mul3A_56 = arith.muli %while3A_54, %mul3A_55 : i32
      %dma_start3A = arith.constant 0 : i32
      %dma_start3A_57 = tpu.memref_slice %arg6[%mul3A_56, %dma_start3A] : memref<5120x16xf32, #tpu.memory_space<vmem>> -> memref<128x16xf32, #tpu.memory_space<vmem>>
      %dma_start3A_58 = arith.constant 0 : i32
      %dma_start3A_59 = tpu.memref_slice %arg5[%while3A_54, %dma_start3A_58] : memref<40x128xi32, #tpu.memory_space<vmem>> -> memref<1x128xi32, #tpu.memory_space<vmem>>
      %dma_start3A_60 = tpu.memref_squeeze %dma_start3A_59 : memref<1x128xi32, #tpu.memory_space<vmem>> -> memref<128xi32, #tpu.memory_space<vmem>>
      %dma_start3A_61 = arith.constant 0 : i32
      %dma_start3A_62 = arith.constant 0 : i32
      %dma_start3A_63 = tpu.memref_slice %arg2[%dma_start3A_61, %dma_start3A_62] : memref<10240x16xf32, #tpu.memory_space<hbm>> -> memref<10240x16xf32, #tpu.memory_space<hbm>>
      tpu.enqueue_indirect_dma source(%dma_start3A_63 : memref<10240x16xf32, #tpu.memory_space<hbm>>) target(%dma_start3A_57 : memref<128x16xf32, #tpu.memory_space<vmem>>) offsets(%dma_start3A_60 : memref<128xi32, #tpu.memory_space<vmem>>) semaphore(%arg7 : memref<!tpu.dma_semaphore, #tpu.memory_space<semaphore_mem>>)
    }
    %while3A_34 = arith.constant 0 : i32
    %while3A_35 = arith.constant 0 : i32
    %while3A_36 = arith.subi %select_n3A, %while3A_35 : i32
    %while3A_37 = arith.addi %while3A_35, %while3A_36 : i32
    %while3A_38 = arith.constant 1 : i32
    %while3A_39 = arith.divsi %while3A_36, %while3A_38 : i32
    %while3A_40 = arith.muli %while3A_39, %while3A_38 : i32
    %while3A_41 = arith.addi %while3A_35, %while3A_40 : i32
    %while3A_42 = arith.constant 1 : i32
    scf.for %while3A_54 = %while3A_35 to %while3A_41 step %while3A_42  : i32 {
      %mul3A_55 = arith.constant 128 : i32
      %mul3A_56 = arith.muli %while3A_54, %mul3A_55 : i32
      %dma_wait3A = arith.constant 0 : i32
      %dma_wait3A_57 = tpu.memref_slice %arg6[%mul3A_56, %dma_wait3A] : memref<5120x16xf32, #tpu.memory_space<vmem>> -> memref<128x16xf32, #tpu.memory_space<vmem>>
      %dma_wait3A_58 = arith.constant 0 : i32
      %dma_wait3A_59 = tpu.memref_slice %arg5[%while3A_54, %dma_wait3A_58] : memref<40x128xi32, #tpu.memory_space<vmem>> -> memref<1x128xi32, #tpu.memory_space<vmem>>
      %dma_wait3A_60 = tpu.memref_squeeze %dma_wait3A_59 : memref<1x128xi32, #tpu.memory_space<vmem>> -> memref<128xi32, #tpu.memory_space<vmem>>
      %dma_wait3A_61 = arith.constant 0 : i32
      %dma_wait3A_62 = arith.constant 0 : i32
      %dma_wait3A_63 = tpu.memref_slice %arg2[%dma_wait3A_61, %dma_wait3A_62] : memref<10240x16xf32, #tpu.memory_space<hbm>> -> memref<10240x16xf32, #tpu.memory_space<hbm>>
      tpu.wait_indirect_dma semaphore(%arg7 : memref<!tpu.dma_semaphore, #tpu.memory_space<semaphore_mem>>) src(%dma_wait3A_63 : memref<10240x16xf32, #tpu.memory_space<hbm>>) dst(%dma_wait3A_57 : memref<128x16xf32, #tpu.memory_space<vmem>>)
      %mul3A_64 = arith.constant 128 : i32
      %mul3A_65 = arith.muli %while3A_54, %mul3A_64 : i32
      %mul3A_66 = arith.constant 128 : i32
      %mul3A_67 = arith.muli %while3A_54, %mul3A_66 : i32
      %add3A_68 = arith.addi %mul3A_2, %mul3A_67 : i32
      %dma_start3A = arith.constant 0 : i32
      %dma_start3A_69 = tpu.memref_slice %arg6[%mul3A_65, %dma_start3A] : memref<5120x16xf32, #tpu.memory_space<vmem>> -> memref<128x16xf32, #tpu.memory_space<vmem>>
      %dma_start3A_70 = arith.constant 0 : i32
      %dma_start3A_71 = tpu.memref_slice %arg4[%add3A_68, %dma_start3A_70] : memref<160000x16xf32, #tpu.memory_space<hbm>> -> memref<128x16xf32, #tpu.memory_space<hbm>>
      %dma_start3A_72 = arith.constant 0 : i32
      %dma_start3A_73 = tpu.memref_slice %arg4[%add3A_68, %dma_start3A_72] : memref<160000x16xf32, #tpu.memory_space<hbm>> -> memref<128x16xf32, #tpu.memory_space<hbm>>
      %dma_start3A_74 = arith.constant 0 : i32
      %dma_start3A_75 = tpu.memref_slice %arg6[%mul3A_65, %dma_start3A_74] : memref<5120x16xf32, #tpu.memory_space<vmem>> -> memref<128x16xf32, #tpu.memory_space<vmem>>
      tpu.enqueue_dma source(%dma_start3A_75 : memref<128x16xf32, #tpu.memory_space<vmem>>) target(%dma_start3A_73 : memref<128x16xf32, #tpu.memory_space<hbm>>) target_semaphore(%arg7 : memref<!tpu.dma_semaphore, #tpu.memory_space<semaphore_mem>>)
    }
    %while3A_43 = arith.constant 1 : i32
    scf.for %while3A_54 = %while3A_41 to %while3A_37 step %while3A_43  : i32 {
      %mul3A_55 = arith.constant 128 : i32
      %mul3A_56 = arith.muli %while3A_54, %mul3A_55 : i32
      %dma_wait3A = arith.constant 0 : i32
      %dma_wait3A_57 = tpu.memref_slice %arg6[%mul3A_56, %dma_wait3A] : memref<5120x16xf32, #tpu.memory_space<vmem>> -> memref<128x16xf32, #tpu.memory_space<vmem>>
      %dma_wait3A_58 = arith.constant 0 : i32
      %dma_wait3A_59 = tpu.memref_slice %arg5[%while3A_54, %dma_wait3A_58] : memref<40x128xi32, #tpu.memory_space<vmem>> -> memref<1x128xi32, #tpu.memory_space<vmem>>
      %dma_wait3A_60 = tpu.memref_squeeze %dma_wait3A_59 : memref<1x128xi32, #tpu.memory_space<vmem>> -> memref<128xi32, #tpu.memory_space<vmem>>
      %dma_wait3A_61 = arith.constant 0 : i32
      %dma_wait3A_62 = arith.constant 0 : i32
      %dma_wait3A_63 = tpu.memref_slice %arg2[%dma_wait3A_61, %dma_wait3A_62] : memref<10240x16xf32, #tpu.memory_space<hbm>> -> memref<10240x16xf32, #tpu.memory_space<hbm>>
      tpu.wait_indirect_dma semaphore(%arg7 : memref<!tpu.dma_semaphore, #tpu.memory_space<semaphore_mem>>) src(%dma_wait3A_63 : memref<10240x16xf32, #tpu.memory_space<hbm>>) dst(%dma_wait3A_57 : memref<128x16xf32, #tpu.memory_space<vmem>>)
      %mul3A_64 = arith.constant 128 : i32
      %mul3A_65 = arith.muli %while3A_54, %mul3A_64 : i32
      %mul3A_66 = arith.constant 128 : i32
      %mul3A_67 = arith.muli %while3A_54, %mul3A_66 : i32
      %add3A_68 = arith.addi %mul3A_2, %mul3A_67 : i32
      %dma_start3A = arith.constant 0 : i32
      %dma_start3A_69 = tpu.memref_slice %arg6[%mul3A_65, %dma_start3A] : memref<5120x16xf32, #tpu.memory_space<vmem>> -> memref<128x16xf32, #tpu.memory_space<vmem>>
      %dma_start3A_70 = arith.constant 0 : i32
      %dma_start3A_71 = tpu.memref_slice %arg4[%add3A_68, %dma_start3A_70] : memref<160000x16xf32, #tpu.memory_space<hbm>> -> memref<128x16xf32, #tpu.memory_space<hbm>>
      %dma_start3A_72 = arith.constant 0 : i32
      %dma_start3A_73 = tpu.memref_slice %arg4[%add3A_68, %dma_start3A_72] : memref<160000x16xf32, #tpu.memory_space<hbm>> -> memref<128x16xf32, #tpu.memory_space<hbm>>
      %dma_start3A_74 = arith.constant 0 : i32
      %dma_start3A_75 = tpu.memref_slice %arg6[%mul3A_65, %dma_start3A_74] : memref<5120x16xf32, #tpu.memory_space<vmem>> -> memref<128x16xf32, #tpu.memory_space<vmem>>
      tpu.enqueue_dma source(%dma_start3A_75 : memref<128x16xf32, #tpu.memory_space<vmem>>) target(%dma_start3A_73 : memref<128x16xf32, #tpu.memory_space<hbm>>) target_semaphore(%arg7 : memref<!tpu.dma_semaphore, #tpu.memory_space<semaphore_mem>>)
    }
    %while3A_44 = arith.constant 0 : i32
    %while3A_45 = arith.constant 0 : i32
    %while3A_46 = arith.subi %select_n3A, %while3A_45 : i32
    %while3A_47 = arith.addi %while3A_45, %while3A_46 : i32
    %while3A_48 = arith.constant 1 : i32
    %while3A_49 = arith.divsi %while3A_46, %while3A_48 : i32
    %while3A_50 = arith.muli %while3A_49, %while3A_48 : i32
    %while3A_51 = arith.addi %while3A_45, %while3A_50 : i32
    %while3A_52 = arith.constant 1 : i32
    scf.for %while3A_54 = %while3A_45 to %while3A_51 step %while3A_52  : i32 {
      %mul3A_55 = arith.constant 128 : i32
      %mul3A_56 = arith.muli %while3A_54, %mul3A_55 : i32
      %mul3A_57 = arith.constant 128 : i32
      %mul3A_58 = arith.muli %while3A_54, %mul3A_57 : i32
      %add3A_59 = arith.addi %mul3A_2, %mul3A_58 : i32
      %dma_wait3A = arith.constant 0 : i32
      %dma_wait3A_60 = tpu.memref_slice %arg6[%mul3A_56, %dma_wait3A] : memref<5120x16xf32, #tpu.memory_space<vmem>> -> memref<128x16xf32, #tpu.memory_space<vmem>>
      %dma_wait3A_61 = arith.constant 0 : i32
      %dma_wait3A_62 = tpu.memref_slice %arg4[%add3A_59, %dma_wait3A_61] : memref<160000x16xf32, #tpu.memory_space<hbm>> -> memref<128x16xf32, #tpu.memory_space<hbm>>
      %dma_wait3A_63 = arith.constant 0 : i32
      %dma_wait3A_64 = tpu.memref_slice %arg4[%add3A_59, %dma_wait3A_63] : memref<160000x16xf32, #tpu.memory_space<hbm>> -> memref<128x16xf32, #tpu.memory_space<hbm>>
      %dma_wait3A_65 = arith.constant 0 : i32
      %dma_wait3A_66 = tpu.memref_slice %arg6[%mul3A_56, %dma_wait3A_65] : memref<5120x16xf32, #tpu.memory_space<vmem>> -> memref<128x16xf32, #tpu.memory_space<vmem>>
      tpu.wait_dma2 semaphore(%arg7 : memref<!tpu.dma_semaphore, #tpu.memory_space<semaphore_mem>>) src(%dma_wait3A_66 : memref<128x16xf32, #tpu.memory_space<vmem>>) dst(%dma_wait3A_64 : memref<128x16xf32, #tpu.memory_space<hbm>>)
    }
    %while3A_53 = arith.constant 1 : i32
    scf.for %while3A_54 = %while3A_51 to %while3A_47 step %while3A_53  : i32 {
      %mul3A_55 = arith.constant 128 : i32
      %mul3A_56 = arith.muli %while3A_54, %mul3A_55 : i32
      %mul3A_57 = arith.constant 128 : i32
      %mul3A_58 = arith.muli %while3A_54, %mul3A_57 : i32
      %add3A_59 = arith.addi %mul3A_2, %mul3A_58 : i32
      %dma_wait3A = arith.constant 0 : i32
      %dma_wait3A_60 = tpu.memref_slice %arg6[%mul3A_56, %dma_wait3A] : memref<5120x16xf32, #tpu.memory_space<vmem>> -> memref<128x16xf32, #tpu.memory_space<vmem>>
      %dma_wait3A_61 = arith.constant 0 : i32
      %dma_wait3A_62 = tpu.memref_slice %arg4[%add3A_59, %dma_wait3A_61] : memref<160000x16xf32, #tpu.memory_space<hbm>> -> memref<128x16xf32, #tpu.memory_space<hbm>>
      %dma_wait3A_63 = arith.constant 0 : i32
      %dma_wait3A_64 = tpu.memref_slice %arg4[%add3A_59, %dma_wait3A_63] : memref<160000x16xf32, #tpu.memory_space<hbm>> -> memref<128x16xf32, #tpu.memory_space<hbm>>
      %dma_wait3A_65 = arith.constant 0 : i32
      %dma_wait3A_66 = tpu.memref_slice %arg6[%mul3A_56, %dma_wait3A_65] : memref<5120x16xf32, #tpu.memory_space<vmem>> -> memref<128x16xf32, #tpu.memory_space<vmem>>
      tpu.wait_dma2 semaphore(%arg7 : memref<!tpu.dma_semaphore, #tpu.memory_space<semaphore_mem>>) src(%dma_wait3A_66 : memref<128x16xf32, #tpu.memory_space<vmem>>) dst(%dma_wait3A_64 : memref<128x16xf32, #tpu.memory_space<hbm>>)
    }
    return
  }
}

#map = affine_map<(d0, d1) -> (0, 0)>
#map1 = affine_map<(d0, d1) -> (0, 0, 0)>
module attributes {stable_mosaic.version = 14 : i64} {
  func.func @body(%arg0: i32, %arg1: i32, %arg2: memref<160000x16xf32, #tpu.memory_space<hbm>>, %arg3: memref<2x160000xi32, #tpu.memory_space<hbm>>, %arg4: memref<10240x16xf32, #tpu.memory_space<hbm>>, %arg5: memref<2x10240x16xf32, #tpu.memory_space<hbm>>, %arg6: memref<40x128xi32, #tpu.memory_space<vmem>>, %arg7: memref<5120x16xf32, #tpu.memory_space<vmem>>, %arg8: memref<10240x16xf32, #tpu.memory_space<vmem_shared>>, %arg9: memref<!tpu.dma_semaphore, #tpu.memory_space<semaphore_mem>>) attributes {dimension_semantics = [#tpu.dimension_semantics<core_parallel>, #tpu.dimension_semantics<subcore_parallel>], iteration_bounds = array<i64: 2, 16>, scalar_prefetch = 0 : i64, scratch_operands = 4 : i64, tpu.core_type = #tpu.core_type<sc_vector_subcore>, window_params = [{transform_indices = #map}, {transform_indices = #map}, {transform_indices = #map}, {transform_indices = #map1}]} {
    %mul3A = arith.constant 16 : i32
    %mul3A_0 = arith.muli %arg0, %mul3A : i32
    %add3A = arith.addi %mul3A_0, %arg1 : i32
    %mul3A_1 = arith.constant 5120 : i32
    %mul3A_2 = arith.muli %add3A, %mul3A_1 : i32
    %eq3A = arith.constant 31 : i32
    %eq3A_3 = arith.cmpi eq, %add3A, %eq3A : i32
    %jit3A = arith.constant 10 : i32
    %jit3A_4 = arith.constant 40 : i32
    %select_n3A = arith.select %eq3A_3, %jit3A, %jit3A_4 : i32
    %mul3A_5 = arith.constant 640 : i32
    %mul3A_6 = arith.muli %arg1, %mul3A_5 : i32
    %mul3A_7 = arith.constant 640 : i32
    %mul3A_8 = arith.muli %arg1, %mul3A_7 : i32
    "tpu.region"() ({
      %run_scoped3A = tpu.sem_alloc : memref<!tpu.dma_semaphore, #tpu.memory_space<semaphore_mem>>
      %dma_start3A = arith.constant 0 : i32
      %dma_start3A_53 = tpu.memref_slice %arg8[%mul3A_8, %dma_start3A] : memref<10240x16xf32, #tpu.memory_space<vmem_shared>> -> memref<640x16xf32, #tpu.memory_space<vmem_shared>>
      %dma_start3A_54 = arith.constant 0 : i32
      %dma_start3A_55 = tpu.memref_slice %arg4[%mul3A_6, %dma_start3A_54] : memref<10240x16xf32, #tpu.memory_space<hbm>> -> memref<640x16xf32, #tpu.memory_space<hbm>>
      tpu.enqueue_dma source(%dma_start3A_55 : memref<640x16xf32, #tpu.memory_space<hbm>>) target(%dma_start3A_53 : memref<640x16xf32, #tpu.memory_space<vmem_shared>>) target_semaphore(%run_scoped3A : memref<!tpu.dma_semaphore, #tpu.memory_space<semaphore_mem>>)
      %dma_wait3A = arith.constant 0 : i32
      %dma_wait3A_56 = tpu.memref_slice %arg8[%mul3A_8, %dma_wait3A] : memref<10240x16xf32, #tpu.memory_space<vmem_shared>> -> memref<640x16xf32, #tpu.memory_space<vmem_shared>>
      %dma_wait3A_57 = arith.constant 0 : i32
      %dma_wait3A_58 = tpu.memref_slice %arg4[%mul3A_6, %dma_wait3A_57] : memref<10240x16xf32, #tpu.memory_space<hbm>> -> memref<640x16xf32, #tpu.memory_space<hbm>>
      tpu.wait_dma2 semaphore(%run_scoped3A : memref<!tpu.dma_semaphore, #tpu.memory_space<semaphore_mem>>) src(%dma_wait3A_58 : memref<640x16xf32, #tpu.memory_space<hbm>>) dst(%dma_wait3A_56 : memref<640x16xf32, #tpu.memory_space<vmem_shared>>)
      tpu.yield
    }) : () -> ()
    %while3A = arith.constant 0 : i32
    %while3A_9 = arith.constant 0 : i32
    %while3A_10 = arith.subi %select_n3A, %while3A_9 : i32
    %while3A_11 = arith.addi %while3A_9, %while3A_10 : i32
    %while3A_12 = arith.constant 1 : i32
    %while3A_13 = arith.divsi %while3A_10, %while3A_12 : i32
    %while3A_14 = arith.muli %while3A_13, %while3A_12 : i32
    %while3A_15 = arith.addi %while3A_9, %while3A_14 : i32
    %while3A_16 = arith.constant 1 : i32
    scf.for %while3A_53 = %while3A_9 to %while3A_15 step %while3A_16  : i32 {
      %mul3A_54 = arith.constant 128 : i32
      %mul3A_55 = arith.muli %while3A_53, %mul3A_54 : i32
      %add3A_56 = arith.addi %mul3A_2, %mul3A_55 : i32
      %dma_start3A = arith.constant 1 : i32
      %dma_start3A_57 = arith.constant 0 : i32
      %dma_start3A_58 = tpu.memref_slice %arg6[%while3A_53, %dma_start3A_57] : memref<40x128xi32, #tpu.memory_space<vmem>> -> memref<1x128xi32, #tpu.memory_space<vmem>>
      %dma_start3A_59 = tpu.memref_squeeze %dma_start3A_58 : memref<1x128xi32, #tpu.memory_space<vmem>> -> memref<128xi32, #tpu.memory_space<vmem>>
      %dma_start3A_60 = arith.constant 0 : i32
      %dma_start3A_61 = tpu.memref_slice %arg3[%dma_start3A, %dma_start3A_60] : memref<2x160000xi32, #tpu.memory_space<hbm>> -> memref<1x160000xi32, #tpu.memory_space<hbm>>
      %dma_start3A_62 = tpu.memref_squeeze %dma_start3A_61 : memref<1x160000xi32, #tpu.memory_space<hbm>> -> memref<160000xi32, #tpu.memory_space<hbm>>
      %dma_start3A_63 = tpu.memref_slice %dma_start3A_62[%add3A_56] : memref<160000xi32, #tpu.memory_space<hbm>> -> memref<128xi32, #tpu.memory_space<hbm>>
      %dma_start3A_64 = arith.constant 0 : i32
      %dma_start3A_65 = tpu.memref_slice %arg6[%while3A_53, %dma_start3A_64] : memref<40x128xi32, #tpu.memory_space<vmem>> -> memref<1x128xi32, #tpu.memory_space<vmem>>
      %dma_start3A_66 = tpu.memref_squeeze %dma_start3A_65 : memref<1x128xi32, #tpu.memory_space<vmem>> -> memref<128xi32, #tpu.memory_space<vmem>>
      %dma_start3A_67 = arith.constant 0 : i32
      %dma_start3A_68 = tpu.memref_slice %arg3[%dma_start3A, %dma_start3A_67] : memref<2x160000xi32, #tpu.memory_space<hbm>> -> memref<1x160000xi32, #tpu.memory_space<hbm>>
      %dma_start3A_69 = tpu.memref_squeeze %dma_start3A_68 : memref<1x160000xi32, #tpu.memory_space<hbm>> -> memref<160000xi32, #tpu.memory_space<hbm>>
      %dma_start3A_70 = tpu.memref_slice %dma_start3A_69[%add3A_56] : memref<160000xi32, #tpu.memory_space<hbm>> -> memref<128xi32, #tpu.memory_space<hbm>>
      tpu.enqueue_dma source(%dma_start3A_70 : memref<128xi32, #tpu.memory_space<hbm>>) target(%dma_start3A_66 : memref<128xi32, #tpu.memory_space<vmem>>) target_semaphore(%arg9 : memref<!tpu.dma_semaphore, #tpu.memory_space<semaphore_mem>>)
      %mul3A_71 = arith.constant 128 : i32
      %mul3A_72 = arith.muli %while3A_53, %mul3A_71 : i32
      %add3A_73 = arith.addi %mul3A_2, %mul3A_72 : i32
      %mul3A_74 = arith.constant 128 : i32
      %mul3A_75 = arith.muli %while3A_53, %mul3A_74 : i32
      %dma_start3A_76 = arith.constant 0 : i32
      %dma_start3A_77 = tpu.memref_slice %arg7[%mul3A_75, %dma_start3A_76] : memref<5120x16xf32, #tpu.memory_space<vmem>> -> memref<128x16xf32, #tpu.memory_space<vmem>>
      %dma_start3A_78 = arith.constant 0 : i32
      %dma_start3A_79 = tpu.memref_slice %arg2[%add3A_73, %dma_start3A_78] : memref<160000x16xf32, #tpu.memory_space<hbm>> -> memref<128x16xf32, #tpu.memory_space<hbm>>
      %dma_start3A_80 = arith.constant 0 : i32
      %dma_start3A_81 = tpu.memref_slice %arg7[%mul3A_75, %dma_start3A_80] : memref<5120x16xf32, #tpu.memory_space<vmem>> -> memref<128x16xf32, #tpu.memory_space<vmem>>
      %dma_start3A_82 = arith.constant 0 : i32
      %dma_start3A_83 = tpu.memref_slice %arg2[%add3A_73, %dma_start3A_82] : memref<160000x16xf32, #tpu.memory_space<hbm>> -> memref<128x16xf32, #tpu.memory_space<hbm>>
      tpu.enqueue_dma source(%dma_start3A_83 : memref<128x16xf32, #tpu.memory_space<hbm>>) target(%dma_start3A_81 : memref<128x16xf32, #tpu.memory_space<vmem>>) target_semaphore(%arg9 : memref<!tpu.dma_semaphore, #tpu.memory_space<semaphore_mem>>)
    }
    %while3A_17 = arith.constant 1 : i32
    scf.for %while3A_53 = %while3A_15 to %while3A_11 step %while3A_17  : i32 {
      %mul3A_54 = arith.constant 128 : i32
      %mul3A_55 = arith.muli %while3A_53, %mul3A_54 : i32
      %add3A_56 = arith.addi %mul3A_2, %mul3A_55 : i32
      %dma_start3A = arith.constant 1 : i32
      %dma_start3A_57 = arith.constant 0 : i32
      %dma_start3A_58 = tpu.memref_slice %arg6[%while3A_53, %dma_start3A_57] : memref<40x128xi32, #tpu.memory_space<vmem>> -> memref<1x128xi32, #tpu.memory_space<vmem>>
      %dma_start3A_59 = tpu.memref_squeeze %dma_start3A_58 : memref<1x128xi32, #tpu.memory_space<vmem>> -> memref<128xi32, #tpu.memory_space<vmem>>
      %dma_start3A_60 = arith.constant 0 : i32
      %dma_start3A_61 = tpu.memref_slice %arg3[%dma_start3A, %dma_start3A_60] : memref<2x160000xi32, #tpu.memory_space<hbm>> -> memref<1x160000xi32, #tpu.memory_space<hbm>>
      %dma_start3A_62 = tpu.memref_squeeze %dma_start3A_61 : memref<1x160000xi32, #tpu.memory_space<hbm>> -> memref<160000xi32, #tpu.memory_space<hbm>>
      %dma_start3A_63 = tpu.memref_slice %dma_start3A_62[%add3A_56] : memref<160000xi32, #tpu.memory_space<hbm>> -> memref<128xi32, #tpu.memory_space<hbm>>
      %dma_start3A_64 = arith.constant 0 : i32
      %dma_start3A_65 = tpu.memref_slice %arg6[%while3A_53, %dma_start3A_64] : memref<40x128xi32, #tpu.memory_space<vmem>> -> memref<1x128xi32, #tpu.memory_space<vmem>>
      %dma_start3A_66 = tpu.memref_squeeze %dma_start3A_65 : memref<1x128xi32, #tpu.memory_space<vmem>> -> memref<128xi32, #tpu.memory_space<vmem>>
      %dma_start3A_67 = arith.constant 0 : i32
      %dma_start3A_68 = tpu.memref_slice %arg3[%dma_start3A, %dma_start3A_67] : memref<2x160000xi32, #tpu.memory_space<hbm>> -> memref<1x160000xi32, #tpu.memory_space<hbm>>
      %dma_start3A_69 = tpu.memref_squeeze %dma_start3A_68 : memref<1x160000xi32, #tpu.memory_space<hbm>> -> memref<160000xi32, #tpu.memory_space<hbm>>
      %dma_start3A_70 = tpu.memref_slice %dma_start3A_69[%add3A_56] : memref<160000xi32, #tpu.memory_space<hbm>> -> memref<128xi32, #tpu.memory_space<hbm>>
      tpu.enqueue_dma source(%dma_start3A_70 : memref<128xi32, #tpu.memory_space<hbm>>) target(%dma_start3A_66 : memref<128xi32, #tpu.memory_space<vmem>>) target_semaphore(%arg9 : memref<!tpu.dma_semaphore, #tpu.memory_space<semaphore_mem>>)
      %mul3A_71 = arith.constant 128 : i32
      %mul3A_72 = arith.muli %while3A_53, %mul3A_71 : i32
      %add3A_73 = arith.addi %mul3A_2, %mul3A_72 : i32
      %mul3A_74 = arith.constant 128 : i32
      %mul3A_75 = arith.muli %while3A_53, %mul3A_74 : i32
      %dma_start3A_76 = arith.constant 0 : i32
      %dma_start3A_77 = tpu.memref_slice %arg7[%mul3A_75, %dma_start3A_76] : memref<5120x16xf32, #tpu.memory_space<vmem>> -> memref<128x16xf32, #tpu.memory_space<vmem>>
      %dma_start3A_78 = arith.constant 0 : i32
      %dma_start3A_79 = tpu.memref_slice %arg2[%add3A_73, %dma_start3A_78] : memref<160000x16xf32, #tpu.memory_space<hbm>> -> memref<128x16xf32, #tpu.memory_space<hbm>>
      %dma_start3A_80 = arith.constant 0 : i32
      %dma_start3A_81 = tpu.memref_slice %arg7[%mul3A_75, %dma_start3A_80] : memref<5120x16xf32, #tpu.memory_space<vmem>> -> memref<128x16xf32, #tpu.memory_space<vmem>>
      %dma_start3A_82 = arith.constant 0 : i32
      %dma_start3A_83 = tpu.memref_slice %arg2[%add3A_73, %dma_start3A_82] : memref<160000x16xf32, #tpu.memory_space<hbm>> -> memref<128x16xf32, #tpu.memory_space<hbm>>
      tpu.enqueue_dma source(%dma_start3A_83 : memref<128x16xf32, #tpu.memory_space<hbm>>) target(%dma_start3A_81 : memref<128x16xf32, #tpu.memory_space<vmem>>) target_semaphore(%arg9 : memref<!tpu.dma_semaphore, #tpu.memory_space<semaphore_mem>>)
    }
    %while3A_18 = arith.constant 0 : i32
    %while3A_19 = arith.constant 0 : i32
    %while3A_20 = arith.subi %select_n3A, %while3A_19 : i32
    %while3A_21 = arith.addi %while3A_19, %while3A_20 : i32
    %while3A_22 = arith.constant 1 : i32
    %while3A_23 = arith.divsi %while3A_20, %while3A_22 : i32
    %while3A_24 = arith.muli %while3A_23, %while3A_22 : i32
    %while3A_25 = arith.addi %while3A_19, %while3A_24 : i32
    %while3A_26 = arith.constant 1 : i32
    scf.for %while3A_53 = %while3A_19 to %while3A_25 step %while3A_26  : i32 {
      %mul3A_54 = arith.constant 128 : i32
      %mul3A_55 = arith.muli %while3A_53, %mul3A_54 : i32
      %add3A_56 = arith.addi %mul3A_2, %mul3A_55 : i32
      %dma_wait3A = arith.constant 1 : i32
      %dma_wait3A_57 = arith.constant 0 : i32
      %dma_wait3A_58 = tpu.memref_slice %arg6[%while3A_53, %dma_wait3A_57] : memref<40x128xi32, #tpu.memory_space<vmem>> -> memref<1x128xi32, #tpu.memory_space<vmem>>
      %dma_wait3A_59 = tpu.memref_squeeze %dma_wait3A_58 : memref<1x128xi32, #tpu.memory_space<vmem>> -> memref<128xi32, #tpu.memory_space<vmem>>
      %dma_wait3A_60 = arith.constant 0 : i32
      %dma_wait3A_61 = tpu.memref_slice %arg3[%dma_wait3A, %dma_wait3A_60] : memref<2x160000xi32, #tpu.memory_space<hbm>> -> memref<1x160000xi32, #tpu.memory_space<hbm>>
      %dma_wait3A_62 = tpu.memref_squeeze %dma_wait3A_61 : memref<1x160000xi32, #tpu.memory_space<hbm>> -> memref<160000xi32, #tpu.memory_space<hbm>>
      %dma_wait3A_63 = tpu.memref_slice %dma_wait3A_62[%add3A_56] : memref<160000xi32, #tpu.memory_space<hbm>> -> memref<128xi32, #tpu.memory_space<hbm>>
      %dma_wait3A_64 = arith.constant 0 : i32
      %dma_wait3A_65 = tpu.memref_slice %arg6[%while3A_53, %dma_wait3A_64] : memref<40x128xi32, #tpu.memory_space<vmem>> -> memref<1x128xi32, #tpu.memory_space<vmem>>
      %dma_wait3A_66 = tpu.memref_squeeze %dma_wait3A_65 : memref<1x128xi32, #tpu.memory_space<vmem>> -> memref<128xi32, #tpu.memory_space<vmem>>
      %dma_wait3A_67 = arith.constant 0 : i32
      %dma_wait3A_68 = tpu.memref_slice %arg3[%dma_wait3A, %dma_wait3A_67] : memref<2x160000xi32, #tpu.memory_space<hbm>> -> memref<1x160000xi32, #tpu.memory_space<hbm>>
      %dma_wait3A_69 = tpu.memref_squeeze %dma_wait3A_68 : memref<1x160000xi32, #tpu.memory_space<hbm>> -> memref<160000xi32, #tpu.memory_space<hbm>>
      %dma_wait3A_70 = tpu.memref_slice %dma_wait3A_69[%add3A_56] : memref<160000xi32, #tpu.memory_space<hbm>> -> memref<128xi32, #tpu.memory_space<hbm>>
      tpu.wait_dma2 semaphore(%arg9 : memref<!tpu.dma_semaphore, #tpu.memory_space<semaphore_mem>>) src(%dma_wait3A_70 : memref<128xi32, #tpu.memory_space<hbm>>) dst(%dma_wait3A_66 : memref<128xi32, #tpu.memory_space<vmem>>)
      %mul3A_71 = arith.constant 128 : i32
      %mul3A_72 = arith.muli %while3A_53, %mul3A_71 : i32
      %add3A_73 = arith.addi %mul3A_2, %mul3A_72 : i32
      %mul3A_74 = arith.constant 128 : i32
      %mul3A_75 = arith.muli %while3A_53, %mul3A_74 : i32
      %dma_wait3A_76 = arith.constant 0 : i32
      %dma_wait3A_77 = tpu.memref_slice %arg7[%mul3A_75, %dma_wait3A_76] : memref<5120x16xf32, #tpu.memory_space<vmem>> -> memref<128x16xf32, #tpu.memory_space<vmem>>
      %dma_wait3A_78 = arith.constant 0 : i32
      %dma_wait3A_79 = tpu.memref_slice %arg2[%add3A_73, %dma_wait3A_78] : memref<160000x16xf32, #tpu.memory_space<hbm>> -> memref<128x16xf32, #tpu.memory_space<hbm>>
      %dma_wait3A_80 = arith.constant 0 : i32
      %dma_wait3A_81 = tpu.memref_slice %arg7[%mul3A_75, %dma_wait3A_80] : memref<5120x16xf32, #tpu.memory_space<vmem>> -> memref<128x16xf32, #tpu.memory_space<vmem>>
      %dma_wait3A_82 = arith.constant 0 : i32
      %dma_wait3A_83 = tpu.memref_slice %arg2[%add3A_73, %dma_wait3A_82] : memref<160000x16xf32, #tpu.memory_space<hbm>> -> memref<128x16xf32, #tpu.memory_space<hbm>>
      tpu.wait_dma2 semaphore(%arg9 : memref<!tpu.dma_semaphore, #tpu.memory_space<semaphore_mem>>) src(%dma_wait3A_83 : memref<128x16xf32, #tpu.memory_space<hbm>>) dst(%dma_wait3A_81 : memref<128x16xf32, #tpu.memory_space<vmem>>)
    }
    %while3A_27 = arith.constant 1 : i32
    scf.for %while3A_53 = %while3A_25 to %while3A_21 step %while3A_27  : i32 {
      %mul3A_54 = arith.constant 128 : i32
      %mul3A_55 = arith.muli %while3A_53, %mul3A_54 : i32
      %add3A_56 = arith.addi %mul3A_2, %mul3A_55 : i32
      %dma_wait3A = arith.constant 1 : i32
      %dma_wait3A_57 = arith.constant 0 : i32
      %dma_wait3A_58 = tpu.memref_slice %arg6[%while3A_53, %dma_wait3A_57] : memref<40x128xi32, #tpu.memory_space<vmem>> -> memref<1x128xi32, #tpu.memory_space<vmem>>
      %dma_wait3A_59 = tpu.memref_squeeze %dma_wait3A_58 : memref<1x128xi32, #tpu.memory_space<vmem>> -> memref<128xi32, #tpu.memory_space<vmem>>
      %dma_wait3A_60 = arith.constant 0 : i32
      %dma_wait3A_61 = tpu.memref_slice %arg3[%dma_wait3A, %dma_wait3A_60] : memref<2x160000xi32, #tpu.memory_space<hbm>> -> memref<1x160000xi32, #tpu.memory_space<hbm>>
      %dma_wait3A_62 = tpu.memref_squeeze %dma_wait3A_61 : memref<1x160000xi32, #tpu.memory_space<hbm>> -> memref<160000xi32, #tpu.memory_space<hbm>>
      %dma_wait3A_63 = tpu.memref_slice %dma_wait3A_62[%add3A_56] : memref<160000xi32, #tpu.memory_space<hbm>> -> memref<128xi32, #tpu.memory_space<hbm>>
      %dma_wait3A_64 = arith.constant 0 : i32
      %dma_wait3A_65 = tpu.memref_slice %arg6[%while3A_53, %dma_wait3A_64] : memref<40x128xi32, #tpu.memory_space<vmem>> -> memref<1x128xi32, #tpu.memory_space<vmem>>
      %dma_wait3A_66 = tpu.memref_squeeze %dma_wait3A_65 : memref<1x128xi32, #tpu.memory_space<vmem>> -> memref<128xi32, #tpu.memory_space<vmem>>
      %dma_wait3A_67 = arith.constant 0 : i32
      %dma_wait3A_68 = tpu.memref_slice %arg3[%dma_wait3A, %dma_wait3A_67] : memref<2x160000xi32, #tpu.memory_space<hbm>> -> memref<1x160000xi32, #tpu.memory_space<hbm>>
      %dma_wait3A_69 = tpu.memref_squeeze %dma_wait3A_68 : memref<1x160000xi32, #tpu.memory_space<hbm>> -> memref<160000xi32, #tpu.memory_space<hbm>>
      %dma_wait3A_70 = tpu.memref_slice %dma_wait3A_69[%add3A_56] : memref<160000xi32, #tpu.memory_space<hbm>> -> memref<128xi32, #tpu.memory_space<hbm>>
      tpu.wait_dma2 semaphore(%arg9 : memref<!tpu.dma_semaphore, #tpu.memory_space<semaphore_mem>>) src(%dma_wait3A_70 : memref<128xi32, #tpu.memory_space<hbm>>) dst(%dma_wait3A_66 : memref<128xi32, #tpu.memory_space<vmem>>)
      %mul3A_71 = arith.constant 128 : i32
      %mul3A_72 = arith.muli %while3A_53, %mul3A_71 : i32
      %add3A_73 = arith.addi %mul3A_2, %mul3A_72 : i32
      %mul3A_74 = arith.constant 128 : i32
      %mul3A_75 = arith.muli %while3A_53, %mul3A_74 : i32
      %dma_wait3A_76 = arith.constant 0 : i32
      %dma_wait3A_77 = tpu.memref_slice %arg7[%mul3A_75, %dma_wait3A_76] : memref<5120x16xf32, #tpu.memory_space<vmem>> -> memref<128x16xf32, #tpu.memory_space<vmem>>
      %dma_wait3A_78 = arith.constant 0 : i32
      %dma_wait3A_79 = tpu.memref_slice %arg2[%add3A_73, %dma_wait3A_78] : memref<160000x16xf32, #tpu.memory_space<hbm>> -> memref<128x16xf32, #tpu.memory_space<hbm>>
      %dma_wait3A_80 = arith.constant 0 : i32
      %dma_wait3A_81 = tpu.memref_slice %arg7[%mul3A_75, %dma_wait3A_80] : memref<5120x16xf32, #tpu.memory_space<vmem>> -> memref<128x16xf32, #tpu.memory_space<vmem>>
      %dma_wait3A_82 = arith.constant 0 : i32
      %dma_wait3A_83 = tpu.memref_slice %arg2[%add3A_73, %dma_wait3A_82] : memref<160000x16xf32, #tpu.memory_space<hbm>> -> memref<128x16xf32, #tpu.memory_space<hbm>>
      tpu.wait_dma2 semaphore(%arg9 : memref<!tpu.dma_semaphore, #tpu.memory_space<semaphore_mem>>) src(%dma_wait3A_83 : memref<128x16xf32, #tpu.memory_space<hbm>>) dst(%dma_wait3A_81 : memref<128x16xf32, #tpu.memory_space<vmem>>)
    }
    %barrier3A = arith.constant 0 : index
    tpu.barrier barrier_id(%barrier3A)
    %while3A_28 = arith.constant 0 : i32
    %while3A_29 = arith.constant 0 : i32
    %while3A_30 = arith.subi %select_n3A, %while3A_29 : i32
    %while3A_31 = arith.addi %while3A_29, %while3A_30 : i32
    %while3A_32 = arith.constant 1 : i32
    %while3A_33 = arith.divsi %while3A_30, %while3A_32 : i32
    %while3A_34 = arith.muli %while3A_33, %while3A_32 : i32
    %while3A_35 = arith.addi %while3A_29, %while3A_34 : i32
    %while3A_36 = arith.constant 1 : i32
    scf.for %while3A_53 = %while3A_29 to %while3A_35 step %while3A_36  : i32 {
      %mul3A_54 = arith.constant 128 : i32
      %mul3A_55 = arith.muli %while3A_53, %mul3A_54 : i32
      %dma_start3A = arith.constant 0 : i32
      %dma_start3A_56 = tpu.memref_slice %arg7[%mul3A_55, %dma_start3A] : memref<5120x16xf32, #tpu.memory_space<vmem>> -> memref<128x16xf32, #tpu.memory_space<vmem>>
      %dma_start3A_57 = arith.constant 0 : i32
      %dma_start3A_58 = tpu.memref_slice %arg6[%while3A_53, %dma_start3A_57] : memref<40x128xi32, #tpu.memory_space<vmem>> -> memref<1x128xi32, #tpu.memory_space<vmem>>
      %dma_start3A_59 = tpu.memref_squeeze %dma_start3A_58 : memref<1x128xi32, #tpu.memory_space<vmem>> -> memref<128xi32, #tpu.memory_space<vmem>>
      %dma_start3A_60 = arith.constant 0 : i32
      %dma_start3A_61 = arith.constant 0 : i32
      %dma_start3A_62 = tpu.memref_slice %arg8[%dma_start3A_60, %dma_start3A_61] : memref<10240x16xf32, #tpu.memory_space<vmem_shared>> -> memref<10240x16xf32, #tpu.memory_space<vmem_shared>>
      tpu.enqueue_indirect_dma source(%dma_start3A_56 : memref<128x16xf32, #tpu.memory_space<vmem>>) target(%dma_start3A_62 : memref<10240x16xf32, #tpu.memory_space<vmem_shared>>) offsets(%dma_start3A_59 : memref<128xi32, #tpu.memory_space<vmem>>) semaphore(%arg9 : memref<!tpu.dma_semaphore, #tpu.memory_space<semaphore_mem>>) {add = true}
    }
    %while3A_37 = arith.constant 1 : i32
    scf.for %while3A_53 = %while3A_35 to %while3A_31 step %while3A_37  : i32 {
      %mul3A_54 = arith.constant 128 : i32
      %mul3A_55 = arith.muli %while3A_53, %mul3A_54 : i32
      %dma_start3A = arith.constant 0 : i32
      %dma_start3A_56 = tpu.memref_slice %arg7[%mul3A_55, %dma_start3A] : memref<5120x16xf32, #tpu.memory_space<vmem>> -> memref<128x16xf32, #tpu.memory_space<vmem>>
      %dma_start3A_57 = arith.constant 0 : i32
      %dma_start3A_58 = tpu.memref_slice %arg6[%while3A_53, %dma_start3A_57] : memref<40x128xi32, #tpu.memory_space<vmem>> -> memref<1x128xi32, #tpu.memory_space<vmem>>
      %dma_start3A_59 = tpu.memref_squeeze %dma_start3A_58 : memref<1x128xi32, #tpu.memory_space<vmem>> -> memref<128xi32, #tpu.memory_space<vmem>>
      %dma_start3A_60 = arith.constant 0 : i32
      %dma_start3A_61 = arith.constant 0 : i32
      %dma_start3A_62 = tpu.memref_slice %arg8[%dma_start3A_60, %dma_start3A_61] : memref<10240x16xf32, #tpu.memory_space<vmem_shared>> -> memref<10240x16xf32, #tpu.memory_space<vmem_shared>>
      tpu.enqueue_indirect_dma source(%dma_start3A_56 : memref<128x16xf32, #tpu.memory_space<vmem>>) target(%dma_start3A_62 : memref<10240x16xf32, #tpu.memory_space<vmem_shared>>) offsets(%dma_start3A_59 : memref<128xi32, #tpu.memory_space<vmem>>) semaphore(%arg9 : memref<!tpu.dma_semaphore, #tpu.memory_space<semaphore_mem>>) {add = true}
    }
    %while3A_38 = arith.constant 0 : i32
    %while3A_39 = arith.constant 0 : i32
    %while3A_40 = arith.subi %select_n3A, %while3A_39 : i32
    %while3A_41 = arith.addi %while3A_39, %while3A_40 : i32
    %while3A_42 = arith.constant 1 : i32
    %while3A_43 = arith.divsi %while3A_40, %while3A_42 : i32
    %while3A_44 = arith.muli %while3A_43, %while3A_42 : i32
    %while3A_45 = arith.addi %while3A_39, %while3A_44 : i32
    %while3A_46 = arith.constant 1 : i32
    scf.for %while3A_53 = %while3A_39 to %while3A_45 step %while3A_46  : i32 {
      %mul3A_54 = arith.constant 128 : i32
      %mul3A_55 = arith.muli %while3A_53, %mul3A_54 : i32
      %dma_wait3A = arith.constant 0 : i32
      %dma_wait3A_56 = tpu.memref_slice %arg7[%mul3A_55, %dma_wait3A] : memref<5120x16xf32, #tpu.memory_space<vmem>> -> memref<128x16xf32, #tpu.memory_space<vmem>>
      %dma_wait3A_57 = arith.constant 0 : i32
      %dma_wait3A_58 = tpu.memref_slice %arg6[%while3A_53, %dma_wait3A_57] : memref<40x128xi32, #tpu.memory_space<vmem>> -> memref<1x128xi32, #tpu.memory_space<vmem>>
      %dma_wait3A_59 = tpu.memref_squeeze %dma_wait3A_58 : memref<1x128xi32, #tpu.memory_space<vmem>> -> memref<128xi32, #tpu.memory_space<vmem>>
      %dma_wait3A_60 = arith.constant 0 : i32
      %dma_wait3A_61 = arith.constant 0 : i32
      %dma_wait3A_62 = tpu.memref_slice %arg8[%dma_wait3A_60, %dma_wait3A_61] : memref<10240x16xf32, #tpu.memory_space<vmem_shared>> -> memref<10240x16xf32, #tpu.memory_space<vmem_shared>>
      tpu.wait_indirect_dma semaphore(%arg9 : memref<!tpu.dma_semaphore, #tpu.memory_space<semaphore_mem>>) src(%dma_wait3A_56 : memref<128x16xf32, #tpu.memory_space<vmem>>) dst(%dma_wait3A_62 : memref<10240x16xf32, #tpu.memory_space<vmem_shared>>)
    }
    %while3A_47 = arith.constant 1 : i32
    scf.for %while3A_53 = %while3A_45 to %while3A_41 step %while3A_47  : i32 {
      %mul3A_54 = arith.constant 128 : i32
      %mul3A_55 = arith.muli %while3A_53, %mul3A_54 : i32
      %dma_wait3A = arith.constant 0 : i32
      %dma_wait3A_56 = tpu.memref_slice %arg7[%mul3A_55, %dma_wait3A] : memref<5120x16xf32, #tpu.memory_space<vmem>> -> memref<128x16xf32, #tpu.memory_space<vmem>>
      %dma_wait3A_57 = arith.constant 0 : i32
      %dma_wait3A_58 = tpu.memref_slice %arg6[%while3A_53, %dma_wait3A_57] : memref<40x128xi32, #tpu.memory_space<vmem>> -> memref<1x128xi32, #tpu.memory_space<vmem>>
      %dma_wait3A_59 = tpu.memref_squeeze %dma_wait3A_58 : memref<1x128xi32, #tpu.memory_space<vmem>> -> memref<128xi32, #tpu.memory_space<vmem>>
      %dma_wait3A_60 = arith.constant 0 : i32
      %dma_wait3A_61 = arith.constant 0 : i32
      %dma_wait3A_62 = tpu.memref_slice %arg8[%dma_wait3A_60, %dma_wait3A_61] : memref<10240x16xf32, #tpu.memory_space<vmem_shared>> -> memref<10240x16xf32, #tpu.memory_space<vmem_shared>>
      tpu.wait_indirect_dma semaphore(%arg9 : memref<!tpu.dma_semaphore, #tpu.memory_space<semaphore_mem>>) src(%dma_wait3A_56 : memref<128x16xf32, #tpu.memory_space<vmem>>) dst(%dma_wait3A_62 : memref<10240x16xf32, #tpu.memory_space<vmem_shared>>)
    }
    %barrier3A_48 = arith.constant 0 : index
    tpu.barrier barrier_id(%barrier3A_48)
    %mul3A_49 = arith.constant 640 : i32
    %mul3A_50 = arith.muli %arg1, %mul3A_49 : i32
    %mul3A_51 = arith.constant 640 : i32
    %mul3A_52 = arith.muli %arg1, %mul3A_51 : i32
    "tpu.region"() ({
      %run_scoped3A = tpu.sem_alloc : memref<!tpu.dma_semaphore, #tpu.memory_space<semaphore_mem>>
      %dma_start3A = arith.constant 0 : i32
      %dma_start3A_53 = arith.constant 0 : i32
      %dma_start3A_54 = tpu.memref_slice %arg5[%arg0, %dma_start3A, %dma_start3A_53] : memref<2x10240x16xf32, #tpu.memory_space<hbm>> -> memref<1x10240x16xf32, #tpu.memory_space<hbm>>
      %dma_start3A_55 = tpu.memref_squeeze %dma_start3A_54 : memref<1x10240x16xf32, #tpu.memory_space<hbm>> -> memref<10240x16xf32, #tpu.memory_space<hbm>>
      %dma_start3A_56 = arith.constant 0 : i32
      %dma_start3A_57 = tpu.memref_slice %dma_start3A_55[%mul3A_52, %dma_start3A_56] : memref<10240x16xf32, #tpu.memory_space<hbm>> -> memref<640x16xf32, #tpu.memory_space<hbm>>
      %dma_start3A_58 = arith.constant 0 : i32
      %dma_start3A_59 = tpu.memref_slice %arg8[%mul3A_50, %dma_start3A_58] : memref<10240x16xf32, #tpu.memory_space<vmem_shared>> -> memref<640x16xf32, #tpu.memory_space<vmem_shared>>
      tpu.enqueue_dma source(%dma_start3A_59 : memref<640x16xf32, #tpu.memory_space<vmem_shared>>) target(%dma_start3A_57 : memref<640x16xf32, #tpu.memory_space<hbm>>) target_semaphore(%run_scoped3A : memref<!tpu.dma_semaphore, #tpu.memory_space<semaphore_mem>>)
      %dma_wait3A = arith.constant 0 : i32
      %dma_wait3A_60 = arith.constant 0 : i32
      %dma_wait3A_61 = tpu.memref_slice %arg5[%arg0, %dma_wait3A, %dma_wait3A_60] : memref<2x10240x16xf32, #tpu.memory_space<hbm>> -> memref<1x10240x16xf32, #tpu.memory_space<hbm>>
      %dma_wait3A_62 = tpu.memref_squeeze %dma_wait3A_61 : memref<1x10240x16xf32, #tpu.memory_space<hbm>> -> memref<10240x16xf32, #tpu.memory_space<hbm>>
      %dma_wait3A_63 = arith.constant 0 : i32
      %dma_wait3A_64 = tpu.memref_slice %dma_wait3A_62[%mul3A_52, %dma_wait3A_63] : memref<10240x16xf32, #tpu.memory_space<hbm>> -> memref<640x16xf32, #tpu.memory_space<hbm>>
      %dma_wait3A_65 = arith.constant 0 : i32
      %dma_wait3A_66 = tpu.memref_slice %arg8[%mul3A_50, %dma_wait3A_65] : memref<10240x16xf32, #tpu.memory_space<vmem_shared>> -> memref<640x16xf32, #tpu.memory_space<vmem_shared>>
      tpu.wait_dma2 semaphore(%run_scoped3A : memref<!tpu.dma_semaphore, #tpu.memory_space<semaphore_mem>>) src(%dma_wait3A_66 : memref<640x16xf32, #tpu.memory_space<vmem_shared>>) dst(%dma_wait3A_64 : memref<640x16xf32, #tpu.memory_space<hbm>>)
      tpu.yield
    }) : () -> ()
    return
  }
}

#map = affine_map<(d0, d1) -> (0, 0)>
module attributes {stable_mosaic.version = 14 : i64} {
  func.func @_sc_gather_body(%arg0: i32, %arg1: i32, %arg2: memref<10240x16xf32, #tpu.memory_space<hbm>>, %arg3: memref<2x160000xi32, #tpu.memory_space<hbm>>, %arg4: memref<160000x16xf32, #tpu.memory_space<hbm>>, %arg5: memref<40x128xi32, #tpu.memory_space<vmem>>, %arg6: memref<5120x16xf32, #tpu.memory_space<vmem>>, %arg7: memref<!tpu.dma_semaphore, #tpu.memory_space<semaphore_mem>>) attributes {dimension_semantics = [#tpu.dimension_semantics<core_parallel>, #tpu.dimension_semantics<subcore_parallel>], iteration_bounds = array<i64: 2, 16>, scalar_prefetch = 0 : i64, scratch_operands = 3 : i64, tpu.core_type = #tpu.core_type<sc_vector_subcore>, window_params = [{transform_indices = #map}, {transform_indices = #map}, {transform_indices = #map}]} {
    %mul3A = arith.constant 16 : i32
    %mul3A_0 = arith.muli %arg0, %mul3A : i32
    %add3A = arith.addi %mul3A_0, %arg1 : i32
    %mul3A_1 = arith.constant 5120 : i32
    %mul3A_2 = arith.muli %add3A, %mul3A_1 : i32
    %eq3A = arith.constant 31 : i32
    %eq3A_3 = arith.cmpi eq, %add3A, %eq3A : i32
    %jit3A = arith.constant 10 : i32
    %jit3A_4 = arith.constant 40 : i32
    %select_n3A = arith.select %eq3A_3, %jit3A, %jit3A_4 : i32
    %while3A = arith.constant 0 : i32
    %while3A_5 = arith.constant 0 : i32
    %while3A_6 = arith.subi %select_n3A, %while3A_5 : i32
    %while3A_7 = arith.addi %while3A_5, %while3A_6 : i32
    %while3A_8 = arith.constant 1 : i32
    %while3A_9 = arith.divsi %while3A_6, %while3A_8 : i32
    %while3A_10 = arith.muli %while3A_9, %while3A_8 : i32
    %while3A_11 = arith.addi %while3A_5, %while3A_10 : i32
    %while3A_12 = arith.constant 1 : i32
    scf.for %while3A_54 = %while3A_5 to %while3A_11 step %while3A_12  : i32 {
      %mul3A_55 = arith.constant 128 : i32
      %mul3A_56 = arith.muli %while3A_54, %mul3A_55 : i32
      %add3A_57 = arith.addi %mul3A_2, %mul3A_56 : i32
      %dma_start3A = arith.constant 0 : i32
      %dma_start3A_58 = arith.constant 0 : i32
      %dma_start3A_59 = tpu.memref_slice %arg5[%while3A_54, %dma_start3A_58] : memref<40x128xi32, #tpu.memory_space<vmem>> -> memref<1x128xi32, #tpu.memory_space<vmem>>
      %dma_start3A_60 = tpu.memref_squeeze %dma_start3A_59 : memref<1x128xi32, #tpu.memory_space<vmem>> -> memref<128xi32, #tpu.memory_space<vmem>>
      %dma_start3A_61 = arith.constant 0 : i32
      %dma_start3A_62 = tpu.memref_slice %arg3[%dma_start3A, %dma_start3A_61] : memref<2x160000xi32, #tpu.memory_space<hbm>> -> memref<1x160000xi32, #tpu.memory_space<hbm>>
      %dma_start3A_63 = tpu.memref_squeeze %dma_start3A_62 : memref<1x160000xi32, #tpu.memory_space<hbm>> -> memref<160000xi32, #tpu.memory_space<hbm>>
      %dma_start3A_64 = tpu.memref_slice %dma_start3A_63[%add3A_57] : memref<160000xi32, #tpu.memory_space<hbm>> -> memref<128xi32, #tpu.memory_space<hbm>>
      %dma_start3A_65 = arith.constant 0 : i32
      %dma_start3A_66 = tpu.memref_slice %arg5[%while3A_54, %dma_start3A_65] : memref<40x128xi32, #tpu.memory_space<vmem>> -> memref<1x128xi32, #tpu.memory_space<vmem>>
      %dma_start3A_67 = tpu.memref_squeeze %dma_start3A_66 : memref<1x128xi32, #tpu.memory_space<vmem>> -> memref<128xi32, #tpu.memory_space<vmem>>
      %dma_start3A_68 = arith.constant 0 : i32
      %dma_start3A_69 = tpu.memref_slice %arg3[%dma_start3A, %dma_start3A_68] : memref<2x160000xi32, #tpu.memory_space<hbm>> -> memref<1x160000xi32, #tpu.memory_space<hbm>>
      %dma_start3A_70 = tpu.memref_squeeze %dma_start3A_69 : memref<1x160000xi32, #tpu.memory_space<hbm>> -> memref<160000xi32, #tpu.memory_space<hbm>>
      %dma_start3A_71 = tpu.memref_slice %dma_start3A_70[%add3A_57] : memref<160000xi32, #tpu.memory_space<hbm>> -> memref<128xi32, #tpu.memory_space<hbm>>
      tpu.enqueue_dma source(%dma_start3A_71 : memref<128xi32, #tpu.memory_space<hbm>>) target(%dma_start3A_67 : memref<128xi32, #tpu.memory_space<vmem>>) target_semaphore(%arg7 : memref<!tpu.dma_semaphore, #tpu.memory_space<semaphore_mem>>)
    }
    %while3A_13 = arith.constant 1 : i32
    scf.for %while3A_54 = %while3A_11 to %while3A_7 step %while3A_13  : i32 {
      %mul3A_55 = arith.constant 128 : i32
      %mul3A_56 = arith.muli %while3A_54, %mul3A_55 : i32
      %add3A_57 = arith.addi %mul3A_2, %mul3A_56 : i32
      %dma_start3A = arith.constant 0 : i32
      %dma_start3A_58 = arith.constant 0 : i32
      %dma_start3A_59 = tpu.memref_slice %arg5[%while3A_54, %dma_start3A_58] : memref<40x128xi32, #tpu.memory_space<vmem>> -> memref<1x128xi32, #tpu.memory_space<vmem>>
      %dma_start3A_60 = tpu.memref_squeeze %dma_start3A_59 : memref<1x128xi32, #tpu.memory_space<vmem>> -> memref<128xi32, #tpu.memory_space<vmem>>
      %dma_start3A_61 = arith.constant 0 : i32
      %dma_start3A_62 = tpu.memref_slice %arg3[%dma_start3A, %dma_start3A_61] : memref<2x160000xi32, #tpu.memory_space<hbm>> -> memref<1x160000xi32, #tpu.memory_space<hbm>>
      %dma_start3A_63 = tpu.memref_squeeze %dma_start3A_62 : memref<1x160000xi32, #tpu.memory_space<hbm>> -> memref<160000xi32, #tpu.memory_space<hbm>>
      %dma_start3A_64 = tpu.memref_slice %dma_start3A_63[%add3A_57] : memref<160000xi32, #tpu.memory_space<hbm>> -> memref<128xi32, #tpu.memory_space<hbm>>
      %dma_start3A_65 = arith.constant 0 : i32
      %dma_start3A_66 = tpu.memref_slice %arg5[%while3A_54, %dma_start3A_65] : memref<40x128xi32, #tpu.memory_space<vmem>> -> memref<1x128xi32, #tpu.memory_space<vmem>>
      %dma_start3A_67 = tpu.memref_squeeze %dma_start3A_66 : memref<1x128xi32, #tpu.memory_space<vmem>> -> memref<128xi32, #tpu.memory_space<vmem>>
      %dma_start3A_68 = arith.constant 0 : i32
      %dma_start3A_69 = tpu.memref_slice %arg3[%dma_start3A, %dma_start3A_68] : memref<2x160000xi32, #tpu.memory_space<hbm>> -> memref<1x160000xi32, #tpu.memory_space<hbm>>
      %dma_start3A_70 = tpu.memref_squeeze %dma_start3A_69 : memref<1x160000xi32, #tpu.memory_space<hbm>> -> memref<160000xi32, #tpu.memory_space<hbm>>
      %dma_start3A_71 = tpu.memref_slice %dma_start3A_70[%add3A_57] : memref<160000xi32, #tpu.memory_space<hbm>> -> memref<128xi32, #tpu.memory_space<hbm>>
      tpu.enqueue_dma source(%dma_start3A_71 : memref<128xi32, #tpu.memory_space<hbm>>) target(%dma_start3A_67 : memref<128xi32, #tpu.memory_space<vmem>>) target_semaphore(%arg7 : memref<!tpu.dma_semaphore, #tpu.memory_space<semaphore_mem>>)
    }
    %while3A_14 = arith.constant 0 : i32
    %while3A_15 = arith.constant 0 : i32
    %while3A_16 = arith.subi %select_n3A, %while3A_15 : i32
    %while3A_17 = arith.addi %while3A_15, %while3A_16 : i32
    %while3A_18 = arith.constant 1 : i32
    %while3A_19 = arith.divsi %while3A_16, %while3A_18 : i32
    %while3A_20 = arith.muli %while3A_19, %while3A_18 : i32
    %while3A_21 = arith.addi %while3A_15, %while3A_20 : i32
    %while3A_22 = arith.constant 1 : i32
    scf.for %while3A_54 = %while3A_15 to %while3A_21 step %while3A_22  : i32 {
      %mul3A_55 = arith.constant 128 : i32
      %mul3A_56 = arith.muli %while3A_54, %mul3A_55 : i32
      %add3A_57 = arith.addi %mul3A_2, %mul3A_56 : i32
      %dma_wait3A = arith.constant 0 : i32
      %dma_wait3A_58 = arith.constant 0 : i32
      %dma_wait3A_59 = tpu.memref_slice %arg5[%while3A_54, %dma_wait3A_58] : memref<40x128xi32, #tpu.memory_space<vmem>> -> memref<1x128xi32, #tpu.memory_space<vmem>>
      %dma_wait3A_60 = tpu.memref_squeeze %dma_wait3A_59 : memref<1x128xi32, #tpu.memory_space<vmem>> -> memref<128xi32, #tpu.memory_space<vmem>>
      %dma_wait3A_61 = arith.constant 0 : i32
      %dma_wait3A_62 = tpu.memref_slice %arg3[%dma_wait3A, %dma_wait3A_61] : memref<2x160000xi32, #tpu.memory_space<hbm>> -> memref<1x160000xi32, #tpu.memory_space<hbm>>
      %dma_wait3A_63 = tpu.memref_squeeze %dma_wait3A_62 : memref<1x160000xi32, #tpu.memory_space<hbm>> -> memref<160000xi32, #tpu.memory_space<hbm>>
      %dma_wait3A_64 = tpu.memref_slice %dma_wait3A_63[%add3A_57] : memref<160000xi32, #tpu.memory_space<hbm>> -> memref<128xi32, #tpu.memory_space<hbm>>
      %dma_wait3A_65 = arith.constant 0 : i32
      %dma_wait3A_66 = tpu.memref_slice %arg5[%while3A_54, %dma_wait3A_65] : memref<40x128xi32, #tpu.memory_space<vmem>> -> memref<1x128xi32, #tpu.memory_space<vmem>>
      %dma_wait3A_67 = tpu.memref_squeeze %dma_wait3A_66 : memref<1x128xi32, #tpu.memory_space<vmem>> -> memref<128xi32, #tpu.memory_space<vmem>>
      %dma_wait3A_68 = arith.constant 0 : i32
      %dma_wait3A_69 = tpu.memref_slice %arg3[%dma_wait3A, %dma_wait3A_68] : memref<2x160000xi32, #tpu.memory_space<hbm>> -> memref<1x160000xi32, #tpu.memory_space<hbm>>
      %dma_wait3A_70 = tpu.memref_squeeze %dma_wait3A_69 : memref<1x160000xi32, #tpu.memory_space<hbm>> -> memref<160000xi32, #tpu.memory_space<hbm>>
      %dma_wait3A_71 = tpu.memref_slice %dma_wait3A_70[%add3A_57] : memref<160000xi32, #tpu.memory_space<hbm>> -> memref<128xi32, #tpu.memory_space<hbm>>
      tpu.wait_dma2 semaphore(%arg7 : memref<!tpu.dma_semaphore, #tpu.memory_space<semaphore_mem>>) src(%dma_wait3A_71 : memref<128xi32, #tpu.memory_space<hbm>>) dst(%dma_wait3A_67 : memref<128xi32, #tpu.memory_space<vmem>>)
    }
    %while3A_23 = arith.constant 1 : i32
    scf.for %while3A_54 = %while3A_21 to %while3A_17 step %while3A_23  : i32 {
      %mul3A_55 = arith.constant 128 : i32
      %mul3A_56 = arith.muli %while3A_54, %mul3A_55 : i32
      %add3A_57 = arith.addi %mul3A_2, %mul3A_56 : i32
      %dma_wait3A = arith.constant 0 : i32
      %dma_wait3A_58 = arith.constant 0 : i32
      %dma_wait3A_59 = tpu.memref_slice %arg5[%while3A_54, %dma_wait3A_58] : memref<40x128xi32, #tpu.memory_space<vmem>> -> memref<1x128xi32, #tpu.memory_space<vmem>>
      %dma_wait3A_60 = tpu.memref_squeeze %dma_wait3A_59 : memref<1x128xi32, #tpu.memory_space<vmem>> -> memref<128xi32, #tpu.memory_space<vmem>>
      %dma_wait3A_61 = arith.constant 0 : i32
      %dma_wait3A_62 = tpu.memref_slice %arg3[%dma_wait3A, %dma_wait3A_61] : memref<2x160000xi32, #tpu.memory_space<hbm>> -> memref<1x160000xi32, #tpu.memory_space<hbm>>
      %dma_wait3A_63 = tpu.memref_squeeze %dma_wait3A_62 : memref<1x160000xi32, #tpu.memory_space<hbm>> -> memref<160000xi32, #tpu.memory_space<hbm>>
      %dma_wait3A_64 = tpu.memref_slice %dma_wait3A_63[%add3A_57] : memref<160000xi32, #tpu.memory_space<hbm>> -> memref<128xi32, #tpu.memory_space<hbm>>
      %dma_wait3A_65 = arith.constant 0 : i32
      %dma_wait3A_66 = tpu.memref_slice %arg5[%while3A_54, %dma_wait3A_65] : memref<40x128xi32, #tpu.memory_space<vmem>> -> memref<1x128xi32, #tpu.memory_space<vmem>>
      %dma_wait3A_67 = tpu.memref_squeeze %dma_wait3A_66 : memref<1x128xi32, #tpu.memory_space<vmem>> -> memref<128xi32, #tpu.memory_space<vmem>>
      %dma_wait3A_68 = arith.constant 0 : i32
      %dma_wait3A_69 = tpu.memref_slice %arg3[%dma_wait3A, %dma_wait3A_68] : memref<2x160000xi32, #tpu.memory_space<hbm>> -> memref<1x160000xi32, #tpu.memory_space<hbm>>
      %dma_wait3A_70 = tpu.memref_squeeze %dma_wait3A_69 : memref<1x160000xi32, #tpu.memory_space<hbm>> -> memref<160000xi32, #tpu.memory_space<hbm>>
      %dma_wait3A_71 = tpu.memref_slice %dma_wait3A_70[%add3A_57] : memref<160000xi32, #tpu.memory_space<hbm>> -> memref<128xi32, #tpu.memory_space<hbm>>
      tpu.wait_dma2 semaphore(%arg7 : memref<!tpu.dma_semaphore, #tpu.memory_space<semaphore_mem>>) src(%dma_wait3A_71 : memref<128xi32, #tpu.memory_space<hbm>>) dst(%dma_wait3A_67 : memref<128xi32, #tpu.memory_space<vmem>>)
    }
    %while3A_24 = arith.constant 0 : i32
    %while3A_25 = arith.constant 0 : i32
    %while3A_26 = arith.subi %select_n3A, %while3A_25 : i32
    %while3A_27 = arith.addi %while3A_25, %while3A_26 : i32
    %while3A_28 = arith.constant 1 : i32
    %while3A_29 = arith.divsi %while3A_26, %while3A_28 : i32
    %while3A_30 = arith.muli %while3A_29, %while3A_28 : i32
    %while3A_31 = arith.addi %while3A_25, %while3A_30 : i32
    %while3A_32 = arith.constant 1 : i32
    scf.for %while3A_54 = %while3A_25 to %while3A_31 step %while3A_32  : i32 {
      %mul3A_55 = arith.constant 128 : i32
      %mul3A_56 = arith.muli %while3A_54, %mul3A_55 : i32
      %dma_start3A = arith.constant 0 : i32
      %dma_start3A_57 = tpu.memref_slice %arg6[%mul3A_56, %dma_start3A] : memref<5120x16xf32, #tpu.memory_space<vmem>> -> memref<128x16xf32, #tpu.memory_space<vmem>>
      %dma_start3A_58 = arith.constant 0 : i32
      %dma_start3A_59 = tpu.memref_slice %arg5[%while3A_54, %dma_start3A_58] : memref<40x128xi32, #tpu.memory_space<vmem>> -> memref<1x128xi32, #tpu.memory_space<vmem>>
      %dma_start3A_60 = tpu.memref_squeeze %dma_start3A_59 : memref<1x128xi32, #tpu.memory_space<vmem>> -> memref<128xi32, #tpu.memory_space<vmem>>
      %dma_start3A_61 = arith.constant 0 : i32
      %dma_start3A_62 = arith.constant 0 : i32
      %dma_start3A_63 = tpu.memref_slice %arg2[%dma_start3A_61, %dma_start3A_62] : memref<10240x16xf32, #tpu.memory_space<hbm>> -> memref<10240x16xf32, #tpu.memory_space<hbm>>
      tpu.enqueue_indirect_dma source(%dma_start3A_63 : memref<10240x16xf32, #tpu.memory_space<hbm>>) target(%dma_start3A_57 : memref<128x16xf32, #tpu.memory_space<vmem>>) offsets(%dma_start3A_60 : memref<128xi32, #tpu.memory_space<vmem>>) semaphore(%arg7 : memref<!tpu.dma_semaphore, #tpu.memory_space<semaphore_mem>>)
    }
    %while3A_33 = arith.constant 1 : i32
    scf.for %while3A_54 = %while3A_31 to %while3A_27 step %while3A_33  : i32 {
      %mul3A_55 = arith.constant 128 : i32
      %mul3A_56 = arith.muli %while3A_54, %mul3A_55 : i32
      %dma_start3A = arith.constant 0 : i32
      %dma_start3A_57 = tpu.memref_slice %arg6[%mul3A_56, %dma_start3A] : memref<5120x16xf32, #tpu.memory_space<vmem>> -> memref<128x16xf32, #tpu.memory_space<vmem>>
      %dma_start3A_58 = arith.constant 0 : i32
      %dma_start3A_59 = tpu.memref_slice %arg5[%while3A_54, %dma_start3A_58] : memref<40x128xi32, #tpu.memory_space<vmem>> -> memref<1x128xi32, #tpu.memory_space<vmem>>
      %dma_start3A_60 = tpu.memref_squeeze %dma_start3A_59 : memref<1x128xi32, #tpu.memory_space<vmem>> -> memref<128xi32, #tpu.memory_space<vmem>>
      %dma_start3A_61 = arith.constant 0 : i32
      %dma_start3A_62 = arith.constant 0 : i32
      %dma_start3A_63 = tpu.memref_slice %arg2[%dma_start3A_61, %dma_start3A_62] : memref<10240x16xf32, #tpu.memory_space<hbm>> -> memref<10240x16xf32, #tpu.memory_space<hbm>>
      tpu.enqueue_indirect_dma source(%dma_start3A_63 : memref<10240x16xf32, #tpu.memory_space<hbm>>) target(%dma_start3A_57 : memref<128x16xf32, #tpu.memory_space<vmem>>) offsets(%dma_start3A_60 : memref<128xi32, #tpu.memory_space<vmem>>) semaphore(%arg7 : memref<!tpu.dma_semaphore, #tpu.memory_space<semaphore_mem>>)
    }
    %while3A_34 = arith.constant 0 : i32
    %while3A_35 = arith.constant 0 : i32
    %while3A_36 = arith.subi %select_n3A, %while3A_35 : i32
    %while3A_37 = arith.addi %while3A_35, %while3A_36 : i32
    %while3A_38 = arith.constant 1 : i32
    %while3A_39 = arith.divsi %while3A_36, %while3A_38 : i32
    %while3A_40 = arith.muli %while3A_39, %while3A_38 : i32
    %while3A_41 = arith.addi %while3A_35, %while3A_40 : i32
    %while3A_42 = arith.constant 1 : i32
    scf.for %while3A_54 = %while3A_35 to %while3A_41 step %while3A_42  : i32 {
      %mul3A_55 = arith.constant 128 : i32
      %mul3A_56 = arith.muli %while3A_54, %mul3A_55 : i32
      %dma_wait3A = arith.constant 0 : i32
      %dma_wait3A_57 = tpu.memref_slice %arg6[%mul3A_56, %dma_wait3A] : memref<5120x16xf32, #tpu.memory_space<vmem>> -> memref<128x16xf32, #tpu.memory_space<vmem>>
      %dma_wait3A_58 = arith.constant 0 : i32
      %dma_wait3A_59 = tpu.memref_slice %arg5[%while3A_54, %dma_wait3A_58] : memref<40x128xi32, #tpu.memory_space<vmem>> -> memref<1x128xi32, #tpu.memory_space<vmem>>
      %dma_wait3A_60 = tpu.memref_squeeze %dma_wait3A_59 : memref<1x128xi32, #tpu.memory_space<vmem>> -> memref<128xi32, #tpu.memory_space<vmem>>
      %dma_wait3A_61 = arith.constant 0 : i32
      %dma_wait3A_62 = arith.constant 0 : i32
      %dma_wait3A_63 = tpu.memref_slice %arg2[%dma_wait3A_61, %dma_wait3A_62] : memref<10240x16xf32, #tpu.memory_space<hbm>> -> memref<10240x16xf32, #tpu.memory_space<hbm>>
      tpu.wait_indirect_dma semaphore(%arg7 : memref<!tpu.dma_semaphore, #tpu.memory_space<semaphore_mem>>) src(%dma_wait3A_63 : memref<10240x16xf32, #tpu.memory_space<hbm>>) dst(%dma_wait3A_57 : memref<128x16xf32, #tpu.memory_space<vmem>>)
      %mul3A_64 = arith.constant 128 : i32
      %mul3A_65 = arith.muli %while3A_54, %mul3A_64 : i32
      %mul3A_66 = arith.constant 128 : i32
      %mul3A_67 = arith.muli %while3A_54, %mul3A_66 : i32
      %add3A_68 = arith.addi %mul3A_2, %mul3A_67 : i32
      %dma_start3A = arith.constant 0 : i32
      %dma_start3A_69 = tpu.memref_slice %arg6[%mul3A_65, %dma_start3A] : memref<5120x16xf32, #tpu.memory_space<vmem>> -> memref<128x16xf32, #tpu.memory_space<vmem>>
      %dma_start3A_70 = arith.constant 0 : i32
      %dma_start3A_71 = tpu.memref_slice %arg4[%add3A_68, %dma_start3A_70] : memref<160000x16xf32, #tpu.memory_space<hbm>> -> memref<128x16xf32, #tpu.memory_space<hbm>>
      %dma_start3A_72 = arith.constant 0 : i32
      %dma_start3A_73 = tpu.memref_slice %arg4[%add3A_68, %dma_start3A_72] : memref<160000x16xf32, #tpu.memory_space<hbm>> -> memref<128x16xf32, #tpu.memory_space<hbm>>
      %dma_start3A_74 = arith.constant 0 : i32
      %dma_start3A_75 = tpu.memref_slice %arg6[%mul3A_65, %dma_start3A_74] : memref<5120x16xf32, #tpu.memory_space<vmem>> -> memref<128x16xf32, #tpu.memory_space<vmem>>
      tpu.enqueue_dma source(%dma_start3A_75 : memref<128x16xf32, #tpu.memory_space<vmem>>) target(%dma_start3A_73 : memref<128x16xf32, #tpu.memory_space<hbm>>) target_semaphore(%arg7 : memref<!tpu.dma_semaphore, #tpu.memory_space<semaphore_mem>>)
    }
    %while3A_43 = arith.constant 1 : i32
    scf.for %while3A_54 = %while3A_41 to %while3A_37 step %while3A_43  : i32 {
      %mul3A_55 = arith.constant 128 : i32
      %mul3A_56 = arith.muli %while3A_54, %mul3A_55 : i32
      %dma_wait3A = arith.constant 0 : i32
      %dma_wait3A_57 = tpu.memref_slice %arg6[%mul3A_56, %dma_wait3A] : memref<5120x16xf32, #tpu.memory_space<vmem>> -> memref<128x16xf32, #tpu.memory_space<vmem>>
      %dma_wait3A_58 = arith.constant 0 : i32
      %dma_wait3A_59 = tpu.memref_slice %arg5[%while3A_54, %dma_wait3A_58] : memref<40x128xi32, #tpu.memory_space<vmem>> -> memref<1x128xi32, #tpu.memory_space<vmem>>
      %dma_wait3A_60 = tpu.memref_squeeze %dma_wait3A_59 : memref<1x128xi32, #tpu.memory_space<vmem>> -> memref<128xi32, #tpu.memory_space<vmem>>
      %dma_wait3A_61 = arith.constant 0 : i32
      %dma_wait3A_62 = arith.constant 0 : i32
      %dma_wait3A_63 = tpu.memref_slice %arg2[%dma_wait3A_61, %dma_wait3A_62] : memref<10240x16xf32, #tpu.memory_space<hbm>> -> memref<10240x16xf32, #tpu.memory_space<hbm>>
      tpu.wait_indirect_dma semaphore(%arg7 : memref<!tpu.dma_semaphore, #tpu.memory_space<semaphore_mem>>) src(%dma_wait3A_63 : memref<10240x16xf32, #tpu.memory_space<hbm>>) dst(%dma_wait3A_57 : memref<128x16xf32, #tpu.memory_space<vmem>>)
      %mul3A_64 = arith.constant 128 : i32
      %mul3A_65 = arith.muli %while3A_54, %mul3A_64 : i32
      %mul3A_66 = arith.constant 128 : i32
      %mul3A_67 = arith.muli %while3A_54, %mul3A_66 : i32
      %add3A_68 = arith.addi %mul3A_2, %mul3A_67 : i32
      %dma_start3A = arith.constant 0 : i32
      %dma_start3A_69 = tpu.memref_slice %arg6[%mul3A_65, %dma_start3A] : memref<5120x16xf32, #tpu.memory_space<vmem>> -> memref<128x16xf32, #tpu.memory_space<vmem>>
      %dma_start3A_70 = arith.constant 0 : i32
      %dma_start3A_71 = tpu.memref_slice %arg4[%add3A_68, %dma_start3A_70] : memref<160000x16xf32, #tpu.memory_space<hbm>> -> memref<128x16xf32, #tpu.memory_space<hbm>>
      %dma_start3A_72 = arith.constant 0 : i32
      %dma_start3A_73 = tpu.memref_slice %arg4[%add3A_68, %dma_start3A_72] : memref<160000x16xf32, #tpu.memory_space<hbm>> -> memref<128x16xf32, #tpu.memory_space<hbm>>
      %dma_start3A_74 = arith.constant 0 : i32
      %dma_start3A_75 = tpu.memref_slice %arg6[%mul3A_65, %dma_start3A_74] : memref<5120x16xf32, #tpu.memory_space<vmem>> -> memref<128x16xf32, #tpu.memory_space<vmem>>
      tpu.enqueue_dma source(%dma_start3A_75 : memref<128x16xf32, #tpu.memory_space<vmem>>) target(%dma_start3A_73 : memref<128x16xf32, #tpu.memory_space<hbm>>) target_semaphore(%arg7 : memref<!tpu.dma_semaphore, #tpu.memory_space<semaphore_mem>>)
    }
    %while3A_44 = arith.constant 0 : i32
    %while3A_45 = arith.constant 0 : i32
    %while3A_46 = arith.subi %select_n3A, %while3A_45 : i32
    %while3A_47 = arith.addi %while3A_45, %while3A_46 : i32
    %while3A_48 = arith.constant 1 : i32
    %while3A_49 = arith.divsi %while3A_46, %while3A_48 : i32
    %while3A_50 = arith.muli %while3A_49, %while3A_48 : i32
    %while3A_51 = arith.addi %while3A_45, %while3A_50 : i32
    %while3A_52 = arith.constant 1 : i32
    scf.for %while3A_54 = %while3A_45 to %while3A_51 step %while3A_52  : i32 {
      %mul3A_55 = arith.constant 128 : i32
      %mul3A_56 = arith.muli %while3A_54, %mul3A_55 : i32
      %mul3A_57 = arith.constant 128 : i32
      %mul3A_58 = arith.muli %while3A_54, %mul3A_57 : i32
      %add3A_59 = arith.addi %mul3A_2, %mul3A_58 : i32
      %dma_wait3A = arith.constant 0 : i32
      %dma_wait3A_60 = tpu.memref_slice %arg6[%mul3A_56, %dma_wait3A] : memref<5120x16xf32, #tpu.memory_space<vmem>> -> memref<128x16xf32, #tpu.memory_space<vmem>>
      %dma_wait3A_61 = arith.constant 0 : i32
      %dma_wait3A_62 = tpu.memref_slice %arg4[%add3A_59, %dma_wait3A_61] : memref<160000x16xf32, #tpu.memory_space<hbm>> -> memref<128x16xf32, #tpu.memory_space<hbm>>
      %dma_wait3A_63 = arith.constant 0 : i32
      %dma_wait3A_64 = tpu.memref_slice %arg4[%add3A_59, %dma_wait3A_63] : memref<160000x16xf32, #tpu.memory_space<hbm>> -> memref<128x16xf32, #tpu.memory_space<hbm>>
      %dma_wait3A_65 = arith.constant 0 : i32
      %dma_wait3A_66 = tpu.memref_slice %arg6[%mul3A_56, %dma_wait3A_65] : memref<5120x16xf32, #tpu.memory_space<vmem>> -> memref<128x16xf32, #tpu.memory_space<vmem>>
      tpu.wait_dma2 semaphore(%arg7 : memref<!tpu.dma_semaphore, #tpu.memory_space<semaphore_mem>>) src(%dma_wait3A_66 : memref<128x16xf32, #tpu.memory_space<vmem>>) dst(%dma_wait3A_64 : memref<128x16xf32, #tpu.memory_space<hbm>>)
    }
    %while3A_53 = arith.constant 1 : i32
    scf.for %while3A_54 = %while3A_51 to %while3A_47 step %while3A_53  : i32 {
      %mul3A_55 = arith.constant 128 : i32
      %mul3A_56 = arith.muli %while3A_54, %mul3A_55 : i32
      %mul3A_57 = arith.constant 128 : i32
      %mul3A_58 = arith.muli %while3A_54, %mul3A_57 : i32
      %add3A_59 = arith.addi %mul3A_2, %mul3A_58 : i32
      %dma_wait3A = arith.constant 0 : i32
      %dma_wait3A_60 = tpu.memref_slice %arg6[%mul3A_56, %dma_wait3A] : memref<5120x16xf32, #tpu.memory_space<vmem>> -> memref<128x16xf32, #tpu.memory_space<vmem>>
      %dma_wait3A_61 = arith.constant 0 : i32
      %dma_wait3A_62 = tpu.memref_slice %arg4[%add3A_59, %dma_wait3A_61] : memref<160000x16xf32, #tpu.memory_space<hbm>> -> memref<128x16xf32, #tpu.memory_space<hbm>>
      %dma_wait3A_63 = arith.constant 0 : i32
      %dma_wait3A_64 = tpu.memref_slice %arg4[%add3A_59, %dma_wait3A_63] : memref<160000x16xf32, #tpu.memory_space<hbm>> -> memref<128x16xf32, #tpu.memory_space<hbm>>
      %dma_wait3A_65 = arith.constant 0 : i32
      %dma_wait3A_66 = tpu.memref_slice %arg6[%mul3A_56, %dma_wait3A_65] : memref<5120x16xf32, #tpu.memory_space<vmem>> -> memref<128x16xf32, #tpu.memory_space<vmem>>
      tpu.wait_dma2 semaphore(%arg7 : memref<!tpu.dma_semaphore, #tpu.memory_space<semaphore_mem>>) src(%dma_wait3A_66 : memref<128x16xf32, #tpu.memory_space<vmem>>) dst(%dma_wait3A_64 : memref<128x16xf32, #tpu.memory_space<hbm>>)
    }
    return
  }
}

#map = affine_map<(d0, d1) -> (0, 0)>
#map1 = affine_map<(d0, d1) -> (0, 0, 0)>
module attributes {stable_mosaic.version = 14 : i64} {
  func.func @body(%arg0: i32, %arg1: i32, %arg2: memref<160000x16xf32, #tpu.memory_space<hbm>>, %arg3: memref<2x160000xi32, #tpu.memory_space<hbm>>, %arg4: memref<10240x16xf32, #tpu.memory_space<hbm>>, %arg5: memref<2x10240x16xf32, #tpu.memory_space<hbm>>, %arg6: memref<40x128xi32, #tpu.memory_space<vmem>>, %arg7: memref<5120x16xf32, #tpu.memory_space<vmem>>, %arg8: memref<10240x16xf32, #tpu.memory_space<vmem_shared>>, %arg9: memref<!tpu.dma_semaphore, #tpu.memory_space<semaphore_mem>>) attributes {dimension_semantics = [#tpu.dimension_semantics<core_parallel>, #tpu.dimension_semantics<subcore_parallel>], iteration_bounds = array<i64: 2, 16>, scalar_prefetch = 0 : i64, scratch_operands = 4 : i64, tpu.core_type = #tpu.core_type<sc_vector_subcore>, window_params = [{transform_indices = #map}, {transform_indices = #map}, {transform_indices = #map}, {transform_indices = #map1}]} {
    %mul3A = arith.constant 16 : i32
    %mul3A_0 = arith.muli %arg0, %mul3A : i32
    %add3A = arith.addi %mul3A_0, %arg1 : i32
    %mul3A_1 = arith.constant 5120 : i32
    %mul3A_2 = arith.muli %add3A, %mul3A_1 : i32
    %eq3A = arith.constant 31 : i32
    %eq3A_3 = arith.cmpi eq, %add3A, %eq3A : i32
    %jit3A = arith.constant 10 : i32
    %jit3A_4 = arith.constant 40 : i32
    %select_n3A = arith.select %eq3A_3, %jit3A, %jit3A_4 : i32
    %mul3A_5 = arith.constant 640 : i32
    %mul3A_6 = arith.muli %arg1, %mul3A_5 : i32
    %mul3A_7 = arith.constant 640 : i32
    %mul3A_8 = arith.muli %arg1, %mul3A_7 : i32
    "tpu.region"() ({
      %run_scoped3A = tpu.sem_alloc : memref<!tpu.dma_semaphore, #tpu.memory_space<semaphore_mem>>
      %dma_start3A = arith.constant 0 : i32
      %dma_start3A_53 = tpu.memref_slice %arg8[%mul3A_8, %dma_start3A] : memref<10240x16xf32, #tpu.memory_space<vmem_shared>> -> memref<640x16xf32, #tpu.memory_space<vmem_shared>>
      %dma_start3A_54 = arith.constant 0 : i32
      %dma_start3A_55 = tpu.memref_slice %arg4[%mul3A_6, %dma_start3A_54] : memref<10240x16xf32, #tpu.memory_space<hbm>> -> memref<640x16xf32, #tpu.memory_space<hbm>>
      tpu.enqueue_dma source(%dma_start3A_55 : memref<640x16xf32, #tpu.memory_space<hbm>>) target(%dma_start3A_53 : memref<640x16xf32, #tpu.memory_space<vmem_shared>>) target_semaphore(%run_scoped3A : memref<!tpu.dma_semaphore, #tpu.memory_space<semaphore_mem>>)
      %dma_wait3A = arith.constant 0 : i32
      %dma_wait3A_56 = tpu.memref_slice %arg8[%mul3A_8, %dma_wait3A] : memref<10240x16xf32, #tpu.memory_space<vmem_shared>> -> memref<640x16xf32, #tpu.memory_space<vmem_shared>>
      %dma_wait3A_57 = arith.constant 0 : i32
      %dma_wait3A_58 = tpu.memref_slice %arg4[%mul3A_6, %dma_wait3A_57] : memref<10240x16xf32, #tpu.memory_space<hbm>> -> memref<640x16xf32, #tpu.memory_space<hbm>>
      tpu.wait_dma2 semaphore(%run_scoped3A : memref<!tpu.dma_semaphore, #tpu.memory_space<semaphore_mem>>) src(%dma_wait3A_58 : memref<640x16xf32, #tpu.memory_space<hbm>>) dst(%dma_wait3A_56 : memref<640x16xf32, #tpu.memory_space<vmem_shared>>)
      tpu.yield
    }) : () -> ()
    %while3A = arith.constant 0 : i32
    %while3A_9 = arith.constant 0 : i32
    %while3A_10 = arith.subi %select_n3A, %while3A_9 : i32
    %while3A_11 = arith.addi %while3A_9, %while3A_10 : i32
    %while3A_12 = arith.constant 1 : i32
    %while3A_13 = arith.divsi %while3A_10, %while3A_12 : i32
    %while3A_14 = arith.muli %while3A_13, %while3A_12 : i32
    %while3A_15 = arith.addi %while3A_9, %while3A_14 : i32
    %while3A_16 = arith.constant 1 : i32
    scf.for %while3A_53 = %while3A_9 to %while3A_15 step %while3A_16  : i32 {
      %mul3A_54 = arith.constant 128 : i32
      %mul3A_55 = arith.muli %while3A_53, %mul3A_54 : i32
      %add3A_56 = arith.addi %mul3A_2, %mul3A_55 : i32
      %dma_start3A = arith.constant 1 : i32
      %dma_start3A_57 = arith.constant 0 : i32
      %dma_start3A_58 = tpu.memref_slice %arg6[%while3A_53, %dma_start3A_57] : memref<40x128xi32, #tpu.memory_space<vmem>> -> memref<1x128xi32, #tpu.memory_space<vmem>>
      %dma_start3A_59 = tpu.memref_squeeze %dma_start3A_58 : memref<1x128xi32, #tpu.memory_space<vmem>> -> memref<128xi32, #tpu.memory_space<vmem>>
      %dma_start3A_60 = arith.constant 0 : i32
      %dma_start3A_61 = tpu.memref_slice %arg3[%dma_start3A, %dma_start3A_60] : memref<2x160000xi32, #tpu.memory_space<hbm>> -> memref<1x160000xi32, #tpu.memory_space<hbm>>
      %dma_start3A_62 = tpu.memref_squeeze %dma_start3A_61 : memref<1x160000xi32, #tpu.memory_space<hbm>> -> memref<160000xi32, #tpu.memory_space<hbm>>
      %dma_start3A_63 = tpu.memref_slice %dma_start3A_62[%add3A_56] : memref<160000xi32, #tpu.memory_space<hbm>> -> memref<128xi32, #tpu.memory_space<hbm>>
      %dma_start3A_64 = arith.constant 0 : i32
      %dma_start3A_65 = tpu.memref_slice %arg6[%while3A_53, %dma_start3A_64] : memref<40x128xi32, #tpu.memory_space<vmem>> -> memref<1x128xi32, #tpu.memory_space<vmem>>
      %dma_start3A_66 = tpu.memref_squeeze %dma_start3A_65 : memref<1x128xi32, #tpu.memory_space<vmem>> -> memref<128xi32, #tpu.memory_space<vmem>>
      %dma_start3A_67 = arith.constant 0 : i32
      %dma_start3A_68 = tpu.memref_slice %arg3[%dma_start3A, %dma_start3A_67] : memref<2x160000xi32, #tpu.memory_space<hbm>> -> memref<1x160000xi32, #tpu.memory_space<hbm>>
      %dma_start3A_69 = tpu.memref_squeeze %dma_start3A_68 : memref<1x160000xi32, #tpu.memory_space<hbm>> -> memref<160000xi32, #tpu.memory_space<hbm>>
      %dma_start3A_70 = tpu.memref_slice %dma_start3A_69[%add3A_56] : memref<160000xi32, #tpu.memory_space<hbm>> -> memref<128xi32, #tpu.memory_space<hbm>>
      tpu.enqueue_dma source(%dma_start3A_70 : memref<128xi32, #tpu.memory_space<hbm>>) target(%dma_start3A_66 : memref<128xi32, #tpu.memory_space<vmem>>) target_semaphore(%arg9 : memref<!tpu.dma_semaphore, #tpu.memory_space<semaphore_mem>>)
      %mul3A_71 = arith.constant 128 : i32
      %mul3A_72 = arith.muli %while3A_53, %mul3A_71 : i32
      %add3A_73 = arith.addi %mul3A_2, %mul3A_72 : i32
      %mul3A_74 = arith.constant 128 : i32
      %mul3A_75 = arith.muli %while3A_53, %mul3A_74 : i32
      %dma_start3A_76 = arith.constant 0 : i32
      %dma_start3A_77 = tpu.memref_slice %arg7[%mul3A_75, %dma_start3A_76] : memref<5120x16xf32, #tpu.memory_space<vmem>> -> memref<128x16xf32, #tpu.memory_space<vmem>>
      %dma_start3A_78 = arith.constant 0 : i32
      %dma_start3A_79 = tpu.memref_slice %arg2[%add3A_73, %dma_start3A_78] : memref<160000x16xf32, #tpu.memory_space<hbm>> -> memref<128x16xf32, #tpu.memory_space<hbm>>
      %dma_start3A_80 = arith.constant 0 : i32
      %dma_start3A_81 = tpu.memref_slice %arg7[%mul3A_75, %dma_start3A_80] : memref<5120x16xf32, #tpu.memory_space<vmem>> -> memref<128x16xf32, #tpu.memory_space<vmem>>
      %dma_start3A_82 = arith.constant 0 : i32
      %dma_start3A_83 = tpu.memref_slice %arg2[%add3A_73, %dma_start3A_82] : memref<160000x16xf32, #tpu.memory_space<hbm>> -> memref<128x16xf32, #tpu.memory_space<hbm>>
      tpu.enqueue_dma source(%dma_start3A_83 : memref<128x16xf32, #tpu.memory_space<hbm>>) target(%dma_start3A_81 : memref<128x16xf32, #tpu.memory_space<vmem>>) target_semaphore(%arg9 : memref<!tpu.dma_semaphore, #tpu.memory_space<semaphore_mem>>)
    }
    %while3A_17 = arith.constant 1 : i32
    scf.for %while3A_53 = %while3A_15 to %while3A_11 step %while3A_17  : i32 {
      %mul3A_54 = arith.constant 128 : i32
      %mul3A_55 = arith.muli %while3A_53, %mul3A_54 : i32
      %add3A_56 = arith.addi %mul3A_2, %mul3A_55 : i32
      %dma_start3A = arith.constant 1 : i32
      %dma_start3A_57 = arith.constant 0 : i32
      %dma_start3A_58 = tpu.memref_slice %arg6[%while3A_53, %dma_start3A_57] : memref<40x128xi32, #tpu.memory_space<vmem>> -> memref<1x128xi32, #tpu.memory_space<vmem>>
      %dma_start3A_59 = tpu.memref_squeeze %dma_start3A_58 : memref<1x128xi32, #tpu.memory_space<vmem>> -> memref<128xi32, #tpu.memory_space<vmem>>
      %dma_start3A_60 = arith.constant 0 : i32
      %dma_start3A_61 = tpu.memref_slice %arg3[%dma_start3A, %dma_start3A_60] : memref<2x160000xi32, #tpu.memory_space<hbm>> -> memref<1x160000xi32, #tpu.memory_space<hbm>>
      %dma_start3A_62 = tpu.memref_squeeze %dma_start3A_61 : memref<1x160000xi32, #tpu.memory_space<hbm>> -> memref<160000xi32, #tpu.memory_space<hbm>>
      %dma_start3A_63 = tpu.memref_slice %dma_start3A_62[%add3A_56] : memref<160000xi32, #tpu.memory_space<hbm>> -> memref<128xi32, #tpu.memory_space<hbm>>
      %dma_start3A_64 = arith.constant 0 : i32
      %dma_start3A_65 = tpu.memref_slice %arg6[%while3A_53, %dma_start3A_64] : memref<40x128xi32, #tpu.memory_space<vmem>> -> memref<1x128xi32, #tpu.memory_space<vmem>>
      %dma_start3A_66 = tpu.memref_squeeze %dma_start3A_65 : memref<1x128xi32, #tpu.memory_space<vmem>> -> memref<128xi32, #tpu.memory_space<vmem>>
      %dma_start3A_67 = arith.constant 0 : i32
      %dma_start3A_68 = tpu.memref_slice %arg3[%dma_start3A, %dma_start3A_67] : memref<2x160000xi32, #tpu.memory_space<hbm>> -> memref<1x160000xi32, #tpu.memory_space<hbm>>
      %dma_start3A_69 = tpu.memref_squeeze %dma_start3A_68 : memref<1x160000xi32, #tpu.memory_space<hbm>> -> memref<160000xi32, #tpu.memory_space<hbm>>
      %dma_start3A_70 = tpu.memref_slice %dma_start3A_69[%add3A_56] : memref<160000xi32, #tpu.memory_space<hbm>> -> memref<128xi32, #tpu.memory_space<hbm>>
      tpu.enqueue_dma source(%dma_start3A_70 : memref<128xi32, #tpu.memory_space<hbm>>) target(%dma_start3A_66 : memref<128xi32, #tpu.memory_space<vmem>>) target_semaphore(%arg9 : memref<!tpu.dma_semaphore, #tpu.memory_space<semaphore_mem>>)
      %mul3A_71 = arith.constant 128 : i32
      %mul3A_72 = arith.muli %while3A_53, %mul3A_71 : i32
      %add3A_73 = arith.addi %mul3A_2, %mul3A_72 : i32
      %mul3A_74 = arith.constant 128 : i32
      %mul3A_75 = arith.muli %while3A_53, %mul3A_74 : i32
      %dma_start3A_76 = arith.constant 0 : i32
      %dma_start3A_77 = tpu.memref_slice %arg7[%mul3A_75, %dma_start3A_76] : memref<5120x16xf32, #tpu.memory_space<vmem>> -> memref<128x16xf32, #tpu.memory_space<vmem>>
      %dma_start3A_78 = arith.constant 0 : i32
      %dma_start3A_79 = tpu.memref_slice %arg2[%add3A_73, %dma_start3A_78] : memref<160000x16xf32, #tpu.memory_space<hbm>> -> memref<128x16xf32, #tpu.memory_space<hbm>>
      %dma_start3A_80 = arith.constant 0 : i32
      %dma_start3A_81 = tpu.memref_slice %arg7[%mul3A_75, %dma_start3A_80] : memref<5120x16xf32, #tpu.memory_space<vmem>> -> memref<128x16xf32, #tpu.memory_space<vmem>>
      %dma_start3A_82 = arith.constant 0 : i32
      %dma_start3A_83 = tpu.memref_slice %arg2[%add3A_73, %dma_start3A_82] : memref<160000x16xf32, #tpu.memory_space<hbm>> -> memref<128x16xf32, #tpu.memory_space<hbm>>
      tpu.enqueue_dma source(%dma_start3A_83 : memref<128x16xf32, #tpu.memory_space<hbm>>) target(%dma_start3A_81 : memref<128x16xf32, #tpu.memory_space<vmem>>) target_semaphore(%arg9 : memref<!tpu.dma_semaphore, #tpu.memory_space<semaphore_mem>>)
    }
    %while3A_18 = arith.constant 0 : i32
    %while3A_19 = arith.constant 0 : i32
    %while3A_20 = arith.subi %select_n3A, %while3A_19 : i32
    %while3A_21 = arith.addi %while3A_19, %while3A_20 : i32
    %while3A_22 = arith.constant 1 : i32
    %while3A_23 = arith.divsi %while3A_20, %while3A_22 : i32
    %while3A_24 = arith.muli %while3A_23, %while3A_22 : i32
    %while3A_25 = arith.addi %while3A_19, %while3A_24 : i32
    %while3A_26 = arith.constant 1 : i32
    scf.for %while3A_53 = %while3A_19 to %while3A_25 step %while3A_26  : i32 {
      %mul3A_54 = arith.constant 128 : i32
      %mul3A_55 = arith.muli %while3A_53, %mul3A_54 : i32
      %add3A_56 = arith.addi %mul3A_2, %mul3A_55 : i32
      %dma_wait3A = arith.constant 1 : i32
      %dma_wait3A_57 = arith.constant 0 : i32
      %dma_wait3A_58 = tpu.memref_slice %arg6[%while3A_53, %dma_wait3A_57] : memref<40x128xi32, #tpu.memory_space<vmem>> -> memref<1x128xi32, #tpu.memory_space<vmem>>
      %dma_wait3A_59 = tpu.memref_squeeze %dma_wait3A_58 : memref<1x128xi32, #tpu.memory_space<vmem>> -> memref<128xi32, #tpu.memory_space<vmem>>
      %dma_wait3A_60 = arith.constant 0 : i32
      %dma_wait3A_61 = tpu.memref_slice %arg3[%dma_wait3A, %dma_wait3A_60] : memref<2x160000xi32, #tpu.memory_space<hbm>> -> memref<1x160000xi32, #tpu.memory_space<hbm>>
      %dma_wait3A_62 = tpu.memref_squeeze %dma_wait3A_61 : memref<1x160000xi32, #tpu.memory_space<hbm>> -> memref<160000xi32, #tpu.memory_space<hbm>>
      %dma_wait3A_63 = tpu.memref_slice %dma_wait3A_62[%add3A_56] : memref<160000xi32, #tpu.memory_space<hbm>> -> memref<128xi32, #tpu.memory_space<hbm>>
      %dma_wait3A_64 = arith.constant 0 : i32
      %dma_wait3A_65 = tpu.memref_slice %arg6[%while3A_53, %dma_wait3A_64] : memref<40x128xi32, #tpu.memory_space<vmem>> -> memref<1x128xi32, #tpu.memory_space<vmem>>
      %dma_wait3A_66 = tpu.memref_squeeze %dma_wait3A_65 : memref<1x128xi32, #tpu.memory_space<vmem>> -> memref<128xi32, #tpu.memory_space<vmem>>
      %dma_wait3A_67 = arith.constant 0 : i32
      %dma_wait3A_68 = tpu.memref_slice %arg3[%dma_wait3A, %dma_wait3A_67] : memref<2x160000xi32, #tpu.memory_space<hbm>> -> memref<1x160000xi32, #tpu.memory_space<hbm>>
      %dma_wait3A_69 = tpu.memref_squeeze %dma_wait3A_68 : memref<1x160000xi32, #tpu.memory_space<hbm>> -> memref<160000xi32, #tpu.memory_space<hbm>>
      %dma_wait3A_70 = tpu.memref_slice %dma_wait3A_69[%add3A_56] : memref<160000xi32, #tpu.memory_space<hbm>> -> memref<128xi32, #tpu.memory_space<hbm>>
      tpu.wait_dma2 semaphore(%arg9 : memref<!tpu.dma_semaphore, #tpu.memory_space<semaphore_mem>>) src(%dma_wait3A_70 : memref<128xi32, #tpu.memory_space<hbm>>) dst(%dma_wait3A_66 : memref<128xi32, #tpu.memory_space<vmem>>)
      %mul3A_71 = arith.constant 128 : i32
      %mul3A_72 = arith.muli %while3A_53, %mul3A_71 : i32
      %add3A_73 = arith.addi %mul3A_2, %mul3A_72 : i32
      %mul3A_74 = arith.constant 128 : i32
      %mul3A_75 = arith.muli %while3A_53, %mul3A_74 : i32
      %dma_wait3A_76 = arith.constant 0 : i32
      %dma_wait3A_77 = tpu.memref_slice %arg7[%mul3A_75, %dma_wait3A_76] : memref<5120x16xf32, #tpu.memory_space<vmem>> -> memref<128x16xf32, #tpu.memory_space<vmem>>
      %dma_wait3A_78 = arith.constant 0 : i32
      %dma_wait3A_79 = tpu.memref_slice %arg2[%add3A_73, %dma_wait3A_78] : memref<160000x16xf32, #tpu.memory_space<hbm>> -> memref<128x16xf32, #tpu.memory_space<hbm>>
      %dma_wait3A_80 = arith.constant 0 : i32
      %dma_wait3A_81 = tpu.memref_slice %arg7[%mul3A_75, %dma_wait3A_80] : memref<5120x16xf32, #tpu.memory_space<vmem>> -> memref<128x16xf32, #tpu.memory_space<vmem>>
      %dma_wait3A_82 = arith.constant 0 : i32
      %dma_wait3A_83 = tpu.memref_slice %arg2[%add3A_73, %dma_wait3A_82] : memref<160000x16xf32, #tpu.memory_space<hbm>> -> memref<128x16xf32, #tpu.memory_space<hbm>>
      tpu.wait_dma2 semaphore(%arg9 : memref<!tpu.dma_semaphore, #tpu.memory_space<semaphore_mem>>) src(%dma_wait3A_83 : memref<128x16xf32, #tpu.memory_space<hbm>>) dst(%dma_wait3A_81 : memref<128x16xf32, #tpu.memory_space<vmem>>)
    }
    %while3A_27 = arith.constant 1 : i32
    scf.for %while3A_53 = %while3A_25 to %while3A_21 step %while3A_27  : i32 {
      %mul3A_54 = arith.constant 128 : i32
      %mul3A_55 = arith.muli %while3A_53, %mul3A_54 : i32
      %add3A_56 = arith.addi %mul3A_2, %mul3A_55 : i32
      %dma_wait3A = arith.constant 1 : i32
      %dma_wait3A_57 = arith.constant 0 : i32
      %dma_wait3A_58 = tpu.memref_slice %arg6[%while3A_53, %dma_wait3A_57] : memref<40x128xi32, #tpu.memory_space<vmem>> -> memref<1x128xi32, #tpu.memory_space<vmem>>
      %dma_wait3A_59 = tpu.memref_squeeze %dma_wait3A_58 : memref<1x128xi32, #tpu.memory_space<vmem>> -> memref<128xi32, #tpu.memory_space<vmem>>
      %dma_wait3A_60 = arith.constant 0 : i32
      %dma_wait3A_61 = tpu.memref_slice %arg3[%dma_wait3A, %dma_wait3A_60] : memref<2x160000xi32, #tpu.memory_space<hbm>> -> memref<1x160000xi32, #tpu.memory_space<hbm>>
      %dma_wait3A_62 = tpu.memref_squeeze %dma_wait3A_61 : memref<1x160000xi32, #tpu.memory_space<hbm>> -> memref<160000xi32, #tpu.memory_space<hbm>>
      %dma_wait3A_63 = tpu.memref_slice %dma_wait3A_62[%add3A_56] : memref<160000xi32, #tpu.memory_space<hbm>> -> memref<128xi32, #tpu.memory_space<hbm>>
      %dma_wait3A_64 = arith.constant 0 : i32
      %dma_wait3A_65 = tpu.memref_slice %arg6[%while3A_53, %dma_wait3A_64] : memref<40x128xi32, #tpu.memory_space<vmem>> -> memref<1x128xi32, #tpu.memory_space<vmem>>
      %dma_wait3A_66 = tpu.memref_squeeze %dma_wait3A_65 : memref<1x128xi32, #tpu.memory_space<vmem>> -> memref<128xi32, #tpu.memory_space<vmem>>
      %dma_wait3A_67 = arith.constant 0 : i32
      %dma_wait3A_68 = tpu.memref_slice %arg3[%dma_wait3A, %dma_wait3A_67] : memref<2x160000xi32, #tpu.memory_space<hbm>> -> memref<1x160000xi32, #tpu.memory_space<hbm>>
      %dma_wait3A_69 = tpu.memref_squeeze %dma_wait3A_68 : memref<1x160000xi32, #tpu.memory_space<hbm>> -> memref<160000xi32, #tpu.memory_space<hbm>>
      %dma_wait3A_70 = tpu.memref_slice %dma_wait3A_69[%add3A_56] : memref<160000xi32, #tpu.memory_space<hbm>> -> memref<128xi32, #tpu.memory_space<hbm>>
      tpu.wait_dma2 semaphore(%arg9 : memref<!tpu.dma_semaphore, #tpu.memory_space<semaphore_mem>>) src(%dma_wait3A_70 : memref<128xi32, #tpu.memory_space<hbm>>) dst(%dma_wait3A_66 : memref<128xi32, #tpu.memory_space<vmem>>)
      %mul3A_71 = arith.constant 128 : i32
      %mul3A_72 = arith.muli %while3A_53, %mul3A_71 : i32
      %add3A_73 = arith.addi %mul3A_2, %mul3A_72 : i32
      %mul3A_74 = arith.constant 128 : i32
      %mul3A_75 = arith.muli %while3A_53, %mul3A_74 : i32
      %dma_wait3A_76 = arith.constant 0 : i32
      %dma_wait3A_77 = tpu.memref_slice %arg7[%mul3A_75, %dma_wait3A_76] : memref<5120x16xf32, #tpu.memory_space<vmem>> -> memref<128x16xf32, #tpu.memory_space<vmem>>
      %dma_wait3A_78 = arith.constant 0 : i32
      %dma_wait3A_79 = tpu.memref_slice %arg2[%add3A_73, %dma_wait3A_78] : memref<160000x16xf32, #tpu.memory_space<hbm>> -> memref<128x16xf32, #tpu.memory_space<hbm>>
      %dma_wait3A_80 = arith.constant 0 : i32
      %dma_wait3A_81 = tpu.memref_slice %arg7[%mul3A_75, %dma_wait3A_80] : memref<5120x16xf32, #tpu.memory_space<vmem>> -> memref<128x16xf32, #tpu.memory_space<vmem>>
      %dma_wait3A_82 = arith.constant 0 : i32
      %dma_wait3A_83 = tpu.memref_slice %arg2[%add3A_73, %dma_wait3A_82] : memref<160000x16xf32, #tpu.memory_space<hbm>> -> memref<128x16xf32, #tpu.memory_space<hbm>>
      tpu.wait_dma2 semaphore(%arg9 : memref<!tpu.dma_semaphore, #tpu.memory_space<semaphore_mem>>) src(%dma_wait3A_83 : memref<128x16xf32, #tpu.memory_space<hbm>>) dst(%dma_wait3A_81 : memref<128x16xf32, #tpu.memory_space<vmem>>)
    }
    %barrier3A = arith.constant 0 : index
    tpu.barrier barrier_id(%barrier3A)
    %while3A_28 = arith.constant 0 : i32
    %while3A_29 = arith.constant 0 : i32
    %while3A_30 = arith.subi %select_n3A, %while3A_29 : i32
    %while3A_31 = arith.addi %while3A_29, %while3A_30 : i32
    %while3A_32 = arith.constant 1 : i32
    %while3A_33 = arith.divsi %while3A_30, %while3A_32 : i32
    %while3A_34 = arith.muli %while3A_33, %while3A_32 : i32
    %while3A_35 = arith.addi %while3A_29, %while3A_34 : i32
    %while3A_36 = arith.constant 1 : i32
    scf.for %while3A_53 = %while3A_29 to %while3A_35 step %while3A_36  : i32 {
      %mul3A_54 = arith.constant 128 : i32
      %mul3A_55 = arith.muli %while3A_53, %mul3A_54 : i32
      %dma_start3A = arith.constant 0 : i32
      %dma_start3A_56 = tpu.memref_slice %arg7[%mul3A_55, %dma_start3A] : memref<5120x16xf32, #tpu.memory_space<vmem>> -> memref<128x16xf32, #tpu.memory_space<vmem>>
      %dma_start3A_57 = arith.constant 0 : i32
      %dma_start3A_58 = tpu.memref_slice %arg6[%while3A_53, %dma_start3A_57] : memref<40x128xi32, #tpu.memory_space<vmem>> -> memref<1x128xi32, #tpu.memory_space<vmem>>
      %dma_start3A_59 = tpu.memref_squeeze %dma_start3A_58 : memref<1x128xi32, #tpu.memory_space<vmem>> -> memref<128xi32, #tpu.memory_space<vmem>>
      %dma_start3A_60 = arith.constant 0 : i32
      %dma_start3A_61 = arith.constant 0 : i32
      %dma_start3A_62 = tpu.memref_slice %arg8[%dma_start3A_60, %dma_start3A_61] : memref<10240x16xf32, #tpu.memory_space<vmem_shared>> -> memref<10240x16xf32, #tpu.memory_space<vmem_shared>>
      tpu.enqueue_indirect_dma source(%dma_start3A_56 : memref<128x16xf32, #tpu.memory_space<vmem>>) target(%dma_start3A_62 : memref<10240x16xf32, #tpu.memory_space<vmem_shared>>) offsets(%dma_start3A_59 : memref<128xi32, #tpu.memory_space<vmem>>) semaphore(%arg9 : memref<!tpu.dma_semaphore, #tpu.memory_space<semaphore_mem>>) {add = true}
    }
    %while3A_37 = arith.constant 1 : i32
    scf.for %while3A_53 = %while3A_35 to %while3A_31 step %while3A_37  : i32 {
      %mul3A_54 = arith.constant 128 : i32
      %mul3A_55 = arith.muli %while3A_53, %mul3A_54 : i32
      %dma_start3A = arith.constant 0 : i32
      %dma_start3A_56 = tpu.memref_slice %arg7[%mul3A_55, %dma_start3A] : memref<5120x16xf32, #tpu.memory_space<vmem>> -> memref<128x16xf32, #tpu.memory_space<vmem>>
      %dma_start3A_57 = arith.constant 0 : i32
      %dma_start3A_58 = tpu.memref_slice %arg6[%while3A_53, %dma_start3A_57] : memref<40x128xi32, #tpu.memory_space<vmem>> -> memref<1x128xi32, #tpu.memory_space<vmem>>
      %dma_start3A_59 = tpu.memref_squeeze %dma_start3A_58 : memref<1x128xi32, #tpu.memory_space<vmem>> -> memref<128xi32, #tpu.memory_space<vmem>>
      %dma_start3A_60 = arith.constant 0 : i32
      %dma_start3A_61 = arith.constant 0 : i32
      %dma_start3A_62 = tpu.memref_slice %arg8[%dma_start3A_60, %dma_start3A_61] : memref<10240x16xf32, #tpu.memory_space<vmem_shared>> -> memref<10240x16xf32, #tpu.memory_space<vmem_shared>>
      tpu.enqueue_indirect_dma source(%dma_start3A_56 : memref<128x16xf32, #tpu.memory_space<vmem>>) target(%dma_start3A_62 : memref<10240x16xf32, #tpu.memory_space<vmem_shared>>) offsets(%dma_start3A_59 : memref<128xi32, #tpu.memory_space<vmem>>) semaphore(%arg9 : memref<!tpu.dma_semaphore, #tpu.memory_space<semaphore_mem>>) {add = true}
    }
    %while3A_38 = arith.constant 0 : i32
    %while3A_39 = arith.constant 0 : i32
    %while3A_40 = arith.subi %select_n3A, %while3A_39 : i32
    %while3A_41 = arith.addi %while3A_39, %while3A_40 : i32
    %while3A_42 = arith.constant 1 : i32
    %while3A_43 = arith.divsi %while3A_40, %while3A_42 : i32
    %while3A_44 = arith.muli %while3A_43, %while3A_42 : i32
    %while3A_45 = arith.addi %while3A_39, %while3A_44 : i32
    %while3A_46 = arith.constant 1 : i32
    scf.for %while3A_53 = %while3A_39 to %while3A_45 step %while3A_46  : i32 {
      %mul3A_54 = arith.constant 128 : i32
      %mul3A_55 = arith.muli %while3A_53, %mul3A_54 : i32
      %dma_wait3A = arith.constant 0 : i32
      %dma_wait3A_56 = tpu.memref_slice %arg7[%mul3A_55, %dma_wait3A] : memref<5120x16xf32, #tpu.memory_space<vmem>> -> memref<128x16xf32, #tpu.memory_space<vmem>>
      %dma_wait3A_57 = arith.constant 0 : i32
      %dma_wait3A_58 = tpu.memref_slice %arg6[%while3A_53, %dma_wait3A_57] : memref<40x128xi32, #tpu.memory_space<vmem>> -> memref<1x128xi32, #tpu.memory_space<vmem>>
      %dma_wait3A_59 = tpu.memref_squeeze %dma_wait3A_58 : memref<1x128xi32, #tpu.memory_space<vmem>> -> memref<128xi32, #tpu.memory_space<vmem>>
      %dma_wait3A_60 = arith.constant 0 : i32
      %dma_wait3A_61 = arith.constant 0 : i32
      %dma_wait3A_62 = tpu.memref_slice %arg8[%dma_wait3A_60, %dma_wait3A_61] : memref<10240x16xf32, #tpu.memory_space<vmem_shared>> -> memref<10240x16xf32, #tpu.memory_space<vmem_shared>>
      tpu.wait_indirect_dma semaphore(%arg9 : memref<!tpu.dma_semaphore, #tpu.memory_space<semaphore_mem>>) src(%dma_wait3A_56 : memref<128x16xf32, #tpu.memory_space<vmem>>) dst(%dma_wait3A_62 : memref<10240x16xf32, #tpu.memory_space<vmem_shared>>)
    }
    %while3A_47 = arith.constant 1 : i32
    scf.for %while3A_53 = %while3A_45 to %while3A_41 step %while3A_47  : i32 {
      %mul3A_54 = arith.constant 128 : i32
      %mul3A_55 = arith.muli %while3A_53, %mul3A_54 : i32
      %dma_wait3A = arith.constant 0 : i32
      %dma_wait3A_56 = tpu.memref_slice %arg7[%mul3A_55, %dma_wait3A] : memref<5120x16xf32, #tpu.memory_space<vmem>> -> memref<128x16xf32, #tpu.memory_space<vmem>>
      %dma_wait3A_57 = arith.constant 0 : i32
      %dma_wait3A_58 = tpu.memref_slice %arg6[%while3A_53, %dma_wait3A_57] : memref<40x128xi32, #tpu.memory_space<vmem>> -> memref<1x128xi32, #tpu.memory_space<vmem>>
      %dma_wait3A_59 = tpu.memref_squeeze %dma_wait3A_58 : memref<1x128xi32, #tpu.memory_space<vmem>> -> memref<128xi32, #tpu.memory_space<vmem>>
      %dma_wait3A_60 = arith.constant 0 : i32
      %dma_wait3A_61 = arith.constant 0 : i32
      %dma_wait3A_62 = tpu.memref_slice %arg8[%dma_wait3A_60, %dma_wait3A_61] : memref<10240x16xf32, #tpu.memory_space<vmem_shared>> -> memref<10240x16xf32, #tpu.memory_space<vmem_shared>>
      tpu.wait_indirect_dma semaphore(%arg9 : memref<!tpu.dma_semaphore, #tpu.memory_space<semaphore_mem>>) src(%dma_wait3A_56 : memref<128x16xf32, #tpu.memory_space<vmem>>) dst(%dma_wait3A_62 : memref<10240x16xf32, #tpu.memory_space<vmem_shared>>)
    }
    %barrier3A_48 = arith.constant 0 : index
    tpu.barrier barrier_id(%barrier3A_48)
    %mul3A_49 = arith.constant 640 : i32
    %mul3A_50 = arith.muli %arg1, %mul3A_49 : i32
    %mul3A_51 = arith.constant 640 : i32
    %mul3A_52 = arith.muli %arg1, %mul3A_51 : i32
    "tpu.region"() ({
      %run_scoped3A = tpu.sem_alloc : memref<!tpu.dma_semaphore, #tpu.memory_space<semaphore_mem>>
      %dma_start3A = arith.constant 0 : i32
      %dma_start3A_53 = arith.constant 0 : i32
      %dma_start3A_54 = tpu.memref_slice %arg5[%arg0, %dma_start3A, %dma_start3A_53] : memref<2x10240x16xf32, #tpu.memory_space<hbm>> -> memref<1x10240x16xf32, #tpu.memory_space<hbm>>
      %dma_start3A_55 = tpu.memref_squeeze %dma_start3A_54 : memref<1x10240x16xf32, #tpu.memory_space<hbm>> -> memref<10240x16xf32, #tpu.memory_space<hbm>>
      %dma_start3A_56 = arith.constant 0 : i32
      %dma_start3A_57 = tpu.memref_slice %dma_start3A_55[%mul3A_52, %dma_start3A_56] : memref<10240x16xf32, #tpu.memory_space<hbm>> -> memref<640x16xf32, #tpu.memory_space<hbm>>
      %dma_start3A_58 = arith.constant 0 : i32
      %dma_start3A_59 = tpu.memref_slice %arg8[%mul3A_50, %dma_start3A_58] : memref<10240x16xf32, #tpu.memory_space<vmem_shared>> -> memref<640x16xf32, #tpu.memory_space<vmem_shared>>
      tpu.enqueue_dma source(%dma_start3A_59 : memref<640x16xf32, #tpu.memory_space<vmem_shared>>) target(%dma_start3A_57 : memref<640x16xf32, #tpu.memory_space<hbm>>) target_semaphore(%run_scoped3A : memref<!tpu.dma_semaphore, #tpu.memory_space<semaphore_mem>>)
      %dma_wait3A = arith.constant 0 : i32
      %dma_wait3A_60 = arith.constant 0 : i32
      %dma_wait3A_61 = tpu.memref_slice %arg5[%arg0, %dma_wait3A, %dma_wait3A_60] : memref<2x10240x16xf32, #tpu.memory_space<hbm>> -> memref<1x10240x16xf32, #tpu.memory_space<hbm>>
      %dma_wait3A_62 = tpu.memref_squeeze %dma_wait3A_61 : memref<1x10240x16xf32, #tpu.memory_space<hbm>> -> memref<10240x16xf32, #tpu.memory_space<hbm>>
      %dma_wait3A_63 = arith.constant 0 : i32
      %dma_wait3A_64 = tpu.memref_slice %dma_wait3A_62[%mul3A_52, %dma_wait3A_63] : memref<10240x16xf32, #tpu.memory_space<hbm>> -> memref<640x16xf32, #tpu.memory_space<hbm>>
      %dma_wait3A_65 = arith.constant 0 : i32
      %dma_wait3A_66 = tpu.memref_slice %arg8[%mul3A_50, %dma_wait3A_65] : memref<10240x16xf32, #tpu.memory_space<vmem_shared>> -> memref<640x16xf32, #tpu.memory_space<vmem_shared>>
      tpu.wait_dma2 semaphore(%run_scoped3A : memref<!tpu.dma_semaphore, #tpu.memory_space<semaphore_mem>>) src(%dma_wait3A_66 : memref<640x16xf32, #tpu.memory_space<vmem_shared>>) dst(%dma_wait3A_64 : memref<640x16xf32, #tpu.memory_space<hbm>>)
      tpu.yield
    }) : () -> ()
    return
  }
}

module attributes {stable_mosaic.version = 14 : i64} {
  func.func @_prep_body(%arg0: i32, %arg1: memref<10240x128xf32, #tpu.memory_space<vmem>>, %arg2: memref<128x16xf32, #tpu.memory_space<vmem>>, %arg3: memref<1x16xf32, #tpu.memory_space<vmem>>, %arg4: memref<10240x16xf32, #tpu.memory_space<vmem>>) attributes {dimension_semantics = [#tpu.dimension_semantics<arbitrary>], iteration_bounds = array<i64: 1>, scalar_prefetch = 0 : i64, scratch_operands = 0 : i64, tpu.core_type = #tpu.core_type<tc>, window_params = [{transform_indices = @transform_0, window_bounds = array<i64: 10240, 128>}, {pipeline_mode = #tpu.pipeline_mode<synchronous>, transform_indices = @transform_1, window_bounds = array<i64: 128, 16>}, {pipeline_mode = #tpu.pipeline_mode<synchronous>, transform_indices = @transform_2, window_bounds = array<i64: 1, 16>}, {transform_indices = @transform_3, window_bounds = array<i64: 10240, 16>}]} {
    %get3A = arith.constant 0 : index
    %get3A_0 = arith.constant 0 : index
    %get3A_1 = vector.load %arg1[%get3A, %get3A_0] : memref<10240x128xf32, #tpu.memory_space<vmem>>, vector<10240x128xf32>
    %get3A_2 = arith.constant 0 : index
    %get3A_3 = arith.constant 0 : index
    %get3A_4 = vector.load %arg2[%get3A_2, %get3A_3] : memref<128x16xf32, #tpu.memory_space<vmem>>, vector<128x16xf32>
    %dot_general3A = arith.constant dense<0.000000e+00> : vector<10240x16xf32>
    %dot_general3A_5 = tpu.matmul %get3A_1, %get3A_4, %dot_general3A {dimension_numbers = #tpu.dot_dimension_numbers<[1], [0], [0], [1], [0, 0, 1, 1], [], []>, transpose_lhs_hint = false} : vector<10240x128xf32>, vector<128x16xf32>, vector<10240x16xf32> -> vector<10240x16xf32>
    %get3A_6 = arith.constant 0 : index
    %get3A_7 = arith.constant 0 : index
    %get3A_8 = vector.load %arg3[%get3A_6, %get3A_7] : memref<1x16xf32, #tpu.memory_space<vmem>>, vector<1x16xf32>
    %add3A = vector.broadcast %get3A_8 : vector<1x16xf32> to vector<10240x16xf32>
    %add3A_9 = arith.addf %dot_general3A_5, %add3A : vector<10240x16xf32>
    %max3A = arith.constant 0.000000e+00 : f32
    %max3A_10 = vector.broadcast %max3A : f32 to vector<10240x16xf32>
    %max3A_11 = arith.maximumf %add3A_9, %max3A_10 : vector<10240x16xf32>
    %swap3A = arith.constant 0 : index
    %swap3A_12 = arith.constant 0 : index
    %swap3A_13 = vector.load %arg4[%swap3A, %swap3A_12] : memref<10240x16xf32, #tpu.memory_space<vmem>>, vector<10240x16xf32>
    tpu.vector_store %arg4[%swap3A, %swap3A_12], %max3A_11 {strides = array<i32>} : memref<10240x16xf32, #tpu.memory_space<vmem>>, vector<10240x16xf32>,
    return
  }
  func.func @transform_0(%arg0: i32) -> (i32, i32) {
    %c0_i32 = arith.constant 0 : i32
    %c0_i32_0 = arith.constant 0 : i32
    return %arg0, %c0_i32 : i32, i32
  }
  func.func @transform_1(%arg0: i32) -> (i32, i32) {
    %c0_i32 = arith.constant 0 : i32
    %c0_i32_0 = arith.constant 0 : i32
    %c0_i32_1 = arith.constant 0 : i32
    return %c0_i32, %c0_i32_0 : i32, i32
  }
  func.func @transform_2(%arg0: i32) -> (i32, i32) {
    %c0_i32 = arith.constant 0 : i32
    %c0_i32_0 = arith.constant 0 : i32
    %c0_i32_1 = arith.constant 0 : i32
    return %c0_i32, %c0_i32_0 : i32, i32
  }
  func.func @transform_3(%arg0: i32) -> (i32, i32) {
    %c0_i32 = arith.constant 0 : i32
    %c0_i32_0 = arith.constant 0 : i32
    return %arg0, %c0_i32 : i32, i32
  }
}

module attributes {stable_mosaic.version = 14 : i64} {
  func.func @_msg_body(%arg0: i32, %arg1: memref<8000x16xf32, #tpu.memory_space<vmem>>, %arg2: memref<8000x16xf32, #tpu.memory_space<vmem>>, %arg3: memref<16x128xf32, #tpu.memory_space<vmem>>, %arg4: memref<1x128xf32, #tpu.memory_space<vmem>>, %arg5: memref<128x256xbf16, #tpu.memory_space<vmem>>, %arg6: memref<1x256xf32, #tpu.memory_space<vmem>>, %arg7: memref<16x256xf32, #tpu.memory_space<vmem>>, %arg8: memref<256x16xf32, #tpu.memory_space<vmem>>, %arg9: memref<8000x16xf32, #tpu.memory_space<vmem>>) attributes {dimension_semantics = [#tpu.dimension_semantics<arbitrary>], iteration_bounds = array<i64: 20>, scalar_prefetch = 0 : i64, scratch_operands = 0 : i64, tpu.core_type = #tpu.core_type<tc>, window_params = [{transform_indices = @transform_0, window_bounds = array<i64: 8000, 16>}, {transform_indices = @transform_1, window_bounds = array<i64: 8000, 16>}, {pipeline_mode = #tpu.pipeline_mode<synchronous>, transform_indices = @transform_2, window_bounds = array<i64: 16, 128>}, {pipeline_mode = #tpu.pipeline_mode<synchronous>, transform_indices = @transform_3, window_bounds = array<i64: 1, 128>}, {pipeline_mode = #tpu.pipeline_mode<synchronous>, transform_indices = @transform_4, window_bounds = array<i64: 128, 256>}, {pipeline_mode = #tpu.pipeline_mode<synchronous>, transform_indices = @transform_5, window_bounds = array<i64: 1, 256>}, {pipeline_mode = #tpu.pipeline_mode<synchronous>, transform_indices = @transform_6, window_bounds = array<i64: 16, 256>}, {pipeline_mode = #tpu.pipeline_mode<synchronous>, transform_indices = @transform_7, window_bounds = array<i64: 256, 16>}, {transform_indices = @transform_8, window_bounds = array<i64: 8000, 16>}]} {
    %get3A = arith.constant 0 : index
    %get3A_0 = arith.constant 0 : index
    %get3A_1 = vector.load %arg1[%get3A, %get3A_0] : memref<8000x16xf32, #tpu.memory_space<vmem>>, vector<8000x16xf32>
    %get3A_2 = arith.constant 0 : index
    %get3A_3 = arith.constant 0 : index
    %get3A_4 = vector.load %arg3[%get3A_2, %get3A_3] : memref<16x128xf32, #tpu.memory_space<vmem>>, vector<16x128xf32>
    %dot_general3A = arith.constant dense<0.000000e+00> : vector<8000x128xf32>
    %dot_general3A_5 = tpu.matmul %get3A_1, %get3A_4, %dot_general3A {dimension_numbers = #tpu.dot_dimension_numbers<[1], [0], [0], [1], [0, 0, 1, 1], [], []>, transpose_lhs_hint = false} : vector<8000x16xf32>, vector<16x128xf32>, vector<8000x128xf32> -> vector<8000x128xf32>
    %get3A_6 = arith.constant 0 : index
    %get3A_7 = arith.constant 0 : index
    %get3A_8 = vector.load %arg4[%get3A_6, %get3A_7] : memref<1x128xf32, #tpu.memory_space<vmem>>, vector<1x128xf32>
    %add3A = vector.broadcast %get3A_8 : vector<1x128xf32> to vector<8000x128xf32>
    %add3A_9 = arith.addf %dot_general3A_5, %add3A : vector<8000x128xf32>
    %max3A = arith.constant 0.000000e+00 : f32
    %max3A_10 = vector.broadcast %max3A : f32 to vector<8000x128xf32>
    %max3A_11 = arith.maximumf %add3A_9, %max3A_10 : vector<8000x128xf32>
    %convert_element_type3A = arith.truncf %max3A_11 : vector<8000x128xf32> to vector<8000x128xbf16>
    %get3A_12 = arith.constant 0 : index
    %get3A_13 = arith.constant 0 : index
    %get3A_14 = vector.load %arg5[%get3A_12, %get3A_13] : memref<128x256xbf16, #tpu.memory_space<vmem>>, vector<128x256xbf16>
    %dot_general3A_15 = arith.constant dense<0.000000e+00> : vector<8000x256xf32>
    %dot_general3A_16 = tpu.matmul %convert_element_type3A, %get3A_14, %dot_general3A_15 {dimension_numbers = #tpu.dot_dimension_numbers<[1], [0], [0], [1], [0, 0, 1, 1], [], []>, transpose_lhs_hint = false} : vector<8000x128xbf16>, vector<128x256xbf16>, vector<8000x256xf32> -> vector<8000x256xf32>
    %get3A_17 = arith.constant 0 : index
    %get3A_18 = arith.constant 0 : index
    %get3A_19 = vector.load %arg6[%get3A_17, %get3A_18] : memref<1x256xf32, #tpu.memory_space<vmem>>, vector<1x256xf32>
    %add3A_20 = vector.broadcast %get3A_19 : vector<1x256xf32> to vector<8000x256xf32>
    %add3A_21 = arith.addf %dot_general3A_16, %add3A_20 : vector<8000x256xf32>
    %get3A_22 = arith.constant 0 : index
    %get3A_23 = arith.constant 0 : index
    %get3A_24 = vector.load %arg2[%get3A_22, %get3A_23] : memref<8000x16xf32, #tpu.memory_space<vmem>>, vector<8000x16xf32>
    %get3A_25 = arith.constant 0 : index
    %get3A_26 = arith.constant 0 : index
    %get3A_27 = vector.load %arg7[%get3A_25, %get3A_26] : memref<16x256xf32, #tpu.memory_space<vmem>>, vector<16x256xf32>
    %dot_general3A_28 = arith.constant dense<0.000000e+00> : vector<8000x256xf32>
    %dot_general3A_29 = tpu.matmul %get3A_24, %get3A_27, %dot_general3A_28 {dimension_numbers = #tpu.dot_dimension_numbers<[1], [0], [0], [1], [0, 0, 1, 1], [], []>, transpose_lhs_hint = false} : vector<8000x16xf32>, vector<16x256xf32>, vector<8000x256xf32> -> vector<8000x256xf32>
    %mul3A = arith.mulf %dot_general3A_29, %add3A_21 : vector<8000x256xf32>
    %get3A_30 = arith.constant 0 : index
    %get3A_31 = arith.constant 0 : index
    %get3A_32 = vector.load %arg8[%get3A_30, %get3A_31] : memref<256x16xf32, #tpu.memory_space<vmem>>, vector<256x16xf32>
    %dot_general3A_33 = arith.constant dense<0.000000e+00> : vector<8000x16xf32>
    %dot_general3A_34 = tpu.matmul %mul3A, %get3A_32, %dot_general3A_33 {dimension_numbers = #tpu.dot_dimension_numbers<[1], [0], [0], [1], [0, 0, 1, 1], [], []>, transpose_lhs_hint = false} : vector<8000x256xf32>, vector<256x16xf32>, vector<8000x16xf32> -> vector<8000x16xf32>
    %swap3A = arith.constant 0 : index
    %swap3A_35 = arith.constant 0 : index
    %swap3A_36 = vector.load %arg9[%swap3A, %swap3A_35] : memref<8000x16xf32, #tpu.memory_space<vmem>>, vector<8000x16xf32>
    tpu.vector_store %arg9[%swap3A, %swap3A_35], %dot_general3A_34 {strides = array<i32>} : memref<8000x16xf32, #tpu.memory_space<vmem>>, vector<8000x16xf32>,
    return
  }
  func.func @transform_0(%arg0: i32) -> (i32, i32) {
    %c0_i32 = arith.constant 0 : i32
    %c0_i32_0 = arith.constant 0 : i32
    return %arg0, %c0_i32 : i32, i32
  }
  func.func @transform_1(%arg0: i32) -> (i32, i32) {
    %c0_i32 = arith.constant 0 : i32
    %c0_i32_0 = arith.constant 0 : i32
    return %arg0, %c0_i32 : i32, i32
  }
  func.func @transform_2(%arg0: i32) -> (i32, i32) {
    %c0_i32 = arith.constant 0 : i32
    %c0_i32_0 = arith.constant 0 : i32
    %c0_i32_1 = arith.constant 0 : i32
    return %c0_i32, %c0_i32_0 : i32, i32
  }
  func.func @transform_3(%arg0: i32) -> (i32, i32) {
    %c0_i32 = arith.constant 0 : i32
    %c0_i32_0 = arith.constant 0 : i32
    %c0_i32_1 = arith.constant 0 : i32
    return %c0_i32, %c0_i32_0 : i32, i32
  }
  func.func @transform_4(%arg0: i32) -> (i32, i32) {
    %c0_i32 = arith.constant 0 : i32
    %c0_i32_0 = arith.constant 0 : i32
    %c0_i32_1 = arith.constant 0 : i32
    return %c0_i32, %c0_i32_0 : i32, i32
  }
  func.func @transform_5(%arg0: i32) -> (i32, i32) {
    %c0_i32 = arith.constant 0 : i32
    %c0_i32_0 = arith.constant 0 : i32
    %c0_i32_1 = arith.constant 0 : i32
    return %c0_i32, %c0_i32_0 : i32, i32
  }
  func.func @transform_6(%arg0: i32) -> (i32, i32) {
    %c0_i32 = arith.constant 0 : i32
    %c0_i32_0 = arith.constant 0 : i32
    %c0_i32_1 = arith.constant 0 : i32
    return %c0_i32, %c0_i32_0 : i32, i32
  }
  func.func @transform_7(%arg0: i32) -> (i32, i32) {
    %c0_i32 = arith.constant 0 : i32
    %c0_i32_0 = arith.constant 0 : i32
    %c0_i32_1 = arith.constant 0 : i32
    return %c0_i32, %c0_i32_0 : i32, i32
  }
  func.func @transform_8(%arg0: i32) -> (i32, i32) {
    %c0_i32 = arith.constant 0 : i32
    %c0_i32_0 = arith.constant 0 : i32
    return %arg0, %c0_i32 : i32, i32
  }
}

module attributes {stable_mosaic.version = 14 : i64} {
  func.func @_gru_body(%arg0: i32, %arg1: memref<2x10240x16xf32, #tpu.memory_space<vmem>>, %arg2: memref<2x10240x16xf32, #tpu.memory_space<vmem>>, %arg3: memref<10240x16xf32, #tpu.memory_space<vmem>>, %arg4: memref<16x16xf32, #tpu.memory_space<vmem>>, %arg5: memref<1x16xf32, #tpu.memory_space<vmem>>, %arg6: memref<16x48xf32, #tpu.memory_space<vmem>>, %arg7: memref<1x48xf32, #tpu.memory_space<vmem>>, %arg8: memref<16x48xf32, #tpu.memory_space<vmem>>, %arg9: memref<1x48xf32, #tpu.memory_space<vmem>>, %arg10: memref<10240x16xf32, #tpu.memory_space<vmem>>) attributes {dimension_semantics = [#tpu.dimension_semantics<arbitrary>], iteration_bounds = array<i64: 1>, scalar_prefetch = 0 : i64, scratch_operands = 0 : i64, tpu.core_type = #tpu.core_type<tc>, window_params = [{transform_indices = @transform_0, window_bounds = array<i64: 2, 10240, 16>}, {transform_indices = @transform_1, window_bounds = array<i64: 2, 10240, 16>}, {transform_indices = @transform_2, window_bounds = array<i64: 10240, 16>}, {pipeline_mode = #tpu.pipeline_mode<synchronous>, transform_indices = @transform_3, window_bounds = array<i64: 16, 16>}, {pipeline_mode = #tpu.pipeline_mode<synchronous>, transform_indices = @transform_4, window_bounds = array<i64: 1, 16>}, {pipeline_mode = #tpu.pipeline_mode<synchronous>, transform_indices = @transform_5, window_bounds = array<i64: 16, 48>}, {pipeline_mode = #tpu.pipeline_mode<synchronous>, transform_indices = @transform_6, window_bounds = array<i64: 1, 48>}, {pipeline_mode = #tpu.pipeline_mode<synchronous>, transform_indices = @transform_7, window_bounds = array<i64: 16, 48>}, {pipeline_mode = #tpu.pipeline_mode<synchronous>, transform_indices = @transform_8, window_bounds = array<i64: 1, 48>}, {transform_indices = @transform_9, window_bounds = array<i64: 10240, 16>}]} {
    %get3A = arith.constant 0 : index
    %get3A_0 = arith.constant 0 : index
    %get3A_1 = arith.constant 0 : index
    %get3A_2 = vector.load %arg1[%get3A, %get3A_0, %get3A_1] : memref<2x10240x16xf32, #tpu.memory_space<vmem>>, vector<1x10240x16xf32>
    %get3A_3 = vector.shape_cast %get3A_2 : vector<1x10240x16xf32> to vector<10240x16xf32>
    %get3A_4 = arith.constant 1 : index
    %get3A_5 = arith.constant 0 : index
    %get3A_6 = arith.constant 0 : index
    %get3A_7 = vector.load %arg1[%get3A_4, %get3A_5, %get3A_6] : memref<2x10240x16xf32, #tpu.memory_space<vmem>>, vector<1x10240x16xf32>
    %get3A_8 = vector.shape_cast %get3A_7 : vector<1x10240x16xf32> to vector<10240x16xf32>
    %add3A = arith.addf %get3A_3, %get3A_8 : vector<10240x16xf32>
    %get3A_9 = arith.constant 0 : index
    %get3A_10 = arith.constant 0 : index
    %get3A_11 = arith.constant 0 : index
    %get3A_12 = vector.load %arg2[%get3A_9, %get3A_10, %get3A_11] : memref<2x10240x16xf32, #tpu.memory_space<vmem>>, vector<1x10240x16xf32>
    %get3A_13 = vector.shape_cast %get3A_12 : vector<1x10240x16xf32> to vector<10240x16xf32>
    %slice3A = vector.extract_strided_slice %get3A_13 {offsets = [0, 0], sizes = [10240, 1], strides = [1, 1]} : vector<10240x16xf32> to vector<10240x1xf32>
    %get3A_14 = arith.constant 1 : index
    %get3A_15 = arith.constant 0 : index
    %get3A_16 = arith.constant 0 : index
    %get3A_17 = vector.load %arg2[%get3A_14, %get3A_15, %get3A_16] : memref<2x10240x16xf32, #tpu.memory_space<vmem>>, vector<1x10240x16xf32>
    %get3A_18 = vector.shape_cast %get3A_17 : vector<1x10240x16xf32> to vector<10240x16xf32>
    %slice3A_19 = vector.extract_strided_slice %get3A_18 {offsets = [0, 0], sizes = [10240, 1], strides = [1, 1]} : vector<10240x16xf32> to vector<10240x1xf32>
    %add3A_20 = arith.addf %slice3A, %slice3A_19 : vector<10240x1xf32>
    %max3A = arith.constant 1.000000e+00 : f32
    %max3A_21 = vector.broadcast %max3A : f32 to vector<10240x1xf32>
    %max3A_22 = arith.maximumf %add3A_20, %max3A_21 : vector<10240x1xf32>
    %div3A = arith.constant 1.000000e+00 : f32
    %div3A_23 = vector.broadcast %div3A : f32 to vector<10240x1xf32>
    %div3A_24 = arith.divf %div3A_23, %max3A_22 : vector<10240x1xf32>
    %get3A_25 = arith.constant 0 : index
    %get3A_26 = arith.constant 0 : index
    %get3A_27 = vector.load %arg3[%get3A_25, %get3A_26] : memref<10240x16xf32, #tpu.memory_space<vmem>>, vector<10240x16xf32>
    %mul3A = vector.broadcast %div3A_24 : vector<10240x1xf32> to vector<10240x16xf32>
    %mul3A_28 = arith.mulf %add3A, %mul3A : vector<10240x16xf32>
    %get3A_29 = arith.constant 0 : index
    %get3A_30 = arith.constant 0 : index
    %get3A_31 = vector.load %arg4[%get3A_29, %get3A_30] : memref<16x16xf32, #tpu.memory_space<vmem>>, vector<16x16xf32>
    %dot_general3A = arith.constant dense<0.000000e+00> : vector<10240x16xf32>
    %dot_general3A_32 = tpu.matmul %get3A_27, %get3A_31, %dot_general3A {dimension_numbers = #tpu.dot_dimension_numbers<[1], [0], [0], [1], [0, 0, 1, 1], [], []>, transpose_lhs_hint = false} : vector<10240x16xf32>, vector<16x16xf32>, vector<10240x16xf32> -> vector<10240x16xf32>
    %add3A_33 = arith.addf %mul3A_28, %dot_general3A_32 : vector<10240x16xf32>
    %get3A_34 = arith.constant 0 : index
    %get3A_35 = arith.constant 0 : index
    %get3A_36 = vector.load %arg5[%get3A_34, %get3A_35] : memref<1x16xf32, #tpu.memory_space<vmem>>, vector<1x16xf32>
    %add3A_37 = vector.broadcast %get3A_36 : vector<1x16xf32> to vector<10240x16xf32>
    %add3A_38 = arith.addf %add3A_33, %add3A_37 : vector<10240x16xf32>
    %max3A_39 = arith.constant 0.000000e+00 : f32
    %max3A_40 = vector.broadcast %max3A_39 : f32 to vector<10240x16xf32>
    %max3A_41 = arith.maximumf %add3A_38, %max3A_40 : vector<10240x16xf32>
    %get3A_42 = arith.constant 0 : index
    %get3A_43 = arith.constant 0 : index
    %get3A_44 = vector.load %arg6[%get3A_42, %get3A_43] : memref<16x48xf32, #tpu.memory_space<vmem>>, vector<16x48xf32>
    %dot_general3A_45 = arith.constant dense<0.000000e+00> : vector<10240x48xf32>
    %dot_general3A_46 = tpu.matmul %max3A_41, %get3A_44, %dot_general3A_45 {dimension_numbers = #tpu.dot_dimension_numbers<[1], [0], [0], [1], [0, 0, 1, 1], [], []>, transpose_lhs_hint = false} : vector<10240x16xf32>, vector<16x48xf32>, vector<10240x48xf32> -> vector<10240x48xf32>
    %get3A_47 = arith.constant 0 : index
    %get3A_48 = arith.constant 0 : index
    %get3A_49 = vector.load %arg7[%get3A_47, %get3A_48] : memref<1x48xf32, #tpu.memory_space<vmem>>, vector<1x48xf32>
    %add3A_50 = vector.broadcast %get3A_49 : vector<1x48xf32> to vector<10240x48xf32>
    %add3A_51 = arith.addf %dot_general3A_46, %add3A_50 : vector<10240x48xf32>
    %get3A_52 = arith.constant 0 : index
    %get3A_53 = arith.constant 0 : index
    %get3A_54 = vector.load %arg8[%get3A_52, %get3A_53] : memref<16x48xf32, #tpu.memory_space<vmem>>, vector<16x48xf32>
    %dot_general3A_55 = arith.constant dense<0.000000e+00> : vector<10240x48xf32>
    %dot_general3A_56 = tpu.matmul %get3A_27, %get3A_54, %dot_general3A_55 {dimension_numbers = #tpu.dot_dimension_numbers<[1], [0], [0], [1], [0, 0, 1, 1], [], []>, transpose_lhs_hint = false} : vector<10240x16xf32>, vector<16x48xf32>, vector<10240x48xf32> -> vector<10240x48xf32>
    %get3A_57 = arith.constant 0 : index
    %get3A_58 = arith.constant 0 : index
    %get3A_59 = vector.load %arg9[%get3A_57, %get3A_58] : memref<1x48xf32, #tpu.memory_space<vmem>>, vector<1x48xf32>
    %add3A_60 = vector.broadcast %get3A_59 : vector<1x48xf32> to vector<10240x48xf32>
    %add3A_61 = arith.addf %dot_general3A_56, %add3A_60 : vector<10240x48xf32>
    %slice3A_62 = vector.extract_strided_slice %add3A_51 {offsets = [0, 0], sizes = [10240, 16], strides = [1, 1]} : vector<10240x48xf32> to vector<10240x16xf32>
    %slice3A_63 = vector.extract_strided_slice %add3A_61 {offsets = [0, 0], sizes = [10240, 16], strides = [1, 1]} : vector<10240x48xf32> to vector<10240x16xf32>
    %add3A_64 = arith.addf %slice3A_62, %slice3A_63 : vector<10240x16xf32>
    %logistic3A = arith.negf %add3A_64 : vector<10240x16xf32>
    %logistic3A_65 = math.exp %logistic3A : vector<10240x16xf32>
    %logistic3A_66 = arith.constant 1.000000e+00 : f32
    %logistic3A_67 = vector.broadcast %logistic3A_66 : f32 to vector<10240x16xf32>
    %logistic3A_68 = arith.addf %logistic3A_67, %logistic3A_65 : vector<10240x16xf32>
    %logistic3A_69 = arith.divf %logistic3A_67, %logistic3A_68 : vector<10240x16xf32>
    %slice3A_70 = vector.extract_strided_slice %add3A_51 {offsets = [0, 16], sizes = [10240, 16], strides = [1, 1]} : vector<10240x48xf32> to vector<10240x16xf32>
    %slice3A_71 = vector.extract_strided_slice %add3A_61 {offsets = [0, 16], sizes = [10240, 16], strides = [1, 1]} : vector<10240x48xf32> to vector<10240x16xf32>
    %add3A_72 = arith.addf %slice3A_70, %slice3A_71 : vector<10240x16xf32>
    %logistic3A_73 = arith.negf %add3A_72 : vector<10240x16xf32>
    %logistic3A_74 = math.exp %logistic3A_73 : vector<10240x16xf32>
    %logistic3A_75 = arith.constant 1.000000e+00 : f32
    %logistic3A_76 = vector.broadcast %logistic3A_75 : f32 to vector<10240x16xf32>
    %logistic3A_77 = arith.addf %logistic3A_76, %logistic3A_74 : vector<10240x16xf32>
    %logistic3A_78 = arith.divf %logistic3A_76, %logistic3A_77 : vector<10240x16xf32>
    %slice3A_79 = vector.extract_strided_slice %add3A_51 {offsets = [0, 32], sizes = [10240, 16], strides = [1, 1]} : vector<10240x48xf32> to vector<10240x16xf32>
    %slice3A_80 = vector.extract_strided_slice %add3A_61 {offsets = [0, 32], sizes = [10240, 16], strides = [1, 1]} : vector<10240x48xf32> to vector<10240x16xf32>
    %mul3A_81 = arith.mulf %logistic3A_69, %slice3A_80 : vector<10240x16xf32>
    %add3A_82 = arith.addf %slice3A_79, %mul3A_81 : vector<10240x16xf32>
    %tanh3A = math.tanh %add3A_82 : vector<10240x16xf32>
    %sub3A = arith.constant 1.000000e+00 : f32
    %sub3A_83 = vector.broadcast %sub3A : f32 to vector<10240x16xf32>
    %sub3A_84 = arith.subf %sub3A_83, %logistic3A_78 : vector<10240x16xf32>
    %mul3A_85 = arith.mulf %sub3A_84, %tanh3A : vector<10240x16xf32>
    %mul3A_86 = arith.mulf %logistic3A_78, %get3A_27 : vector<10240x16xf32>
    %add3A_87 = arith.addf %mul3A_85, %mul3A_86 : vector<10240x16xf32>
    %swap3A = arith.constant 0 : index
    %swap3A_88 = arith.constant 0 : index
    %swap3A_89 = vector.load %arg10[%swap3A, %swap3A_88] : memref<10240x16xf32, #tpu.memory_space<vmem>>, vector<10240x16xf32>
    tpu.vector_store %arg10[%swap3A, %swap3A_88], %add3A_87 {strides = array<i32>} : memref<10240x16xf32, #tpu.memory_space<vmem>>, vector<10240x16xf32>,
    return
  }
  func.func @transform_0(%arg0: i32) -> (i32, i32, i32) {
    %c0_i32 = arith.constant 0 : i32
    %c0_i32_0 = arith.constant 0 : i32
    %c0_i32_1 = arith.constant 0 : i32
    return %c0_i32, %arg0, %c0_i32_0 : i32, i32, i32
  }
  func.func @transform_1(%arg0: i32) -> (i32, i32, i32) {
    %c0_i32 = arith.constant 0 : i32
    %c0_i32_0 = arith.constant 0 : i32
    %c0_i32_1 = arith.constant 0 : i32
    return %c0_i32, %arg0, %c0_i32_0 : i32, i32, i32
  }
  func.func @transform_2(%arg0: i32) -> (i32, i32) {
    %c0_i32 = arith.constant 0 : i32
    %c0_i32_0 = arith.constant 0 : i32
    return %arg0, %c0_i32 : i32, i32
  }
  func.func @transform_3(%arg0: i32) -> (i32, i32) {
    %c0_i32 = arith.constant 0 : i32
    %c0_i32_0 = arith.constant 0 : i32
    %c0_i32_1 = arith.constant 0 : i32
    return %c0_i32, %c0_i32_0 : i32, i32
  }
  func.func @transform_4(%arg0: i32) -> (i32, i32) {
    %c0_i32 = arith.constant 0 : i32
    %c0_i32_0 = arith.constant 0 : i32
    %c0_i32_1 = arith.constant 0 : i32
    return %c0_i32, %c0_i32_0 : i32, i32
  }
  func.func @transform_5(%arg0: i32) -> (i32, i32) {
    %c0_i32 = arith.constant 0 : i32
    %c0_i32_0 = arith.constant 0 : i32
    %c0_i32_1 = arith.constant 0 : i32
    return %c0_i32, %c0_i32_0 : i32, i32
  }
  func.func @transform_6(%arg0: i32) -> (i32, i32) {
    %c0_i32 = arith.constant 0 : i32
    %c0_i32_0 = arith.constant 0 : i32
    %c0_i32_1 = arith.constant 0 : i32
    return %c0_i32, %c0_i32_0 : i32, i32
  }
  func.func @transform_7(%arg0: i32) -> (i32, i32) {
    %c0_i32 = arith.constant 0 : i32
    %c0_i32_0 = arith.constant 0 : i32
    %c0_i32_1 = arith.constant 0 : i32
    return %c0_i32, %c0_i32_0 : i32, i32
  }
  func.func @transform_8(%arg0: i32) -> (i32, i32) {
    %c0_i32 = arith.constant 0 : i32
    %c0_i32_0 = arith.constant 0 : i32
    %c0_i32_1 = arith.constant 0 : i32
    return %c0_i32, %c0_i32_0 : i32, i32
  }
  func.func @transform_9(%arg0: i32) -> (i32, i32) {
    %c0_i32 = arith.constant 0 : i32
    %c0_i32_0 = arith.constant 0 : i32
    return %arg0, %c0_i32 : i32, i32
  }
}

module attributes {stable_mosaic.version = 14 : i64} {
  func.func @_s2s_body(%arg0: memref<10240x16xf32, #tpu.memory_space<vmem>>, %arg1: memref<10240x64xf32, #tpu.memory_space<vmem>>, %arg2: memref<32x64xf32, #tpu.memory_space<vmem>>, %arg3: memref<1x64xf32, #tpu.memory_space<vmem>>, %arg4: memref<16x64xf32, #tpu.memory_space<vmem>>, %arg5: memref<1x64xf32, #tpu.memory_space<vmem>>, %arg6: memref<64x32xf32, #tpu.memory_space<vmem>>) attributes {dimension_semantics = [], scalar_prefetch = 0 : i64, scratch_operands = 0 : i64, tpu.core_type = #tpu.core_type<tc>} {
    %get3A = arith.constant 0 : index
    %get3A_0 = arith.constant 0 : index
    %get3A_1 = vector.load %arg0[%get3A, %get3A_0] : memref<10240x16xf32, #tpu.memory_space<vmem>>, vector<10240x16xf32>
    %get3A_2 = arith.constant 0 : index
    %get3A_3 = arith.constant 0 : index
    %get3A_4 = vector.load %arg1[%get3A_2, %get3A_3] : memref<10240x64xf32, #tpu.memory_space<vmem>>, vector<10240x64xf32>
    %broadcast_in_dim3A = arith.constant 0.000000e+00 : f32
    %broadcast_in_dim3A_5 = vector.broadcast %broadcast_in_dim3A : f32 to vector<64x32xf32>
    %broadcast_in_dim3A_6 = arith.constant 0.000000e+00 : f32
    %broadcast_in_dim3A_7 = vector.broadcast %broadcast_in_dim3A_6 : f32 to vector<64x16xf32>
    %broadcast_in_dim3A_8 = arith.constant 0.000000e+00 : f32
    %broadcast_in_dim3A_9 = vector.broadcast %broadcast_in_dim3A_8 : f32 to vector<64x16xf32>
    %get3A_10 = arith.constant 0 : index
    %get3A_11 = arith.constant 0 : index
    %get3A_12 = vector.load %arg2[%get3A_10, %get3A_11] : memref<32x64xf32, #tpu.memory_space<vmem>>, vector<32x64xf32>
    %dot_general3A = arith.constant dense<0.000000e+00> : vector<64x64xf32>
    %dot_general3A_13 = tpu.matmul %broadcast_in_dim3A_5, %get3A_12, %dot_general3A {dimension_numbers = #tpu.dot_dimension_numbers<[1], [0], [0], [1], [0, 0, 1, 1], [], []>, transpose_lhs_hint = false} : vector<64x32xf32>, vector<32x64xf32>, vector<64x64xf32> -> vector<64x64xf32>
    %get3A_14 = arith.constant 0 : index
    %get3A_15 = arith.constant 0 : index
    %get3A_16 = vector.load %arg3[%get3A_14, %get3A_15] : memref<1x64xf32, #tpu.memory_space<vmem>>, vector<1x64xf32>
    %add3A = vector.broadcast %get3A_16 : vector<1x64xf32> to vector<64x64xf32>
    %add3A_17 = arith.addf %dot_general3A_13, %add3A : vector<64x64xf32>
    %get3A_18 = arith.constant 0 : index
    %get3A_19 = arith.constant 0 : index
    %get3A_20 = vector.load %arg4[%get3A_18, %get3A_19] : memref<16x64xf32, #tpu.memory_space<vmem>>, vector<16x64xf32>
    %dot_general3A_21 = arith.constant dense<0.000000e+00> : vector<64x64xf32>
    %dot_general3A_22 = tpu.matmul %broadcast_in_dim3A_7, %get3A_20, %dot_general3A_21 {dimension_numbers = #tpu.dot_dimension_numbers<[1], [0], [0], [1], [0, 0, 1, 1], [], []>, transpose_lhs_hint = false} : vector<64x16xf32>, vector<16x64xf32>, vector<64x64xf32> -> vector<64x64xf32>
    %add3A_23 = arith.addf %add3A_17, %dot_general3A_22 : vector<64x64xf32>
    %get3A_24 = arith.constant 0 : index
    %get3A_25 = arith.constant 0 : index
    %get3A_26 = vector.load %arg5[%get3A_24, %get3A_25] : memref<1x64xf32, #tpu.memory_space<vmem>>, vector<1x64xf32>
    %add3A_27 = vector.broadcast %get3A_26 : vector<1x64xf32> to vector<64x64xf32>
    %add3A_28 = arith.addf %add3A_23, %add3A_27 : vector<64x64xf32>
    %slice3A = vector.extract_strided_slice %add3A_28 {offsets = [0, 0], sizes = [64, 16], strides = [1, 1]} : vector<64x64xf32> to vector<64x16xf32>
    %logistic3A = arith.negf %slice3A : vector<64x16xf32>
    %logistic3A_29 = math.exp %logistic3A : vector<64x16xf32>
    %logistic3A_30 = arith.constant 1.000000e+00 : f32
    %logistic3A_31 = vector.broadcast %logistic3A_30 : f32 to vector<64x16xf32>
    %logistic3A_32 = arith.addf %logistic3A_31, %logistic3A_29 : vector<64x16xf32>
    %logistic3A_33 = arith.divf %logistic3A_31, %logistic3A_32 : vector<64x16xf32>
    %slice3A_34 = vector.extract_strided_slice %add3A_28 {offsets = [0, 16], sizes = [64, 16], strides = [1, 1]} : vector<64x64xf32> to vector<64x16xf32>
    %logistic3A_35 = arith.negf %slice3A_34 : vector<64x16xf32>
    %logistic3A_36 = math.exp %logistic3A_35 : vector<64x16xf32>
    %logistic3A_37 = arith.constant 1.000000e+00 : f32
    %logistic3A_38 = vector.broadcast %logistic3A_37 : f32 to vector<64x16xf32>
    %logistic3A_39 = arith.addf %logistic3A_38, %logistic3A_36 : vector<64x16xf32>
    %logistic3A_40 = arith.divf %logistic3A_38, %logistic3A_39 : vector<64x16xf32>
    %slice3A_41 = vector.extract_strided_slice %add3A_28 {offsets = [0, 32], sizes = [64, 16], strides = [1, 1]} : vector<64x64xf32> to vector<64x16xf32>
    %tanh3A = math.tanh %slice3A_41 : vector<64x16xf32>
    %slice3A_42 = vector.extract_strided_slice %add3A_28 {offsets = [0, 48], sizes = [64, 16], strides = [1, 1]} : vector<64x64xf32> to vector<64x16xf32>
    %logistic3A_43 = arith.negf %slice3A_42 : vector<64x16xf32>
    %logistic3A_44 = math.exp %logistic3A_43 : vector<64x16xf32>
    %logistic3A_45 = arith.constant 1.000000e+00 : f32
    %logistic3A_46 = vector.broadcast %logistic3A_45 : f32 to vector<64x16xf32>
    %logistic3A_47 = arith.addf %logistic3A_46, %logistic3A_44 : vector<64x16xf32>
    %logistic3A_48 = arith.divf %logistic3A_46, %logistic3A_47 : vector<64x16xf32>
    %mul3A = arith.mulf %logistic3A_40, %broadcast_in_dim3A_9 : vector<64x16xf32>
    %mul3A_49 = arith.mulf %logistic3A_33, %tanh3A : vector<64x16xf32>
    %add3A_50 = arith.addf %mul3A, %mul3A_49 : vector<64x16xf32>
    %tanh3A_51 = math.tanh %add3A_50 : vector<64x16xf32>
    %mul3A_52 = arith.mulf %logistic3A_48, %tanh3A_51 : vector<64x16xf32>
    %dot_general3A_53 = arith.constant dense<0.000000e+00> : vector<10240x16xf32>
    %dot_general3A_54 = tpu.matmul %get3A_4, %mul3A_52, %dot_general3A_53 {dimension_numbers = #tpu.dot_dimension_numbers<[1], [0], [0], [1], [0, 0, 1, 1], [], []>, transpose_lhs_hint = false} : vector<10240x64xf32>, vector<64x16xf32>, vector<10240x16xf32> -> vector<10240x16xf32>
    %mul3A_55 = arith.mulf %get3A_1, %dot_general3A_54 : vector<10240x16xf32>
    %reduce_sum3A = arith.constant dense<0.000000e+00> : vector<10240xf32>
    %reduce_sum3A_56 = vector.multi_reduction <add>, %mul3A_55, %reduce_sum3A [1] : vector<10240x16xf32> to vector<10240xf32>
    %broadcast_in_dim3A_57 = vector.shape_cast %reduce_sum3A_56 : vector<10240xf32> to vector<10240x1xf32>
    %gt3A = arith.constant 0.000000e+00 : f32
    %gt3A_58 = vector.broadcast %gt3A : f32 to vector<10240x64xf32>
    %gt3A_59 = arith.cmpf ogt, %get3A_4, %gt3A_58 : vector<10240x64xf32>
    %jit3A = arith.constant 0xFF800000 : f32
    %broadcast_in_dim3A_60 = vector.shape_cast %broadcast_in_dim3A_57 : vector<10240x1xf32> to vector<10240x1xf32>
    %broadcast_in_dim3A_61 = vector.broadcast %broadcast_in_dim3A_60 : vector<10240x1xf32> to vector<10240x64xf32>
    %broadcast_in_dim3A_62 = vector.broadcast %jit3A : f32 to vector<10240x64xf32>
    %select_n3A = arith.select %gt3A_59, %broadcast_in_dim3A_61, %broadcast_in_dim3A_62 : vector<10240x64xi1>, vector<10240x64xf32>
    %reduce_max3A = arith.constant dense<0xFF800000> : vector<64xf32>
    %reduce_max3A_63 = vector.multi_reduction <maximumf>, %select_n3A, %reduce_max3A [0] : vector<10240x64xf32> to vector<64xf32>
    %broadcast_in_dim3A_64 = vector.shape_cast %reduce_max3A_63 : vector<64xf32> to vector<1x64xf32>
    %is_finite3A = tpu.weird %broadcast_in_dim3A_64 : vector<1x64xf32> -> vector<1x64xi1>
    %is_finite3A_65 = arith.constant dense<true> : vector<1x64xi1>
    %is_finite3A_66 = arith.xori %is_finite3A, %is_finite3A_65 : vector<1x64xi1>
    %jit3A_67 = arith.constant 0.000000e+00 : f32
    %broadcast_in_dim3A_68 = vector.broadcast %jit3A_67 : f32 to vector<1x64xf32>
    %select_n3A_69 = arith.select %is_finite3A_66, %broadcast_in_dim3A_64, %broadcast_in_dim3A_68 : vector<1x64xi1>, vector<1x64xf32>
    %reshape3A = vector.shape_cast %select_n3A_69 : vector<1x64xf32> to vector<64x1xf32>
    %dot_general3A_70 = arith.constant dense<0.000000e+00> : vector<10240x1xf32>
    %dot_general3A_71 = tpu.matmul %get3A_4, %reshape3A, %dot_general3A_70 {dimension_numbers = #tpu.dot_dimension_numbers<[1], [0], [0], [1], [0, 0, 1, 1], [], []>, transpose_lhs_hint = false} : vector<10240x64xf32>, vector<64x1xf32>, vector<10240x1xf32> -> vector<10240x1xf32>
    %sub3A = arith.subf %broadcast_in_dim3A_57, %dot_general3A_71 : vector<10240x1xf32>
    %exp3A = math.exp %sub3A : vector<10240x1xf32>
    %dot_general3A_72 = arith.constant dense<0.000000e+00> : vector<64x1xf32>
    %dot_general3A_73 = tpu.matmul %get3A_4, %exp3A, %dot_general3A_72 {dimension_numbers = #tpu.dot_dimension_numbers<[0], [0], [1], [1], [0, 1, 1, 1], [], []>, transpose_lhs_hint = false} : vector<10240x64xf32>, vector<10240x1xf32>, vector<64x1xf32> -> vector<64x1xf32>
    %dot_general3A_74 = arith.constant dense<0.000000e+00> : vector<10240x1xf32>
    %dot_general3A_75 = tpu.matmul %get3A_4, %dot_general3A_73, %dot_general3A_74 {dimension_numbers = #tpu.dot_dimension_numbers<[1], [0], [0], [1], [0, 0, 1, 1], [], []>, transpose_lhs_hint = false} : vector<10240x64xf32>, vector<64x1xf32>, vector<10240x1xf32> -> vector<10240x1xf32>
    %add3A_76 = arith.constant 1.000000e-16 : f32
    %add3A_77 = vector.broadcast %add3A_76 : f32 to vector<10240x1xf32>
    %add3A_78 = arith.addf %dot_general3A_75, %add3A_77 : vector<10240x1xf32>
    %div3A = arith.divf %exp3A, %add3A_78 : vector<10240x1xf32>
    %mul3A_79 = vector.broadcast %div3A : vector<10240x1xf32> to vector<10240x16xf32>
    %mul3A_80 = arith.mulf %mul3A_79, %get3A_1 : vector<10240x16xf32>
    %dot_general3A_81 = arith.constant dense<0.000000e+00> : vector<64x16xf32>
    %dot_general3A_82 = tpu.matmul %get3A_4, %mul3A_80, %dot_general3A_81 {dimension_numbers = #tpu.dot_dimension_numbers<[0], [0], [1], [1], [0, 1, 1, 1], [], []>, transpose_lhs_hint = false} : vector<10240x64xf32>, vector<10240x16xf32>, vector<64x16xf32> -> vector<64x16xf32>
    %concatenate3A = tpu.concatenate %mul3A_52, %dot_general3A_82 in 1 : vector<64x16xf32>, vector<64x16xf32> -> vector<64x32xf32>
    %get3A_83 = arith.constant 0 : index
    %get3A_84 = arith.constant 0 : index
    %get3A_85 = vector.load %arg2[%get3A_83, %get3A_84] : memref<32x64xf32, #tpu.memory_space<vmem>>, vector<32x64xf32>
    %dot_general3A_86 = arith.constant dense<0.000000e+00> : vector<64x64xf32>
    %dot_general3A_87 = tpu.matmul %concatenate3A, %get3A_85, %dot_general3A_86 {dimension_numbers = #tpu.dot_dimension_numbers<[1], [0], [0], [1], [0, 0, 1, 1], [], []>, transpose_lhs_hint = false} : vector<64x32xf32>, vector<32x64xf32>, vector<64x64xf32> -> vector<64x64xf32>
    %get3A_88 = arith.constant 0 : index
    %get3A_89 = arith.constant 0 : index
    %get3A_90 = vector.load %arg3[%get3A_88, %get3A_89] : memref<1x64xf32, #tpu.memory_space<vmem>>, vector<1x64xf32>
    %add3A_91 = vector.broadcast %get3A_90 : vector<1x64xf32> to vector<64x64xf32>
    %add3A_92 = arith.addf %dot_general3A_87, %add3A_91 : vector<64x64xf32>
    %get3A_93 = arith.constant 0 : index
    %get3A_94 = arith.constant 0 : index
    %get3A_95 = vector.load %arg4[%get3A_93, %get3A_94] : memref<16x64xf32, #tpu.memory_space<vmem>>, vector<16x64xf32>
    %dot_general3A_96 = arith.constant dense<0.000000e+00> : vector<64x64xf32>
    %dot_general3A_97 = tpu.matmul %mul3A_52, %get3A_95, %dot_general3A_96 {dimension_numbers = #tpu.dot_dimension_numbers<[1], [0], [0], [1], [0, 0, 1, 1], [], []>, transpose_lhs_hint = false} : vector<64x16xf32>, vector<16x64xf32>, vector<64x64xf32> -> vector<64x64xf32>
    %add3A_98 = arith.addf %add3A_92, %dot_general3A_97 : vector<64x64xf32>
    %get3A_99 = arith.constant 0 : index
    %get3A_100 = arith.constant 0 : index
    %get3A_101 = vector.load %arg5[%get3A_99, %get3A_100] : memref<1x64xf32, #tpu.memory_space<vmem>>, vector<1x64xf32>
    %add3A_102 = vector.broadcast %get3A_101 : vector<1x64xf32> to vector<64x64xf32>
    %add3A_103 = arith.addf %add3A_98, %add3A_102 : vector<64x64xf32>
    %slice3A_104 = vector.extract_strided_slice %add3A_103 {offsets = [0, 0], sizes = [64, 16], strides = [1, 1]} : vector<64x64xf32> to vector<64x16xf32>
    %logistic3A_105 = arith.negf %slice3A_104 : vector<64x16xf32>
    %logistic3A_106 = math.exp %logistic3A_105 : vector<64x16xf32>
    %logistic3A_107 = arith.constant 1.000000e+00 : f32
    %logistic3A_108 = vector.broadcast %logistic3A_107 : f32 to vector<64x16xf32>
    %logistic3A_109 = arith.addf %logistic3A_108, %logistic3A_106 : vector<64x16xf32>
    %logistic3A_110 = arith.divf %logistic3A_108, %logistic3A_109 : vector<64x16xf32>
    %slice3A_111 = vector.extract_strided_slice %add3A_103 {offsets = [0, 16], sizes = [64, 16], strides = [1, 1]} : vector<64x64xf32> to vector<64x16xf32>
    %logistic3A_112 = arith.negf %slice3A_111 : vector<64x16xf32>
    %logistic3A_113 = math.exp %logistic3A_112 : vector<64x16xf32>
    %logistic3A_114 = arith.constant 1.000000e+00 : f32
    %logistic3A_115 = vector.broadcast %logistic3A_114 : f32 to vector<64x16xf32>
    %logistic3A_116 = arith.addf %logistic3A_115, %logistic3A_113 : vector<64x16xf32>
    %logistic3A_117 = arith.divf %logistic3A_115, %logistic3A_116 : vector<64x16xf32>
    %slice3A_118 = vector.extract_strided_slice %add3A_103 {offsets = [0, 32], sizes = [64, 16], strides = [1, 1]} : vector<64x64xf32> to vector<64x16xf32>
    %tanh3A_119 = math.tanh %slice3A_118 : vector<64x16xf32>
    %slice3A_120 = vector.extract_strided_slice %add3A_103 {offsets = [0, 48], sizes = [64, 16], strides = [1, 1]} : vector<64x64xf32> to vector<64x16xf32>
    %logistic3A_121 = arith.negf %slice3A_120 : vector<64x16xf32>
    %logistic3A_122 = math.exp %logistic3A_121 : vector<64x16xf32>
    %logistic3A_123 = arith.constant 1.000000e+00 : f32
    %logistic3A_124 = vector.broadcast %logistic3A_123 : f32 to vector<64x16xf32>
    %logistic3A_125 = arith.addf %logistic3A_124, %logistic3A_122 : vector<64x16xf32>
    %logistic3A_126 = arith.divf %logistic3A_124, %logistic3A_125 : vector<64x16xf32>
    %mul3A_127 = arith.mulf %logistic3A_117, %add3A_50 : vector<64x16xf32>
    %mul3A_128 = arith.mulf %logistic3A_110, %tanh3A_119 : vector<64x16xf32>
    %add3A_129 = arith.addf %mul3A_127, %mul3A_128 : vector<64x16xf32>
    %tanh3A_130 = math.tanh %add3A_129 : vector<64x16xf32>
    %mul3A_131 = arith.mulf %logistic3A_126, %tanh3A_130 : vector<64x16xf32>
    %dot_general3A_132 = arith.constant dense<0.000000e+00> : vector<10240x16xf32>
    %dot_general3A_133 = tpu.matmul %get3A_4, %mul3A_131, %dot_general3A_132 {dimension_numbers = #tpu.dot_dimension_numbers<[1], [0], [0], [1], [0, 0, 1, 1], [], []>, transpose_lhs_hint = false} : vector<10240x64xf32>, vector<64x16xf32>, vector<10240x16xf32> -> vector<10240x16xf32>
    %mul3A_134 = arith.mulf %get3A_1, %dot_general3A_133 : vector<10240x16xf32>
    %reduce_sum3A_135 = arith.constant dense<0.000000e+00> : vector<10240xf32>
    %reduce_sum3A_136 = vector.multi_reduction <add>, %mul3A_134, %reduce_sum3A_135 [1] : vector<10240x16xf32> to vector<10240xf32>
    %broadcast_in_dim3A_137 = vector.shape_cast %reduce_sum3A_136 : vector<10240xf32> to vector<10240x1xf32>
    %gt3A_138 = arith.constant 0.000000e+00 : f32
    %gt3A_139 = vector.broadcast %gt3A_138 : f32 to vector<10240x64xf32>
    %gt3A_140 = arith.cmpf ogt, %get3A_4, %gt3A_139 : vector<10240x64xf32>
    %jit3A_141 = arith.constant 0xFF800000 : f32
    %broadcast_in_dim3A_142 = vector.shape_cast %broadcast_in_dim3A_137 : vector<10240x1xf32> to vector<10240x1xf32>
    %broadcast_in_dim3A_143 = vector.broadcast %broadcast_in_dim3A_142 : vector<10240x1xf32> to vector<10240x64xf32>
    %broadcast_in_dim3A_144 = vector.broadcast %jit3A_141 : f32 to vector<10240x64xf32>
    %select_n3A_145 = arith.select %gt3A_140, %broadcast_in_dim3A_143, %broadcast_in_dim3A_144 : vector<10240x64xi1>, vector<10240x64xf32>
    %reduce_max3A_146 = arith.constant dense<0xFF800000> : vector<64xf32>
    %reduce_max3A_147 = vector.multi_reduction <maximumf>, %select_n3A_145, %reduce_max3A_146 [0] : vector<10240x64xf32> to vector<64xf32>
    %broadcast_in_dim3A_148 = vector.shape_cast %reduce_max3A_147 : vector<64xf32> to vector<1x64xf32>
    %is_finite3A_149 = tpu.weird %broadcast_in_dim3A_148 : vector<1x64xf32> -> vector<1x64xi1>
    %is_finite3A_150 = arith.constant dense<true> : vector<1x64xi1>
    %is_finite3A_151 = arith.xori %is_finite3A_149, %is_finite3A_150 : vector<1x64xi1>
    %jit3A_152 = arith.constant 0.000000e+00 : f32
    %broadcast_in_dim3A_153 = vector.broadcast %jit3A_152 : f32 to vector<1x64xf32>
    %select_n3A_154 = arith.select %is_finite3A_151, %broadcast_in_dim3A_148, %broadcast_in_dim3A_153 : vector<1x64xi1>, vector<1x64xf32>
    %reshape3A_155 = vector.shape_cast %select_n3A_154 : vector<1x64xf32> to vector<64x1xf32>
    %dot_general3A_156 = arith.constant dense<0.000000e+00> : vector<10240x1xf32>
    %dot_general3A_157 = tpu.matmul %get3A_4, %reshape3A_155, %dot_general3A_156 {dimension_numbers = #tpu.dot_dimension_numbers<[1], [0], [0], [1], [0, 0, 1, 1], [], []>, transpose_lhs_hint = false} : vector<10240x64xf32>, vector<64x1xf32>, vector<10240x1xf32> -> vector<10240x1xf32>
    %sub3A_158 = arith.subf %broadcast_in_dim3A_137, %dot_general3A_157 : vector<10240x1xf32>
    %exp3A_159 = math.exp %sub3A_158 : vector<10240x1xf32>
    %dot_general3A_160 = arith.constant dense<0.000000e+00> : vector<64x1xf32>
    %dot_general3A_161 = tpu.matmul %get3A_4, %exp3A_159, %dot_general3A_160 {dimension_numbers = #tpu.dot_dimension_numbers<[0], [0], [1], [1], [0, 1, 1, 1], [], []>, transpose_lhs_hint = false} : vector<10240x64xf32>, vector<10240x1xf32>, vector<64x1xf32> -> vector<64x1xf32>
    %dot_general3A_162 = arith.constant dense<0.000000e+00> : vector<10240x1xf32>
    %dot_general3A_163 = tpu.matmul %get3A_4, %dot_general3A_161, %dot_general3A_162 {dimension_numbers = #tpu.dot_dimension_numbers<[1], [0], [0], [1], [0, 0, 1, 1], [], []>, transpose_lhs_hint = false} : vector<10240x64xf32>, vector<64x1xf32>, vector<10240x1xf32> -> vector<10240x1xf32>
    %add3A_164 = arith.constant 1.000000e-16 : f32
    %add3A_165 = vector.broadcast %add3A_164 : f32 to vector<10240x1xf32>
    %add3A_166 = arith.addf %dot_general3A_163, %add3A_165 : vector<10240x1xf32>
    %div3A_167 = arith.divf %exp3A_159, %add3A_166 : vector<10240x1xf32>
    %mul3A_168 = vector.broadcast %div3A_167 : vector<10240x1xf32> to vector<10240x16xf32>
    %mul3A_169 = arith.mulf %mul3A_168, %get3A_1 : vector<10240x16xf32>
    %dot_general3A_170 = arith.constant dense<0.000000e+00> : vector<64x16xf32>
    %dot_general3A_171 = tpu.matmul %get3A_4, %mul3A_169, %dot_general3A_170 {dimension_numbers = #tpu.dot_dimension_numbers<[0], [0], [1], [1], [0, 1, 1, 1], [], []>, transpose_lhs_hint = false} : vector<10240x64xf32>, vector<10240x16xf32>, vector<64x16xf32> -> vector<64x16xf32>
    %concatenate3A_172 = tpu.concatenate %mul3A_131, %dot_general3A_171 in 1 : vector<64x16xf32>, vector<64x16xf32> -> vector<64x32xf32>
    %get3A_173 = arith.constant 0 : index
    %get3A_174 = arith.constant 0 : index
    %get3A_175 = vector.load %arg2[%get3A_173, %get3A_174] : memref<32x64xf32, #tpu.memory_space<vmem>>, vector<32x64xf32>
    %dot_general3A_176 = arith.constant dense<0.000000e+00> : vector<64x64xf32>
    %dot_general3A_177 = tpu.matmul %concatenate3A_172, %get3A_175, %dot_general3A_176 {dimension_numbers = #tpu.dot_dimension_numbers<[1], [0], [0], [1], [0, 0, 1, 1], [], []>, transpose_lhs_hint = false} : vector<64x32xf32>, vector<32x64xf32>, vector<64x64xf32> -> vector<64x64xf32>
    %get3A_178 = arith.constant 0 : index
    %get3A_179 = arith.constant 0 : index
    %get3A_180 = vector.load %arg3[%get3A_178, %get3A_179] : memref<1x64xf32, #tpu.memory_space<vmem>>, vector<1x64xf32>
    %add3A_181 = vector.broadcast %get3A_180 : vector<1x64xf32> to vector<64x64xf32>
    %add3A_182 = arith.addf %dot_general3A_177, %add3A_181 : vector<64x64xf32>
    %get3A_183 = arith.constant 0 : index
    %get3A_184 = arith.constant 0 : index
    %get3A_185 = vector.load %arg4[%get3A_183, %get3A_184] : memref<16x64xf32, #tpu.memory_space<vmem>>, vector<16x64xf32>
    %dot_general3A_186 = arith.constant dense<0.000000e+00> : vector<64x64xf32>
    %dot_general3A_187 = tpu.matmul %mul3A_131, %get3A_185, %dot_general3A_186 {dimension_numbers = #tpu.dot_dimension_numbers<[1], [0], [0], [1], [0, 0, 1, 1], [], []>, transpose_lhs_hint = false} : vector<64x16xf32>, vector<16x64xf32>, vector<64x64xf32> -> vector<64x64xf32>
    %add3A_188 = arith.addf %add3A_182, %dot_general3A_187 : vector<64x64xf32>
    %get3A_189 = arith.constant 0 : index
    %get3A_190 = arith.constant 0 : index
    %get3A_191 = vector.load %arg5[%get3A_189, %get3A_190] : memref<1x64xf32, #tpu.memory_space<vmem>>, vector<1x64xf32>
    %add3A_192 = vector.broadcast %get3A_191 : vector<1x64xf32> to vector<64x64xf32>
    %add3A_193 = arith.addf %add3A_188, %add3A_192 : vector<64x64xf32>
    %slice3A_194 = vector.extract_strided_slice %add3A_193 {offsets = [0, 0], sizes = [64, 16], strides = [1, 1]} : vector<64x64xf32> to vector<64x16xf32>
    %logistic3A_195 = arith.negf %slice3A_194 : vector<64x16xf32>
    %logistic3A_196 = math.exp %logistic3A_195 : vector<64x16xf32>
    %logistic3A_197 = arith.constant 1.000000e+00 : f32
    %logistic3A_198 = vector.broadcast %logistic3A_197 : f32 to vector<64x16xf32>
    %logistic3A_199 = arith.addf %logistic3A_198, %logistic3A_196 : vector<64x16xf32>
    %logistic3A_200 = arith.divf %logistic3A_198, %logistic3A_199 : vector<64x16xf32>
    %slice3A_201 = vector.extract_strided_slice %add3A_193 {offsets = [0, 16], sizes = [64, 16], strides = [1, 1]} : vector<64x64xf32> to vector<64x16xf32>
    %logistic3A_202 = arith.negf %slice3A_201 : vector<64x16xf32>
    %logistic3A_203 = math.exp %logistic3A_202 : vector<64x16xf32>
    %logistic3A_204 = arith.constant 1.000000e+00 : f32
    %logistic3A_205 = vector.broadcast %logistic3A_204 : f32 to vector<64x16xf32>
    %logistic3A_206 = arith.addf %logistic3A_205, %logistic3A_203 : vector<64x16xf32>
    %logistic3A_207 = arith.divf %logistic3A_205, %logistic3A_206 : vector<64x16xf32>
    %slice3A_208 = vector.extract_strided_slice %add3A_193 {offsets = [0, 32], sizes = [64, 16], strides = [1, 1]} : vector<64x64xf32> to vector<64x16xf32>
    %tanh3A_209 = math.tanh %slice3A_208 : vector<64x16xf32>
    %slice3A_210 = vector.extract_strided_slice %add3A_193 {offsets = [0, 48], sizes = [64, 16], strides = [1, 1]} : vector<64x64xf32> to vector<64x16xf32>
    %logistic3A_211 = arith.negf %slice3A_210 : vector<64x16xf32>
    %logistic3A_212 = math.exp %logistic3A_211 : vector<64x16xf32>
    %logistic3A_213 = arith.constant 1.000000e+00 : f32
    %logistic3A_214 = vector.broadcast %logistic3A_213 : f32 to vector<64x16xf32>
    %logistic3A_215 = arith.addf %logistic3A_214, %logistic3A_212 : vector<64x16xf32>
    %logistic3A_216 = arith.divf %logistic3A_214, %logistic3A_215 : vector<64x16xf32>
    %mul3A_217 = arith.mulf %logistic3A_207, %add3A_129 : vector<64x16xf32>
    %mul3A_218 = arith.mulf %logistic3A_200, %tanh3A_209 : vector<64x16xf32>
    %add3A_219 = arith.addf %mul3A_217, %mul3A_218 : vector<64x16xf32>
    %tanh3A_220 = math.tanh %add3A_219 : vector<64x16xf32>
    %mul3A_221 = arith.mulf %logistic3A_216, %tanh3A_220 : vector<64x16xf32>
    %dot_general3A_222 = arith.constant dense<0.000000e+00> : vector<10240x16xf32>
    %dot_general3A_223 = tpu.matmul %get3A_4, %mul3A_221, %dot_general3A_222 {dimension_numbers = #tpu.dot_dimension_numbers<[1], [0], [0], [1], [0, 0, 1, 1], [], []>, transpose_lhs_hint = false} : vector<10240x64xf32>, vector<64x16xf32>, vector<10240x16xf32> -> vector<10240x16xf32>
    %mul3A_224 = arith.mulf %get3A_1, %dot_general3A_223 : vector<10240x16xf32>
    %reduce_sum3A_225 = arith.constant dense<0.000000e+00> : vector<10240xf32>
    %reduce_sum3A_226 = vector.multi_reduction <add>, %mul3A_224, %reduce_sum3A_225 [1] : vector<10240x16xf32> to vector<10240xf32>
    %broadcast_in_dim3A_227 = vector.shape_cast %reduce_sum3A_226 : vector<10240xf32> to vector<10240x1xf32>
    %gt3A_228 = arith.constant 0.000000e+00 : f32
    %gt3A_229 = vector.broadcast %gt3A_228 : f32 to vector<10240x64xf32>
    %gt3A_230 = arith.cmpf ogt, %get3A_4, %gt3A_229 : vector<10240x64xf32>
    %jit3A_231 = arith.constant 0xFF800000 : f32
    %broadcast_in_dim3A_232 = vector.shape_cast %broadcast_in_dim3A_227 : vector<10240x1xf32> to vector<10240x1xf32>
    %broadcast_in_dim3A_233 = vector.broadcast %broadcast_in_dim3A_232 : vector<10240x1xf32> to vector<10240x64xf32>
    %broadcast_in_dim3A_234 = vector.broadcast %jit3A_231 : f32 to vector<10240x64xf32>
    %select_n3A_235 = arith.select %gt3A_230, %broadcast_in_dim3A_233, %broadcast_in_dim3A_234 : vector<10240x64xi1>, vector<10240x64xf32>
    %reduce_max3A_236 = arith.constant dense<0xFF800000> : vector<64xf32>
    %reduce_max3A_237 = vector.multi_reduction <maximumf>, %select_n3A_235, %reduce_max3A_236 [0] : vector<10240x64xf32> to vector<64xf32>
    %broadcast_in_dim3A_238 = vector.shape_cast %reduce_max3A_237 : vector<64xf32> to vector<1x64xf32>
    %is_finite3A_239 = tpu.weird %broadcast_in_dim3A_238 : vector<1x64xf32> -> vector<1x64xi1>
    %is_finite3A_240 = arith.constant dense<true> : vector<1x64xi1>
    %is_finite3A_241 = arith.xori %is_finite3A_239, %is_finite3A_240 : vector<1x64xi1>
    %jit3A_242 = arith.constant 0.000000e+00 : f32
    %broadcast_in_dim3A_243 = vector.broadcast %jit3A_242 : f32 to vector<1x64xf32>
    %select_n3A_244 = arith.select %is_finite3A_241, %broadcast_in_dim3A_238, %broadcast_in_dim3A_243 : vector<1x64xi1>, vector<1x64xf32>
    %reshape3A_245 = vector.shape_cast %select_n3A_244 : vector<1x64xf32> to vector<64x1xf32>
    %dot_general3A_246 = arith.constant dense<0.000000e+00> : vector<10240x1xf32>
    %dot_general3A_247 = tpu.matmul %get3A_4, %reshape3A_245, %dot_general3A_246 {dimension_numbers = #tpu.dot_dimension_numbers<[1], [0], [0], [1], [0, 0, 1, 1], [], []>, transpose_lhs_hint = false} : vector<10240x64xf32>, vector<64x1xf32>, vector<10240x1xf32> -> vector<10240x1xf32>
    %sub3A_248 = arith.subf %broadcast_in_dim3A_227, %dot_general3A_247 : vector<10240x1xf32>
    %exp3A_249 = math.exp %sub3A_248 : vector<10240x1xf32>
    %dot_general3A_250 = arith.constant dense<0.000000e+00> : vector<64x1xf32>
    %dot_general3A_251 = tpu.matmul %get3A_4, %exp3A_249, %dot_general3A_250 {dimension_numbers = #tpu.dot_dimension_numbers<[0], [0], [1], [1], [0, 1, 1, 1], [], []>, transpose_lhs_hint = false} : vector<10240x64xf32>, vector<10240x1xf32>, vector<64x1xf32> -> vector<64x1xf32>
    %dot_general3A_252 = arith.constant dense<0.000000e+00> : vector<10240x1xf32>
    %dot_general3A_253 = tpu.matmul %get3A_4, %dot_general3A_251, %dot_general3A_252 {dimension_numbers = #tpu.dot_dimension_numbers<[1], [0], [0], [1], [0, 0, 1, 1], [], []>, transpose_lhs_hint = false} : vector<10240x64xf32>, vector<64x1xf32>, vector<10240x1xf32> -> vector<10240x1xf32>
    %add3A_254 = arith.constant 1.000000e-16 : f32
    %add3A_255 = vector.broadcast %add3A_254 : f32 to vector<10240x1xf32>
    %add3A_256 = arith.addf %dot_general3A_253, %add3A_255 : vector<10240x1xf32>
    %div3A_257 = arith.divf %exp3A_249, %add3A_256 : vector<10240x1xf32>
    %mul3A_258 = vector.broadcast %div3A_257 : vector<10240x1xf32> to vector<10240x16xf32>
    %mul3A_259 = arith.mulf %mul3A_258, %get3A_1 : vector<10240x16xf32>
    %dot_general3A_260 = arith.constant dense<0.000000e+00> : vector<64x16xf32>
    %dot_general3A_261 = tpu.matmul %get3A_4, %mul3A_259, %dot_general3A_260 {dimension_numbers = #tpu.dot_dimension_numbers<[0], [0], [1], [1], [0, 1, 1, 1], [], []>, transpose_lhs_hint = false} : vector<10240x64xf32>, vector<10240x16xf32>, vector<64x16xf32> -> vector<64x16xf32>
    %concatenate3A_262 = tpu.concatenate %mul3A_221, %dot_general3A_261 in 1 : vector<64x16xf32>, vector<64x16xf32> -> vector<64x32xf32>
    %swap3A = arith.constant 0 : index
    %swap3A_263 = arith.constant 0 : index
    %swap3A_264 = vector.load %arg6[%swap3A, %swap3A_263] : memref<64x32xf32, #tpu.memory_space<vmem>>, vector<64x32xf32>
    tpu.vector_store %arg6[%swap3A, %swap3A_263], %concatenate3A_262 {strides = array<i32>} : memref<64x32xf32, #tpu.memory_space<vmem>>, vector<64x32xf32>,
    return
  }
}

</mosaic_0001>

<sc_bundles>
// kernel: kernel.16.cloned.1.call-start
scs
__scs_entry_jumppad:
0x0: {  	(pc) =	sbr.rel $0x88, $3  }
0x1: {  	(tag) =	ssettag $0x0;
	lr =	simm.s32 $0x1  }
0x2: {  	[smem:$0x3F8D] =	sst lr;
	_ =	strace $0xD0000000  }
0x3: {  	_ = 	snop  }
0x4: {  	_ = 	snop  }
0x5: {  	_ = 	snop  }
0x6: {  	_ = 	snop  }
0x7: {  	_ = 	snop  }
__scs_overlays_trampoline_lowered:
0x8: {  	[smem:$0x3F9C] =	sst s0  }
0x9: {  	[smem:$0x3F9D] =	sst s1  }
0xa: {  	[smem:$0x3F9E] =	sst s2  }
0xb: {  	[smem:$0x3F9F] =	sst s3  }
0xc: {  	[smem:$0x3FA0] =	sst s4  }
0xd: {  	[smem:$0x3FA1] =	sst s5  }
0xe: {  	[smem:$0x3FA2] =	sst s6  }
0xf: {  	[smem:$0x3FA3] =	sst s7  }
0x10: {  	[smem:$0x3FA4] =	sst s8  }
0x11: {  	[smem:$0x3FA5] =	sst s9;
	s0 =	simm.s32 @!p0 $0x0  }
0x12: {  	s1 =	sld [smem:$0x3F8B];
	s0 =	simm.s32 @p0 $0x1  }
0x13: {  	[smem:$0x3FA6] =	sst s0;
	s0 =	simm.s32 @!p1 $0x0  }
0x14: {  	s2 =	sld [smem:$0x3F8A];
	s0 =	simm.s32 @p1 $0x1  }
0x15: {  	[smem:$0x3FA7] =	sst s0;
	s0 =	simm.s32 @!p2 $0x0  }
0x16: {  	s3 =	sld [smem:$0x3FDB];
	s0 =	simm.s32 @p2 $0x1  }
0x17: {  	s4 =	simm.s32 $0x1BF5;
	[smem:$0x3FA9] =	sst s0  }
0x18: {  	s0 =	sld [smem:$0x3F8C];
	_ =	swait.ge [sflag:s4], $0x0  }
0x19: {  	s7 =	sld [smem:$0x3F8D]  }
0x1a: {  	s8 =	sadd.s32 $0xFFFFE003, lr  }
0x1b: {  	s9 =	sadd.s32 $0xFFFFFEF7, lr;
	s5 =	simm.s32 $0xFFFFFFFF;
	p2 =	slt.u32 s8, $0xFFFFF086  }
0x1c: {  	p1 =	slt.u32 s9, $0xF7A;
	s5 =	simm.s32 @!p2 $0x0  }
0x1d: {  	s5 =	simm.s32 @p1 $0x1;
	p0 =	seq.s32 s7, s2  }
0x1e: {  	s7 =	smul.u32 @!p0 $0xF7A, s2;
	p2 =	seq.s32 @!p0 s5, $0x0  }
0x1f: {  	s9 =	smul.u32 $0xF7A, s1;
	s8 =	simm.s32 @!p0 $0x1BF5;
	p2 =	por !p2, p0  }
0x20: {  	[sflag:s8] =	ssyncset.s32 @!p0 $0xFFFFF086;
	s6 =	sadd.s32 @!p0 s3, s7;
	s7 =	simm.s32 @!p0 $0x108  }
0x21: {  	s3 =	sadd.s32 s3, s9;
	s6 =	sadd.s32 @!p0 $0x88, s6;
	s7 =	simm.s32 @p2 $0x1082  }
0x22: {  	[simem:s7], [sflag:s8] =	dma.local @!p0 [hbm:s6], $0xF7A  }
0x23: {  	s9 =	sor.u32 $0xD0000000, s2;
	s6 =	simm.s32 $0x108;
	_ =	swait.ge @!p0 [sflag:s8], $0x0  }
0x24: {  	s3 =	sadd.s32 $0x88, s3;
	s6 =	simm.s32 @!p1 $0x1082;
	[sflag:s4] =	ssyncset.s32 $0xFFFFF086  }
0x25: {  	[simem:s6], [sflag:s4] =	dma.local [hbm:s3], $0xF7A  }
0x26: {  	[smem:$0x3F8D] =	sst s1;
	(tag) =	ssettag s2;
	_ =	strace s9  }
0x27: {  	s1 =	sld [smem:$0x3F9D]  }
0x28: {  	s2 =	sld [smem:$0x3F9E]  }
0x29: {  	s4 =	sld [smem:$0x3FA0]  }
0x2a: {  	p0 =	seq.s32 s5, $0x0;
	s5 =	sld [smem:$0x3FA1]  }
0x2b: {  	s6 =	sld [smem:$0x3FA2]  }
0x2c: {  	s7 =	sld [smem:$0x3FA3]  }
0x2d: {  	s3 =	simm.s32 $0x108;
	s8 =	sld [smem:$0x3FA4]  }
0x2e: {  	s3 =	simm.s32 @!p0 $0x1082;
	s9 =	sld [smem:$0x3FA5]  }
0x2f: {  	lr =	sadd.s32 s0, s3;
	s0 =	sld [smem:$0x3F9C]  }
0x30: {  	s3 =	sld [smem:$0x3F9F]  }
0x31: {  	[smem:$0x3FA8] =	sst s10  }
0x32: {  	s10 =	sld [smem:$0x3FA6];
	_ =	sdelay $0x3  }
0x33: {  	p0 =	seq.s32 s10, $0x1;
	s10 =	sld [smem:$0x3FA8];
	_ =	sdelay $0x3  }
0x34: {  	[smem:$0x3FA8] =	sst s10  }
0x35: {  	s10 =	sld [smem:$0x3FA7];
	_ =	sdelay $0x3  }
0x36: {  	p1 =	seq.s32 s10, $0x1;
	s10 =	sld [smem:$0x3FA8];
	_ =	sdelay $0x3  }
0x37: {  	[smem:$0x3FA8] =	sst s10  }
0x38: {  	s10 =	sld [smem:$0x3FA9]  }
0x39: {  	_ = 	snop;
	(pc) =	sbr.ind lr, $3  }
0x3a: {  	_ = 	snop  }
0x3b: {  	_ = 	snop  }
0x3c: {  	p2 =	seq.s32 s10, $0x1;
	s10 =	sld [smem:$0x3FA8]  }
0x3d: {  	_ =	shalt  }
0x3e: {  	_ =	shalt  }
0x3f: {  	_ =	shalt  }
0x40: {  	_ =	shalt  }
0x41: {  	_ =	shalt  }
0x42: {  	_ =	shalt  }
0x43: {  	_ =	shalt  }
0x44: {  	_ =	shalt  }
0x45: {  	_ =	shalt  }
0x46: {  	_ =	shalt  }
0x47: {  	_ =	shalt  }
0x48: {  	_ =	shalt  }
0x49: {  	_ =	shalt  }
0x4a: {  	_ =	shalt  }
0x4b: {  	_ =	shalt  }
0x4c: {  	_ =	shalt  }
0x4d: {  	_ =	shalt  }
0x4e: {  	_ =	shalt  }
0x4f: {  	_ =	shalt  }
0x50: {  	_ =	shalt  }
0x51: {  	_ =	shalt  }
0x52: {  	_ =	shalt  }
0x53: {  	_ =	shalt  }
0x54: {  	_ =	shalt  }
0x55: {  	_ =	shalt  }
0x56: {  	_ =	shalt  }
0x57: {  	_ =	shalt  }
0x58: {  	_ =	shalt  }
0x59: {  	_ =	shalt  }
0x5a: {  	_ =	shalt  }
0x5b: {  	_ =	shalt  }
0x5c: {  	_ =	shalt  }
0x5d: {  	_ =	shalt  }
0x5e: {  	_ =	shalt  }
0x5f: {  	_ =	shalt  }
0x60: {  	_ =	shalt  }
0x61: {  	_ =	shalt  }
0x62: {  	_ =	shalt  }
0x63: {  	_ =	shalt  }
0x64: {  	_ =	shalt  }
0x65: {  	_ =	shalt  }
0x66: {  	_ =	shalt  }
0x67: {  	_ =	shalt  }
0x68: {  	_ =	shalt  }
0x69: {  	_ =	shalt  }
0x6a: {  	_ =	shalt  }
0x6b: {  	_ =	shalt  }
0x6c: {  	_ =	shalt  }
0x6d: {  	_ =	shalt  }
0x6e: {  	_ =	shalt  }
0x6f: {  	_ =	shalt  }
0x70: {  	_ =	shalt  }
0x71: {  	_ =	shalt  }
0x72: {  	_ =	shalt  }
0x73: {  	_ =	shalt  }
0x74: {  	_ =	shalt  }
0x75: {  	_ =	shalt  }
0x76: {  	_ =	shalt  }
0x77: {  	_ =	shalt  }
0x78: {  	_ =	shalt  }
0x79: {  	_ =	shalt  }
0x7a: {  	_ =	shalt  }
0x7b: {  	_ =	shalt  }
0x7c: {  	_ =	shalt  }
0x7d: {  	_ =	shalt  }
0x7e: {  	_ =	shalt  }
0x7f: {  	_ =	shalt  }
0x80: {  	_ =	shalt  }
0x81: {  	_ =	shalt  }
0x82: {  	_ =	shalt  }
0x83: {  	_ =	shalt  }
0x84: {  	_ =	shalt  }
0x85: {  	_ =	shalt  }
0x86: {  	_ =	shalt  }
0x87: {  	_ =	shalt  }
.Lfunc_end0:
.L_simem_size_0:
called_computation_lowered:
.L_overlay_start_0:
0x88: {  	s2 =	sld [smem:$0x3FD9]  }
0x89: {  	s3 =	sld [smem:$0x3FFE];
	_ =	sdelay $0x1  }
0x8a: {  	s1 =	srdreg.scid  }
0x8b: {  	s0 =	sand.u32 $0x1, s1  }
0x8c: {  	s16 =	sshll.u32 s0, $0xA;
	s2 =	sadd.s32 s3, s2  }
0x8d: {  	s2 =	sadd.s32 s2, s16  }
0x8e: {  	[smem:$0x3FB4] =	sst s2  }
0x8f: {  	_ = 	snop  }
0x90: {  	(tm) =	ssettm $0x1  }
0x91: {  	s17 =	sld [smem:$0x3FFB];
	_ =	sdelay $0x3  }
0x92: {  	_ =	strace s17  }
0x93: {  	s2 =	sld [smem:$0x3FFC];
	_ =	sdelay $0x3  }
0x94: {  	_ =	strace s2  }
0x95: {  	s2 =	sld [smem:$0x3FFD];
	_ =	sdelay $0x3  }
0x96: {  	_ =	strace s2  }
0x97: {  	_ =	strace $0x8FFFFFFF  }
0x98: {  	s18 =	sld [smem:$0x3FDB];
	_ =	sdelay $0x1  }
0x99: {  	s19 =	simm.s32 $_scs_section_size  }
0x9a: {  	s4 =	simm.s32 $_size__tile_overlayer_lowered;
	s5 =	simm.s32 $_tile_overlayer_lowered  }
0x9b: {  	s22 =	simm.s32 $0x1BFF;
	s21 =	sshll.u32 s5, $0x1;
	s2 =	sadd.s32 s19, s18  }
0x9c: {  	s6 =	simm.s32 $0x0;
	s20 =	sshll.u32 s4, $0x1;
	s4 =	sadd.s32 s21, s2  }
0x9d: {  	[timem:s6], [sflag:s22] =	dma.local [hbm:s4], s20  }
0x9e: {  	_ =	swait.ge [sflag:s22], s20  }
0x9f: {  	s3 =	ssub.s32 $0x0, s20;
	[sflag:s22] =	ssyncset.done $0x0  }
0xa0: {  	[sflag:s22] =	ssyncadd.s32 s3;
	_ =	sdelay $0x1  }
0xa1: {  	s23 =	simm.s32 $0x1B8B  }
0xa2: {  	_ =	swait.ge [sflag:s23], $0x1  }
0xa3: {  	[sflag:s23] =	ssyncset.done $0x0  }
0xa4: {  	s25 =	simm.s32 $0x1B8E;
	s24 =	sld [smem:$0x3FFE];
	[sflag:s23] =	ssyncadd.s32 $0xFFFFFFFF  }
0xa5: {  	s26 =	simm.s32 $execute0_lowered;
	[smem:$0x3FD2] =	sst s25  }
0xa6: {  	s4 =	sshll.u32 s26, $0x1;
	_ =	strace $0x80000046;
	[dreg:$0x1] =	wrdreg $0xFFFFFFFF  }
0xa7: {  	s28 =	simm.s32 $_size_execute0_lowered;
	s2 =	sadd.s32 s2, s4;
	[dreg:$0x0] =	wrdreg $0x0  }
0xa8: {  	s4 =	sshll.u32 s28, $0x1;
	[dreg:$0x2] =	wrdreg s2  }
0xa9: {  	[dreg:$0x3] =	wrdreg s4  }
0xaa: {  	[dreg:$0x4] =	wrdreg $0xC0  }
0xab: {  	_ =	task [dreg:s6], $0x5FFFF  }
0xac: {  	[dreg:$0x1] =	wrdreg $0xFFFFFFFF  }
0xad: {  	[dreg:$0x0] =	wrdreg $0x60  }
0xae: {  	[dreg:$0x2] =	wrdreg s24  }
0xaf: {  	[dreg:$0x3] =	wrdreg $0x9  }
0xb0: {  	_ =	task.clear_ibuf [dreg:s6], $0x4FFFF;
	_ =	strace $0x90000046  }
0xb1: {  	s29 =	simm.s32 $0x9;
	_ =	strace $0x80000048  }
0xb2: {  	_ =	swait.ge [sflag:s29], $0x1  }
0xb3: {  	[sflag:s29] =	ssyncadd.s32 $0xFFFFFFFF  }
0xb4: {  	_ =	strace $0x90000048  }
0xb5: {  	_ =	sfence  }
0xb6: {  	s30 =	sld [smem:$0x0];
	_ =	sdelay $0x2  }
0xb7: {  	s31 =	sshll.u32 s1, $0xD;
	s1 =	sshrl.u32 s1, $0x2  }
0xb8: {  	s3 =	sand.u32 $0x4000, s31;
	s1 =	sadd.s32 s1, s30  }
0xb9: {  	s0 =	sor.u32 s3, s0;
	s1 =	sshll.u32 s1, $0x11  }
0xba: {  	s0 =	sor.u32 s1, s0  }
0xbb: {  	s0 =	sadd.s32 $0x8F2B, s0  }
0xbc: {  	[sflag:s0] =	ssyncadd.remote.s32 $0x1  }
0xbd: {  	_ =	sfence.sel $0xFFFF  }
0xbe: {  	[dreg:$0x0] =	wrdreg $0xFFFFFFFF;
	(pc) =	sbr.abs _section_cstart, $3  }
0xbf: {  	[dreg:$0x1] =	wrdreg $0xFFFFFFFF  }
0xc0: {  	_ =	task.clear_ibuf [dreg:s6], $0x2FFFF;
	_ =	strace $0x9FFFFFFF  }
0xc1: {  	(tm) =	ssettm $0x7FFFFFFF  }
tec
execute0_lowered:
.L_overlay_start_1:
0x0: {  	(tag) =	ssettag $0x1  }
0x1: {  	s0 =	srdreg.scid  }
0x2: {  	s4 =	sand.u32 $0x1, s0  }
0x3: {  	s0 =	stileid.u32;
	s3 =	smul.u32 $0x14000, s4  }
0x4: {  	s5 =	rddreg [dreg:$0x0];
	s6 =	smul.u32 $0x1400, s0  }
0x5: {  	s1 =	rddreg [dreg:$0x1];
	s2 =	simm.s32 $0x0;
	s7 =	smul.u32 $0x140000, s4  }
0x6: {  	s10 =	simm.s32 $0x0;
	[smem:$0x7FF] =	sst s2;
	s8 =	smul.u32 $0x14000, s0  }
0x7: {  	_ =	strace $0x80000047;
	s28 =	sshll.u32 s4, $0x4;
	s9 =	ssub.s32 $0x2, s4  }
0x8: {  	s4 =	simm.s32 $0xA;
	s29 =	sor.u32 s0, s28;
	s30 =	sshrl.u32 s9, $0x1  }
0x9: {  	s6 =	sadd.s32 s6, s3;
	s3 =	sadd.s32 $0x38E00, s5;
	s7 =	sadd.s32 s8, s7  }
0xa: {  	p0 =	seq.s32 s29, $0x1F;
	s31 =	ssub.s32 s9, s30;
	s8 =	simm.s32 $0x1  }
0xb: {  	s9 =	simm.s32 $0x80;
	s6 =	sshrl.u32 s6, $0x3;
	s7 =	sshrl.u32 s7, $0x3  }
0xc: {  	s4 =	simm.s32 @!p0 $0x28;
	s6 =	sadd.s32 s6, s5;
	s7 =	sadd.s32 s7, s5  }
0xd: {  	s5 =	smax.u32 s31, $0x1;
	s6 =	sadd.s32 $0x7000, s6;
	s7 =	sadd.s32 $0x3DE00, s7  }
.LBB2_1:
0xe: {  	p0 =	sne.s32 s4, $0x1  }
.Ltmp0:
0xf: {  	_ = 	snop;
	(pc) =	sbr.rel @!p0 .LBB2_3-.Ltmp0, $3  }
0x10: {  	_ =	sdelay $0x1  }
0x11: {  	[tilespmem:s2], [sflag:$0x1] =	stream.linear.gather [hbm4b:s6+s2], $0x80, $0x38;
	[tilespmem:$0x15400] =	vst v63  }
0x12: {  	s11 =	sadd.s32 $0xFFFFFFFF, s4;
	s12 =	smov.u32 s6;
	s13 =	simm.s32 $0x0  }
.LBB2_2:
0x13: {  	p1 =	sne.s32 s11, $0x1  }
.Ltmp1:
0x14: {  	_ = 	snop;
	(pc) =	sbr.rel @p1 .LBB2_2-.Ltmp1, $4  }
0x15: {  	_ = 	snop  }
0x16: {  	s12 =	sadd.s32 $0x10, s12;
	s13 =	sadd.s32 $0x80, s13  }
0x17: {  	s11 =	sadd.s32 $0xFFFFFFFF, s11  }
0x18: {  	[tilespmem:s13], [sflag:$0x1] =	stream.linear.gather [hbm4b:s12+s2], $0x80, $0x38;
	[tilespmem:$0x15400] =	vst v63  }
.LBB2_3:
0x19: {  	s11 =	smov.u32 s4  }
.LBB2_4:
0x1a: {  	p1 =	sne.s32 s11, $0x1  }
.Ltmp2:
0x1b: {  	_ = 	snop;
	(pc) =	sbr.rel @p1 .LBB2_4-.Ltmp2, $4  }
0x1c: {  	_ = 	snop  }
0x1d: {  	_ =	swait.ge [sflag:s8], $0x80  }
0x1e: {  	[sflag:s8] =	ssyncset.done $0x0  }
0x1f: {  	s11 =	sadd.s32 $0xFFFFFFFF, s11;
	[sflag:s8] =	ssyncadd.s32 $0xFFFFFF80  }
.Ltmp3:
0x20: {  	(pc) =	sbr.rel @!p0 .LBB2_7-.Ltmp3, $4  }
0x21: {  	_ = 	snop  }
0x22: {  	s12 =	simm.s32 $0x0  }
0x23: {  	s11 =	simm.s32 $0x1400;
	s13 =	sadd.s32 $0xFFFFFFFF, s4;
	s14 =	simm.s32 $0x1400  }
0x24: {  	[tilespmem:s11], [sflag:$0x1] =	stream.indirect.gather [hbm4b:s3+s9], $0x10, s12, s9, $0xb8;
	[tilespmem:$0x15400] =	vst v63  }
.LBB2_6:
0x25: {  	p1 =	sne.s32 s13, $0x1  }
.Ltmp4:
0x26: {  	_ = 	snop;
	(pc) =	sbr.rel @p1 .LBB2_6-.Ltmp4, $4  }
0x27: {  	_ = 	snop  }
0x28: {  	s12 =	sadd.s32 $0x80, s12;
	s14 =	sadd.s32 $0x800, s14  }
0x29: {  	s13 =	sadd.s32 $0xFFFFFFFF, s13  }
0x2a: {  	[tilespmem:s14], [sflag:$0x1] =	stream.indirect.gather [hbm4b:s3+s9], $0x10, s12, s9, $0xb8;
	[tilespmem:$0x15400] =	vst v63  }
.LBB2_7:
.Ltmp5:
0x2b: {  	(pc) =	sbr.rel @!p0 .LBB2_9-.Ltmp5, $4  }
0x2c: {  	_ =	swait.ge [sflag:s8], $0x800  }
0x2d: {  	[sflag:s8] =	ssyncset.done $0x0  }
0x2e: {  	s12 =	sadd.s32 $0xFFFFFFFF, s4;
	s13 =	smov.u32 s7;
	[sflag:s8] =	ssyncadd.s32 $0xFFFFF800  }
0x2f: {  	[hbm4b:s7+s2] =	stream.linear.scatter [tilespmem:s11], [sflag:$0x1], $0x800, $0x38;
	[tilespmem:$0x15400] =	vst v63  }
.LBB2_8:
0x30: {  	_ =	swait.ge [sflag:s8], $0x800;
	p1 =	sne.s32 s12, $0x1  }
.Ltmp6:
0x31: {  	(pc) =	sbr.rel @p1 .LBB2_8-.Ltmp6, $4  }
0x32: {  	_ = 	snop  }
0x33: {  	s13 =	sadd.s32 $0x100, s13;
	s11 =	sadd.s32 $0x800, s11;
	[sflag:s8] =	ssyncset.done $0x0  }
0x34: {  	s12 =	sadd.s32 $0xFFFFFFFF, s12;
	[sflag:s8] =	ssyncadd.s32 $0xFFFFF800  }
0x35: {  	[hbm4b:s13+s2] =	stream.linear.scatter [tilespmem:s11], [sflag:$0x1], $0x800, $0x38;
	[tilespmem:$0x15400] =	vst v63  }
.LBB2_9:
.Ltmp7:
0x36: {  	(pc) =	sbr.rel @!p0 .LBB2_11-.Ltmp7, $3  }
0x37: {  	_ =	sdelay $0x1  }
0x38: {  	_ =	swait.ge [sflag:s8], $0x800  }
0x39: {  	s11 =	sadd.s32 $0xFFFFFFFF, s4;
	[sflag:s8] =	ssyncset.done $0x0  }
.LBB2_10:
0x3a: {  	p0 =	sne.s32 s11, $0x1;
	s11 =	sadd.s32 $0xFFFFFFFF, s11;
	[sflag:s8] =	ssyncadd.s32 $0xFFFFF800  }
.Ltmp8:
0x3b: {  	(pc) =	sbr.rel @p0 .LBB2_10-.Ltmp8, $3  }
0x3c: {  	_ =	sdelay $0x1  }
0x3d: {  	_ =	swait.ge [sflag:s8], $0x800  }
0x3e: {  	[sflag:s8] =	ssyncset.done $0x0  }
.LBB2_11:
0x3f: {  	s10 =	sadd.s32 $0x1, s10  }
0x40: {  	p0 =	sne.s32 s10, s5  }
.Ltmp9:
0x41: {  	_ = 	snop;
	(pc) =	sbr.rel @p0 .LBB2_1-.Ltmp9, $2  }
0x42: {  	_ =	sdelay $0x2  }
0x43: {  	[sflag:s8] =	ssyncadd.s32 $0xFFFFF800  }
0x44: {  	_ =	sfence.sel $0x180000  }
0x45: {  	[bflag:$0x0] =	sbarrier.arrive $0xFFFF  }
0x46: {  	p0 =	sne.s32 s0, $0x0;
	_ =	strace $0x90000047  }
0x47: {  	s0 =	sadd.s32 @!p0 $0x100000, s1;
	[bflag:$0x2] =	sbarrier.arrive $0xFFFF  }
0x48: {  	[sflag:s0] =	ssyncadd.tile.s32 @!p0 $0x1;
	_ =	shalt  }
.Lfunc_end2:
_tile_overlayer_lowered:
.L_overlay_start_2:
0x49: {  	(tag) =	ssettag $0x2  }
0x4a: {  	s0 =	rddreg [dreg:$0x0];
	s2 =	stileid.u32  }
0x4b: {  	s1 =	rddreg [dreg:$0x1];
	p0 =	sne.s32 s2, $0x0  }
0x4c: {  	s3 =	rddreg [dreg:$0x2];
	[bflag:$0x3] =	sbarrier.arrive $0xFFFF;
	s2 =	simm.s32 @!p0 $0x1C02  }
0x4d: {  	[timem:s3], [sflag:s2] =	dma.local @!p0 [hbm:s0], s1  }
0x4e: {  	s0 =	simm.s32 @!p0 $0x2  }
0x4f: {  	_ =	swait.ge @!p0 [sflag:s0], s1  }
0x50: {  	s1 =	ssub.s32 @!p0 $0x0, s1;
	[sflag:s0] =	ssyncset.done @!p0 $0x0  }
0x51: {  	[sflag:s0] =	ssyncadd.s32 @!p0 s1  }
0x52: {  	[bflag:$0x3] =	sbarrier.arrive $0xFFFF  }
0x53: {  	_ =	shalt  }

// kernel: kernel.19.cloned.1.call-start
scs
__scs_entry_jumppad:
0x0: {  	(pc) =	sbr.rel $0x88, $3  }
0x1: {  	(tag) =	ssettag $0x0;
	lr =	simm.s32 $0x1  }
0x2: {  	[smem:$0x3F8D] =	sst lr;
	_ =	strace $0xD0000000  }
0x3: {  	_ = 	snop  }
0x4: {  	_ = 	snop  }
0x5: {  	_ = 	snop  }
0x6: {  	_ = 	snop  }
0x7: {  	_ = 	snop  }
__scs_overlays_trampoline_lowered:
0x8: {  	[smem:$0x3F9C] =	sst s0  }
0x9: {  	[smem:$0x3F9D] =	sst s1  }
0xa: {  	[smem:$0x3F9E] =	sst s2  }
0xb: {  	[smem:$0x3F9F] =	sst s3  }
0xc: {  	[smem:$0x3FA0] =	sst s4  }
0xd: {  	[smem:$0x3FA1] =	sst s5  }
0xe: {  	[smem:$0x3FA2] =	sst s6  }
0xf: {  	[smem:$0x3FA3] =	sst s7  }
0x10: {  	[smem:$0x3FA4] =	sst s8  }
0x11: {  	[smem:$0x3FA5] =	sst s9;
	s0 =	simm.s32 @!p0 $0x0  }
0x12: {  	s1 =	sld [smem:$0x3F8B];
	s0 =	simm.s32 @p0 $0x1  }
0x13: {  	[smem:$0x3FA6] =	sst s0;
	s0 =	simm.s32 @!p1 $0x0  }
0x14: {  	s2 =	sld [smem:$0x3F8A];
	s0 =	simm.s32 @p1 $0x1  }
0x15: {  	[smem:$0x3FA7] =	sst s0;
	s0 =	simm.s32 @!p2 $0x0  }
0x16: {  	s3 =	sld [smem:$0x3FDB];
	s0 =	simm.s32 @p2 $0x1  }
0x17: {  	s4 =	simm.s32 $0x1BF5;
	[smem:$0x3FA9] =	sst s0  }
0x18: {  	s0 =	sld [smem:$0x3F8C];
	_ =	swait.ge [sflag:s4], $0x0  }
0x19: {  	s7 =	sld [smem:$0x3F8D]  }
0x1a: {  	s8 =	sadd.s32 $0xFFFFE003, lr  }
0x1b: {  	s9 =	sadd.s32 $0xFFFFFEF7, lr;
	s5 =	simm.s32 $0xFFFFFFFF;
	p2 =	slt.u32 s8, $0xFFFFF086  }
0x1c: {  	p1 =	slt.u32 s9, $0xF7A;
	s5 =	simm.s32 @!p2 $0x0  }
0x1d: {  	s5 =	simm.s32 @p1 $0x1;
	p0 =	seq.s32 s7, s2  }
0x1e: {  	s7 =	smul.u32 @!p0 $0xF7A, s2;
	p2 =	seq.s32 @!p0 s5, $0x0  }
0x1f: {  	s9 =	smul.u32 $0xF7A, s1;
	s8 =	simm.s32 @!p0 $0x1BF5;
	p2 =	por !p2, p0  }
0x20: {  	[sflag:s8] =	ssyncset.s32 @!p0 $0xFFFFF086;
	s6 =	sadd.s32 @!p0 s3, s7;
	s7 =	simm.s32 @!p0 $0x108  }
0x21: {  	s3 =	sadd.s32 s3, s9;
	s6 =	sadd.s32 @!p0 $0x88, s6;
	s7 =	simm.s32 @p2 $0x1082  }
0x22: {  	[simem:s7], [sflag:s8] =	dma.local @!p0 [hbm:s6], $0xF7A  }
0x23: {  	s9 =	sor.u32 $0xD0000000, s2;
	s6 =	simm.s32 $0x108;
	_ =	swait.ge @!p0 [sflag:s8], $0x0  }
0x24: {  	s3 =	sadd.s32 $0x88, s3;
	s6 =	simm.s32 @!p1 $0x1082;
	[sflag:s4] =	ssyncset.s32 $0xFFFFF086  }
0x25: {  	[simem:s6], [sflag:s4] =	dma.local [hbm:s3], $0xF7A  }
0x26: {  	[smem:$0x3F8D] =	sst s1;
	(tag) =	ssettag s2;
	_ =	strace s9  }
0x27: {  	s1 =	sld [smem:$0x3F9D]  }
0x28: {  	s2 =	sld [smem:$0x3F9E]  }
0x29: {  	s4 =	sld [smem:$0x3FA0]  }
0x2a: {  	p0 =	seq.s32 s5, $0x0;
	s5 =	sld [smem:$0x3FA1]  }
0x2b: {  	s6 =	sld [smem:$0x3FA2]  }
0x2c: {  	s7 =	sld [smem:$0x3FA3]  }
0x2d: {  	s3 =	simm.s32 $0x108;
	s8 =	sld [smem:$0x3FA4]  }
0x2e: {  	s3 =	simm.s32 @!p0 $0x1082;
	s9 =	sld [smem:$0x3FA5]  }
0x2f: {  	lr =	sadd.s32 s0, s3;
	s0 =	sld [smem:$0x3F9C]  }
0x30: {  	s3 =	sld [smem:$0x3F9F]  }
0x31: {  	[smem:$0x3FA8] =	sst s10  }
0x32: {  	s10 =	sld [smem:$0x3FA6];
	_ =	sdelay $0x3  }
0x33: {  	p0 =	seq.s32 s10, $0x1;
	s10 =	sld [smem:$0x3FA8];
	_ =	sdelay $0x3  }
0x34: {  	[smem:$0x3FA8] =	sst s10  }
0x35: {  	s10 =	sld [smem:$0x3FA7];
	_ =	sdelay $0x3  }
0x36: {  	p1 =	seq.s32 s10, $0x1;
	s10 =	sld [smem:$0x3FA8];
	_ =	sdelay $0x3  }
0x37: {  	[smem:$0x3FA8] =	sst s10  }
0x38: {  	s10 =	sld [smem:$0x3FA9]  }
0x39: {  	_ = 	snop;
	(pc) =	sbr.ind lr, $3  }
0x3a: {  	_ = 	snop  }
0x3b: {  	_ = 	snop  }
0x3c: {  	p2 =	seq.s32 s10, $0x1;
	s10 =	sld [smem:$0x3FA8]  }
0x3d: {  	_ =	shalt  }
0x3e: {  	_ =	shalt  }
0x3f: {  	_ =	shalt  }
0x40: {  	_ =	shalt  }
0x41: {  	_ =	shalt  }
0x42: {  	_ =	shalt  }
0x43: {  	_ =	shalt  }
0x44: {  	_ =	shalt  }
0x45: {  	_ =	shalt  }
0x46: {  	_ =	shalt  }
0x47: {  	_ =	shalt  }
0x48: {  	_ =	shalt  }
0x49: {  	_ =	shalt  }
0x4a: {  	_ =	shalt  }
0x4b: {  	_ =	shalt  }
0x4c: {  	_ =	shalt  }
0x4d: {  	_ =	shalt  }
0x4e: {  	_ =	shalt  }
0x4f: {  	_ =	shalt  }
0x50: {  	_ =	shalt  }
0x51: {  	_ =	shalt  }
0x52: {  	_ =	shalt  }
0x53: {  	_ =	shalt  }
0x54: {  	_ =	shalt  }
0x55: {  	_ =	shalt  }
0x56: {  	_ =	shalt  }
0x57: {  	_ =	shalt  }
0x58: {  	_ =	shalt  }
0x59: {  	_ =	shalt  }
0x5a: {  	_ =	shalt  }
0x5b: {  	_ =	shalt  }
0x5c: {  	_ =	shalt  }
0x5d: {  	_ =	shalt  }
0x5e: {  	_ =	shalt  }
0x5f: {  	_ =	shalt  }
0x60: {  	_ =	shalt  }
0x61: {  	_ =	shalt  }
0x62: {  	_ =	shalt  }
0x63: {  	_ =	shalt  }
0x64: {  	_ =	shalt  }
0x65: {  	_ =	shalt  }
0x66: {  	_ =	shalt  }
0x67: {  	_ =	shalt  }
0x68: {  	_ =	shalt  }
0x69: {  	_ =	shalt  }
0x6a: {  	_ =	shalt  }
0x6b: {  	_ =	shalt  }
0x6c: {  	_ =	shalt  }
0x6d: {  	_ =	shalt  }
0x6e: {  	_ =	shalt  }
0x6f: {  	_ =	shalt  }
0x70: {  	_ =	shalt  }
0x71: {  	_ =	shalt  }
0x72: {  	_ =	shalt  }
0x73: {  	_ =	shalt  }
0x74: {  	_ =	shalt  }
0x75: {  	_ =	shalt  }
0x76: {  	_ =	shalt  }
0x77: {  	_ =	shalt  }
0x78: {  	_ =	shalt  }
0x79: {  	_ =	shalt  }
0x7a: {  	_ =	shalt  }
0x7b: {  	_ =	shalt  }
0x7c: {  	_ =	shalt  }
0x7d: {  	_ =	shalt  }
0x7e: {  	_ =	shalt  }
0x7f: {  	_ =	shalt  }
0x80: {  	_ =	shalt  }
0x81: {  	_ =	shalt  }
0x82: {  	_ =	shalt  }
0x83: {  	_ =	shalt  }
0x84: {  	_ =	shalt  }
0x85: {  	_ =	shalt  }
0x86: {  	_ =	shalt  }
0x87: {  	_ =	shalt  }
.Lfunc_end0:
.L_simem_size_0:
called_computation.1_lowered:
.L_overlay_start_0:
0x88: {  	s2 =	sld [smem:$0x3FD9]  }
0x89: {  	s3 =	sld [smem:$0x3FFE];
	_ =	sdelay $0x1  }
0x8a: {  	s1 =	srdreg.scid  }
0x8b: {  	s0 =	sand.u32 $0x1, s1  }
0x8c: {  	s17 =	sshll.u32 s0, $0xA;
	s2 =	sadd.s32 s3, s2  }
0x8d: {  	s2 =	sadd.s32 s2, s17  }
0x8e: {  	[smem:$0x3FB4] =	sst s2  }
0x8f: {  	_ = 	snop  }
0x90: {  	s2 =	sld [smem:$0x3FD0];
	(tm) =	ssettm $0x1  }
0x91: {  	s18 =	sld [smem:$0x3FFB];
	_ =	sdelay $0x3  }
0x92: {  	_ =	strace s18  }
0x93: {  	s3 =	sld [smem:$0x3FFC];
	_ =	sdelay $0x3  }
0x94: {  	_ =	strace s3  }
0x95: {  	s3 =	sld [smem:$0x3FFD];
	_ =	sdelay $0x3  }
0x96: {  	_ =	strace s3  }
0x97: {  	_ =	strace $0x8FFFFFFF  }
0x98: {  	s19 =	sld [smem:$0x3FDB];
	_ =	sdelay $0x1  }
0x99: {  	s4 =	simm.s32 $_scs_section_size  }
0x9a: {  	s5 =	simm.s32 $_size__tile_overlayer_lowered;
	s6 =	simm.s32 $_tile_overlayer_lowered  }
0x9b: {  	s22 =	simm.s32 $0x1BFF;
	s21 =	sshll.u32 s6, $0x1;
	s3 =	sadd.s32 s4, s19  }
0x9c: {  	s7 =	simm.s32 $0x0;
	s20 =	sshll.u32 s5, $0x1;
	s5 =	sadd.s32 s21, s3  }
0x9d: {  	[timem:s7], [sflag:s22] =	dma.local [hbm:s5], s20  }
0x9e: {  	_ =	swait.ge [sflag:s22], s20  }
0x9f: {  	s4 =	ssub.s32 $0x0, s20;
	[sflag:s22] =	ssyncset.done $0x0  }
0xa0: {  	[sflag:s22] =	ssyncadd.s32 s4;
	_ =	sdelay $0x1  }
0xa1: {  	s23 =	simm.s32 $0x1B8B  }
0xa2: {  	_ =	swait.ge [sflag:s23], $0x1  }
0xa3: {  	[sflag:s23] =	ssyncset.done $0x0  }
0xa4: {  	s25 =	simm.s32 $0x1B8E;
	s24 =	sld [smem:$0x3FFE];
	[sflag:s23] =	ssyncadd.s32 $0xFFFFFFFF  }
0xa5: {  	s26 =	simm.s32 $execute0_lowered;
	[smem:$0x3FD2] =	sst s25  }
0xa6: {  	s5 =	sshll.u32 s26, $0x1;
	_ =	strace $0x80000049;
	[dreg:$0x1] =	wrdreg $0xFFFFFFFF  }
0xa7: {  	s28 =	simm.s32 $_size_execute0_lowered;
	s3 =	sadd.s32 s3, s5;
	[dreg:$0x0] =	wrdreg $0x0  }
0xa8: {  	s5 =	sshll.u32 s28, $0x1;
	[dreg:$0x2] =	wrdreg s3  }
0xa9: {  	[dreg:$0x3] =	wrdreg s5  }
0xaa: {  	[dreg:$0x4] =	wrdreg $0xC0  }
0xab: {  	_ =	task [dreg:s7], $0x5FFFF  }
0xac: {  	[dreg:$0x1] =	wrdreg $0xFFFFFFFF  }
0xad: {  	[dreg:$0x0] =	wrdreg $0x60  }
0xae: {  	[dreg:$0x2] =	wrdreg s24  }
0xaf: {  	[dreg:$0x3] =	wrdreg s2  }
0xb0: {  	[dreg:$0x4] =	wrdreg $0x15C000  }
0xb1: {  	[dreg:$0x5] =	wrdreg $0x184000  }
0xb2: {  	[dreg:$0x6] =	wrdreg $0x9  }
0xb3: {  	_ =	task.clear_ibuf [dreg:s7], $0x7FFFF;
	_ =	strace $0x90000049  }
0xb4: {  	s29 =	simm.s32 $0x9;
	_ =	strace $0x8000004B  }
0xb5: {  	_ =	swait.ge [sflag:s29], $0x1  }
0xb6: {  	[sflag:s29] =	ssyncadd.s32 $0xFFFFFFFF  }
0xb7: {  	_ =	strace $0x9000004B  }
0xb8: {  	_ =	sfence  }
0xb9: {  	s30 =	sld [smem:$0x0];
	_ =	sdelay $0x2  }
0xba: {  	s31 =	sshll.u32 s1, $0xD;
	s1 =	sshrl.u32 s1, $0x2  }
0xbb: {  	s3 =	sand.u32 $0x4000, s31;
	s1 =	sadd.s32 s1, s30  }
0xbc: {  	s0 =	sor.u32 s3, s0;
	s1 =	sshll.u32 s1, $0x11  }
0xbd: {  	s0 =	sor.u32 s1, s0  }
0xbe: {  	s0 =	sadd.s32 $0x8F2B, s0  }
0xbf: {  	[sflag:s0] =	ssyncadd.remote.s32 $0x1  }
0xc0: {  	_ =	sfence.sel $0xFFFF  }
0xc1: {  	[dreg:$0x0] =	wrdreg $0xFFFFFFFF;
	(pc) =	sbr.abs _section_cstart, $3  }
0xc2: {  	[dreg:$0x1] =	wrdreg $0xFFFFFFFF  }
0xc3: {  	_ =	task.clear_ibuf [dreg:s7], $0x2FFFF;
	_ =	strace $0x9FFFFFFF  }
0xc4: {  	(tm) =	ssettm $0x7FFFFFFF  }
0xc5: {  	_ =	shalt  }
tec
execute0_lowered:
.L_overlay_start_1:
0x0: {  	(tag) =	ssettag $0x1  }
0x1: {  	s9 =	rddreg [dreg:$0x0]  }
0x2: {  	s1 =	rddreg [dreg:$0x1]  }
0x3: {  	s3 =	rddreg [dreg:$0x2]  }
0x4: {  	s4 =	rddreg [dreg:$0x3]  }
0x5: {  	s0 =	rddreg [dreg:$0x4];
	s2 =	stileid.u32  }
0x6: {  	s6 =	srdreg.scid;
	s5 =	simm.s32 $0x0;
	s10 =	smul.u32 $0x2800, s2  }
0x7: {  	s8 =	sand.u32 $0x1, s6;
	[smem:$0x7FF] =	sst s5;
	s30 =	smul.u32 $0x1400, s2  }
0x8: {  	s29 =	sshll.u32 s2, $0x6;
	s18 =	sadd.s32 $0xBE20, s9;
	s6 =	smul.u32 $0x28000, s8  }
0x9: {  	_ =	strace $0x8000004A;
	s7 =	smul.u32 $0x5000, s8;
	s26 =	sshll.u32 s8, $0x4  }
0xa: {  	s28 =	ssub.s32 $0x2, s8;
	s16 =	smul.u32 $0x14000, s8;
	s8 =	sor.u32 $0x1C02, s29  }
0xb: {  	s19 =	sshrl.u32 s10, $0x3;
	s14 =	sshrl.u32 s28, $0x1;
	s15 =	sadd.s32 s10, s3  }
0xc: {  	s17 =	sadd.s32 s10, s4;
	s11 =	sadd.s32 s6, s9;
	s12 =	sadd.s32 s19, s9  }
0xd: {  	s13 =	sadd.s32 s7, s9;
	s6 =	sor.u32 s2, s26;
	s14 =	ssub.s32 s28, s14  }
0xe: {  	s31 =	sadd.s32 s30, s16;
	p0 =	seq.s32 s6, $0x1F;
	s6 =	simm.s32 $0xA  }
0xf: {  	s7 =	sadd.s32 $0x87000, s12;
	s20 =	sadd.s32 $0x307000, s13;
	s21 =	sadd.s32 $0x2FD000, s13  }
0x10: {  	s9 =	smax.u32 s14, $0x1;
	s10 =	sadd.s32 s10, s11;
	s16 =	sshrl.u32 s31, $0x3  }
0x11: {  	s11 =	sshrl.u32 s15, $0x3;
	s12 =	simm.s32 $0x2;
	s13 =	sshrl.u32 s17, $0x3  }
0x12: {  	s14 =	simm.s32 $0x15400;
	s17 =	simm.s32 $0x80;
	s6 =	simm.s32 @!p0 $0x28  }
0x13: {  	s10 =	sadd.s32 $0x38E00, s10;
	s15 =	sadd.s32 s18, s16;
	s16 =	simm.s32 $0x1  }
0x14: {  	s18 =	sadd.s32 s19, s20;
	s19 =	sadd.s32 s19, s21;
	s20 =	simm.s32 $0x0  }
.LBB2_1:
0x15: {  	[spmem:s11], [sflag:s8] =	dma.local [hbm:s7], $0x500  }
0x16: {  	_ =	swait.ge [sflag:s12], $0x500  }
0x17: {  	[sflag:s12] =	ssyncset.done $0x0  }
0x18: {  	[sflag:s12] =	ssyncadd.s32 $0xFFFFFB00  }
0x19: {  	[spmem:s13], [sflag:s8] =	dma.local [hbm:s7], $0x500  }
0x1a: {  	_ =	swait.ge [sflag:s12], $0x500  }
0x1b: {  	[sflag:s12] =	ssyncset.done $0x0  }
0x1c: {  	[sflag:s12] =	ssyncadd.s32 $0xFFFFFB00  }
0x1d: {  	[tilespmem:s14], [sflag:$0x2] =	stream.linear.gather [hbm4b:s1+s5], $0x800, $0x38;
	[tilespmem:$0x1AC00] =	vst v63  }
0x1e: {  	p0 =	sne.s32 s6, $0x1;
	_ =	swait.ge [sflag:s12], $0x800  }
.Ltmp0:
0x1f: {  	[sflag:s12] =	ssyncset.done $0x0;
	(pc) =	sbr.rel @!p0 .LBB2_3-.Ltmp0, $4  }
0x20: {  	s21 =	simm.s32 $0x1400;
	s22 =	sadd.s32 $0xFFFFFFFF, s6;
	[sflag:s12] =	ssyncadd.s32 $0xFFFFF800  }
0x21: {  	[tilespmem:s5], [sflag:$0x1] =	stream.linear.gather [hbm4b:s15+s5], $0x80, $0x38;
	[tilespmem:$0x1AC00] =	vst v63  }
0x22: {  	s23 =	sadd.s32 $0x10, s15;
	s24 =	simm.s32 $0x80;
	s25 =	smov.u32 s10  }
0x23: {  	[tilespmem:s21], [sflag:$0x1] =	stream.linear.gather [hbm4b:s10+s5], $0x800, $0x38;
	[tilespmem:$0x1AC00] =	vst v63  }
.LBB2_2:
0x24: {  	[tilespmem:s24], [sflag:$0x1] =	stream.linear.gather [hbm4b:s23+s5], $0x80, $0x38;
	[tilespmem:$0x1AC00] =	vst v63  }
0x25: {  	p1 =	sne.s32 s22, $0x1  }
.Ltmp1:
0x26: {  	s22 =	sadd.s32 $0xFFFFFFFF, s22;
	(pc) =	sbr.rel @p1 .LBB2_2-.Ltmp1, $4  }
0x27: {  	s21 =	sadd.s32 $0x800, s21;
	s25 =	sadd.s32 $0x100, s25  }
0x28: {  	[tilespmem:s21], [sflag:$0x1] =	stream.linear.gather [hbm4b:s25+s5], $0x800, $0x38;
	[tilespmem:$0x1AC00] =	vst v63  }
0x29: {  	_ = 	snop  }
0x2a: {  	s23 =	sadd.s32 $0x10, s23;
	s24 =	sadd.s32 $0x80, s24  }
.LBB2_3:
.Ltmp2:
0x2b: {  	_ =	swait.ge [sflag:s16], $0x80;
	(pc) =	sbr.rel @!p0 .LBB2_5-.Ltmp2, $4  }
0x2c: {  	[sflag:s16] =	ssyncset.done $0x0  }
0x2d: {  	[sflag:s16] =	ssyncadd.s32 $0xFFFFFF80  }
0x2e: {  	_ =	swait.ge [sflag:s16], $0x800  }
0x2f: {  	s21 =	sadd.s32 $0xFFFFFFFF, s6;
	[sflag:s16] =	ssyncset.done $0x0  }
.LBB2_4:
0x30: {  	p1 =	sne.s32 s21, $0x1;
	s21 =	sadd.s32 $0xFFFFFFFF, s21;
	[sflag:s16] =	ssyncadd.s32 $0xFFFFF800  }
.Ltmp3:
0x31: {  	_ =	swait.ge [sflag:s16], $0x80;
	(pc) =	sbr.rel @p1 .LBB2_4-.Ltmp3, $4  }
0x32: {  	[sflag:s16] =	ssyncset.done $0x0  }
0x33: {  	[sflag:s16] =	ssyncadd.s32 $0xFFFFFF80  }
0x34: {  	_ =	swait.ge [sflag:s16], $0x800  }
0x35: {  	[sflag:s16] =	ssyncset.done $0x0  }
.LBB2_5:
.Ltmp4:
0x36: {  	(pc) =	sbr.rel @!p0 .LBB2_7-.Ltmp4, $4  }
0x37: {  	[sflag:s16] =	ssyncadd.s32 $0xFFFFF800  }
0x38: {  	s22 =	simm.s32 $0x0;
	s21 =	simm.s32 $0x1400;
	[bflag:$0x0] =	sbarrier.arrive $0xFFFF  }
0x39: {  	[spmem:s3] =	stream.indirect.scatter.add.f32 [tilespmem:s21], [sflag:$0x1], $0x10, s22, s17, $0xb8;
	[tilespmem:$0x1AC00] =	vst v63  }
0x3a: {  	s23 =	simm.s32 $0x80;
	s24 =	simm.s32 $0x1C00;
	s21 =	sadd.s32 $0xFFFFFFFF, s6  }
.LBB2_6:
0x3b: {  	[spmem:s4] =	stream.indirect.scatter.add.f32 [tilespmem:s14], [sflag:$0x1], $0x10, s22, s17, $0xb8;
	[tilespmem:$0x1AC00] =	vst v63  }
0x3c: {  	p1 =	sne.s32 s21, $0x1  }
.Ltmp5:
0x3d: {  	s21 =	sadd.s32 $0xFFFFFFFF, s21;
	(pc) =	sbr.rel @p1 .LBB2_6-.Ltmp5, $3  }
0x3e: {  	s22 =	smov.u32 s23;
	_ =	sdelay $0x1  }
0x3f: {  	[spmem:s3] =	stream.indirect.scatter.add.f32 [tilespmem:s24], [sflag:$0x1], $0x10, s23, s17, $0xb8;
	[tilespmem:$0x1AC00] =	vst v63  }
0x40: {  	s23 =	sadd.s32 $0x80, s23;
	s24 =	sadd.s32 $0x800, s24  }
.LBB2_7:
0x41: {  	[spmem:s4] =	stream.indirect.scatter.add.f32 [tilespmem:s14], [sflag:$0x1], $0x10, s22, s17, $0xb8;
	[tilespmem:$0x1AC00] =	vst v63  }
.Ltmp6:
0x42: {  	_ =	swait.ge [sflag:s16], $0x800;
	(pc) =	sbr.rel @!p0 .LBB2_9-.Ltmp6, $4  }
0x43: {  	[sflag:s16] =	ssyncset.done $0x0  }
0x44: {  	[sflag:s16] =	ssyncadd.s32 $0xFFFFF800  }
0x45: {  	_ =	swait.ge [sflag:s16], $0x800  }
0x46: {  	s21 =	sadd.s32 $0xFFFFFFFF, s6;
	[sflag:s16] =	ssyncset.done $0x0  }
.LBB2_8:
0x47: {  	p0 =	sne.s32 s21, $0x1;
	s21 =	sadd.s32 $0xFFFFFFFF, s21;
	[sflag:s16] =	ssyncadd.s32 $0xFFFFF800  }
.Ltmp7:
0x48: {  	_ =	swait.ge [sflag:s16], $0x800;
	(pc) =	sbr.rel @p0 .LBB2_8-.Ltmp7, $4  }
0x49: {  	[sflag:s16] =	ssyncset.done $0x0  }
0x4a: {  	[sflag:s16] =	ssyncadd.s32 $0xFFFFF800  }
0x4b: {  	_ =	swait.ge [sflag:s16], $0x800  }
0x4c: {  	[sflag:s16] =	ssyncset.done $0x0  }
.LBB2_9:
0x4d: {  	[sflag:s16] =	ssyncadd.s32 $0xFFFFF800  }
0x4e: {  	[bflag:$0x0] =	sbarrier.arrive $0xFFFF  }
0x4f: {  	[hbm:s18], [sflag:s8] =	dma.local [spmem:s11], $0x500  }
0x50: {  	s20 =	sadd.s32 $0x1, s20;
	_ =	swait.ge [sflag:s12], $0x500  }
0x51: {  	p0 =	sne.s32 s20, s9;
	[sflag:s12] =	ssyncset.done $0x0  }
.Ltmp8:
0x52: {  	[sflag:s12] =	ssyncadd.s32 $0xFFFFFB00;
	(pc) =	sbr.rel @p0 .LBB2_1-.Ltmp8, $4  }
0x53: {  	[hbm:s19], [sflag:s8] =	dma.local [spmem:s13], $0x500  }
0x54: {  	_ =	swait.ge [sflag:s12], $0x500  }
0x55: {  	[sflag:s12] =	ssyncset.done $0x0  }
0x56: {  	[sflag:s12] =	ssyncadd.s32 $0xFFFFFB00  }
0x57: {  	_ =	sfence.sel $0x180000  }
0x58: {  	[bflag:$0x0] =	sbarrier.arrive $0xFFFF  }
0x59: {  	p0 =	sne.s32 s2, $0x0;
	_ =	strace $0x9000004A  }
0x5a: {  	s0 =	sadd.s32 @!p0 $0x100000, s0;
	[bflag:$0x2] =	sbarrier.arrive $0xFFFF  }
0x5b: {  	[sflag:s0] =	ssyncadd.tile.s32 @!p0 $0x1;
	_ =	shalt  }
.Lfunc_end2:
_tile_overlayer_lowered:
.L_overlay_start_2:
0x5c: {  	(tag) =	ssettag $0x2  }
0x5d: {  	s0 =	rddreg [dreg:$0x0];
	s2 =	stileid.u32  }
0x5e: {  	s1 =	rddreg [dreg:$0x1];
	p0 =	sne.s32 s2, $0x0  }
0x5f: {  	s3 =	rddreg [dreg:$0x2];
	[bflag:$0x3] =	sbarrier.arrive $0xFFFF;
	s2 =	simm.s32 @!p0 $0x1C02  }
0x60: {  	[timem:s3], [sflag:s2] =	dma.local @!p0 [hbm:s0], s1  }
0x61: {  	s0 =	simm.s32 @!p0 $0x2  }
0x62: {  	_ =	swait.ge @!p0 [sflag:s0], s1  }
0x63: {  	s1 =	ssub.s32 @!p0 $0x0, s1;
	[sflag:s0] =	ssyncset.done @!p0 $0x0  }
0x64: {  	[sflag:s0] =	ssyncadd.s32 @!p0 s1  }
0x65: {  	[bflag:$0x3] =	sbarrier.arrive $0xFFFF  }
0x66: {  	_ =	shalt  }

// kernel: kernel.22.cloned.1.call-start
scs
__scs_entry_jumppad:
0x0: {  	(pc) =	sbr.rel $0x88, $3  }
0x1: {  	(tag) =	ssettag $0x0;
	lr =	simm.s32 $0x1  }
0x2: {  	[smem:$0x3F8D] =	sst lr;
	_ =	strace $0xD0000000  }
0x3: {  	_ = 	snop  }
0x4: {  	_ = 	snop  }
0x5: {  	_ = 	snop  }
0x6: {  	_ = 	snop  }
0x7: {  	_ = 	snop  }
__scs_overlays_trampoline_lowered:
0x8: {  	[smem:$0x3F9C] =	sst s0  }
0x9: {  	[smem:$0x3F9D] =	sst s1  }
0xa: {  	[smem:$0x3F9E] =	sst s2  }
0xb: {  	[smem:$0x3F9F] =	sst s3  }
0xc: {  	[smem:$0x3FA0] =	sst s4  }
0xd: {  	[smem:$0x3FA1] =	sst s5  }
0xe: {  	[smem:$0x3FA2] =	sst s6  }
0xf: {  	[smem:$0x3FA3] =	sst s7  }
0x10: {  	[smem:$0x3FA4] =	sst s8  }
0x11: {  	[smem:$0x3FA5] =	sst s9;
	s0 =	simm.s32 @!p0 $0x0  }
0x12: {  	s1 =	sld [smem:$0x3F8B];
	s0 =	simm.s32 @p0 $0x1  }
0x13: {  	[smem:$0x3FA6] =	sst s0;
	s0 =	simm.s32 @!p1 $0x0  }
0x14: {  	s2 =	sld [smem:$0x3F8A];
	s0 =	simm.s32 @p1 $0x1  }
0x15: {  	[smem:$0x3FA7] =	sst s0;
	s0 =	simm.s32 @!p2 $0x0  }
0x16: {  	s3 =	sld [smem:$0x3FDB];
	s0 =	simm.s32 @p2 $0x1  }
0x17: {  	s4 =	simm.s32 $0x1BF5;
	[smem:$0x3FA9] =	sst s0  }
0x18: {  	s0 =	sld [smem:$0x3F8C];
	_ =	swait.ge [sflag:s4], $0x0  }
0x19: {  	s7 =	sld [smem:$0x3F8D]  }
0x1a: {  	s8 =	sadd.s32 $0xFFFFE003, lr  }
0x1b: {  	s9 =	sadd.s32 $0xFFFFFEF7, lr;
	s5 =	simm.s32 $0xFFFFFFFF;
	p2 =	slt.u32 s8, $0xFFFFF086  }
0x1c: {  	p1 =	slt.u32 s9, $0xF7A;
	s5 =	simm.s32 @!p2 $0x0  }
0x1d: {  	s5 =	simm.s32 @p1 $0x1;
	p0 =	seq.s32 s7, s2  }
0x1e: {  	s7 =	smul.u32 @!p0 $0xF7A, s2;
	p2 =	seq.s32 @!p0 s5, $0x0  }
0x1f: {  	s9 =	smul.u32 $0xF7A, s1;
	s8 =	simm.s32 @!p0 $0x1BF5;
	p2 =	por !p2, p0  }
0x20: {  	[sflag:s8] =	ssyncset.s32 @!p0 $0xFFFFF086;
	s6 =	sadd.s32 @!p0 s3, s7;
	s7 =	simm.s32 @!p0 $0x108  }
0x21: {  	s3 =	sadd.s32 s3, s9;
	s6 =	sadd.s32 @!p0 $0x88, s6;
	s7 =	simm.s32 @p2 $0x1082  }
0x22: {  	[simem:s7], [sflag:s8] =	dma.local @!p0 [hbm:s6], $0xF7A  }
0x23: {  	s9 =	sor.u32 $0xD0000000, s2;
	s6 =	simm.s32 $0x108;
	_ =	swait.ge @!p0 [sflag:s8], $0x0  }
0x24: {  	s3 =	sadd.s32 $0x88, s3;
	s6 =	simm.s32 @!p1 $0x1082;
	[sflag:s4] =	ssyncset.s32 $0xFFFFF086  }
0x25: {  	[simem:s6], [sflag:s4] =	dma.local [hbm:s3], $0xF7A  }
0x26: {  	[smem:$0x3F8D] =	sst s1;
	(tag) =	ssettag s2;
	_ =	strace s9  }
0x27: {  	s1 =	sld [smem:$0x3F9D]  }
0x28: {  	s2 =	sld [smem:$0x3F9E]  }
0x29: {  	s4 =	sld [smem:$0x3FA0]  }
0x2a: {  	p0 =	seq.s32 s5, $0x0;
	s5 =	sld [smem:$0x3FA1]  }
0x2b: {  	s6 =	sld [smem:$0x3FA2]  }
0x2c: {  	s7 =	sld [smem:$0x3FA3]  }
0x2d: {  	s3 =	simm.s32 $0x108;
	s8 =	sld [smem:$0x3FA4]  }
0x2e: {  	s3 =	simm.s32 @!p0 $0x1082;
	s9 =	sld [smem:$0x3FA5]  }
0x2f: {  	lr =	sadd.s32 s0, s3;
	s0 =	sld [smem:$0x3F9C]  }
0x30: {  	s3 =	sld [smem:$0x3F9F]  }
0x31: {  	[smem:$0x3FA8] =	sst s10  }
0x32: {  	s10 =	sld [smem:$0x3FA6];
	_ =	sdelay $0x3  }
0x33: {  	p0 =	seq.s32 s10, $0x1;
	s10 =	sld [smem:$0x3FA8];
	_ =	sdelay $0x3  }
0x34: {  	[smem:$0x3FA8] =	sst s10  }
0x35: {  	s10 =	sld [smem:$0x3FA7];
	_ =	sdelay $0x3  }
0x36: {  	p1 =	seq.s32 s10, $0x1;
	s10 =	sld [smem:$0x3FA8];
	_ =	sdelay $0x3  }
0x37: {  	[smem:$0x3FA8] =	sst s10  }
0x38: {  	s10 =	sld [smem:$0x3FA9]  }
0x39: {  	_ = 	snop;
	(pc) =	sbr.ind lr, $3  }
0x3a: {  	_ = 	snop  }
0x3b: {  	_ = 	snop  }
0x3c: {  	p2 =	seq.s32 s10, $0x1;
	s10 =	sld [smem:$0x3FA8]  }
0x3d: {  	_ =	shalt  }
0x3e: {  	_ =	shalt  }
0x3f: {  	_ =	shalt  }
0x40: {  	_ =	shalt  }
0x41: {  	_ =	shalt  }
0x42: {  	_ =	shalt  }
0x43: {  	_ =	shalt  }
0x44: {  	_ =	shalt  }
0x45: {  	_ =	shalt  }
0x46: {  	_ =	shalt  }
0x47: {  	_ =	shalt  }
0x48: {  	_ =	shalt  }
0x49: {  	_ =	shalt  }
0x4a: {  	_ =	shalt  }
0x4b: {  	_ =	shalt  }
0x4c: {  	_ =	shalt  }
0x4d: {  	_ =	shalt  }
0x4e: {  	_ =	shalt  }
0x4f: {  	_ =	shalt  }
0x50: {  	_ =	shalt  }
0x51: {  	_ =	shalt  }
0x52: {  	_ =	shalt  }
0x53: {  	_ =	shalt  }
0x54: {  	_ =	shalt  }
0x55: {  	_ =	shalt  }
0x56: {  	_ =	shalt  }
0x57: {  	_ =	shalt  }
0x58: {  	_ =	shalt  }
0x59: {  	_ =	shalt  }
0x5a: {  	_ =	shalt  }
0x5b: {  	_ =	shalt  }
0x5c: {  	_ =	shalt  }
0x5d: {  	_ =	shalt  }
0x5e: {  	_ =	shalt  }
0x5f: {  	_ =	shalt  }
0x60: {  	_ =	shalt  }
0x61: {  	_ =	shalt  }
0x62: {  	_ =	shalt  }
0x63: {  	_ =	shalt  }
0x64: {  	_ =	shalt  }
0x65: {  	_ =	shalt  }
0x66: {  	_ =	shalt  }
0x67: {  	_ =	shalt  }
0x68: {  	_ =	shalt  }
0x69: {  	_ =	shalt  }
0x6a: {  	_ =	shalt  }
0x6b: {  	_ =	shalt  }
0x6c: {  	_ =	shalt  }
0x6d: {  	_ =	shalt  }
0x6e: {  	_ =	shalt  }
0x6f: {  	_ =	shalt  }
0x70: {  	_ =	shalt  }
0x71: {  	_ =	shalt  }
0x72: {  	_ =	shalt  }
0x73: {  	_ =	shalt  }
0x74: {  	_ =	shalt  }
0x75: {  	_ =	shalt  }
0x76: {  	_ =	shalt  }
0x77: {  	_ =	shalt  }
0x78: {  	_ =	shalt  }
0x79: {  	_ =	shalt  }
0x7a: {  	_ =	shalt  }
0x7b: {  	_ =	shalt  }
0x7c: {  	_ =	shalt  }
0x7d: {  	_ =	shalt  }
0x7e: {  	_ =	shalt  }
0x7f: {  	_ =	shalt  }
0x80: {  	_ =	shalt  }
0x81: {  	_ =	shalt  }
0x82: {  	_ =	shalt  }
0x83: {  	_ =	shalt  }
0x84: {  	_ =	shalt  }
0x85: {  	_ =	shalt  }
0x86: {  	_ =	shalt  }
0x87: {  	_ =	shalt  }
.Lfunc_end0:
.L_simem_size_0:
called_computation.2_lowered:
.L_overlay_start_0:
0x88: {  	s2 =	sld [smem:$0x3FD9]  }
0x89: {  	s3 =	sld [smem:$0x3FFE];
	_ =	sdelay $0x1  }
0x8a: {  	s1 =	srdreg.scid  }
0x8b: {  	s0 =	sand.u32 $0x1, s1  }
0x8c: {  	s16 =	sshll.u32 s0, $0xA;
	s2 =	sadd.s32 s3, s2  }
0x8d: {  	s2 =	sadd.s32 s2, s16  }
0x8e: {  	[smem:$0x3FB4] =	sst s2  }
0x8f: {  	_ = 	snop  }
0x90: {  	(tm) =	ssettm $0x1  }
0x91: {  	s17 =	sld [smem:$0x3FFB];
	_ =	sdelay $0x3  }
0x92: {  	_ =	strace s17  }
0x93: {  	s2 =	sld [smem:$0x3FFC];
	_ =	sdelay $0x3  }
0x94: {  	_ =	strace s2  }
0x95: {  	s2 =	sld [smem:$0x3FFD];
	_ =	sdelay $0x3  }
0x96: {  	_ =	strace s2  }
0x97: {  	_ =	strace $0x8FFFFFFF  }
0x98: {  	s18 =	sld [smem:$0x3FDB];
	_ =	sdelay $0x1  }
0x99: {  	s19 =	simm.s32 $_scs_section_size  }
0x9a: {  	s4 =	simm.s32 $_size__tile_overlayer_lowered;
	s5 =	simm.s32 $_tile_overlayer_lowered  }
0x9b: {  	s22 =	simm.s32 $0x1BFF;
	s21 =	sshll.u32 s5, $0x1;
	s2 =	sadd.s32 s19, s18  }
0x9c: {  	s6 =	simm.s32 $0x0;
	s20 =	sshll.u32 s4, $0x1;
	s4 =	sadd.s32 s21, s2  }
0x9d: {  	[timem:s6], [sflag:s22] =	dma.local [hbm:s4], s20  }
0x9e: {  	_ =	swait.ge [sflag:s22], s20  }
0x9f: {  	s3 =	ssub.s32 $0x0, s20;
	[sflag:s22] =	ssyncset.done $0x0  }
0xa0: {  	[sflag:s22] =	ssyncadd.s32 s3;
	_ =	sdelay $0x1  }
0xa1: {  	s23 =	simm.s32 $0x1B8B  }
0xa2: {  	_ =	swait.ge [sflag:s23], $0x1  }
0xa3: {  	[sflag:s23] =	ssyncset.done $0x0  }
0xa4: {  	s25 =	simm.s32 $0x1B8E;
	s24 =	sld [smem:$0x3FFE];
	[sflag:s23] =	ssyncadd.s32 $0xFFFFFFFF  }
0xa5: {  	s26 =	simm.s32 $execute0_lowered;
	[smem:$0x3FD2] =	sst s25  }
0xa6: {  	s4 =	sshll.u32 s26, $0x1;
	_ =	strace $0x8000004C;
	[dreg:$0x1] =	wrdreg $0xFFFFFFFF  }
0xa7: {  	s28 =	simm.s32 $_size_execute0_lowered;
	s2 =	sadd.s32 s2, s4;
	[dreg:$0x0] =	wrdreg $0x0  }
0xa8: {  	s4 =	sshll.u32 s28, $0x1;
	[dreg:$0x2] =	wrdreg s2  }
0xa9: {  	[dreg:$0x3] =	wrdreg s4  }
0xaa: {  	[dreg:$0x4] =	wrdreg $0xC0  }
0xab: {  	_ =	task [dreg:s6], $0x5FFFF  }
0xac: {  	[dreg:$0x1] =	wrdreg $0xFFFFFFFF  }
0xad: {  	[dreg:$0x0] =	wrdreg $0x60  }
0xae: {  	[dreg:$0x2] =	wrdreg s24  }
0xaf: {  	[dreg:$0x3] =	wrdreg $0x9  }
0xb0: {  	_ =	task.clear_ibuf [dreg:s6], $0x4FFFF;
	_ =	strace $0x9000004C  }
0xb1: {  	s29 =	simm.s32 $0x9;
	_ =	strace $0x8000004E  }
0xb2: {  	_ =	swait.ge [sflag:s29], $0x1  }
0xb3: {  	[sflag:s29] =	ssyncadd.s32 $0xFFFFFFFF  }
0xb4: {  	_ =	strace $0x9000004E  }
0xb5: {  	_ =	sfence  }
0xb6: {  	s30 =	sld [smem:$0x0];
	_ =	sdelay $0x2  }
0xb7: {  	s31 =	sshll.u32 s1, $0xD;
	s1 =	sshrl.u32 s1, $0x2  }
0xb8: {  	s3 =	sand.u32 $0x4000, s31;
	s1 =	sadd.s32 s1, s30  }
0xb9: {  	s0 =	sor.u32 s3, s0;
	s1 =	sshll.u32 s1, $0x11  }
0xba: {  	s0 =	sor.u32 s1, s0  }
0xbb: {  	s0 =	sadd.s32 $0x8F2B, s0  }
0xbc: {  	[sflag:s0] =	ssyncadd.remote.s32 $0x1  }
0xbd: {  	_ =	sfence.sel $0xFFFF  }
0xbe: {  	[dreg:$0x0] =	wrdreg $0xFFFFFFFF;
	(pc) =	sbr.abs _section_cstart, $3  }
0xbf: {  	[dreg:$0x1] =	wrdreg $0xFFFFFFFF  }
0xc0: {  	_ =	task.clear_ibuf [dreg:s6], $0x2FFFF;
	_ =	strace $0x9FFFFFFF  }
0xc1: {  	(tm) =	ssettm $0x7FFFFFFF  }
tec
execute0_lowered:
.L_overlay_start_1:
0x0: {  	(tag) =	ssettag $0x1  }
0x1: {  	s0 =	srdreg.scid  }
0x2: {  	s4 =	sand.u32 $0x1, s0  }
0x3: {  	s0 =	stileid.u32;
	s3 =	smul.u32 $0x14000, s4  }
0x4: {  	s5 =	rddreg [dreg:$0x0];
	s6 =	smul.u32 $0x1400, s0  }
0x5: {  	s1 =	rddreg [dreg:$0x1];
	s2 =	simm.s32 $0x0;
	s7 =	smul.u32 $0x140000, s4  }
0x6: {  	s10 =	simm.s32 $0x0;
	[smem:$0x7FF] =	sst s2;
	s8 =	smul.u32 $0x14000, s0  }
0x7: {  	_ =	strace $0x8000004D;
	s28 =	sshll.u32 s4, $0x4;
	s9 =	ssub.s32 $0x2, s4  }
0x8: {  	s4 =	simm.s32 $0xA;
	s29 =	sor.u32 s0, s28;
	s30 =	sshrl.u32 s9, $0x1  }
0x9: {  	s6 =	sadd.s32 s6, s3;
	s3 =	sadd.s32 $0x2FD000, s5;
	s7 =	sadd.s32 s8, s7  }
0xa: {  	p0 =	seq.s32 s29, $0x1F;
	s31 =	ssub.s32 s9, s30;
	s8 =	simm.s32 $0x1  }
0xb: {  	s9 =	simm.s32 $0x80;
	s6 =	sshrl.u32 s6, $0x3;
	s7 =	sshrl.u32 s7, $0x3  }
0xc: {  	s4 =	simm.s32 @!p0 $0x28;
	s6 =	sadd.s32 s6, s5;
	s7 =	sadd.s32 s7, s5  }
0xd: {  	s5 =	smax.u32 s31, $0x1;
	s6 =	sadd.s32 $0x7000, s6;
	s7 =	sadd.s32 $0x10E00, s7  }
.LBB2_1:
0xe: {  	p0 =	sne.s32 s4, $0x1  }
.Ltmp0:
0xf: {  	_ = 	snop;
	(pc) =	sbr.rel @!p0 .LBB2_3-.Ltmp0, $3  }
0x10: {  	_ =	sdelay $0x1  }
0x11: {  	[tilespmem:s2], [sflag:$0x1] =	stream.linear.gather [hbm4b:s6+s2], $0x80, $0x38;
	[tilespmem:$0x15400] =	vst v63  }
0x12: {  	s11 =	sadd.s32 $0xFFFFFFFF, s4;
	s12 =	smov.u32 s6;
	s13 =	simm.s32 $0x0  }
.LBB2_2:
0x13: {  	p1 =	sne.s32 s11, $0x1  }
.Ltmp1:
0x14: {  	_ = 	snop;
	(pc) =	sbr.rel @p1 .LBB2_2-.Ltmp1, $4  }
0x15: {  	_ = 	snop  }
0x16: {  	s12 =	sadd.s32 $0x10, s12;
	s13 =	sadd.s32 $0x80, s13  }
0x17: {  	s11 =	sadd.s32 $0xFFFFFFFF, s11  }
0x18: {  	[tilespmem:s13], [sflag:$0x1] =	stream.linear.gather [hbm4b:s12+s2], $0x80, $0x38;
	[tilespmem:$0x15400] =	vst v63  }
.LBB2_3:
0x19: {  	s11 =	smov.u32 s4  }
.LBB2_4:
0x1a: {  	p1 =	sne.s32 s11, $0x1  }
.Ltmp2:
0x1b: {  	_ = 	snop;
	(pc) =	sbr.rel @p1 .LBB2_4-.Ltmp2, $4  }
0x1c: {  	_ = 	snop  }
0x1d: {  	_ =	swait.ge [sflag:s8], $0x80  }
0x1e: {  	[sflag:s8] =	ssyncset.done $0x0  }
0x1f: {  	s11 =	sadd.s32 $0xFFFFFFFF, s11;
	[sflag:s8] =	ssyncadd.s32 $0xFFFFFF80  }
.Ltmp3:
0x20: {  	(pc) =	sbr.rel @!p0 .LBB2_7-.Ltmp3, $4  }
0x21: {  	_ = 	snop  }
0x22: {  	s12 =	simm.s32 $0x0  }
0x23: {  	s11 =	simm.s32 $0x1400;
	s13 =	sadd.s32 $0xFFFFFFFF, s4;
	s14 =	simm.s32 $0x1400  }
0x24: {  	[tilespmem:s11], [sflag:$0x1] =	stream.indirect.gather [hbm4b:s3+s9], $0x10, s12, s9, $0xb8;
	[tilespmem:$0x15400] =	vst v63  }
.LBB2_6:
0x25: {  	p1 =	sne.s32 s13, $0x1  }
.Ltmp4:
0x26: {  	_ = 	snop;
	(pc) =	sbr.rel @p1 .LBB2_6-.Ltmp4, $4  }
0x27: {  	_ = 	snop  }
0x28: {  	s12 =	sadd.s32 $0x80, s12;
	s14 =	sadd.s32 $0x800, s14  }
0x29: {  	s13 =	sadd.s32 $0xFFFFFFFF, s13  }
0x2a: {  	[tilespmem:s14], [sflag:$0x1] =	stream.indirect.gather [hbm4b:s3+s9], $0x10, s12, s9, $0xb8;
	[tilespmem:$0x15400] =	vst v63  }
.LBB2_7:
.Ltmp5:
0x2b: {  	(pc) =	sbr.rel @!p0 .LBB2_9-.Ltmp5, $4  }
0x2c: {  	_ =	swait.ge [sflag:s8], $0x800  }
0x2d: {  	[sflag:s8] =	ssyncset.done $0x0  }
0x2e: {  	s12 =	sadd.s32 $0xFFFFFFFF, s4;
	s13 =	smov.u32 s7;
	[sflag:s8] =	ssyncadd.s32 $0xFFFFF800  }
0x2f: {  	[hbm4b:s7+s2] =	stream.linear.scatter [tilespmem:s11], [sflag:$0x1], $0x800, $0x38;
	[tilespmem:$0x15400] =	vst v63  }
.LBB2_8:
0x30: {  	_ =	swait.ge [sflag:s8], $0x800;
	p1 =	sne.s32 s12, $0x1  }
.Ltmp6:
0x31: {  	(pc) =	sbr.rel @p1 .LBB2_8-.Ltmp6, $4  }
0x32: {  	_ = 	snop  }
0x33: {  	s13 =	sadd.s32 $0x100, s13;
	s11 =	sadd.s32 $0x800, s11;
	[sflag:s8] =	ssyncset.done $0x0  }
0x34: {  	s12 =	sadd.s32 $0xFFFFFFFF, s12;
	[sflag:s8] =	ssyncadd.s32 $0xFFFFF800  }
0x35: {  	[hbm4b:s13+s2] =	stream.linear.scatter [tilespmem:s11], [sflag:$0x1], $0x800, $0x38;
	[tilespmem:$0x15400] =	vst v63  }
.LBB2_9:
.Ltmp7:
0x36: {  	(pc) =	sbr.rel @!p0 .LBB2_11-.Ltmp7, $3  }
0x37: {  	_ =	sdelay $0x1  }
0x38: {  	_ =	swait.ge [sflag:s8], $0x800  }
0x39: {  	s11 =	sadd.s32 $0xFFFFFFFF, s4;
	[sflag:s8] =	ssyncset.done $0x0  }
.LBB2_10:
0x3a: {  	p0 =	sne.s32 s11, $0x1;
	s11 =	sadd.s32 $0xFFFFFFFF, s11;
	[sflag:s8] =	ssyncadd.s32 $0xFFFFF800  }
.Ltmp8:
0x3b: {  	(pc) =	sbr.rel @p0 .LBB2_10-.Ltmp8, $3  }
0x3c: {  	_ =	sdelay $0x1  }
0x3d: {  	_ =	swait.ge [sflag:s8], $0x800  }
0x3e: {  	[sflag:s8] =	ssyncset.done $0x0  }
.LBB2_11:
0x3f: {  	s10 =	sadd.s32 $0x1, s10  }
0x40: {  	p0 =	sne.s32 s10, s5  }
.Ltmp9:
0x41: {  	_ = 	snop;
	(pc) =	sbr.rel @p0 .LBB2_1-.Ltmp9, $2  }
0x42: {  	_ =	sdelay $0x2  }
0x43: {  	[sflag:s8] =	ssyncadd.s32 $0xFFFFF800  }
0x44: {  	_ =	sfence.sel $0x180000  }
0x45: {  	[bflag:$0x0] =	sbarrier.arrive $0xFFFF  }
0x46: {  	p0 =	sne.s32 s0, $0x0;
	_ =	strace $0x9000004D  }
0x47: {  	s0 =	sadd.s32 @!p0 $0x100000, s1;
	[bflag:$0x2] =	sbarrier.arrive $0xFFFF  }
0x48: {  	[sflag:s0] =	ssyncadd.tile.s32 @!p0 $0x1;
	_ =	shalt  }
.Lfunc_end2:
_tile_overlayer_lowered:
.L_overlay_start_2:
0x49: {  	(tag) =	ssettag $0x2  }
0x4a: {  	s0 =	rddreg [dreg:$0x0];
	s2 =	stileid.u32  }
0x4b: {  	s1 =	rddreg [dreg:$0x1];
	p0 =	sne.s32 s2, $0x0  }
0x4c: {  	s3 =	rddreg [dreg:$0x2];
	[bflag:$0x3] =	sbarrier.arrive $0xFFFF;
	s2 =	simm.s32 @!p0 $0x1C02  }
0x4d: {  	[timem:s3], [sflag:s2] =	dma.local @!p0 [hbm:s0], s1  }
0x4e: {  	s0 =	simm.s32 @!p0 $0x2  }
0x4f: {  	_ =	swait.ge @!p0 [sflag:s0], s1  }
0x50: {  	s1 =	ssub.s32 @!p0 $0x0, s1;
	[sflag:s0] =	ssyncset.done @!p0 $0x0  }
0x51: {  	[sflag:s0] =	ssyncadd.s32 @!p0 s1  }
0x52: {  	[bflag:$0x3] =	sbarrier.arrive $0xFFFF  }
0x53: {  	_ =	shalt  }

// kernel: kernel.25.cloned.1.call-start
scs
__scs_entry_jumppad:
0x0: {  	(pc) =	sbr.rel $0x88, $3  }
0x1: {  	(tag) =	ssettag $0x0;
	lr =	simm.s32 $0x1  }
0x2: {  	[smem:$0x3F8D] =	sst lr;
	_ =	strace $0xD0000000  }
0x3: {  	_ = 	snop  }
0x4: {  	_ = 	snop  }
0x5: {  	_ = 	snop  }
0x6: {  	_ = 	snop  }
0x7: {  	_ = 	snop  }
__scs_overlays_trampoline_lowered:
0x8: {  	[smem:$0x3F9C] =	sst s0  }
0x9: {  	[smem:$0x3F9D] =	sst s1  }
0xa: {  	[smem:$0x3F9E] =	sst s2  }
0xb: {  	[smem:$0x3F9F] =	sst s3  }
0xc: {  	[smem:$0x3FA0] =	sst s4  }
0xd: {  	[smem:$0x3FA1] =	sst s5  }
0xe: {  	[smem:$0x3FA2] =	sst s6  }
0xf: {  	[smem:$0x3FA3] =	sst s7  }
0x10: {  	[smem:$0x3FA4] =	sst s8  }
0x11: {  	[smem:$0x3FA5] =	sst s9;
	s0 =	simm.s32 @!p0 $0x0  }
0x12: {  	s1 =	sld [smem:$0x3F8B];
	s0 =	simm.s32 @p0 $0x1  }
0x13: {  	[smem:$0x3FA6] =	sst s0;
	s0 =	simm.s32 @!p1 $0x0  }
0x14: {  	s2 =	sld [smem:$0x3F8A];
	s0 =	simm.s32 @p1 $0x1  }
0x15: {  	[smem:$0x3FA7] =	sst s0;
	s0 =	simm.s32 @!p2 $0x0  }
0x16: {  	s3 =	sld [smem:$0x3FDB];
	s0 =	simm.s32 @p2 $0x1  }
0x17: {  	s4 =	simm.s32 $0x1BF5;
	[smem:$0x3FA9] =	sst s0  }
0x18: {  	s0 =	sld [smem:$0x3F8C];
	_ =	swait.ge [sflag:s4], $0x0  }
0x19: {  	s7 =	sld [smem:$0x3F8D]  }
0x1a: {  	s8 =	sadd.s32 $0xFFFFE003, lr  }
0x1b: {  	s9 =	sadd.s32 $0xFFFFFEF7, lr;
	s5 =	simm.s32 $0xFFFFFFFF;
	p2 =	slt.u32 s8, $0xFFFFF086  }
0x1c: {  	p1 =	slt.u32 s9, $0xF7A;
	s5 =	simm.s32 @!p2 $0x0  }
0x1d: {  	s5 =	simm.s32 @p1 $0x1;
	p0 =	seq.s32 s7, s2  }
0x1e: {  	s7 =	smul.u32 @!p0 $0xF7A, s2;
	p2 =	seq.s32 @!p0 s5, $0x0  }
0x1f: {  	s9 =	smul.u32 $0xF7A, s1;
	s8 =	simm.s32 @!p0 $0x1BF5;
	p2 =	por !p2, p0  }
0x20: {  	[sflag:s8] =	ssyncset.s32 @!p0 $0xFFFFF086;
	s6 =	sadd.s32 @!p0 s3, s7;
	s7 =	simm.s32 @!p0 $0x108  }
0x21: {  	s3 =	sadd.s32 s3, s9;
	s6 =	sadd.s32 @!p0 $0x88, s6;
	s7 =	simm.s32 @p2 $0x1082  }
0x22: {  	[simem:s7], [sflag:s8] =	dma.local @!p0 [hbm:s6], $0xF7A  }
0x23: {  	s9 =	sor.u32 $0xD0000000, s2;
	s6 =	simm.s32 $0x108;
	_ =	swait.ge @!p0 [sflag:s8], $0x0  }
0x24: {  	s3 =	sadd.s32 $0x88, s3;
	s6 =	simm.s32 @!p1 $0x1082;
	[sflag:s4] =	ssyncset.s32 $0xFFFFF086  }
0x25: {  	[simem:s6], [sflag:s4] =	dma.local [hbm:s3], $0xF7A  }
0x26: {  	[smem:$0x3F8D] =	sst s1;
	(tag) =	ssettag s2;
	_ =	strace s9  }
0x27: {  	s1 =	sld [smem:$0x3F9D]  }
0x28: {  	s2 =	sld [smem:$0x3F9E]  }
0x29: {  	s4 =	sld [smem:$0x3FA0]  }
0x2a: {  	p0 =	seq.s32 s5, $0x0;
	s5 =	sld [smem:$0x3FA1]  }
0x2b: {  	s6 =	sld [smem:$0x3FA2]  }
0x2c: {  	s7 =	sld [smem:$0x3FA3]  }
0x2d: {  	s3 =	simm.s32 $0x108;
	s8 =	sld [smem:$0x3FA4]  }
0x2e: {  	s3 =	simm.s32 @!p0 $0x1082;
	s9 =	sld [smem:$0x3FA5]  }
0x2f: {  	lr =	sadd.s32 s0, s3;
	s0 =	sld [smem:$0x3F9C]  }
0x30: {  	s3 =	sld [smem:$0x3F9F]  }
0x31: {  	[smem:$0x3FA8] =	sst s10  }
0x32: {  	s10 =	sld [smem:$0x3FA6];
	_ =	sdelay $0x3  }
0x33: {  	p0 =	seq.s32 s10, $0x1;
	s10 =	sld [smem:$0x3FA8];
	_ =	sdelay $0x3  }
0x34: {  	[smem:$0x3FA8] =	sst s10  }
0x35: {  	s10 =	sld [smem:$0x3FA7];
	_ =	sdelay $0x3  }
0x36: {  	p1 =	seq.s32 s10, $0x1;
	s10 =	sld [smem:$0x3FA8];
	_ =	sdelay $0x3  }
0x37: {  	[smem:$0x3FA8] =	sst s10  }
0x38: {  	s10 =	sld [smem:$0x3FA9]  }
0x39: {  	_ = 	snop;
	(pc) =	sbr.ind lr, $3  }
0x3a: {  	_ = 	snop  }
0x3b: {  	_ = 	snop  }
0x3c: {  	p2 =	seq.s32 s10, $0x1;
	s10 =	sld [smem:$0x3FA8]  }
0x3d: {  	_ =	shalt  }
0x3e: {  	_ =	shalt  }
0x3f: {  	_ =	shalt  }
0x40: {  	_ =	shalt  }
0x41: {  	_ =	shalt  }
0x42: {  	_ =	shalt  }
0x43: {  	_ =	shalt  }
0x44: {  	_ =	shalt  }
0x45: {  	_ =	shalt  }
0x46: {  	_ =	shalt  }
0x47: {  	_ =	shalt  }
0x48: {  	_ =	shalt  }
0x49: {  	_ =	shalt  }
0x4a: {  	_ =	shalt  }
0x4b: {  	_ =	shalt  }
0x4c: {  	_ =	shalt  }
0x4d: {  	_ =	shalt  }
0x4e: {  	_ =	shalt  }
0x4f: {  	_ =	shalt  }
0x50: {  	_ =	shalt  }
0x51: {  	_ =	shalt  }
0x52: {  	_ =	shalt  }
0x53: {  	_ =	shalt  }
0x54: {  	_ =	shalt  }
0x55: {  	_ =	shalt  }
0x56: {  	_ =	shalt  }
0x57: {  	_ =	shalt  }
0x58: {  	_ =	shalt  }
0x59: {  	_ =	shalt  }
0x5a: {  	_ =	shalt  }
0x5b: {  	_ =	shalt  }
0x5c: {  	_ =	shalt  }
0x5d: {  	_ =	shalt  }
0x5e: {  	_ =	shalt  }
0x5f: {  	_ =	shalt  }
0x60: {  	_ =	shalt  }
0x61: {  	_ =	shalt  }
0x62: {  	_ =	shalt  }
0x63: {  	_ =	shalt  }
0x64: {  	_ =	shalt  }
0x65: {  	_ =	shalt  }
0x66: {  	_ =	shalt  }
0x67: {  	_ =	shalt  }
0x68: {  	_ =	shalt  }
0x69: {  	_ =	shalt  }
0x6a: {  	_ =	shalt  }
0x6b: {  	_ =	shalt  }
0x6c: {  	_ =	shalt  }
0x6d: {  	_ =	shalt  }
0x6e: {  	_ =	shalt  }
0x6f: {  	_ =	shalt  }
0x70: {  	_ =	shalt  }
0x71: {  	_ =	shalt  }
0x72: {  	_ =	shalt  }
0x73: {  	_ =	shalt  }
0x74: {  	_ =	shalt  }
0x75: {  	_ =	shalt  }
0x76: {  	_ =	shalt  }
0x77: {  	_ =	shalt  }
0x78: {  	_ =	shalt  }
0x79: {  	_ =	shalt  }
0x7a: {  	_ =	shalt  }
0x7b: {  	_ =	shalt  }
0x7c: {  	_ =	shalt  }
0x7d: {  	_ =	shalt  }
0x7e: {  	_ =	shalt  }
0x7f: {  	_ =	shalt  }
0x80: {  	_ =	shalt  }
0x81: {  	_ =	shalt  }
0x82: {  	_ =	shalt  }
0x83: {  	_ =	shalt  }
0x84: {  	_ =	shalt  }
0x85: {  	_ =	shalt  }
0x86: {  	_ =	shalt  }
0x87: {  	_ =	shalt  }
.Lfunc_end0:
.L_simem_size_0:
called_computation.3_lowered:
.L_overlay_start_0:
0x88: {  	s2 =	sld [smem:$0x3FD9]  }
0x89: {  	s3 =	sld [smem:$0x3FFE];
	_ =	sdelay $0x1  }
0x8a: {  	s1 =	srdreg.scid  }
0x8b: {  	s0 =	sand.u32 $0x1, s1  }
0x8c: {  	s16 =	sshll.u32 s0, $0xA;
	s2 =	sadd.s32 s3, s2  }
0x8d: {  	s2 =	sadd.s32 s2, s16  }
0x8e: {  	[smem:$0x3FB4] =	sst s2  }
0x8f: {  	_ = 	snop  }
0x90: {  	(tm) =	ssettm $0x1  }
0x91: {  	s17 =	sld [smem:$0x3FFB];
	_ =	sdelay $0x3  }
0x92: {  	_ =	strace s17  }
0x93: {  	s2 =	sld [smem:$0x3FFC];
	_ =	sdelay $0x3  }
0x94: {  	_ =	strace s2  }
0x95: {  	s2 =	sld [smem:$0x3FFD];
	_ =	sdelay $0x3  }
0x96: {  	_ =	strace s2  }
0x97: {  	_ =	strace $0x8FFFFFFF  }
0x98: {  	s18 =	sld [smem:$0x3FDB];
	_ =	sdelay $0x1  }
0x99: {  	s19 =	simm.s32 $_scs_section_size  }
0x9a: {  	s4 =	simm.s32 $_size__tile_overlayer_lowered;
	s5 =	simm.s32 $_tile_overlayer_lowered  }
0x9b: {  	s22 =	simm.s32 $0x1BFF;
	s21 =	sshll.u32 s5, $0x1;
	s2 =	sadd.s32 s19, s18  }
0x9c: {  	s6 =	simm.s32 $0x0;
	s20 =	sshll.u32 s4, $0x1;
	s4 =	sadd.s32 s21, s2  }
0x9d: {  	[timem:s6], [sflag:s22] =	dma.local [hbm:s4], s20  }
0x9e: {  	_ =	swait.ge [sflag:s22], s20  }
0x9f: {  	s3 =	ssub.s32 $0x0, s20;
	[sflag:s22] =	ssyncset.done $0x0  }
0xa0: {  	[sflag:s22] =	ssyncadd.s32 s3;
	_ =	sdelay $0x1  }
0xa1: {  	s23 =	simm.s32 $0x1B8B  }
0xa2: {  	_ =	swait.ge [sflag:s23], $0x1  }
0xa3: {  	[sflag:s23] =	ssyncset.done $0x0  }
0xa4: {  	s25 =	simm.s32 $0x1B8E;
	s24 =	sld [smem:$0x3FFE];
	[sflag:s23] =	ssyncadd.s32 $0xFFFFFFFF  }
0xa5: {  	s26 =	simm.s32 $execute0_lowered;
	[smem:$0x3FD2] =	sst s25  }
0xa6: {  	s4 =	sshll.u32 s26, $0x1;
	_ =	strace $0x8000004F;
	[dreg:$0x1] =	wrdreg $0xFFFFFFFF  }
0xa7: {  	s28 =	simm.s32 $_size_execute0_lowered;
	s2 =	sadd.s32 s2, s4;
	[dreg:$0x0] =	wrdreg $0x0  }
0xa8: {  	s4 =	sshll.u32 s28, $0x1;
	[dreg:$0x2] =	wrdreg s2  }
0xa9: {  	[dreg:$0x3] =	wrdreg s4  }
0xaa: {  	[dreg:$0x4] =	wrdreg $0xC0  }
0xab: {  	_ =	task [dreg:s6], $0x5FFFF  }
0xac: {  	[dreg:$0x1] =	wrdreg $0xFFFFFFFF  }
0xad: {  	[dreg:$0x0] =	wrdreg $0x60  }
0xae: {  	[dreg:$0x2] =	wrdreg s24  }
0xaf: {  	[dreg:$0x3] =	wrdreg $0x154000  }
0xb0: {  	[dreg:$0x4] =	wrdreg $0x9  }
0xb1: {  	_ =	task.clear_ibuf [dreg:s6], $0x5FFFF;
	_ =	strace $0x9000004F  }
0xb2: {  	s29 =	simm.s32 $0x9;
	_ =	strace $0x80000051  }
0xb3: {  	_ =	swait.ge [sflag:s29], $0x1  }
0xb4: {  	[sflag:s29] =	ssyncadd.s32 $0xFFFFFFFF  }
0xb5: {  	_ =	strace $0x90000051  }
0xb6: {  	_ =	sfence  }
0xb7: {  	s30 =	sld [smem:$0x0];
	_ =	sdelay $0x2  }
0xb8: {  	s31 =	sshll.u32 s1, $0xD;
	s1 =	sshrl.u32 s1, $0x2  }
0xb9: {  	s3 =	sand.u32 $0x4000, s31;
	s1 =	sadd.s32 s1, s30  }
0xba: {  	s0 =	sor.u32 s3, s0;
	s1 =	sshll.u32 s1, $0x11  }
0xbb: {  	s0 =	sor.u32 s1, s0  }
0xbc: {  	s0 =	sadd.s32 $0x8F2B, s0  }
0xbd: {  	[sflag:s0] =	ssyncadd.remote.s32 $0x1  }
0xbe: {  	_ =	sfence.sel $0xFFFF  }
0xbf: {  	[dreg:$0x0] =	wrdreg $0xFFFFFFFF;
	(pc) =	sbr.abs _section_cstart, $3  }
0xc0: {  	[dreg:$0x1] =	wrdreg $0xFFFFFFFF  }
0xc1: {  	_ =	task.clear_ibuf [dreg:s6], $0x2FFFF;
	_ =	strace $0x9FFFFFFF  }
0xc2: {  	(tm) =	ssettm $0x7FFFFFFF  }
0xc3: {  	_ =	shalt  }
tec
execute0_lowered:
.L_overlay_start_1:
0x0: {  	(tag) =	ssettag $0x1  }
0x1: {  	s7 =	rddreg [dreg:$0x0]  }
0x2: {  	s1 =	rddreg [dreg:$0x1];
	s2 =	srdreg.scid  }
0x3: {  	s0 =	rddreg [dreg:$0x2];
	s5 =	sand.u32 $0x1, s2  }
0x4: {  	s3 =	simm.s32 $0x0;
	s2 =	stileid.u32;
	s4 =	smul.u32 $0x28000, s5  }
0x5: {  	[smem:$0x7FF] =	sst s3;
	s16 =	sadd.s32 $0xBE20, s7;
	s8 =	smul.u32 $0x2800, s2  }
0x6: {  	_ =	strace $0x80000050;
	s25 =	smul.u32 $0x5000, s5;
	s10 =	ssub.s32 $0x2, s5  }
0x7: {  	s11 =	sshll.u32 s5, $0x4;
	s13 =	smul.u32 $0x14000, s5;
	s29 =	sshll.u32 s2, $0x6  }
0x8: {  	s15 =	smul.u32 $0x1400, s2;
	s26 =	sshrl.u32 s10, $0x1;
	s11 =	sor.u32 s2, s11  }
0x9: {  	s9 =	sadd.s32 s4, s7;
	s14 =	sshrl.u32 s8, $0x3;
	s12 =	sadd.s32 s25, s7  }
0xa: {  	s10 =	ssub.s32 s10, s26;
	p0 =	seq.s32 s11, $0x1F;
	s4 =	simm.s32 $0xA  }
0xb: {  	s28 =	sadd.s32 s8, s1;
	s30 =	sadd.s32 s15, s13;
	s13 =	simm.s32 $0x80  }
0xc: {  	s15 =	simm.s32 $0x0;
	s6 =	sadd.s32 s14, s7;
	s4 =	simm.s32 @!p0 $0x28  }
0xd: {  	s17 =	sadd.s32 $0x2FD000, s12;
	s7 =	smax.u32 s10, $0x1;
	s8 =	sadd.s32 s8, s9  }
0xe: {  	s31 =	sshrl.u32 s30, $0x3;
	s9 =	sshrl.u32 s28, $0x3;
	s10 =	simm.s32 $0x2  }
0xf: {  	s12 =	simm.s32 $0x1;
	s5 =	sadd.s32 $0x87000, s6;
	s6 =	sor.u32 $0x1C02, s29  }
0x10: {  	s8 =	sadd.s32 $0x10E00, s8;
	s11 =	sadd.s32 s16, s31;
	s14 =	sadd.s32 s14, s17  }
.LBB2_1:
0x11: {  	[spmem:s9], [sflag:s6] =	dma.local [hbm:s5], $0x500  }
0x12: {  	p0 =	sne.s32 s4, $0x1;
	_ =	swait.ge [sflag:s10], $0x500  }
.Ltmp0:
0x13: {  	[sflag:s10] =	ssyncset.done $0x0;
	(pc) =	sbr.rel @!p0 .LBB2_3-.Ltmp0, $4  }
0x14: {  	s16 =	simm.s32 $0x1400;
	s17 =	sadd.s32 $0xFFFFFFFF, s4;
	[sflag:s10] =	ssyncadd.s32 $0xFFFFFB00  }
0x15: {  	[tilespmem:s3], [sflag:$0x1] =	stream.linear.gather [hbm4b:s11+s3], $0x80, $0x38;
	[tilespmem:$0x17C00] =	vst v63  }
0x16: {  	s18 =	sadd.s32 $0x10, s11;
	s19 =	simm.s32 $0x80;
	s20 =	smov.u32 s8  }
0x17: {  	[tilespmem:s16], [sflag:$0x1] =	stream.linear.gather [hbm4b:s8+s3], $0x800, $0x38;
	[tilespmem:$0x17C00] =	vst v63  }
.LBB2_2:
0x18: {  	[tilespmem:s19], [sflag:$0x1] =	stream.linear.gather [hbm4b:s18+s3], $0x80, $0x38;
	[tilespmem:$0x17C00] =	vst v63  }
0x19: {  	p1 =	sne.s32 s17, $0x1  }
.Ltmp1:
0x1a: {  	s17 =	sadd.s32 $0xFFFFFFFF, s17;
	(pc) =	sbr.rel @p1 .LBB2_2-.Ltmp1, $4  }
0x1b: {  	s16 =	sadd.s32 $0x800, s16;
	s20 =	sadd.s32 $0x100, s20  }
0x1c: {  	[tilespmem:s16], [sflag:$0x1] =	stream.linear.gather [hbm4b:s20+s3], $0x800, $0x38;
	[tilespmem:$0x17C00] =	vst v63  }
0x1d: {  	_ = 	snop  }
0x1e: {  	s18 =	sadd.s32 $0x10, s18;
	s19 =	sadd.s32 $0x80, s19  }
.LBB2_3:
.Ltmp2:
0x1f: {  	_ =	swait.ge [sflag:s12], $0x80;
	(pc) =	sbr.rel @!p0 .LBB2_5-.Ltmp2, $4  }
0x20: {  	[sflag:s12] =	ssyncset.done $0x0  }
0x21: {  	[sflag:s12] =	ssyncadd.s32 $0xFFFFFF80  }
0x22: {  	_ =	swait.ge [sflag:s12], $0x800  }
0x23: {  	s16 =	sadd.s32 $0xFFFFFFFF, s4;
	[sflag:s12] =	ssyncset.done $0x0  }
.LBB2_4:
0x24: {  	p1 =	sne.s32 s16, $0x1;
	s16 =	sadd.s32 $0xFFFFFFFF, s16;
	[sflag:s12] =	ssyncadd.s32 $0xFFFFF800  }
.Ltmp3:
0x25: {  	_ =	swait.ge [sflag:s12], $0x80;
	(pc) =	sbr.rel @p1 .LBB2_4-.Ltmp3, $4  }
0x26: {  	[sflag:s12] =	ssyncset.done $0x0  }
0x27: {  	[sflag:s12] =	ssyncadd.s32 $0xFFFFFF80  }
0x28: {  	_ =	swait.ge [sflag:s12], $0x800  }
0x29: {  	[sflag:s12] =	ssyncset.done $0x0  }
.LBB2_5:
.Ltmp4:
0x2a: {  	(pc) =	sbr.rel @!p0 .LBB2_7-.Ltmp4, $4  }
0x2b: {  	_ = 	snop  }
0x2c: {  	[sflag:s12] =	ssyncadd.s32 $0xFFFFF800;
	s16 =	simm.s32 $0x0  }
0x2d: {  	s17 =	simm.s32 $0x1400;
	s18 =	sadd.s32 $0xFFFFFFFF, s4;
	[bflag:$0x0] =	sbarrier.arrive $0xFFFF  }
0x2e: {  	[spmem:s1] =	stream.indirect.scatter.add.f32 [tilespmem:s17], [sflag:$0x1], $0x10, s16, s13, $0xb8;
	[tilespmem:$0x17C00] =	vst v63  }
.LBB2_6:
0x2f: {  	p1 =	sne.s32 s18, $0x1  }
.Ltmp5:
0x30: {  	_ = 	snop;
	(pc) =	sbr.rel @p1 .LBB2_6-.Ltmp5, $4  }
0x31: {  	_ = 	snop  }
0x32: {  	s16 =	sadd.s32 $0x80, s16;
	s17 =	sadd.s32 $0x800, s17  }
0x33: {  	s18 =	sadd.s32 $0xFFFFFFFF, s18  }
0x34: {  	[spmem:s1] =	stream.indirect.scatter.add.f32 [tilespmem:s17], [sflag:$0x1], $0x10, s16, s13, $0xb8;
	[tilespmem:$0x17C00] =	vst v63  }
.LBB2_7:
.Ltmp6:
0x35: {  	(pc) =	sbr.rel @!p0 .LBB2_9-.Ltmp6, $3  }
0x36: {  	_ =	sdelay $0x1  }
0x37: {  	_ =	swait.ge [sflag:s12], $0x800  }
0x38: {  	s16 =	sadd.s32 $0xFFFFFFFF, s4;
	[sflag:s12] =	ssyncset.done $0x0  }
.LBB2_8:
0x39: {  	p0 =	sne.s32 s16, $0x1;
	s16 =	sadd.s32 $0xFFFFFFFF, s16;
	[sflag:s12] =	ssyncadd.s32 $0xFFFFF800  }
.Ltmp7:
0x3a: {  	(pc) =	sbr.rel @p0 .LBB2_8-.Ltmp7, $3  }
0x3b: {  	_ =	sdelay $0x1  }
0x3c: {  	_ =	swait.ge [sflag:s12], $0x800  }
0x3d: {  	[sflag:s12] =	ssyncset.done $0x0  }
.LBB2_9:
0x3e: {  	s15 =	sadd.s32 $0x1, s15  }
0x3f: {  	[sflag:s12] =	ssyncadd.s32 $0xFFFFF800;
	p0 =	sne.s32 s15, s7  }
.Ltmp8:
0x40: {  	[bflag:$0x0] =	sbarrier.arrive $0xFFFF;
	(pc) =	sbr.rel @p0 .LBB2_1-.Ltmp8, $4  }
0x41: {  	[hbm:s14], [sflag:s6] =	dma.local [spmem:s9], $0x500  }
0x42: {  	_ =	swait.ge [sflag:s10], $0x500  }
0x43: {  	[sflag:s10] =	ssyncset.done $0x0  }
0x44: {  	[sflag:s10] =	ssyncadd.s32 $0xFFFFFB00  }
0x45: {  	_ =	sfence.sel $0x180000  }
0x46: {  	[bflag:$0x0] =	sbarrier.arrive $0xFFFF  }
0x47: {  	p0 =	sne.s32 s2, $0x0;
	_ =	strace $0x90000050  }
0x48: {  	s0 =	sadd.s32 @!p0 $0x100000, s0;
	[bflag:$0x2] =	sbarrier.arrive $0xFFFF  }
0x49: {  	[sflag:s0] =	ssyncadd.tile.s32 @!p0 $0x1;
	_ =	shalt  }
.Lfunc_end2:
_tile_overlayer_lowered:
.L_overlay_start_2:
0x4a: {  	(tag) =	ssettag $0x2  }
0x4b: {  	s0 =	rddreg [dreg:$0x0];
	s2 =	stileid.u32  }
0x4c: {  	s1 =	rddreg [dreg:$0x1];
	p0 =	sne.s32 s2, $0x0  }
0x4d: {  	s3 =	rddreg [dreg:$0x2];
	[bflag:$0x3] =	sbarrier.arrive $0xFFFF;
	s2 =	simm.s32 @!p0 $0x1C02  }
0x4e: {  	[timem:s3], [sflag:s2] =	dma.local @!p0 [hbm:s0], s1  }
0x4f: {  	s0 =	simm.s32 @!p0 $0x2  }
0x50: {  	_ =	swait.ge @!p0 [sflag:s0], s1  }
0x51: {  	s1 =	ssub.s32 @!p0 $0x0, s1;
	[sflag:s0] =	ssyncset.done @!p0 $0x0  }
0x52: {  	[sflag:s0] =	ssyncadd.s32 @!p0 s1  }
0x53: {  	[bflag:$0x3] =	sbarrier.arrive $0xFFFF  }
0x54: {  	_ =	shalt  }

// kernel: kernel.28.cloned.1.call-start
scs
__scs_entry_jumppad:
0x0: {  	(pc) =	sbr.rel $0x88, $3  }
0x1: {  	(tag) =	ssettag $0x0;
	lr =	simm.s32 $0x1  }
0x2: {  	[smem:$0x3F8D] =	sst lr;
	_ =	strace $0xD0000000  }
0x3: {  	_ = 	snop  }
0x4: {  	_ = 	snop  }
0x5: {  	_ = 	snop  }
0x6: {  	_ = 	snop  }
0x7: {  	_ = 	snop  }
__scs_overlays_trampoline_lowered:
0x8: {  	[smem:$0x3F9C] =	sst s0  }
0x9: {  	[smem:$0x3F9D] =	sst s1  }
0xa: {  	[smem:$0x3F9E] =	sst s2  }
0xb: {  	[smem:$0x3F9F] =	sst s3  }
0xc: {  	[smem:$0x3FA0] =	sst s4  }
0xd: {  	[smem:$0x3FA1] =	sst s5  }
0xe: {  	[smem:$0x3FA2] =	sst s6  }
0xf: {  	[smem:$0x3FA3] =	sst s7  }
0x10: {  	[smem:$0x3FA4] =	sst s8  }
0x11: {  	[smem:$0x3FA5] =	sst s9;
	s0 =	simm.s32 @!p0 $0x0  }
0x12: {  	s1 =	sld [smem:$0x3F8B];
	s0 =	simm.s32 @p0 $0x1  }
0x13: {  	[smem:$0x3FA6] =	sst s0;
	s0 =	simm.s32 @!p1 $0x0  }
0x14: {  	s2 =	sld [smem:$0x3F8A];
	s0 =	simm.s32 @p1 $0x1  }
0x15: {  	[smem:$0x3FA7] =	sst s0;
	s0 =	simm.s32 @!p2 $0x0  }
0x16: {  	s3 =	sld [smem:$0x3FDB];
	s0 =	simm.s32 @p2 $0x1  }
0x17: {  	s4 =	simm.s32 $0x1BF5;
	[smem:$0x3FA9] =	sst s0  }
0x18: {  	s0 =	sld [smem:$0x3F8C];
	_ =	swait.ge [sflag:s4], $0x0  }
0x19: {  	s7 =	sld [smem:$0x3F8D]  }
0x1a: {  	s8 =	sadd.s32 $0xFFFFE003, lr  }
0x1b: {  	s9 =	sadd.s32 $0xFFFFFEF7, lr;
	s5 =	simm.s32 $0xFFFFFFFF;
	p2 =	slt.u32 s8, $0xFFFFF086  }
0x1c: {  	p1 =	slt.u32 s9, $0xF7A;
	s5 =	simm.s32 @!p2 $0x0  }
0x1d: {  	s5 =	simm.s32 @p1 $0x1;
	p0 =	seq.s32 s7, s2  }
0x1e: {  	s7 =	smul.u32 @!p0 $0xF7A, s2;
	p2 =	seq.s32 @!p0 s5, $0x0  }
0x1f: {  	s9 =	smul.u32 $0xF7A, s1;
	s8 =	simm.s32 @!p0 $0x1BF5;
	p2 =	por !p2, p0  }
0x20: {  	[sflag:s8] =	ssyncset.s32 @!p0 $0xFFFFF086;
	s6 =	sadd.s32 @!p0 s3, s7;
	s7 =	simm.s32 @!p0 $0x108  }
0x21: {  	s3 =	sadd.s32 s3, s9;
	s6 =	sadd.s32 @!p0 $0x88, s6;
	s7 =	simm.s32 @p2 $0x1082  }
0x22: {  	[simem:s7], [sflag:s8] =	dma.local @!p0 [hbm:s6], $0xF7A  }
0x23: {  	s9 =	sor.u32 $0xD0000000, s2;
	s6 =	simm.s32 $0x108;
	_ =	swait.ge @!p0 [sflag:s8], $0x0  }
0x24: {  	s3 =	sadd.s32 $0x88, s3;
	s6 =	simm.s32 @!p1 $0x1082;
	[sflag:s4] =	ssyncset.s32 $0xFFFFF086  }
0x25: {  	[simem:s6], [sflag:s4] =	dma.local [hbm:s3], $0xF7A  }
0x26: {  	[smem:$0x3F8D] =	sst s1;
	(tag) =	ssettag s2;
	_ =	strace s9  }
0x27: {  	s1 =	sld [smem:$0x3F9D]  }
0x28: {  	s2 =	sld [smem:$0x3F9E]  }
0x29: {  	s4 =	sld [smem:$0x3FA0]  }
0x2a: {  	p0 =	seq.s32 s5, $0x0;
	s5 =	sld [smem:$0x3FA1]  }
0x2b: {  	s6 =	sld [smem:$0x3FA2]  }
0x2c: {  	s7 =	sld [smem:$0x3FA3]  }
0x2d: {  	s3 =	simm.s32 $0x108;
	s8 =	sld [smem:$0x3FA4]  }
0x2e: {  	s3 =	simm.s32 @!p0 $0x1082;
	s9 =	sld [smem:$0x3FA5]  }
0x2f: {  	lr =	sadd.s32 s0, s3;
	s0 =	sld [smem:$0x3F9C]  }
0x30: {  	s3 =	sld [smem:$0x3F9F]  }
0x31: {  	[smem:$0x3FA8] =	sst s10  }
0x32: {  	s10 =	sld [smem:$0x3FA6];
	_ =	sdelay $0x3  }
0x33: {  	p0 =	seq.s32 s10, $0x1;
	s10 =	sld [smem:$0x3FA8];
	_ =	sdelay $0x3  }
0x34: {  	[smem:$0x3FA8] =	sst s10  }
0x35: {  	s10 =	sld [smem:$0x3FA7];
	_ =	sdelay $0x3  }
0x36: {  	p1 =	seq.s32 s10, $0x1;
	s10 =	sld [smem:$0x3FA8];
	_ =	sdelay $0x3  }
0x37: {  	[smem:$0x3FA8] =	sst s10  }
0x38: {  	s10 =	sld [smem:$0x3FA9]  }
0x39: {  	_ = 	snop;
	(pc) =	sbr.ind lr, $3  }
0x3a: {  	_ = 	snop  }
0x3b: {  	_ = 	snop  }
0x3c: {  	p2 =	seq.s32 s10, $0x1;
	s10 =	sld [smem:$0x3FA8]  }
0x3d: {  	_ =	shalt  }
0x3e: {  	_ =	shalt  }
0x3f: {  	_ =	shalt  }
0x40: {  	_ =	shalt  }
0x41: {  	_ =	shalt  }
0x42: {  	_ =	shalt  }
0x43: {  	_ =	shalt  }
0x44: {  	_ =	shalt  }
0x45: {  	_ =	shalt  }
0x46: {  	_ =	shalt  }
0x47: {  	_ =	shalt  }
0x48: {  	_ =	shalt  }
0x49: {  	_ =	shalt  }
0x4a: {  	_ =	shalt  }
0x4b: {  	_ =	shalt  }
0x4c: {  	_ =	shalt  }
0x4d: {  	_ =	shalt  }
0x4e: {  	_ =	shalt  }
0x4f: {  	_ =	shalt  }
0x50: {  	_ =	shalt  }
0x51: {  	_ =	shalt  }
0x52: {  	_ =	shalt  }
0x53: {  	_ =	shalt  }
0x54: {  	_ =	shalt  }
0x55: {  	_ =	shalt  }
0x56: {  	_ =	shalt  }
0x57: {  	_ =	shalt  }
0x58: {  	_ =	shalt  }
0x59: {  	_ =	shalt  }
0x5a: {  	_ =	shalt  }
0x5b: {  	_ =	shalt  }
0x5c: {  	_ =	shalt  }
0x5d: {  	_ =	shalt  }
0x5e: {  	_ =	shalt  }
0x5f: {  	_ =	shalt  }
0x60: {  	_ =	shalt  }
0x61: {  	_ =	shalt  }
0x62: {  	_ =	shalt  }
0x63: {  	_ =	shalt  }
0x64: {  	_ =	shalt  }
0x65: {  	_ =	shalt  }
0x66: {  	_ =	shalt  }
0x67: {  	_ =	shalt  }
0x68: {  	_ =	shalt  }
0x69: {  	_ =	shalt  }
0x6a: {  	_ =	shalt  }
0x6b: {  	_ =	shalt  }
0x6c: {  	_ =	shalt  }
0x6d: {  	_ =	shalt  }
0x6e: {  	_ =	shalt  }
0x6f: {  	_ =	shalt  }
0x70: {  	_ =	shalt  }
0x71: {  	_ =	shalt  }
0x72: {  	_ =	shalt  }
0x73: {  	_ =	shalt  }
0x74: {  	_ =	shalt  }
0x75: {  	_ =	shalt  }
0x76: {  	_ =	shalt  }
0x77: {  	_ =	shalt  }
0x78: {  	_ =	shalt  }
0x79: {  	_ =	shalt  }
0x7a: {  	_ =	shalt  }
0x7b: {  	_ =	shalt  }
0x7c: {  	_ =	shalt  }
0x7d: {  	_ =	shalt  }
0x7e: {  	_ =	shalt  }
0x7f: {  	_ =	shalt  }
0x80: {  	_ =	shalt  }
0x81: {  	_ =	shalt  }
0x82: {  	_ =	shalt  }
0x83: {  	_ =	shalt  }
0x84: {  	_ =	shalt  }
0x85: {  	_ =	shalt  }
0x86: {  	_ =	shalt  }
0x87: {  	_ =	shalt  }
.Lfunc_end0:
.L_simem_size_0:
called_computation.4_lowered:
.L_overlay_start_0:
0x88: {  	s2 =	sld [smem:$0x3FD9]  }
0x89: {  	s3 =	sld [smem:$0x3FFE];
	_ =	sdelay $0x1  }
0x8a: {  	s1 =	srdreg.scid  }
0x8b: {  	s0 =	sand.u32 $0x1, s1  }
0x8c: {  	s16 =	sshll.u32 s0, $0xA;
	s2 =	sadd.s32 s3, s2  }
0x8d: {  	s2 =	sadd.s32 s2, s16  }
0x8e: {  	[smem:$0x3FB4] =	sst s2  }
0x8f: {  	_ = 	snop  }
0x90: {  	(tm) =	ssettm $0x1  }
0x91: {  	s17 =	sld [smem:$0x3FFB];
	_ =	sdelay $0x3  }
0x92: {  	_ =	strace s17  }
0x93: {  	s2 =	sld [smem:$0x3FFC];
	_ =	sdelay $0x3  }
0x94: {  	_ =	strace s2  }
0x95: {  	s2 =	sld [smem:$0x3FFD];
	_ =	sdelay $0x3  }
0x96: {  	_ =	strace s2  }
0x97: {  	_ =	strace $0x8FFFFFFF  }
0x98: {  	s18 =	sld [smem:$0x3FDB];
	_ =	sdelay $0x1  }
0x99: {  	s19 =	simm.s32 $_scs_section_size  }
0x9a: {  	s4 =	simm.s32 $_size__tile_overlayer_lowered;
	s5 =	simm.s32 $_tile_overlayer_lowered  }
0x9b: {  	s22 =	simm.s32 $0x1BFF;
	s21 =	sshll.u32 s5, $0x1;
	s2 =	sadd.s32 s19, s18  }
0x9c: {  	s6 =	simm.s32 $0x0;
	s20 =	sshll.u32 s4, $0x1;
	s4 =	sadd.s32 s21, s2  }
0x9d: {  	[timem:s6], [sflag:s22] =	dma.local [hbm:s4], s20  }
0x9e: {  	_ =	swait.ge [sflag:s22], s20  }
0x9f: {  	s3 =	ssub.s32 $0x0, s20;
	[sflag:s22] =	ssyncset.done $0x0  }
0xa0: {  	[sflag:s22] =	ssyncadd.s32 s3;
	_ =	sdelay $0x1  }
0xa1: {  	s23 =	simm.s32 $0x1B8B  }
0xa2: {  	_ =	swait.ge [sflag:s23], $0x1  }
0xa3: {  	[sflag:s23] =	ssyncset.done $0x0  }
0xa4: {  	s25 =	simm.s32 $0x1B8E;
	s24 =	sld [smem:$0x3FFE];
	[sflag:s23] =	ssyncadd.s32 $0xFFFFFFFF  }
0xa5: {  	s26 =	simm.s32 $execute0_lowered;
	[smem:$0x3FD2] =	sst s25  }
0xa6: {  	s4 =	sshll.u32 s26, $0x1;
	_ =	strace $0x80000052;
	[dreg:$0x1] =	wrdreg $0xFFFFFFFF  }
0xa7: {  	s28 =	simm.s32 $_size_execute0_lowered;
	s2 =	sadd.s32 s2, s4;
	[dreg:$0x0] =	wrdreg $0x0  }
0xa8: {  	s4 =	sshll.u32 s28, $0x1;
	[dreg:$0x2] =	wrdreg s2  }
0xa9: {  	[dreg:$0x3] =	wrdreg s4  }
0xaa: {  	[dreg:$0x4] =	wrdreg $0xC0  }
0xab: {  	_ =	task [dreg:s6], $0x5FFFF  }
0xac: {  	[dreg:$0x1] =	wrdreg $0xFFFFFFFF  }
0xad: {  	[dreg:$0x0] =	wrdreg $0x60  }
0xae: {  	[dreg:$0x2] =	wrdreg s24  }
0xaf: {  	[dreg:$0x3] =	wrdreg $0x9  }
0xb0: {  	_ =	task.clear_ibuf [dreg:s6], $0x4FFFF;
	_ =	strace $0x90000052  }
0xb1: {  	s29 =	simm.s32 $0x9;
	_ =	strace $0x80000054  }
0xb2: {  	_ =	swait.ge [sflag:s29], $0x1  }
0xb3: {  	[sflag:s29] =	ssyncadd.s32 $0xFFFFFFFF  }
0xb4: {  	_ =	strace $0x90000054  }
0xb5: {  	_ =	sfence  }
0xb6: {  	s30 =	sld [smem:$0x0];
	_ =	sdelay $0x2  }
0xb7: {  	s31 =	sshll.u32 s1, $0xD;
	s1 =	sshrl.u32 s1, $0x2  }
0xb8: {  	s3 =	sand.u32 $0x4000, s31;
	s1 =	sadd.s32 s1, s30  }
0xb9: {  	s0 =	sor.u32 s3, s0;
	s1 =	sshll.u32 s1, $0x11  }
0xba: {  	s0 =	sor.u32 s1, s0  }
0xbb: {  	s0 =	sadd.s32 $0x8F2B, s0  }
0xbc: {  	[sflag:s0] =	ssyncadd.remote.s32 $0x1  }
0xbd: {  	_ =	sfence.sel $0xFFFF  }
0xbe: {  	[dreg:$0x0] =	wrdreg $0xFFFFFFFF;
	(pc) =	sbr.abs _section_cstart, $3  }
0xbf: {  	[dreg:$0x1] =	wrdreg $0xFFFFFFFF  }
0xc0: {  	_ =	task.clear_ibuf [dreg:s6], $0x2FFFF;
	_ =	strace $0x9FFFFFFF  }
0xc1: {  	(tm) =	ssettm $0x7FFFFFFF  }
tec
execute0_lowered:
.L_overlay_start_1:
0x0: {  	(tag) =	ssettag $0x1  }
0x1: {  	s0 =	srdreg.scid  }
0x2: {  	s4 =	sand.u32 $0x1, s0  }
0x3: {  	s0 =	stileid.u32;
	s3 =	smul.u32 $0x14000, s4  }
0x4: {  	s5 =	rddreg [dreg:$0x0];
	s6 =	smul.u32 $0x1400, s0  }
0x5: {  	s1 =	rddreg [dreg:$0x1];
	s2 =	simm.s32 $0x0;
	s7 =	smul.u32 $0x140000, s4  }
0x6: {  	s10 =	simm.s32 $0x0;
	[smem:$0x7FF] =	sst s2;
	s8 =	smul.u32 $0x14000, s0  }
0x7: {  	_ =	strace $0x80000053;
	s28 =	sshll.u32 s4, $0x4;
	s9 =	ssub.s32 $0x2, s4  }
0x8: {  	s4 =	simm.s32 $0xA;
	s29 =	sor.u32 s0, s28;
	s30 =	sshrl.u32 s9, $0x1  }
0x9: {  	s6 =	sadd.s32 s6, s3;
	s3 =	sadd.s32 $0x2FD000, s5;
	s7 =	sadd.s32 s8, s7  }
0xa: {  	p0 =	seq.s32 s29, $0x1F;
	s31 =	ssub.s32 s9, s30;
	s8 =	simm.s32 $0x1  }
0xb: {  	s9 =	simm.s32 $0x80;
	s6 =	sshrl.u32 s6, $0x3;
	s7 =	sshrl.u32 s7, $0x3  }
0xc: {  	s4 =	simm.s32 @!p0 $0x28;
	s6 =	sadd.s32 s6, s5;
	s7 =	sadd.s32 s7, s5  }
0xd: {  	s5 =	smax.u32 s31, $0x1;
	s6 =	sadd.s32 $0x7000, s6;
	s7 =	sadd.s32 $0x10E00, s7  }
.LBB2_1:
0xe: {  	p0 =	sne.s32 s4, $0x1  }
.Ltmp0:
0xf: {  	_ = 	snop;
	(pc) =	sbr.rel @!p0 .LBB2_3-.Ltmp0, $3  }
0x10: {  	_ =	sdelay $0x1  }
0x11: {  	[tilespmem:s2], [sflag:$0x1] =	stream.linear.gather [hbm4b:s6+s2], $0x80, $0x38;
	[tilespmem:$0x15400] =	vst v63  }
0x12: {  	s11 =	sadd.s32 $0xFFFFFFFF, s4;
	s12 =	smov.u32 s6;
	s13 =	simm.s32 $0x0  }
.LBB2_2:
0x13: {  	p1 =	sne.s32 s11, $0x1  }
.Ltmp1:
0x14: {  	_ = 	snop;
	(pc) =	sbr.rel @p1 .LBB2_2-.Ltmp1, $4  }
0x15: {  	_ = 	snop  }
0x16: {  	s12 =	sadd.s32 $0x10, s12;
	s13 =	sadd.s32 $0x80, s13  }
0x17: {  	s11 =	sadd.s32 $0xFFFFFFFF, s11  }
0x18: {  	[tilespmem:s13], [sflag:$0x1] =	stream.linear.gather [hbm4b:s12+s2], $0x80, $0x38;
	[tilespmem:$0x15400] =	vst v63  }
.LBB2_3:
0x19: {  	s11 =	smov.u32 s4  }
.LBB2_4:
0x1a: {  	p1 =	sne.s32 s11, $0x1  }
.Ltmp2:
0x1b: {  	_ = 	snop;
	(pc) =	sbr.rel @p1 .LBB2_4-.Ltmp2, $4  }
0x1c: {  	_ = 	snop  }
0x1d: {  	_ =	swait.ge [sflag:s8], $0x80  }
0x1e: {  	[sflag:s8] =	ssyncset.done $0x0  }
0x1f: {  	s11 =	sadd.s32 $0xFFFFFFFF, s11;
	[sflag:s8] =	ssyncadd.s32 $0xFFFFFF80  }
.Ltmp3:
0x20: {  	(pc) =	sbr.rel @!p0 .LBB2_7-.Ltmp3, $4  }
0x21: {  	_ = 	snop  }
0x22: {  	s12 =	simm.s32 $0x0  }
0x23: {  	s11 =	simm.s32 $0x1400;
	s13 =	sadd.s32 $0xFFFFFFFF, s4;
	s14 =	simm.s32 $0x1400  }
0x24: {  	[tilespmem:s11], [sflag:$0x1] =	stream.indirect.gather [hbm4b:s3+s9], $0x10, s12, s9, $0xb8;
	[tilespmem:$0x15400] =	vst v63  }
.LBB2_6:
0x25: {  	p1 =	sne.s32 s13, $0x1  }
.Ltmp4:
0x26: {  	_ = 	snop;
	(pc) =	sbr.rel @p1 .LBB2_6-.Ltmp4, $4  }
0x27: {  	_ = 	snop  }
0x28: {  	s12 =	sadd.s32 $0x80, s12;
	s14 =	sadd.s32 $0x800, s14  }
0x29: {  	s13 =	sadd.s32 $0xFFFFFFFF, s13  }
0x2a: {  	[tilespmem:s14], [sflag:$0x1] =	stream.indirect.gather [hbm4b:s3+s9], $0x10, s12, s9, $0xb8;
	[tilespmem:$0x15400] =	vst v63  }
.LBB2_7:
.Ltmp5:
0x2b: {  	(pc) =	sbr.rel @!p0 .LBB2_9-.Ltmp5, $4  }
0x2c: {  	_ =	swait.ge [sflag:s8], $0x800  }
0x2d: {  	[sflag:s8] =	ssyncset.done $0x0  }
0x2e: {  	s12 =	sadd.s32 $0xFFFFFFFF, s4;
	s13 =	smov.u32 s7;
	[sflag:s8] =	ssyncadd.s32 $0xFFFFF800  }
0x2f: {  	[hbm4b:s7+s2] =	stream.linear.scatter [tilespmem:s11], [sflag:$0x1], $0x800, $0x38;
	[tilespmem:$0x15400] =	vst v63  }
.LBB2_8:
0x30: {  	_ =	swait.ge [sflag:s8], $0x800;
	p1 =	sne.s32 s12, $0x1  }
.Ltmp6:
0x31: {  	(pc) =	sbr.rel @p1 .LBB2_8-.Ltmp6, $4  }
0x32: {  	_ = 	snop  }
0x33: {  	s13 =	sadd.s32 $0x100, s13;
	s11 =	sadd.s32 $0x800, s11;
	[sflag:s8] =	ssyncset.done $0x0  }
0x34: {  	s12 =	sadd.s32 $0xFFFFFFFF, s12;
	[sflag:s8] =	ssyncadd.s32 $0xFFFFF800  }
0x35: {  	[hbm4b:s13+s2] =	stream.linear.scatter [tilespmem:s11], [sflag:$0x1], $0x800, $0x38;
	[tilespmem:$0x15400] =	vst v63  }
.LBB2_9:
.Ltmp7:
0x36: {  	(pc) =	sbr.rel @!p0 .LBB2_11-.Ltmp7, $3  }
0x37: {  	_ =	sdelay $0x1  }
0x38: {  	_ =	swait.ge [sflag:s8], $0x800  }
0x39: {  	s11 =	sadd.s32 $0xFFFFFFFF, s4;
	[sflag:s8] =	ssyncset.done $0x0  }
.LBB2_10:
0x3a: {  	p0 =	sne.s32 s11, $0x1;
	s11 =	sadd.s32 $0xFFFFFFFF, s11;
	[sflag:s8] =	ssyncadd.s32 $0xFFFFF800  }
.Ltmp8:
0x3b: {  	(pc) =	sbr.rel @p0 .LBB2_10-.Ltmp8, $3  }
0x3c: {  	_ =	sdelay $0x1  }
0x3d: {  	_ =	swait.ge [sflag:s8], $0x800  }
0x3e: {  	[sflag:s8] =	ssyncset.done $0x0  }
.LBB2_11:
0x3f: {  	s10 =	sadd.s32 $0x1, s10  }
0x40: {  	p0 =	sne.s32 s10, s5  }
.Ltmp9:
0x41: {  	_ = 	snop;
	(pc) =	sbr.rel @p0 .LBB2_1-.Ltmp9, $2  }
0x42: {  	_ =	sdelay $0x2  }
0x43: {  	[sflag:s8] =	ssyncadd.s32 $0xFFFFF800  }
0x44: {  	_ =	sfence.sel $0x180000  }
0x45: {  	[bflag:$0x0] =	sbarrier.arrive $0xFFFF  }
0x46: {  	p0 =	sne.s32 s0, $0x0;
	_ =	strace $0x90000053  }
0x47: {  	s0 =	sadd.s32 @!p0 $0x100000, s1;
	[bflag:$0x2] =	sbarrier.arrive $0xFFFF  }
0x48: {  	[sflag:s0] =	ssyncadd.tile.s32 @!p0 $0x1;
	_ =	shalt  }
.Lfunc_end2:
_tile_overlayer_lowered:
.L_overlay_start_2:
0x49: {  	(tag) =	ssettag $0x2  }
0x4a: {  	s0 =	rddreg [dreg:$0x0];
	s2 =	stileid.u32  }
0x4b: {  	s1 =	rddreg [dreg:$0x1];
	p0 =	sne.s32 s2, $0x0  }
0x4c: {  	s3 =	rddreg [dreg:$0x2];
	[bflag:$0x3] =	sbarrier.arrive $0xFFFF;
	s2 =	simm.s32 @!p0 $0x1C02  }
0x4d: {  	[timem:s3], [sflag:s2] =	dma.local @!p0 [hbm:s0], s1  }
0x4e: {  	s0 =	simm.s32 @!p0 $0x2  }
0x4f: {  	_ =	swait.ge @!p0 [sflag:s0], s1  }
0x50: {  	s1 =	ssub.s32 @!p0 $0x0, s1;
	[sflag:s0] =	ssyncset.done @!p0 $0x0  }
0x51: {  	[sflag:s0] =	ssyncadd.s32 @!p0 s1  }
0x52: {  	[bflag:$0x3] =	sbarrier.arrive $0xFFFF  }
0x53: {  	_ =	shalt  }

// kernel: kernel.31.cloned.1.call-start
scs
__scs_entry_jumppad:
0x0: {  	(pc) =	sbr.rel $0x88, $3  }
0x1: {  	(tag) =	ssettag $0x0;
	lr =	simm.s32 $0x1  }
0x2: {  	[smem:$0x3F8D] =	sst lr;
	_ =	strace $0xD0000000  }
0x3: {  	_ = 	snop  }
0x4: {  	_ = 	snop  }
0x5: {  	_ = 	snop  }
0x6: {  	_ = 	snop  }
0x7: {  	_ = 	snop  }
__scs_overlays_trampoline_lowered:
0x8: {  	[smem:$0x3F9C] =	sst s0  }
0x9: {  	[smem:$0x3F9D] =	sst s1  }
0xa: {  	[smem:$0x3F9E] =	sst s2  }
0xb: {  	[smem:$0x3F9F] =	sst s3  }
0xc: {  	[smem:$0x3FA0] =	sst s4  }
0xd: {  	[smem:$0x3FA1] =	sst s5  }
0xe: {  	[smem:$0x3FA2] =	sst s6  }
0xf: {  	[smem:$0x3FA3] =	sst s7  }
0x10: {  	[smem:$0x3FA4] =	sst s8  }
0x11: {  	[smem:$0x3FA5] =	sst s9;
	s0 =	simm.s32 @!p0 $0x0  }
0x12: {  	s1 =	sld [smem:$0x3F8B];
	s0 =	simm.s32 @p0 $0x1  }
0x13: {  	[smem:$0x3FA6] =	sst s0;
	s0 =	simm.s32 @!p1 $0x0  }
0x14: {  	s2 =	sld [smem:$0x3F8A];
	s0 =	simm.s32 @p1 $0x1  }
0x15: {  	[smem:$0x3FA7] =	sst s0;
	s0 =	simm.s32 @!p2 $0x0  }
0x16: {  	s3 =	sld [smem:$0x3FDB];
	s0 =	simm.s32 @p2 $0x1  }
0x17: {  	s4 =	simm.s32 $0x1BF5;
	[smem:$0x3FA9] =	sst s0  }
0x18: {  	s0 =	sld [smem:$0x3F8C];
	_ =	swait.ge [sflag:s4], $0x0  }
0x19: {  	s7 =	sld [smem:$0x3F8D]  }
0x1a: {  	s8 =	sadd.s32 $0xFFFFE003, lr  }
0x1b: {  	s9 =	sadd.s32 $0xFFFFFEF7, lr;
	s5 =	simm.s32 $0xFFFFFFFF;
	p2 =	slt.u32 s8, $0xFFFFF086  }
0x1c: {  	p1 =	slt.u32 s9, $0xF7A;
	s5 =	simm.s32 @!p2 $0x0  }
0x1d: {  	s5 =	simm.s32 @p1 $0x1;
	p0 =	seq.s32 s7, s2  }
0x1e: {  	s7 =	smul.u32 @!p0 $0xF7A, s2;
	p2 =	seq.s32 @!p0 s5, $0x0  }
0x1f: {  	s9 =	smul.u32 $0xF7A, s1;
	s8 =	simm.s32 @!p0 $0x1BF5;
	p2 =	por !p2, p0  }
0x20: {  	[sflag:s8] =	ssyncset.s32 @!p0 $0xFFFFF086;
	s6 =	sadd.s32 @!p0 s3, s7;
	s7 =	simm.s32 @!p0 $0x108  }
0x21: {  	s3 =	sadd.s32 s3, s9;
	s6 =	sadd.s32 @!p0 $0x88, s6;
	s7 =	simm.s32 @p2 $0x1082  }
0x22: {  	[simem:s7], [sflag:s8] =	dma.local @!p0 [hbm:s6], $0xF7A  }
0x23: {  	s9 =	sor.u32 $0xD0000000, s2;
	s6 =	simm.s32 $0x108;
	_ =	swait.ge @!p0 [sflag:s8], $0x0  }
0x24: {  	s3 =	sadd.s32 $0x88, s3;
	s6 =	simm.s32 @!p1 $0x1082;
	[sflag:s4] =	ssyncset.s32 $0xFFFFF086  }
0x25: {  	[simem:s6], [sflag:s4] =	dma.local [hbm:s3], $0xF7A  }
0x26: {  	[smem:$0x3F8D] =	sst s1;
	(tag) =	ssettag s2;
	_ =	strace s9  }
0x27: {  	s1 =	sld [smem:$0x3F9D]  }
0x28: {  	s2 =	sld [smem:$0x3F9E]  }
0x29: {  	s4 =	sld [smem:$0x3FA0]  }
0x2a: {  	p0 =	seq.s32 s5, $0x0;
	s5 =	sld [smem:$0x3FA1]  }
0x2b: {  	s6 =	sld [smem:$0x3FA2]  }
0x2c: {  	s7 =	sld [smem:$0x3FA3]  }
0x2d: {  	s3 =	simm.s32 $0x108;
	s8 =	sld [smem:$0x3FA4]  }
0x2e: {  	s3 =	simm.s32 @!p0 $0x1082;
	s9 =	sld [smem:$0x3FA5]  }
0x2f: {  	lr =	sadd.s32 s0, s3;
	s0 =	sld [smem:$0x3F9C]  }
0x30: {  	s3 =	sld [smem:$0x3F9F]  }
0x31: {  	[smem:$0x3FA8] =	sst s10  }
0x32: {  	s10 =	sld [smem:$0x3FA6];
	_ =	sdelay $0x3  }
0x33: {  	p0 =	seq.s32 s10, $0x1;
	s10 =	sld [smem:$0x3FA8];
	_ =	sdelay $0x3  }
0x34: {  	[smem:$0x3FA8] =	sst s10  }
0x35: {  	s10 =	sld [smem:$0x3FA7];
	_ =	sdelay $0x3  }
0x36: {  	p1 =	seq.s32 s10, $0x1;
	s10 =	sld [smem:$0x3FA8];
	_ =	sdelay $0x3  }
0x37: {  	[smem:$0x3FA8] =	sst s10  }
0x38: {  	s10 =	sld [smem:$0x3FA9]  }
0x39: {  	_ = 	snop;
	(pc) =	sbr.ind lr, $3  }
0x3a: {  	_ = 	snop  }
0x3b: {  	_ = 	snop  }
0x3c: {  	p2 =	seq.s32 s10, $0x1;
	s10 =	sld [smem:$0x3FA8]  }
0x3d: {  	_ =	shalt  }
0x3e: {  	_ =	shalt  }
0x3f: {  	_ =	shalt  }
0x40: {  	_ =	shalt  }
0x41: {  	_ =	shalt  }
0x42: {  	_ =	shalt  }
0x43: {  	_ =	shalt  }
0x44: {  	_ =	shalt  }
0x45: {  	_ =	shalt  }
0x46: {  	_ =	shalt  }
0x47: {  	_ =	shalt  }
0x48: {  	_ =	shalt  }
0x49: {  	_ =	shalt  }
0x4a: {  	_ =	shalt  }
0x4b: {  	_ =	shalt  }
0x4c: {  	_ =	shalt  }
0x4d: {  	_ =	shalt  }
0x4e: {  	_ =	shalt  }
0x4f: {  	_ =	shalt  }
0x50: {  	_ =	shalt  }
0x51: {  	_ =	shalt  }
0x52: {  	_ =	shalt  }
0x53: {  	_ =	shalt  }
0x54: {  	_ =	shalt  }
0x55: {  	_ =	shalt  }
0x56: {  	_ =	shalt  }
0x57: {  	_ =	shalt  }
0x58: {  	_ =	shalt  }
0x59: {  	_ =	shalt  }
0x5a: {  	_ =	shalt  }
0x5b: {  	_ =	shalt  }
0x5c: {  	_ =	shalt  }
0x5d: {  	_ =	shalt  }
0x5e: {  	_ =	shalt  }
0x5f: {  	_ =	shalt  }
0x60: {  	_ =	shalt  }
0x61: {  	_ =	shalt  }
0x62: {  	_ =	shalt  }
0x63: {  	_ =	shalt  }
0x64: {  	_ =	shalt  }
0x65: {  	_ =	shalt  }
0x66: {  	_ =	shalt  }
0x67: {  	_ =	shalt  }
0x68: {  	_ =	shalt  }
0x69: {  	_ =	shalt  }
0x6a: {  	_ =	shalt  }
0x6b: {  	_ =	shalt  }
0x6c: {  	_ =	shalt  }
0x6d: {  	_ =	shalt  }
0x6e: {  	_ =	shalt  }
0x6f: {  	_ =	shalt  }
0x70: {  	_ =	shalt  }
0x71: {  	_ =	shalt  }
0x72: {  	_ =	shalt  }
0x73: {  	_ =	shalt  }
0x74: {  	_ =	shalt  }
0x75: {  	_ =	shalt  }
0x76: {  	_ =	shalt  }
0x77: {  	_ =	shalt  }
0x78: {  	_ =	shalt  }
0x79: {  	_ =	shalt  }
0x7a: {  	_ =	shalt  }
0x7b: {  	_ =	shalt  }
0x7c: {  	_ =	shalt  }
0x7d: {  	_ =	shalt  }
0x7e: {  	_ =	shalt  }
0x7f: {  	_ =	shalt  }
0x80: {  	_ =	shalt  }
0x81: {  	_ =	shalt  }
0x82: {  	_ =	shalt  }
0x83: {  	_ =	shalt  }
0x84: {  	_ =	shalt  }
0x85: {  	_ =	shalt  }
0x86: {  	_ =	shalt  }
0x87: {  	_ =	shalt  }
.Lfunc_end0:
.L_simem_size_0:
called_computation.5_lowered:
.L_overlay_start_0:
0x88: {  	s2 =	sld [smem:$0x3FD9]  }
0x89: {  	s3 =	sld [smem:$0x3FFE];
	_ =	sdelay $0x1  }
0x8a: {  	s1 =	srdreg.scid  }
0x8b: {  	s0 =	sand.u32 $0x1, s1  }
0x8c: {  	s16 =	sshll.u32 s0, $0xA;
	s2 =	sadd.s32 s3, s2  }
0x8d: {  	s2 =	sadd.s32 s2, s16  }
0x8e: {  	[smem:$0x3FB4] =	sst s2  }
0x8f: {  	_ = 	snop  }
0x90: {  	(tm) =	ssettm $0x1  }
0x91: {  	s17 =	sld [smem:$0x3FFB];
	_ =	sdelay $0x3  }
0x92: {  	_ =	strace s17  }
0x93: {  	s2 =	sld [smem:$0x3FFC];
	_ =	sdelay $0x3  }
0x94: {  	_ =	strace s2  }
0x95: {  	s2 =	sld [smem:$0x3FFD];
	_ =	sdelay $0x3  }
0x96: {  	_ =	strace s2  }
0x97: {  	_ =	strace $0x8FFFFFFF  }
0x98: {  	s18 =	sld [smem:$0x3FDB];
	_ =	sdelay $0x1  }
0x99: {  	s19 =	simm.s32 $_scs_section_size  }
0x9a: {  	s4 =	simm.s32 $_size__tile_overlayer_lowered;
	s5 =	simm.s32 $_tile_overlayer_lowered  }
0x9b: {  	s22 =	simm.s32 $0x1BFF;
	s21 =	sshll.u32 s5, $0x1;
	s2 =	sadd.s32 s19, s18  }
0x9c: {  	s6 =	simm.s32 $0x0;
	s20 =	sshll.u32 s4, $0x1;
	s4 =	sadd.s32 s21, s2  }
0x9d: {  	[timem:s6], [sflag:s22] =	dma.local [hbm:s4], s20  }
0x9e: {  	_ =	swait.ge [sflag:s22], s20  }
0x9f: {  	s3 =	ssub.s32 $0x0, s20;
	[sflag:s22] =	ssyncset.done $0x0  }
0xa0: {  	[sflag:s22] =	ssyncadd.s32 s3;
	_ =	sdelay $0x1  }
0xa1: {  	s23 =	simm.s32 $0x1B8B  }
0xa2: {  	_ =	swait.ge [sflag:s23], $0x1  }
0xa3: {  	[sflag:s23] =	ssyncset.done $0x0  }
0xa4: {  	s25 =	simm.s32 $0x1B8E;
	s24 =	sld [smem:$0x3FFE];
	[sflag:s23] =	ssyncadd.s32 $0xFFFFFFFF  }
0xa5: {  	s26 =	simm.s32 $execute0_lowered;
	[smem:$0x3FD2] =	sst s25  }
0xa6: {  	s4 =	sshll.u32 s26, $0x1;
	_ =	strace $0x80000055;
	[dreg:$0x1] =	wrdreg $0xFFFFFFFF  }
0xa7: {  	s28 =	simm.s32 $_size_execute0_lowered;
	s2 =	sadd.s32 s2, s4;
	[dreg:$0x0] =	wrdreg $0x0  }
0xa8: {  	s4 =	sshll.u32 s28, $0x1;
	[dreg:$0x2] =	wrdreg s2  }
0xa9: {  	[dreg:$0x3] =	wrdreg s4  }
0xaa: {  	[dreg:$0x4] =	wrdreg $0xC0  }
0xab: {  	_ =	task [dreg:s6], $0x5FFFF  }
0xac: {  	[dreg:$0x1] =	wrdreg $0xFFFFFFFF  }
0xad: {  	[dreg:$0x0] =	wrdreg $0x60  }
0xae: {  	[dreg:$0x2] =	wrdreg s24  }
0xaf: {  	[dreg:$0x3] =	wrdreg $0x154000  }
0xb0: {  	[dreg:$0x4] =	wrdreg $0x9  }
0xb1: {  	_ =	task.clear_ibuf [dreg:s6], $0x5FFFF;
	_ =	strace $0x90000055  }
0xb2: {  	s29 =	simm.s32 $0x9;
	_ =	strace $0x80000057  }
0xb3: {  	_ =	swait.ge [sflag:s29], $0x1  }
0xb4: {  	[sflag:s29] =	ssyncadd.s32 $0xFFFFFFFF  }
0xb5: {  	_ =	strace $0x90000057  }
0xb6: {  	_ =	sfence  }
0xb7: {  	s30 =	sld [smem:$0x0];
	_ =	sdelay $0x2  }
0xb8: {  	s31 =	sshll.u32 s1, $0xD;
	s1 =	sshrl.u32 s1, $0x2  }
0xb9: {  	s3 =	sand.u32 $0x4000, s31;
	s1 =	sadd.s32 s1, s30  }
0xba: {  	s0 =	sor.u32 s3, s0;
	s1 =	sshll.u32 s1, $0x11  }
0xbb: {  	s0 =	sor.u32 s1, s0  }
0xbc: {  	s0 =	sadd.s32 $0x8F2B, s0  }
0xbd: {  	[sflag:s0] =	ssyncadd.remote.s32 $0x1  }
0xbe: {  	_ =	sfence.sel $0xFFFF  }
0xbf: {  	[dreg:$0x0] =	wrdreg $0xFFFFFFFF;
	(pc) =	sbr.abs _section_cstart, $3  }
0xc0: {  	[dreg:$0x1] =	wrdreg $0xFFFFFFFF  }
0xc1: {  	_ =	task.clear_ibuf [dreg:s6], $0x2FFFF;
	_ =	strace $0x9FFFFFFF  }
0xc2: {  	(tm) =	ssettm $0x7FFFFFFF  }
0xc3: {  	_ =	shalt  }
tec
execute0_lowered:
.L_overlay_start_1:
0x0: {  	(tag) =	ssettag $0x1  }
0x1: {  	s7 =	rddreg [dreg:$0x0]  }
0x2: {  	s1 =	rddreg [dreg:$0x1];
	s2 =	srdreg.scid  }
0x3: {  	s0 =	rddreg [dreg:$0x2];
	s5 =	sand.u32 $0x1, s2  }
0x4: {  	s3 =	simm.s32 $0x0;
	s2 =	stileid.u32;
	s4 =	smul.u32 $0x28000, s5  }
0x5: {  	[smem:$0x7FF] =	sst s3;
	s16 =	sadd.s32 $0xBE20, s7;
	s8 =	smul.u32 $0x2800, s2  }
0x6: {  	_ =	strace $0x80000056;
	s25 =	smul.u32 $0x5000, s5;
	s10 =	ssub.s32 $0x2, s5  }
0x7: {  	s11 =	sshll.u32 s5, $0x4;
	s13 =	smul.u32 $0x14000, s5;
	s29 =	sshll.u32 s2, $0x6  }
0x8: {  	s15 =	smul.u32 $0x1400, s2;
	s26 =	sshrl.u32 s10, $0x1;
	s11 =	sor.u32 s2, s11  }
0x9: {  	s9 =	sadd.s32 s4, s7;
	s14 =	sshrl.u32 s8, $0x3;
	s12 =	sadd.s32 s25, s7  }
0xa: {  	s10 =	ssub.s32 s10, s26;
	p0 =	seq.s32 s11, $0x1F;
	s4 =	simm.s32 $0xA  }
0xb: {  	s28 =	sadd.s32 s8, s1;
	s30 =	sadd.s32 s15, s13;
	s13 =	simm.s32 $0x80  }
0xc: {  	s15 =	simm.s32 $0x0;
	s6 =	sadd.s32 s14, s7;
	s4 =	simm.s32 @!p0 $0x28  }
0xd: {  	s17 =	sadd.s32 $0x5F000, s12;
	s7 =	smax.u32 s10, $0x1;
	s8 =	sadd.s32 s8, s9  }
0xe: {  	s31 =	sshrl.u32 s30, $0x3;
	s9 =	sshrl.u32 s28, $0x3;
	s10 =	simm.s32 $0x2  }
0xf: {  	s12 =	simm.s32 $0x1;
	s5 =	sadd.s32 $0x87000, s6;
	s6 =	sor.u32 $0x1C02, s29  }
0x10: {  	s8 =	sadd.s32 $0x10E00, s8;
	s11 =	sadd.s32 s16, s31;
	s14 =	sadd.s32 s14, s17  }
.LBB2_1:
0x11: {  	[spmem:s9], [sflag:s6] =	dma.local [hbm:s5], $0x500  }
0x12: {  	p0 =	sne.s32 s4, $0x1;
	_ =	swait.ge [sflag:s10], $0x500  }
.Ltmp0:
0x13: {  	[sflag:s10] =	ssyncset.done $0x0;
	(pc) =	sbr.rel @!p0 .LBB2_3-.Ltmp0, $4  }
0x14: {  	s16 =	simm.s32 $0x1400;
	s17 =	sadd.s32 $0xFFFFFFFF, s4;
	[sflag:s10] =	ssyncadd.s32 $0xFFFFFB00  }
0x15: {  	[tilespmem:s3], [sflag:$0x1] =	stream.linear.gather [hbm4b:s11+s3], $0x80, $0x38;
	[tilespmem:$0x17C00] =	vst v63  }
0x16: {  	s18 =	sadd.s32 $0x10, s11;
	s19 =	simm.s32 $0x80;
	s20 =	smov.u32 s8  }
0x17: {  	[tilespmem:s16], [sflag:$0x1] =	stream.linear.gather [hbm4b:s8+s3], $0x800, $0x38;
	[tilespmem:$0x17C00] =	vst v63  }
.LBB2_2:
0x18: {  	[tilespmem:s19], [sflag:$0x1] =	stream.linear.gather [hbm4b:s18+s3], $0x80, $0x38;
	[tilespmem:$0x17C00] =	vst v63  }
0x19: {  	p1 =	sne.s32 s17, $0x1  }
.Ltmp1:
0x1a: {  	s17 =	sadd.s32 $0xFFFFFFFF, s17;
	(pc) =	sbr.rel @p1 .LBB2_2-.Ltmp1, $4  }
0x1b: {  	s16 =	sadd.s32 $0x800, s16;
	s20 =	sadd.s32 $0x100, s20  }
0x1c: {  	[tilespmem:s16], [sflag:$0x1] =	stream.linear.gather [hbm4b:s20+s3], $0x800, $0x38;
	[tilespmem:$0x17C00] =	vst v63  }
0x1d: {  	_ = 	snop  }
0x1e: {  	s18 =	sadd.s32 $0x10, s18;
	s19 =	sadd.s32 $0x80, s19  }
.LBB2_3:
.Ltmp2:
0x1f: {  	_ =	swait.ge [sflag:s12], $0x80;
	(pc) =	sbr.rel @!p0 .LBB2_5-.Ltmp2, $4  }
0x20: {  	[sflag:s12] =	ssyncset.done $0x0  }
0x21: {  	[sflag:s12] =	ssyncadd.s32 $0xFFFFFF80  }
0x22: {  	_ =	swait.ge [sflag:s12], $0x800  }
0x23: {  	s16 =	sadd.s32 $0xFFFFFFFF, s4;
	[sflag:s12] =	ssyncset.done $0x0  }
.LBB2_4:
0x24: {  	p1 =	sne.s32 s16, $0x1;
	s16 =	sadd.s32 $0xFFFFFFFF, s16;
	[sflag:s12] =	ssyncadd.s32 $0xFFFFF800  }
.Ltmp3:
0x25: {  	_ =	swait.ge [sflag:s12], $0x80;
	(pc) =	sbr.rel @p1 .LBB2_4-.Ltmp3, $4  }
0x26: {  	[sflag:s12] =	ssyncset.done $0x0  }
0x27: {  	[sflag:s12] =	ssyncadd.s32 $0xFFFFFF80  }
0x28: {  	_ =	swait.ge [sflag:s12], $0x800  }
0x29: {  	[sflag:s12] =	ssyncset.done $0x0  }
.LBB2_5:
.Ltmp4:
0x2a: {  	(pc) =	sbr.rel @!p0 .LBB2_7-.Ltmp4, $4  }
0x2b: {  	_ = 	snop  }
0x2c: {  	[sflag:s12] =	ssyncadd.s32 $0xFFFFF800;
	s16 =	simm.s32 $0x0  }
0x2d: {  	s17 =	simm.s32 $0x1400;
	s18 =	sadd.s32 $0xFFFFFFFF, s4;
	[bflag:$0x0] =	sbarrier.arrive $0xFFFF  }
0x2e: {  	[spmem:s1] =	stream.indirect.scatter.add.f32 [tilespmem:s17], [sflag:$0x1], $0x10, s16, s13, $0xb8;
	[tilespmem:$0x17C00] =	vst v63  }
.LBB2_6:
0x2f: {  	p1 =	sne.s32 s18, $0x1  }
.Ltmp5:
0x30: {  	_ = 	snop;
	(pc) =	sbr.rel @p1 .LBB2_6-.Ltmp5, $4  }
0x31: {  	_ = 	snop  }
0x32: {  	s16 =	sadd.s32 $0x80, s16;
	s17 =	sadd.s32 $0x800, s17  }
0x33: {  	s18 =	sadd.s32 $0xFFFFFFFF, s18  }
0x34: {  	[spmem:s1] =	stream.indirect.scatter.add.f32 [tilespmem:s17], [sflag:$0x1], $0x10, s16, s13, $0xb8;
	[tilespmem:$0x17C00] =	vst v63  }
.LBB2_7:
.Ltmp6:
0x35: {  	(pc) =	sbr.rel @!p0 .LBB2_9-.Ltmp6, $3  }
0x36: {  	_ =	sdelay $0x1  }
0x37: {  	_ =	swait.ge [sflag:s12], $0x800  }
0x38: {  	s16 =	sadd.s32 $0xFFFFFFFF, s4;
	[sflag:s12] =	ssyncset.done $0x0  }
.LBB2_8:
0x39: {  	p0 =	sne.s32 s16, $0x1;
	s16 =	sadd.s32 $0xFFFFFFFF, s16;
	[sflag:s12] =	ssyncadd.s32 $0xFFFFF800  }
.Ltmp7:
0x3a: {  	(pc) =	sbr.rel @p0 .LBB2_8-.Ltmp7, $3  }
0x3b: {  	_ =	sdelay $0x1  }
0x3c: {  	_ =	swait.ge [sflag:s12], $0x800  }
0x3d: {  	[sflag:s12] =	ssyncset.done $0x0  }
.LBB2_9:
0x3e: {  	s15 =	sadd.s32 $0x1, s15  }
0x3f: {  	[sflag:s12] =	ssyncadd.s32 $0xFFFFF800;
	p0 =	sne.s32 s15, s7  }
.Ltmp8:
0x40: {  	[bflag:$0x0] =	sbarrier.arrive $0xFFFF;
	(pc) =	sbr.rel @p0 .LBB2_1-.Ltmp8, $4  }
0x41: {  	[hbm:s14], [sflag:s6] =	dma.local [spmem:s9], $0x500  }
0x42: {  	_ =	swait.ge [sflag:s10], $0x500  }
0x43: {  	[sflag:s10] =	ssyncset.done $0x0  }
0x44: {  	[sflag:s10] =	ssyncadd.s32 $0xFFFFFB00  }
0x45: {  	_ =	sfence.sel $0x180000  }
0x46: {  	[bflag:$0x0] =	sbarrier.arrive $0xFFFF  }
0x47: {  	p0 =	sne.s32 s2, $0x0;
	_ =	strace $0x90000056  }
0x48: {  	s0 =	sadd.s32 @!p0 $0x100000, s0;
	[bflag:$0x2] =	sbarrier.arrive $0xFFFF  }
0x49: {  	[sflag:s0] =	ssyncadd.tile.s32 @!p0 $0x1;
	_ =	shalt  }
.Lfunc_end2:
_tile_overlayer_lowered:
.L_overlay_start_2:
0x4a: {  	(tag) =	ssettag $0x2  }
0x4b: {  	s0 =	rddreg [dreg:$0x0];
	s2 =	stileid.u32  }
0x4c: {  	s1 =	rddreg [dreg:$0x1];
	p0 =	sne.s32 s2, $0x0  }
0x4d: {  	s3 =	rddreg [dreg:$0x2];
	[bflag:$0x3] =	sbarrier.arrive $0xFFFF;
	s2 =	simm.s32 @!p0 $0x1C02  }
0x4e: {  	[timem:s3], [sflag:s2] =	dma.local @!p0 [hbm:s0], s1  }
0x4f: {  	s0 =	simm.s32 @!p0 $0x2  }
0x50: {  	_ =	swait.ge @!p0 [sflag:s0], s1  }
0x51: {  	s1 =	ssub.s32 @!p0 $0x0, s1;
	[sflag:s0] =	ssyncset.done @!p0 $0x0  }
0x52: {  	[sflag:s0] =	ssyncadd.s32 @!p0 s1  }
0x53: {  	[bflag:$0x3] =	sbarrier.arrive $0xFFFF  }
0x54: {  	_ =	shalt  }

</sc_bundles>
